<compile_context>
chip_gen: v7x
topology: tpu7x:2x2x1
jax: 0.10.2.dev20260603
libtpu: 0.0.44.dev20260713+nightly
codegen_flags: <defaults>
</compile_context>

<pallas_src>
import functools

import jax
import jax.numpy as jnp
import numpy as np
from jax import lax
from jax.experimental import pallas as pl
from jax.experimental.pallas import tpu as pltpu
from jax.experimental.pallas import tpu_sc as plsc

B, N, C = 1, 6, 64
D, FH, FW = 40, 32, 88
NX0, NX1 = 128, 128
NP = B * N * D * FH * FW
NSEG = NX0 * NX1
NPAD = 128
ACC_R = NSEG + NPAD
CH = 32
PPW = NP // 16
CHUNK = 128
NCHUNK = PPW // CHUNK
RPT = ACC_R // 16

_DX = np.array([0.8, 0.8, 20.0], dtype=np.float32)
_BX = np.array([-50.8, -50.8, 0.0], dtype=np.float32)
_OFF = _BX - _DX / np.float32(2.0)


def _voxel_body(p_ref, out_ref):
    X = p_ref[0, 0]
    Y = p_ref[0, 1]
    Z = p_ref[0, 2]
    gx = ((X - _OFF[0]) / _DX[0]).astype(jnp.int32)
    gy = ((Y - _OFF[1]) / _DX[1]).astype(jnp.int32)
    gz = ((Z - _OFF[2]) / _DX[2]).astype(jnp.int32)
    inb = (gx >= 0) & (gx < NX0) & (gy >= 0) & (gy < NX1) & (gz >= 0) & (gz < 1)
    hh = lax.broadcasted_iota(jnp.int32, (FH, FW), 0)
    ww = lax.broadcasted_iota(jnp.int32, (FH, FW), 1)
    pad_row = NSEG + ((hh * FW + ww) & (NPAD - 1))
    lin = jnp.where(inb, gx * NX1 + gy, pad_row)
    out_ref[0] = lin


def _compute_lin(pts_t):
    return pl.pallas_call(
        _voxel_body,
        grid=(N * D,),
        in_specs=[pl.BlockSpec((1, 3, FH, FW), lambda i: (i, 0, 0, 0))],
        out_specs=pl.BlockSpec((1, FH, FW), lambda i: (i, 0, 0)),
        out_shape=jax.ShapeDtypeStruct((N * D, FH, FW), jnp.int32),
    )(pts_t)


NZCH = ACC_R // CHUNK
CW = 8


def _sc_body(xh, linh, zr, zc, oh, sums_o, cnt_o, idx2, rows2, ones_v, big_v, cbig_v,
             si0, si1, sr0, sr1, acc_sh, cnt_sh):
    cid = lax.axis_index("c")
    sid = lax.axis_index("s")
    base = sid * PPW
    si = (si0, si1)
    sr = (sr0, sr1)

    def issue(g, b):
        off = base + g * CHUNK
        pltpu.async_copy(linh.at[pl.ds(off, CHUNK)], idx2.at[b], si[b])
        pltpu.async_copy(xh.at[pl.ds(off, CHUNK), cid], rows2.at[b], sr[b])

    issue(0, 0)
    issue(1, 1)
    pltpu.sync_copy(zr, big_v)
    pltpu.sync_copy(zc, cbig_v)
    pltpu.sync_copy(oh, ones_v)
    for sv in range(16):

        @pl.when(sid == sv)
        def _():
            pltpu.sync_copy(big_v, acc_sh.at[pl.ds(sv * RPT, RPT)])
            pltpu.sync_copy(cbig_v, cnt_sh.at[pl.ds(sv * RPT, RPT)])

    plsc.subcore_barrier()

    def wait_scatter(g, b):
        off = base + g * CHUNK
        pltpu.make_async_copy(linh.at[pl.ds(off, CHUNK)], idx2.at[b], si[b]).wait()
        pltpu.make_async_copy(xh.at[pl.ds(off, CHUNK), cid], rows2.at[b], sr[b]).wait()
        pltpu.sync_copy(rows2.at[b], acc_sh.at[idx2.at[b]], add=True)

        @pl.when(cid == (b & 1))
        def _():
            pltpu.sync_copy(ones_v, cnt_sh.at[idx2.at[b]], add=True)

    @pl.loop(0, NCHUNK - 2, step=2)
    def _(g0):
        for b in range(2):
            g = g0 + b
            wait_scatter(g, b)
            issue(g + 2, b)

    for b in range(2):
        wait_scatter(NCHUNK - 2 + b, b)

    plsc.subcore_barrier()

    for sv in range(16):

        @pl.when(sid == sv)
        def _():
            pltpu.sync_copy(acc_sh.at[pl.ds(sv * RPT, RPT)], big_v)
            pltpu.sync_copy(big_v, sums_o.at[cid, pl.ds(sv * RPT, RPT)])
            pltpu.sync_copy(cnt_sh.at[pl.ds(sv * RPT, RPT)], cbig_v)
            pltpu.sync_copy(cbig_v, cnt_o.at[cid, pl.ds(sv * RPT, RPT)])


def _sc_scatter(xh, lin):
    mesh = plsc.VectorSubcoreMesh(core_axis_name="c", subcore_axis_name="s")
    zr = jnp.zeros((RPT, CH), jnp.float32)
    zc = jnp.zeros((RPT, CW), jnp.float32)
    oh = jnp.ones((CHUNK, CW), jnp.float32)
    f = pl.kernel(
        _sc_body,
        out_type=[
            jax.ShapeDtypeStruct((2, ACC_R, CH), jnp.float32),
            jax.ShapeDtypeStruct((2, ACC_R, CW), jnp.float32),
        ],
        mesh=mesh,
        compiler_params=pltpu.CompilerParams(use_tc_tiling_on_sc=False),
        scratch_types=[
            pltpu.VMEM((2, CHUNK), jnp.int32),
            pltpu.VMEM((2, CHUNK, CH), jnp.float32),
            pltpu.VMEM((CHUNK, CW), jnp.float32),
            pltpu.VMEM((RPT, CH), jnp.float32),
            pltpu.VMEM((RPT, CW), jnp.float32),
            pltpu.SemaphoreType.DMA,
            pltpu.SemaphoreType.DMA,
            pltpu.SemaphoreType.DMA,
            pltpu.SemaphoreType.DMA,
            pltpu.VMEM_SHARED((ACC_R, CH), jnp.float32),
            pltpu.VMEM_SHARED((ACC_R, CW), jnp.float32),
        ],
    )
    return f(xh, lin, zr, zc, oh)


def _combine_body(s_ref, c_ref, o_ref):
    s = jnp.concatenate([s_ref[0, 0], s_ref[1, 0]], axis=1)
    c = c_ref[0, 0, :, 0] + c_ref[1, 0, :, 0]
    m = s / jnp.maximum(c, 1.0)[:, None]
    o_ref[0] = m.T


def _combine(sums, cnt):
    sums4 = sums.reshape(2, ACC_R // NX1, NX1, CH)
    cnt4 = cnt.reshape(2, ACC_R // NX1, NX1, CW)
    return pl.pallas_call(
        _combine_body,
        grid=(NX0,),
        in_specs=[
            pl.BlockSpec((2, 1, NX1, CH), lambda i: (0, i, 0, 0)),
            pl.BlockSpec((2, 1, NX1, CW), lambda i: (0, i, 0, 0)),
        ],
        out_specs=pl.BlockSpec((1, C, NX1), lambda i: (i, 0, 0)),
        out_shape=jax.ShapeDtypeStruct((NX0, C, NX1), jnp.float32),
    )(sums4, cnt4)


def kernel(x, camera2lidar, camera_intrinsics, img_aug_matrix, lidar_aug_matrix):
    intrins = camera_intrinsics[..., :3, :3]
    post_rots = img_aug_matrix[..., :3, :3]
    post_trans = img_aug_matrix[..., :3, 3]
    c2l_rots = camera2lidar[..., :3, :3]
    c2l_trans = camera2lidar[..., :3, 3]
    extra_rots = lidar_aug_matrix[..., :3, :3]
    extra_trans = lidar_aug_matrix[..., :3, 3]

    ds = jnp.broadcast_to(jnp.arange(1.0, 41.0, 1.0, dtype=jnp.float32).reshape(-1, 1, 1), (D, FH, FW))
    az = jnp.broadcast_to(jnp.linspace(-1.9, 1.9, FW, dtype=jnp.float32).reshape(1, 1, FW), (D, FH, FW))
    el = jnp.broadcast_to(jnp.linspace(-0.8, 0.8, FH, dtype=jnp.float32).reshape(1, FH, 1), (D, FH, FW))
    xs = ds * jnp.cos(el) * jnp.sin(az)
    ys = ds * jnp.sin(el)
    zs = ds * jnp.cos(el) * jnp.cos(az)
    frustum = jnp.stack((xs, ys, zs), -1)

    pts = frustum[None, None] - post_trans[:, :, None, None, None, :]
    pts = jnp.einsum('bnij,bndhwj->bndhwi', jnp.linalg.inv(post_rots), pts)
    pts = jnp.concatenate([pts[..., :2] * pts[..., 2:3], pts[..., 2:3]], axis=-1)
    comb = jnp.einsum('bnij,bnjk->bnik', c2l_rots, jnp.linalg.inv(intrins))
    pts = jnp.einsum('bnij,bndhwj->bndhwi', comb, pts)
    pts = pts + c2l_trans[:, :, None, None, None, :]
    pts = jnp.einsum('bij,bndhwj->bndhwi', extra_rots, pts)
    pts = pts + extra_trans[:, None, None, None, None, :]

    pts_t = pts.reshape(N * D, FH, FW, 3).transpose(0, 3, 1, 2)
    lin = _compute_lin(pts_t).reshape(NP)
    xh = x.reshape(NP, 2, CH)
    sums, cnt = _sc_scatter(xh, lin)
    out = _combine(sums, cnt)
    return out.transpose(1, 0, 2).reshape(B, C, NX0, NX1)

# --- scband reference (transcript-rebuilt; emitter-appended) ---
"""Pipeline reference for scband-base-fisheye-lsstransform-60129542943 (READ-ONLY COPY).

The authoritative reference and input builder live on the scoring server;
editing this copy changes nothing except your own understanding.
"""

import jax, jax.numpy as jnp
import numpy as np

B, N, C = 1, 6, 64
D, FH, FW = 40, 32, 88
DX = jnp.array([0.8, 0.8, 20.0], dtype=jnp.float32)
BX = jnp.array([-50.8, -50.8, 0.0], dtype=jnp.float32)
NX = (128, 128, 1)


def _frustum():
    ds = jnp.broadcast_to(jnp.arange(1.0, 41.0, 1.0, dtype=jnp.float32).reshape(-1, 1, 1), (D, FH, FW))
    az = jnp.broadcast_to(jnp.linspace(-1.9, 1.9, FW, dtype=jnp.float32).reshape(1, 1, FW), (D, FH, FW))
    el = jnp.broadcast_to(jnp.linspace(-0.8, 0.8, FH, dtype=jnp.float32).reshape(1, FH, 1), (D, FH, FW))
    xs = ds * jnp.cos(el) * jnp.sin(az)
    ys = ds * jnp.sin(el)
    zs = ds * jnp.cos(el) * jnp.cos(az)
    return jnp.stack((xs, ys, zs), -1)


def setup_inputs(seed: int = 0):
    key = jax.random.key(seed)
    ks = jax.random.split(key, 5)
    eye = jnp.eye(4, dtype=jnp.float32)
    x = 0.1 * jax.random.normal(ks[0], (B, N, D, FH, FW, C), dtype=jnp.float32)
    camera2lidar = eye[None, None] + 0.05 * jax.random.normal(ks[1], (B, N, 4, 4), dtype=jnp.float32)
    camera_intrinsics = eye[None, None] + 0.05 * jax.random.normal(ks[2], (B, N, 4, 4), dtype=jnp.float32)
    img_aug_matrix = eye[None, None] + 0.05 * jax.random.normal(ks[3], (B, N, 4, 4), dtype=jnp.float32)
    lidar_aug_matrix = eye[None] + 0.05 * jax.random.normal(ks[4], (B, 4, 4), dtype=jnp.float32)
    return {"x": x, "camera2lidar": camera2lidar, "camera_intrinsics": camera_intrinsics,
            "img_aug_matrix": img_aug_matrix, "lidar_aug_matrix": lidar_aug_matrix}


def _forward(x, camera2lidar, camera_intrinsics, img_aug_matrix, lidar_aug_matrix):
    intrins = camera_intrinsics[..., :3, :3]
    post_rots = img_aug_matrix[..., :3, :3]
    post_trans = img_aug_matrix[..., :3, 3]
    c2l_rots = camera2lidar[..., :3, :3]
    c2l_trans = camera2lidar[..., :3, 3]
    extra_rots = lidar_aug_matrix[..., :3, :3]
    extra_trans = lidar_aug_matrix[..., :3, 3]

    frustum = _frustum()  # [D, FH, FW, 3]
    pts = frustum[None, None] - post_trans[:, :, None, None, None, :]
    pts = jnp.einsum('bnij,bndhwj->bndhwi', jnp.linalg.inv(post_rots), pts)
    pts = jnp.concatenate([pts[..., :2] * pts[..., 2:3], pts[..., 2:3]], axis=-1)
    combine = jnp.einsum('bnij,bnjk->bnik', c2l_rots, jnp.linalg.inv(intrins))
    pts = jnp.einsum('bnij,bndhwj->bndhwi', combine, pts)
    pts = pts + c2l_trans[:, :, None, None, None, :]
    pts = jnp.einsum('bij,bndhwj->bndhwi', extra_rots, pts)
    pts = pts + extra_trans[:, None, None, None, None, :]

    # bev_pool with mean pooling (scatter-mean into BEV grid)
    Nprime = B * N * D * FH * FW
    xf = x.reshape(Nprime, C)
    g = ((pts.reshape(Nprime, 3) - (BX - DX / 2.0)) / DX).astype(jnp.int32)  # trunc like torch .long()
    batch_ix = jnp.repeat(jnp.arange(B, dtype=jnp.int32), Nprime // B)
    kept = (g[:, 0] >= 0) & (g[:, 0] < NX[0]) & (g[:, 1] >= 0) & (g[:, 1] < NX[1]) & (g[:, 2] >= 0) & (g[:, 2] < NX[2])
    gx = jnp.clip(g[:, 0], 0, NX[0] - 1)
    gy = jnp.clip(g[:, 1], 0, NX[1] - 1)
    gz = jnp.clip(g[:, 2], 0, NX[2] - 1)
    lin = ((batch_ix * NX[2] + gz) * NX[0] + gx) * NX[1] + gy
    w = kept.astype(jnp.float32)
    nseg = B * NX[2] * NX[0] * NX[1]
    sums = jax.ops.segment_sum(xf * w[:, None], lin, num_segments=nseg)
    cnt = jax.ops.segment_sum(w, lin, num_segments=nseg)
    mean = sums / jnp.maximum(cnt, 1.0)[:, None]
    grid = mean.reshape(B, NX[2], NX[0], NX[1], C)
    grid = jnp.transpose(grid, (0, 1, 4, 2, 3))  # [B, Z, C, X, Y] (cat of z-unbind along channels)
    return grid.reshape(B, NX[2] * C, NX[0], NX[1])


def reference(x, camera2lidar, camera_intrinsics, img_aug_matrix, lidar_aug_matrix):
    return _forward(x, camera2lidar, camera_intrinsics, img_aug_matrix, lidar_aug_matrix)

if __name__ == "__main__":
    import jax
    _d = setup_inputs()
    print(jax.jit(kernel)(*tuple(_d.values())))

</pallas_src>

<mosaic_0001>
#map = affine_map<(d0, d1) -> (0, 0, 0)>
#map1 = affine_map<(d0, d1) -> (0)>
#map2 = affine_map<(d0, d1) -> (0, 0)>
module attributes {stable_mosaic.version = 14 : i64} {
  func.func @_sc_body(%arg0: i32, %arg1: i32, %arg2: memref<675840x2x32xf32, #tpu.memory_space<hbm>>, %arg3: memref<675840xi32, #tpu.memory_space<hbm>>, %arg4: memref<1032x32xf32, #tpu.memory_space<hbm>>, %arg5: memref<1032x8xf32, #tpu.memory_space<hbm>>, %arg6: memref<128x8xf32, #tpu.memory_space<hbm>>, %arg7: memref<2x16512x32xf32, #tpu.memory_space<hbm>>, %arg8: memref<2x16512x8xf32, #tpu.memory_space<hbm>>, %arg9: memref<2x128xi32, #tpu.memory_space<vmem>>, %arg10: memref<2x128x32xf32, #tpu.memory_space<vmem>>, %arg11: memref<128x8xf32, #tpu.memory_space<vmem>>, %arg12: memref<1032x32xf32, #tpu.memory_space<vmem>>, %arg13: memref<1032x8xf32, #tpu.memory_space<vmem>>, %arg14: memref<!tpu.dma_semaphore, #tpu.memory_space<semaphore_mem>>, %arg15: memref<!tpu.dma_semaphore, #tpu.memory_space<semaphore_mem>>, %arg16: memref<!tpu.dma_semaphore, #tpu.memory_space<semaphore_mem>>, %arg17: memref<!tpu.dma_semaphore, #tpu.memory_space<semaphore_mem>>, %arg18: memref<16512x32xf32, #tpu.memory_space<vmem_shared>>, %arg19: memref<16512x8xf32, #tpu.memory_space<vmem_shared>>) attributes {dimension_semantics = [#tpu.dimension_semantics<core_parallel>, #tpu.dimension_semantics<subcore_parallel>], iteration_bounds = array<i64: 2, 16>, scalar_prefetch = 0 : i64, scratch_operands = 11 : i64, tpu.core_type = #tpu.core_type<sc_vector_subcore>, window_params = [{transform_indices = #map}, {transform_indices = #map1}, {transform_indices = #map2}, {transform_indices = #map2}, {transform_indices = #map2}, {transform_indices = #map}, {transform_indices = #map}]} {
    %mul3A = arith.constant 42240 : i32
    %mul3A_0 = arith.muli %arg1, %mul3A : i32
    %add3A = arith.constant 0 : i32
    %add3A_1 = arith.addi %mul3A_0, %add3A : i32
    %dma_start3A = arith.constant 0 : i32
    %dma_start3A_2 = arith.constant 0 : i32
    %dma_start3A_3 = tpu.memref_slice %arg9[%dma_start3A, %dma_start3A_2] : memref<2x128xi32, #tpu.memory_space<vmem>> -> memref<1x128xi32, #tpu.memory_space<vmem>>
    %dma_start3A_4 = tpu.memref_squeeze %dma_start3A_3 : memref<1x128xi32, #tpu.memory_space<vmem>> -> memref<128xi32, #tpu.memory_space<vmem>>
    %dma_start3A_5 = tpu.memref_slice %arg3[%add3A_1] : memref<675840xi32, #tpu.memory_space<hbm>> -> memref<128xi32, #tpu.memory_space<hbm>>
    %dma_start3A_6 = arith.constant 0 : i32
    %dma_start3A_7 = tpu.memref_slice %arg9[%dma_start3A, %dma_start3A_6] : memref<2x128xi32, #tpu.memory_space<vmem>> -> memref<1x128xi32, #tpu.memory_space<vmem>>
    %dma_start3A_8 = tpu.memref_squeeze %dma_start3A_7 : memref<1x128xi32, #tpu.memory_space<vmem>> -> memref<128xi32, #tpu.memory_space<vmem>>
    %dma_start3A_9 = tpu.memref_slice %arg3[%add3A_1] : memref<675840xi32, #tpu.memory_space<hbm>> -> memref<128xi32, #tpu.memory_space<hbm>>
    tpu.enqueue_dma source(%dma_start3A_9 : memref<128xi32, #tpu.memory_space<hbm>>) target(%dma_start3A_8 : memref<128xi32, #tpu.memory_space<vmem>>) target_semaphore(%arg14 : memref<!tpu.dma_semaphore, #tpu.memory_space<semaphore_mem>>)
    %dma_start3A_10 = arith.constant 0 : i32
    %dma_start3A_11 = arith.constant 0 : i32
    %dma_start3A_12 = arith.constant 0 : i32
    %dma_start3A_13 = tpu.memref_slice %arg10[%dma_start3A_10, %dma_start3A_11, %dma_start3A_12] : memref<2x128x32xf32, #tpu.memory_space<vmem>> -> memref<1x128x32xf32, #tpu.memory_space<vmem>>
    %dma_start3A_14 = tpu.memref_squeeze %dma_start3A_13 : memref<1x128x32xf32, #tpu.memory_space<vmem>> -> memref<128x32xf32, #tpu.memory_space<vmem>>
    %dma_start3A_15 = arith.constant 0 : i32
    %dma_start3A_16 = tpu.memref_slice %arg2[%add3A_1, %arg0, %dma_start3A_15] : memref<675840x2x32xf32, #tpu.memory_space<hbm>> -> memref<128x1x32xf32, #tpu.memory_space<hbm>>
    %dma_start3A_17 = tpu.memref_squeeze %dma_start3A_16 : memref<128x1x32xf32, #tpu.memory_space<hbm>> -> memref<128x32xf32, #tpu.memory_space<hbm>>
    %dma_start3A_18 = arith.constant 0 : i32
    %dma_start3A_19 = arith.constant 0 : i32
    %dma_start3A_20 = tpu.memref_slice %arg10[%dma_start3A_10, %dma_start3A_18, %dma_start3A_19] : memref<2x128x32xf32, #tpu.memory_space<vmem>> -> memref<1x128x32xf32, #tpu.memory_space<vmem>>
    %dma_start3A_21 = tpu.memref_squeeze %dma_start3A_20 : memref<1x128x32xf32, #tpu.memory_space<vmem>> -> memref<128x32xf32, #tpu.memory_space<vmem>>
    %dma_start3A_22 = arith.constant 0 : i32
    %dma_start3A_23 = tpu.memref_slice %arg2[%add3A_1, %arg0, %dma_start3A_22] : memref<675840x2x32xf32, #tpu.memory_space<hbm>> -> memref<128x1x32xf32, #tpu.memory_space<hbm>>
    %dma_start3A_24 = tpu.memref_squeeze %dma_start3A_23 : memref<128x1x32xf32, #tpu.memory_space<hbm>> -> memref<128x32xf32, #tpu.memory_space<hbm>>
    tpu.enqueue_dma source(%dma_start3A_24 : memref<128x32xf32, #tpu.memory_space<hbm>>) target(%dma_start3A_21 : memref<128x32xf32, #tpu.memory_space<vmem>>) target_semaphore(%arg16 : memref<!tpu.dma_semaphore, #tpu.memory_space<semaphore_mem>>)
    %add3A_25 = arith.constant 128 : i32
    %add3A_26 = arith.addi %mul3A_0, %add3A_25 : i32
    %dma_start3A_27 = arith.constant 1 : i32
    %dma_start3A_28 = arith.constant 0 : i32
    %dma_start3A_29 = tpu.memref_slice %arg9[%dma_start3A_27, %dma_start3A_28] : memref<2x128xi32, #tpu.memory_space<vmem>> -> memref<1x128xi32, #tpu.memory_space<vmem>>
    %dma_start3A_30 = tpu.memref_squeeze %dma_start3A_29 : memref<1x128xi32, #tpu.memory_space<vmem>> -> memref<128xi32, #tpu.memory_space<vmem>>
    %dma_start3A_31 = tpu.memref_slice %arg3[%add3A_26] : memref<675840xi32, #tpu.memory_space<hbm>> -> memref<128xi32, #tpu.memory_space<hbm>>
    %dma_start3A_32 = arith.constant 0 : i32
    %dma_start3A_33 = tpu.memref_slice %arg9[%dma_start3A_27, %dma_start3A_32] : memref<2x128xi32, #tpu.memory_space<vmem>> -> memref<1x128xi32, #tpu.memory_space<vmem>>
    %dma_start3A_34 = tpu.memref_squeeze %dma_start3A_33 : memref<1x128xi32, #tpu.memory_space<vmem>> -> memref<128xi32, #tpu.memory_space<vmem>>
    %dma_start3A_35 = tpu.memref_slice %arg3[%add3A_26] : memref<675840xi32, #tpu.memory_space<hbm>> -> memref<128xi32, #tpu.memory_space<hbm>>
    tpu.enqueue_dma source(%dma_start3A_35 : memref<128xi32, #tpu.memory_space<hbm>>) target(%dma_start3A_34 : memref<128xi32, #tpu.memory_space<vmem>>) target_semaphore(%arg15 : memref<!tpu.dma_semaphore, #tpu.memory_space<semaphore_mem>>)
    %dma_start3A_36 = arith.constant 1 : i32
    %dma_start3A_37 = arith.constant 0 : i32
    %dma_start3A_38 = arith.constant 0 : i32
    %dma_start3A_39 = tpu.memref_slice %arg10[%dma_start3A_36, %dma_start3A_37, %dma_start3A_38] : memref<2x128x32xf32, #tpu.memory_space<vmem>> -> memref<1x128x32xf32, #tpu.memory_space<vmem>>
    %dma_start3A_40 = tpu.memref_squeeze %dma_start3A_39 : memref<1x128x32xf32, #tpu.memory_space<vmem>> -> memref<128x32xf32, #tpu.memory_space<vmem>>
    %dma_start3A_41 = arith.constant 0 : i32
    %dma_start3A_42 = tpu.memref_slice %arg2[%add3A_26, %arg0, %dma_start3A_41] : memref<675840x2x32xf32, #tpu.memory_space<hbm>> -> memref<128x1x32xf32, #tpu.memory_space<hbm>>
    %dma_start3A_43 = tpu.memref_squeeze %dma_start3A_42 : memref<128x1x32xf32, #tpu.memory_space<hbm>> -> memref<128x32xf32, #tpu.memory_space<hbm>>
    %dma_start3A_44 = arith.constant 0 : i32
    %dma_start3A_45 = arith.constant 0 : i32
    %dma_start3A_46 = tpu.memref_slice %arg10[%dma_start3A_36, %dma_start3A_44, %dma_start3A_45] : memref<2x128x32xf32, #tpu.memory_space<vmem>> -> memref<1x128x32xf32, #tpu.memory_space<vmem>>
    %dma_start3A_47 = tpu.memref_squeeze %dma_start3A_46 : memref<1x128x32xf32, #tpu.memory_space<vmem>> -> memref<128x32xf32, #tpu.memory_space<vmem>>
    %dma_start3A_48 = arith.constant 0 : i32
    %dma_start3A_49 = tpu.memref_slice %arg2[%add3A_26, %arg0, %dma_start3A_48] : memref<675840x2x32xf32, #tpu.memory_space<hbm>> -> memref<128x1x32xf32, #tpu.memory_space<hbm>>
    %dma_start3A_50 = tpu.memref_squeeze %dma_start3A_49 : memref<128x1x32xf32, #tpu.memory_space<hbm>> -> memref<128x32xf32, #tpu.memory_space<hbm>>
    tpu.enqueue_dma source(%dma_start3A_50 : memref<128x32xf32, #tpu.memory_space<hbm>>) target(%dma_start3A_47 : memref<128x32xf32, #tpu.memory_space<vmem>>) target_semaphore(%arg17 : memref<!tpu.dma_semaphore, #tpu.memory_space<semaphore_mem>>)
    "tpu.region"() ({
      %run_scoped3A_277 = tpu.sem_alloc : memref<!tpu.dma_semaphore, #tpu.memory_space<semaphore_mem>>
      tpu.enqueue_dma source(%arg4 : memref<1032x32xf32, #tpu.memory_space<hbm>>) target(%arg12 : memref<1032x32xf32, #tpu.memory_space<vmem>>) target_semaphore(%run_scoped3A_277 : memref<!tpu.dma_semaphore, #tpu.memory_space<semaphore_mem>>)
      tpu.wait_dma2 semaphore(%run_scoped3A_277 : memref<!tpu.dma_semaphore, #tpu.memory_space<semaphore_mem>>) src(%arg4 : memref<1032x32xf32, #tpu.memory_space<hbm>>) dst(%arg12 : memref<1032x32xf32, #tpu.memory_space<vmem>>)
      tpu.yield
    }) : () -> ()
    "tpu.region"() ({
      %run_scoped3A_277 = tpu.sem_alloc : memref<!tpu.dma_semaphore, #tpu.memory_space<semaphore_mem>>
      tpu.enqueue_dma source(%arg5 : memref<1032x8xf32, #tpu.memory_space<hbm>>) target(%arg13 : memref<1032x8xf32, #tpu.memory_space<vmem>>) target_semaphore(%run_scoped3A_277 : memref<!tpu.dma_semaphore, #tpu.memory_space<semaphore_mem>>)
      tpu.wait_dma2 semaphore(%run_scoped3A_277 : memref<!tpu.dma_semaphore, #tpu.memory_space<semaphore_mem>>) src(%arg5 : memref<1032x8xf32, #tpu.memory_space<hbm>>) dst(%arg13 : memref<1032x8xf32, #tpu.memory_space<vmem>>)
      tpu.yield
    }) : () -> ()
    "tpu.region"() ({
      %run_scoped3A_277 = tpu.sem_alloc : memref<!tpu.dma_semaphore, #tpu.memory_space<semaphore_mem>>
      tpu.enqueue_dma source(%arg6 : memref<128x8xf32, #tpu.memory_space<hbm>>) target(%arg11 : memref<128x8xf32, #tpu.memory_space<vmem>>) target_semaphore(%run_scoped3A_277 : memref<!tpu.dma_semaphore, #tpu.memory_space<semaphore_mem>>)
      tpu.wait_dma2 semaphore(%run_scoped3A_277 : memref<!tpu.dma_semaphore, #tpu.memory_space<semaphore_mem>>) src(%arg6 : memref<128x8xf32, #tpu.memory_space<hbm>>) dst(%arg11 : memref<128x8xf32, #tpu.memory_space<vmem>>)
      tpu.yield
    }) : () -> ()
    %eq3A = arith.constant 0 : i32
    %eq3A_51 = arith.cmpi eq, %arg1, %eq3A : i32
    %convert_element_type3A = arith.extui %eq3A_51 : i1 to i32
    %cond3A = arith.constant 0 : i32
    %cond3A_52 = arith.cmpi ne, %convert_element_type3A, %cond3A : i32
    scf.if %cond3A_52 {
      "tpu.region"() ({
        %run_scoped3A_277 = tpu.sem_alloc : memref<!tpu.dma_semaphore, #tpu.memory_space<semaphore_mem>>
        %dma_start3A_278 = arith.constant 0 : i32
        %dma_start3A_279 = arith.constant 0 : i32
        %dma_start3A_280 = tpu.memref_slice %arg18[%dma_start3A_278, %dma_start3A_279] : memref<16512x32xf32, #tpu.memory_space<vmem_shared>> -> memref<1032x32xf32, #tpu.memory_space<vmem_shared>>
        %dma_start3A_281 = arith.constant 0 : i32
        %dma_start3A_282 = arith.constant 0 : i32
        %dma_start3A_283 = tpu.memref_slice %arg18[%dma_start3A_281, %dma_start3A_282] : memref<16512x32xf32, #tpu.memory_space<vmem_shared>> -> memref<1032x32xf32, #tpu.memory_space<vmem_shared>>
        tpu.enqueue_dma source(%arg12 : memref<1032x32xf32, #tpu.memory_space<vmem>>) target(%dma_start3A_283 : memref<1032x32xf32, #tpu.memory_space<vmem_shared>>) target_semaphore(%run_scoped3A_277 : memref<!tpu.dma_semaphore, #tpu.memory_space<semaphore_mem>>)
        %dma_wait3A_284 = arith.constant 0 : i32
        %dma_wait3A_285 = arith.constant 0 : i32
        %dma_wait3A_286 = tpu.memref_slice %arg18[%dma_wait3A_284, %dma_wait3A_285] : memref<16512x32xf32, #tpu.memory_space<vmem_shared>> -> memref<1032x32xf32, #tpu.memory_space<vmem_shared>>
        %dma_wait3A_287 = arith.constant 0 : i32
        %dma_wait3A_288 = arith.constant 0 : i32
        %dma_wait3A_289 = tpu.memref_slice %arg18[%dma_wait3A_287, %dma_wait3A_288] : memref<16512x32xf32, #tpu.memory_space<vmem_shared>> -> memref<1032x32xf32, #tpu.memory_space<vmem_shared>>
        tpu.wait_dma2 semaphore(%run_scoped3A_277 : memref<!tpu.dma_semaphore, #tpu.memory_space<semaphore_mem>>) src(%arg12 : memref<1032x32xf32, #tpu.memory_space<vmem>>) dst(%dma_wait3A_289 : memref<1032x32xf32, #tpu.memory_space<vmem_shared>>)
        tpu.yield
      }) : () -> ()
      "tpu.region"() ({
        %run_scoped3A_277 = tpu.sem_alloc : memref<!tpu.dma_semaphore, #tpu.memory_space<semaphore_mem>>
        %dma_start3A_278 = arith.constant 0 : i32
        %dma_start3A_279 = arith.constant 0 : i32
        %dma_start3A_280 = tpu.memref_slice %arg19[%dma_start3A_278, %dma_start3A_279] : memref<16512x8xf32, #tpu.memory_space<vmem_shared>> -> memref<1032x8xf32, #tpu.memory_space<vmem_shared>>
        %dma_start3A_281 = arith.constant 0 : i32
        %dma_start3A_282 = arith.constant 0 : i32
        %dma_start3A_283 = tpu.memref_slice %arg19[%dma_start3A_281, %dma_start3A_282] : memref<16512x8xf32, #tpu.memory_space<vmem_shared>> -> memref<1032x8xf32, #tpu.memory_space<vmem_shared>>
        tpu.enqueue_dma source(%arg13 : memref<1032x8xf32, #tpu.memory_space<vmem>>) target(%dma_start3A_283 : memref<1032x8xf32, #tpu.memory_space<vmem_shared>>) target_semaphore(%run_scoped3A_277 : memref<!tpu.dma_semaphore, #tpu.memory_space<semaphore_mem>>)
        %dma_wait3A_284 = arith.constant 0 : i32
        %dma_wait3A_285 = arith.constant 0 : i32
        %dma_wait3A_286 = tpu.memref_slice %arg19[%dma_wait3A_284, %dma_wait3A_285] : memref<16512x8xf32, #tpu.memory_space<vmem_shared>> -> memref<1032x8xf32, #tpu.memory_space<vmem_shared>>
        %dma_wait3A_287 = arith.constant 0 : i32
        %dma_wait3A_288 = arith.constant 0 : i32
        %dma_wait3A_289 = tpu.memref_slice %arg19[%dma_wait3A_287, %dma_wait3A_288] : memref<16512x8xf32, #tpu.memory_space<vmem_shared>> -> memref<1032x8xf32, #tpu.memory_space<vmem_shared>>
        tpu.wait_dma2 semaphore(%run_scoped3A_277 : memref<!tpu.dma_semaphore, #tpu.memory_space<semaphore_mem>>) src(%arg13 : memref<1032x8xf32, #tpu.memory_space<vmem>>) dst(%dma_wait3A_289 : memref<1032x8xf32, #tpu.memory_space<vmem_shared>>)
        tpu.yield
      }) : () -> ()
    } else {
    }
    %eq3A_53 = arith.constant 1 : i32
    %eq3A_54 = arith.cmpi eq, %arg1, %eq3A_53 : i32
    %convert_element_type3A_55 = arith.extui %eq3A_54 : i1 to i32
    %cond3A_56 = arith.constant 0 : i32
    %cond3A_57 = arith.cmpi ne, %convert_element_type3A_55, %cond3A_56 : i32
    scf.if %cond3A_57 {
      "tpu.region"() ({
        %run_scoped3A_277 = tpu.sem_alloc : memref<!tpu.dma_semaphore, #tpu.memory_space<semaphore_mem>>
        %dma_start3A_278 = arith.constant 1032 : i32
        %dma_start3A_279 = arith.constant 0 : i32
        %dma_start3A_280 = tpu.memref_slice %arg18[%dma_start3A_278, %dma_start3A_279] : memref<16512x32xf32, #tpu.memory_space<vmem_shared>> -> memref<1032x32xf32, #tpu.memory_space<vmem_shared>>
        %dma_start3A_281 = arith.constant 1032 : i32
        %dma_start3A_282 = arith.constant 0 : i32
        %dma_start3A_283 = tpu.memref_slice %arg18[%dma_start3A_281, %dma_start3A_282] : memref<16512x32xf32, #tpu.memory_space<vmem_shared>> -> memref<1032x32xf32, #tpu.memory_space<vmem_shared>>
        tpu.enqueue_dma source(%arg12 : memref<1032x32xf32, #tpu.memory_space<vmem>>) target(%dma_start3A_283 : memref<1032x32xf32, #tpu.memory_space<vmem_shared>>) target_semaphore(%run_scoped3A_277 : memref<!tpu.dma_semaphore, #tpu.memory_space<semaphore_mem>>)
        %dma_wait3A_284 = arith.constant 1032 : i32
        %dma_wait3A_285 = arith.constant 0 : i32
        %dma_wait3A_286 = tpu.memref_slice %arg18[%dma_wait3A_284, %dma_wait3A_285] : memref<16512x32xf32, #tpu.memory_space<vmem_shared>> -> memref<1032x32xf32, #tpu.memory_space<vmem_shared>>
        %dma_wait3A_287 = arith.constant 1032 : i32
        %dma_wait3A_288 = arith.constant 0 : i32
        %dma_wait3A_289 = tpu.memref_slice %arg18[%dma_wait3A_287, %dma_wait3A_288] : memref<16512x32xf32, #tpu.memory_space<vmem_shared>> -> memref<1032x32xf32, #tpu.memory_space<vmem_shared>>
        tpu.wait_dma2 semaphore(%run_scoped3A_277 : memref<!tpu.dma_semaphore, #tpu.memory_space<semaphore_mem>>) src(%arg12 : memref<1032x32xf32, #tpu.memory_space<vmem>>) dst(%dma_wait3A_289 : memref<1032x32xf32, #tpu.memory_space<vmem_shared>>)
        tpu.yield
      }) : () -> ()
      "tpu.region"() ({
        %run_scoped3A_277 = tpu.sem_alloc : memref<!tpu.dma_semaphore, #tpu.memory_space<semaphore_mem>>
        %dma_start3A_278 = arith.constant 1032 : i32
        %dma_start3A_279 = arith.constant 0 : i32
        %dma_start3A_280 = tpu.memref_slice %arg19[%dma_start3A_278, %dma_start3A_279] : memref<16512x8xf32, #tpu.memory_space<vmem_shared>> -> memref<1032x8xf32, #tpu.memory_space<vmem_shared>>
        %dma_start3A_281 = arith.constant 1032 : i32
        %dma_start3A_282 = arith.constant 0 : i32
        %dma_start3A_283 = tpu.memref_slice %arg19[%dma_start3A_281, %dma_start3A_282] : memref<16512x8xf32, #tpu.memory_space<vmem_shared>> -> memref<1032x8xf32, #tpu.memory_space<vmem_shared>>
        tpu.enqueue_dma source(%arg13 : memref<1032x8xf32, #tpu.memory_space<vmem>>) target(%dma_start3A_283 : memref<1032x8xf32, #tpu.memory_space<vmem_shared>>) target_semaphore(%run_scoped3A_277 : memref<!tpu.dma_semaphore, #tpu.memory_space<semaphore_mem>>)
        %dma_wait3A_284 = arith.constant 1032 : i32
        %dma_wait3A_285 = arith.constant 0 : i32
        %dma_wait3A_286 = tpu.memref_slice %arg19[%dma_wait3A_284, %dma_wait3A_285] : memref<16512x8xf32, #tpu.memory_space<vmem_shared>> -> memref<1032x8xf32, #tpu.memory_space<vmem_shared>>
        %dma_wait3A_287 = arith.constant 1032 : i32
        %dma_wait3A_288 = arith.constant 0 : i32
        %dma_wait3A_289 = tpu.memref_slice %arg19[%dma_wait3A_287, %dma_wait3A_288] : memref<16512x8xf32, #tpu.memory_space<vmem_shared>> -> memref<1032x8xf32, #tpu.memory_space<vmem_shared>>
        tpu.wait_dma2 semaphore(%run_scoped3A_277 : memref<!tpu.dma_semaphore, #tpu.memory_space<semaphore_mem>>) src(%arg13 : memref<1032x8xf32, #tpu.memory_space<vmem>>) dst(%dma_wait3A_289 : memref<1032x8xf32, #tpu.memory_space<vmem_shared>>)
        tpu.yield
      }) : () -> ()
    } else {
    }
    %eq3A_58 = arith.constant 2 : i32
    %eq3A_59 = arith.cmpi eq, %arg1, %eq3A_58 : i32
    %convert_element_type3A_60 = arith.extui %eq3A_59 : i1 to i32
    %cond3A_61 = arith.constant 0 : i32
    %cond3A_62 = arith.cmpi ne, %convert_element_type3A_60, %cond3A_61 : i32
    scf.if %cond3A_62 {
      "tpu.region"() ({
        %run_scoped3A_277 = tpu.sem_alloc : memref<!tpu.dma_semaphore, #tpu.memory_space<semaphore_mem>>
        %dma_start3A_278 = arith.constant 2064 : i32
        %dma_start3A_279 = arith.constant 0 : i32
        %dma_start3A_280 = tpu.memref_slice %arg18[%dma_start3A_278, %dma_start3A_279] : memref<16512x32xf32, #tpu.memory_space<vmem_shared>> -> memref<1032x32xf32, #tpu.memory_space<vmem_shared>>
        %dma_start3A_281 = arith.constant 2064 : i32
        %dma_start3A_282 = arith.constant 0 : i32
        %dma_start3A_283 = tpu.memref_slice %arg18[%dma_start3A_281, %dma_start3A_282] : memref<16512x32xf32, #tpu.memory_space<vmem_shared>> -> memref<1032x32xf32, #tpu.memory_space<vmem_shared>>
        tpu.enqueue_dma source(%arg12 : memref<1032x32xf32, #tpu.memory_space<vmem>>) target(%dma_start3A_283 : memref<1032x32xf32, #tpu.memory_space<vmem_shared>>) target_semaphore(%run_scoped3A_277 : memref<!tpu.dma_semaphore, #tpu.memory_space<semaphore_mem>>)
        %dma_wait3A_284 = arith.constant 2064 : i32
        %dma_wait3A_285 = arith.constant 0 : i32
        %dma_wait3A_286 = tpu.memref_slice %arg18[%dma_wait3A_284, %dma_wait3A_285] : memref<16512x32xf32, #tpu.memory_space<vmem_shared>> -> memref<1032x32xf32, #tpu.memory_space<vmem_shared>>
        %dma_wait3A_287 = arith.constant 2064 : i32
        %dma_wait3A_288 = arith.constant 0 : i32
        %dma_wait3A_289 = tpu.memref_slice %arg18[%dma_wait3A_287, %dma_wait3A_288] : memref<16512x32xf32, #tpu.memory_space<vmem_shared>> -> memref<1032x32xf32, #tpu.memory_space<vmem_shared>>
        tpu.wait_dma2 semaphore(%run_scoped3A_277 : memref<!tpu.dma_semaphore, #tpu.memory_space<semaphore_mem>>) src(%arg12 : memref<1032x32xf32, #tpu.memory_space<vmem>>) dst(%dma_wait3A_289 : memref<1032x32xf32, #tpu.memory_space<vmem_shared>>)
        tpu.yield
      }) : () -> ()
      "tpu.region"() ({
        %run_scoped3A_277 = tpu.sem_alloc : memref<!tpu.dma_semaphore, #tpu.memory_space<semaphore_mem>>
        %dma_start3A_278 = arith.constant 2064 : i32
        %dma_start3A_279 = arith.constant 0 : i32
        %dma_start3A_280 = tpu.memref_slice %arg19[%dma_start3A_278, %dma_start3A_279] : memref<16512x8xf32, #tpu.memory_space<vmem_shared>> -> memref<1032x8xf32, #tpu.memory_space<vmem_shared>>
        %dma_start3A_281 = arith.constant 2064 : i32
        %dma_start3A_282 = arith.constant 0 : i32
        %dma_start3A_283 = tpu.memref_slice %arg19[%dma_start3A_281, %dma_start3A_282] : memref<16512x8xf32, #tpu.memory_space<vmem_shared>> -> memref<1032x8xf32, #tpu.memory_space<vmem_shared>>
        tpu.enqueue_dma source(%arg13 : memref<1032x8xf32, #tpu.memory_space<vmem>>) target(%dma_start3A_283 : memref<1032x8xf32, #tpu.memory_space<vmem_shared>>) target_semaphore(%run_scoped3A_277 : memref<!tpu.dma_semaphore, #tpu.memory_space<semaphore_mem>>)
        %dma_wait3A_284 = arith.constant 2064 : i32
        %dma_wait3A_285 = arith.constant 0 : i32
        %dma_wait3A_286 = tpu.memref_slice %arg19[%dma_wait3A_284, %dma_wait3A_285] : memref<16512x8xf32, #tpu.memory_space<vmem_shared>> -> memref<1032x8xf32, #tpu.memory_space<vmem_shared>>
        %dma_wait3A_287 = arith.constant 2064 : i32
        %dma_wait3A_288 = arith.constant 0 : i32
        %dma_wait3A_289 = tpu.memref_slice %arg19[%dma_wait3A_287, %dma_wait3A_288] : memref<16512x8xf32, #tpu.memory_space<vmem_shared>> -> memref<1032x8xf32, #tpu.memory_space<vmem_shared>>
        tpu.wait_dma2 semaphore(%run_scoped3A_277 : memref<!tpu.dma_semaphore, #tpu.memory_space<semaphore_mem>>) src(%arg13 : memref<1032x8xf32, #tpu.memory_space<vmem>>) dst(%dma_wait3A_289 : memref<1032x8xf32, #tpu.memory_space<vmem_shared>>)
        tpu.yield
      }) : () -> ()
    } else {
    }
    %eq3A_63 = arith.constant 3 : i32
    %eq3A_64 = arith.cmpi eq, %arg1, %eq3A_63 : i32
    %convert_element_type3A_65 = arith.extui %eq3A_64 : i1 to i32
    %cond3A_66 = arith.constant 0 : i32
    %cond3A_67 = arith.cmpi ne, %convert_element_type3A_65, %cond3A_66 : i32
    scf.if %cond3A_67 {
      "tpu.region"() ({
        %run_scoped3A_277 = tpu.sem_alloc : memref<!tpu.dma_semaphore, #tpu.memory_space<semaphore_mem>>
        %dma_start3A_278 = arith.constant 3096 : i32
        %dma_start3A_279 = arith.constant 0 : i32
        %dma_start3A_280 = tpu.memref_slice %arg18[%dma_start3A_278, %dma_start3A_279] : memref<16512x32xf32, #tpu.memory_space<vmem_shared>> -> memref<1032x32xf32, #tpu.memory_space<vmem_shared>>
        %dma_start3A_281 = arith.constant 3096 : i32
        %dma_start3A_282 = arith.constant 0 : i32
        %dma_start3A_283 = tpu.memref_slice %arg18[%dma_start3A_281, %dma_start3A_282] : memref<16512x32xf32, #tpu.memory_space<vmem_shared>> -> memref<1032x32xf32, #tpu.memory_space<vmem_shared>>
        tpu.enqueue_dma source(%arg12 : memref<1032x32xf32, #tpu.memory_space<vmem>>) target(%dma_start3A_283 : memref<1032x32xf32, #tpu.memory_space<vmem_shared>>) target_semaphore(%run_scoped3A_277 : memref<!tpu.dma_semaphore, #tpu.memory_space<semaphore_mem>>)
        %dma_wait3A_284 = arith.constant 3096 : i32
        %dma_wait3A_285 = arith.constant 0 : i32
        %dma_wait3A_286 = tpu.memref_slice %arg18[%dma_wait3A_284, %dma_wait3A_285] : memref<16512x32xf32, #tpu.memory_space<vmem_shared>> -> memref<1032x32xf32, #tpu.memory_space<vmem_shared>>
        %dma_wait3A_287 = arith.constant 3096 : i32
        %dma_wait3A_288 = arith.constant 0 : i32
        %dma_wait3A_289 = tpu.memref_slice %arg18[%dma_wait3A_287, %dma_wait3A_288] : memref<16512x32xf32, #tpu.memory_space<vmem_shared>> -> memref<1032x32xf32, #tpu.memory_space<vmem_shared>>
        tpu.wait_dma2 semaphore(%run_scoped3A_277 : memref<!tpu.dma_semaphore, #tpu.memory_space<semaphore_mem>>) src(%arg12 : memref<1032x32xf32, #tpu.memory_space<vmem>>) dst(%dma_wait3A_289 : memref<1032x32xf32, #tpu.memory_space<vmem_shared>>)
        tpu.yield
      }) : () -> ()
      "tpu.region"() ({
        %run_scoped3A_277 = tpu.sem_alloc : memref<!tpu.dma_semaphore, #tpu.memory_space<semaphore_mem>>
        %dma_start3A_278 = arith.constant 3096 : i32
        %dma_start3A_279 = arith.constant 0 : i32
        %dma_start3A_280 = tpu.memref_slice %arg19[%dma_start3A_278, %dma_start3A_279] : memref<16512x8xf32, #tpu.memory_space<vmem_shared>> -> memref<1032x8xf32, #tpu.memory_space<vmem_shared>>
        %dma_start3A_281 = arith.constant 3096 : i32
        %dma_start3A_282 = arith.constant 0 : i32
        %dma_start3A_283 = tpu.memref_slice %arg19[%dma_start3A_281, %dma_start3A_282] : memref<16512x8xf32, #tpu.memory_space<vmem_shared>> -> memref<1032x8xf32, #tpu.memory_space<vmem_shared>>
        tpu.enqueue_dma source(%arg13 : memref<1032x8xf32, #tpu.memory_space<vmem>>) target(%dma_start3A_283 : memref<1032x8xf32, #tpu.memory_space<vmem_shared>>) target_semaphore(%run_scoped3A_277 : memref<!tpu.dma_semaphore, #tpu.memory_space<semaphore_mem>>)
        %dma_wait3A_284 = arith.constant 3096 : i32
        %dma_wait3A_285 = arith.constant 0 : i32
        %dma_wait3A_286 = tpu.memref_slice %arg19[%dma_wait3A_284, %dma_wait3A_285] : memref<16512x8xf32, #tpu.memory_space<vmem_shared>> -> memref<1032x8xf32, #tpu.memory_space<vmem_shared>>
        %dma_wait3A_287 = arith.constant 3096 : i32
        %dma_wait3A_288 = arith.constant 0 : i32
        %dma_wait3A_289 = tpu.memref_slice %arg19[%dma_wait3A_287, %dma_wait3A_288] : memref<16512x8xf32, #tpu.memory_space<vmem_shared>> -> memref<1032x8xf32, #tpu.memory_space<vmem_shared>>
        tpu.wait_dma2 semaphore(%run_scoped3A_277 : memref<!tpu.dma_semaphore, #tpu.memory_space<semaphore_mem>>) src(%arg13 : memref<1032x8xf32, #tpu.memory_space<vmem>>) dst(%dma_wait3A_289 : memref<1032x8xf32, #tpu.memory_space<vmem_shared>>)
        tpu.yield
      }) : () -> ()
    } else {
    }
    %eq3A_68 = arith.constant 4 : i32
    %eq3A_69 = arith.cmpi eq, %arg1, %eq3A_68 : i32
    %convert_element_type3A_70 = arith.extui %eq3A_69 : i1 to i32
    %cond3A_71 = arith.constant 0 : i32
    %cond3A_72 = arith.cmpi ne, %convert_element_type3A_70, %cond3A_71 : i32
    scf.if %cond3A_72 {
      "tpu.region"() ({
        %run_scoped3A_277 = tpu.sem_alloc : memref<!tpu.dma_semaphore, #tpu.memory_space<semaphore_mem>>
        %dma_start3A_278 = arith.constant 4128 : i32
        %dma_start3A_279 = arith.constant 0 : i32
        %dma_start3A_280 = tpu.memref_slice %arg18[%dma_start3A_278, %dma_start3A_279] : memref<16512x32xf32, #tpu.memory_space<vmem_shared>> -> memref<1032x32xf32, #tpu.memory_space<vmem_shared>>
        %dma_start3A_281 = arith.constant 4128 : i32
        %dma_start3A_282 = arith.constant 0 : i32
        %dma_start3A_283 = tpu.memref_slice %arg18[%dma_start3A_281, %dma_start3A_282] : memref<16512x32xf32, #tpu.memory_space<vmem_shared>> -> memref<1032x32xf32, #tpu.memory_space<vmem_shared>>
        tpu.enqueue_dma source(%arg12 : memref<1032x32xf32, #tpu.memory_space<vmem>>) target(%dma_start3A_283 : memref<1032x32xf32, #tpu.memory_space<vmem_shared>>) target_semaphore(%run_scoped3A_277 : memref<!tpu.dma_semaphore, #tpu.memory_space<semaphore_mem>>)
        %dma_wait3A_284 = arith.constant 4128 : i32
        %dma_wait3A_285 = arith.constant 0 : i32
        %dma_wait3A_286 = tpu.memref_slice %arg18[%dma_wait3A_284, %dma_wait3A_285] : memref<16512x32xf32, #tpu.memory_space<vmem_shared>> -> memref<1032x32xf32, #tpu.memory_space<vmem_shared>>
        %dma_wait3A_287 = arith.constant 4128 : i32
        %dma_wait3A_288 = arith.constant 0 : i32
        %dma_wait3A_289 = tpu.memref_slice %arg18[%dma_wait3A_287, %dma_wait3A_288] : memref<16512x32xf32, #tpu.memory_space<vmem_shared>> -> memref<1032x32xf32, #tpu.memory_space<vmem_shared>>
        tpu.wait_dma2 semaphore(%run_scoped3A_277 : memref<!tpu.dma_semaphore, #tpu.memory_space<semaphore_mem>>) src(%arg12 : memref<1032x32xf32, #tpu.memory_space<vmem>>) dst(%dma_wait3A_289 : memref<1032x32xf32, #tpu.memory_space<vmem_shared>>)
        tpu.yield
      }) : () -> ()
      "tpu.region"() ({
        %run_scoped3A_277 = tpu.sem_alloc : memref<!tpu.dma_semaphore, #tpu.memory_space<semaphore_mem>>
        %dma_start3A_278 = arith.constant 4128 : i32
        %dma_start3A_279 = arith.constant 0 : i32
        %dma_start3A_280 = tpu.memref_slice %arg19[%dma_start3A_278, %dma_start3A_279] : memref<16512x8xf32, #tpu.memory_space<vmem_shared>> -> memref<1032x8xf32, #tpu.memory_space<vmem_shared>>
        %dma_start3A_281 = arith.constant 4128 : i32
        %dma_start3A_282 = arith.constant 0 : i32
        %dma_start3A_283 = tpu.memref_slice %arg19[%dma_start3A_281, %dma_start3A_282] : memref<16512x8xf32, #tpu.memory_space<vmem_shared>> -> memref<1032x8xf32, #tpu.memory_space<vmem_shared>>
        tpu.enqueue_dma source(%arg13 : memref<1032x8xf32, #tpu.memory_space<vmem>>) target(%dma_start3A_283 : memref<1032x8xf32, #tpu.memory_space<vmem_shared>>) target_semaphore(%run_scoped3A_277 : memref<!tpu.dma_semaphore, #tpu.memory_space<semaphore_mem>>)
        %dma_wait3A_284 = arith.constant 4128 : i32
        %dma_wait3A_285 = arith.constant 0 : i32
        %dma_wait3A_286 = tpu.memref_slice %arg19[%dma_wait3A_284, %dma_wait3A_285] : memref<16512x8xf32, #tpu.memory_space<vmem_shared>> -> memref<1032x8xf32, #tpu.memory_space<vmem_shared>>
        %dma_wait3A_287 = arith.constant 4128 : i32
        %dma_wait3A_288 = arith.constant 0 : i32
        %dma_wait3A_289 = tpu.memref_slice %arg19[%dma_wait3A_287, %dma_wait3A_288] : memref<16512x8xf32, #tpu.memory_space<vmem_shared>> -> memref<1032x8xf32, #tpu.memory_space<vmem_shared>>
        tpu.wait_dma2 semaphore(%run_scoped3A_277 : memref<!tpu.dma_semaphore, #tpu.memory_space<semaphore_mem>>) src(%arg13 : memref<1032x8xf32, #tpu.memory_space<vmem>>) dst(%dma_wait3A_289 : memref<1032x8xf32, #tpu.memory_space<vmem_shared>>)
        tpu.yield
      }) : () -> ()
    } else {
    }
    %eq3A_73 = arith.constant 5 : i32
    %eq3A_74 = arith.cmpi eq, %arg1, %eq3A_73 : i32
    %convert_element_type3A_75 = arith.extui %eq3A_74 : i1 to i32
    %cond3A_76 = arith.constant 0 : i32
    %cond3A_77 = arith.cmpi ne, %convert_element_type3A_75, %cond3A_76 : i32
    scf.if %cond3A_77 {
      "tpu.region"() ({
        %run_scoped3A_277 = tpu.sem_alloc : memref<!tpu.dma_semaphore, #tpu.memory_space<semaphore_mem>>
        %dma_start3A_278 = arith.constant 5160 : i32
        %dma_start3A_279 = arith.constant 0 : i32
        %dma_start3A_280 = tpu.memref_slice %arg18[%dma_start3A_278, %dma_start3A_279] : memref<16512x32xf32, #tpu.memory_space<vmem_shared>> -> memref<1032x32xf32, #tpu.memory_space<vmem_shared>>
        %dma_start3A_281 = arith.constant 5160 : i32
        %dma_start3A_282 = arith.constant 0 : i32
        %dma_start3A_283 = tpu.memref_slice %arg18[%dma_start3A_281, %dma_start3A_282] : memref<16512x32xf32, #tpu.memory_space<vmem_shared>> -> memref<1032x32xf32, #tpu.memory_space<vmem_shared>>
        tpu.enqueue_dma source(%arg12 : memref<1032x32xf32, #tpu.memory_space<vmem>>) target(%dma_start3A_283 : memref<1032x32xf32, #tpu.memory_space<vmem_shared>>) target_semaphore(%run_scoped3A_277 : memref<!tpu.dma_semaphore, #tpu.memory_space<semaphore_mem>>)
        %dma_wait3A_284 = arith.constant 5160 : i32
        %dma_wait3A_285 = arith.constant 0 : i32
        %dma_wait3A_286 = tpu.memref_slice %arg18[%dma_wait3A_284, %dma_wait3A_285] : memref<16512x32xf32, #tpu.memory_space<vmem_shared>> -> memref<1032x32xf32, #tpu.memory_space<vmem_shared>>
        %dma_wait3A_287 = arith.constant 5160 : i32
        %dma_wait3A_288 = arith.constant 0 : i32
        %dma_wait3A_289 = tpu.memref_slice %arg18[%dma_wait3A_287, %dma_wait3A_288] : memref<16512x32xf32, #tpu.memory_space<vmem_shared>> -> memref<1032x32xf32, #tpu.memory_space<vmem_shared>>
        tpu.wait_dma2 semaphore(%run_scoped3A_277 : memref<!tpu.dma_semaphore, #tpu.memory_space<semaphore_mem>>) src(%arg12 : memref<1032x32xf32, #tpu.memory_space<vmem>>) dst(%dma_wait3A_289 : memref<1032x32xf32, #tpu.memory_space<vmem_shared>>)
        tpu.yield
      }) : () -> ()
      "tpu.region"() ({
        %run_scoped3A_277 = tpu.sem_alloc : memref<!tpu.dma_semaphore, #tpu.memory_space<semaphore_mem>>
        %dma_start3A_278 = arith.constant 5160 : i32
        %dma_start3A_279 = arith.constant 0 : i32
        %dma_start3A_280 = tpu.memref_slice %arg19[%dma_start3A_278, %dma_start3A_279] : memref<16512x8xf32, #tpu.memory_space<vmem_shared>> -> memref<1032x8xf32, #tpu.memory_space<vmem_shared>>
        %dma_start3A_281 = arith.constant 5160 : i32
        %dma_start3A_282 = arith.constant 0 : i32
        %dma_start3A_283 = tpu.memref_slice %arg19[%dma_start3A_281, %dma_start3A_282] : memref<16512x8xf32, #tpu.memory_space<vmem_shared>> -> memref<1032x8xf32, #tpu.memory_space<vmem_shared>>
        tpu.enqueue_dma source(%arg13 : memref<1032x8xf32, #tpu.memory_space<vmem>>) target(%dma_start3A_283 : memref<1032x8xf32, #tpu.memory_space<vmem_shared>>) target_semaphore(%run_scoped3A_277 : memref<!tpu.dma_semaphore, #tpu.memory_space<semaphore_mem>>)
        %dma_wait3A_284 = arith.constant 5160 : i32
        %dma_wait3A_285 = arith.constant 0 : i32
        %dma_wait3A_286 = tpu.memref_slice %arg19[%dma_wait3A_284, %dma_wait3A_285] : memref<16512x8xf32, #tpu.memory_space<vmem_shared>> -> memref<1032x8xf32, #tpu.memory_space<vmem_shared>>
        %dma_wait3A_287 = arith.constant 5160 : i32
        %dma_wait3A_288 = arith.constant 0 : i32
        %dma_wait3A_289 = tpu.memref_slice %arg19[%dma_wait3A_287, %dma_wait3A_288] : memref<16512x8xf32, #tpu.memory_space<vmem_shared>> -> memref<1032x8xf32, #tpu.memory_space<vmem_shared>>
        tpu.wait_dma2 semaphore(%run_scoped3A_277 : memref<!tpu.dma_semaphore, #tpu.memory_space<semaphore_mem>>) src(%arg13 : memref<1032x8xf32, #tpu.memory_space<vmem>>) dst(%dma_wait3A_289 : memref<1032x8xf32, #tpu.memory_space<vmem_shared>>)
        tpu.yield
      }) : () -> ()
    } else {
    }
    %eq3A_78 = arith.constant 6 : i32
    %eq3A_79 = arith.cmpi eq, %arg1, %eq3A_78 : i32
    %convert_element_type3A_80 = arith.extui %eq3A_79 : i1 to i32
    %cond3A_81 = arith.constant 0 : i32
    %cond3A_82 = arith.cmpi ne, %convert_element_type3A_80, %cond3A_81 : i32
    scf.if %cond3A_82 {
      "tpu.region"() ({
        %run_scoped3A_277 = tpu.sem_alloc : memref<!tpu.dma_semaphore, #tpu.memory_space<semaphore_mem>>
        %dma_start3A_278 = arith.constant 6192 : i32
        %dma_start3A_279 = arith.constant 0 : i32
        %dma_start3A_280 = tpu.memref_slice %arg18[%dma_start3A_278, %dma_start3A_279] : memref<16512x32xf32, #tpu.memory_space<vmem_shared>> -> memref<1032x32xf32, #tpu.memory_space<vmem_shared>>
        %dma_start3A_281 = arith.constant 6192 : i32
        %dma_start3A_282 = arith.constant 0 : i32
        %dma_start3A_283 = tpu.memref_slice %arg18[%dma_start3A_281, %dma_start3A_282] : memref<16512x32xf32, #tpu.memory_space<vmem_shared>> -> memref<1032x32xf32, #tpu.memory_space<vmem_shared>>
        tpu.enqueue_dma source(%arg12 : memref<1032x32xf32, #tpu.memory_space<vmem>>) target(%dma_start3A_283 : memref<1032x32xf32, #tpu.memory_space<vmem_shared>>) target_semaphore(%run_scoped3A_277 : memref<!tpu.dma_semaphore, #tpu.memory_space<semaphore_mem>>)
        %dma_wait3A_284 = arith.constant 6192 : i32
        %dma_wait3A_285 = arith.constant 0 : i32
        %dma_wait3A_286 = tpu.memref_slice %arg18[%dma_wait3A_284, %dma_wait3A_285] : memref<16512x32xf32, #tpu.memory_space<vmem_shared>> -> memref<1032x32xf32, #tpu.memory_space<vmem_shared>>
        %dma_wait3A_287 = arith.constant 6192 : i32
        %dma_wait3A_288 = arith.constant 0 : i32
        %dma_wait3A_289 = tpu.memref_slice %arg18[%dma_wait3A_287, %dma_wait3A_288] : memref<16512x32xf32, #tpu.memory_space<vmem_shared>> -> memref<1032x32xf32, #tpu.memory_space<vmem_shared>>
        tpu.wait_dma2 semaphore(%run_scoped3A_277 : memref<!tpu.dma_semaphore, #tpu.memory_space<semaphore_mem>>) src(%arg12 : memref<1032x32xf32, #tpu.memory_space<vmem>>) dst(%dma_wait3A_289 : memref<1032x32xf32, #tpu.memory_space<vmem_shared>>)
        tpu.yield
      }) : () -> ()
      "tpu.region"() ({
        %run_scoped3A_277 = tpu.sem_alloc : memref<!tpu.dma_semaphore, #tpu.memory_space<semaphore_mem>>
        %dma_start3A_278 = arith.constant 6192 : i32
        %dma_start3A_279 = arith.constant 0 : i32
        %dma_start3A_280 = tpu.memref_slice %arg19[%dma_start3A_278, %dma_start3A_279] : memref<16512x8xf32, #tpu.memory_space<vmem_shared>> -> memref<1032x8xf32, #tpu.memory_space<vmem_shared>>
        %dma_start3A_281 = arith.constant 6192 : i32
        %dma_start3A_282 = arith.constant 0 : i32
        %dma_start3A_283 = tpu.memref_slice %arg19[%dma_start3A_281, %dma_start3A_282] : memref<16512x8xf32, #tpu.memory_space<vmem_shared>> -> memref<1032x8xf32, #tpu.memory_space<vmem_shared>>
        tpu.enqueue_dma source(%arg13 : memref<1032x8xf32, #tpu.memory_space<vmem>>) target(%dma_start3A_283 : memref<1032x8xf32, #tpu.memory_space<vmem_shared>>) target_semaphore(%run_scoped3A_277 : memref<!tpu.dma_semaphore, #tpu.memory_space<semaphore_mem>>)
        %dma_wait3A_284 = arith.constant 6192 : i32
        %dma_wait3A_285 = arith.constant 0 : i32
        %dma_wait3A_286 = tpu.memref_slice %arg19[%dma_wait3A_284, %dma_wait3A_285] : memref<16512x8xf32, #tpu.memory_space<vmem_shared>> -> memref<1032x8xf32, #tpu.memory_space<vmem_shared>>
        %dma_wait3A_287 = arith.constant 6192 : i32
        %dma_wait3A_288 = arith.constant 0 : i32
        %dma_wait3A_289 = tpu.memref_slice %arg19[%dma_wait3A_287, %dma_wait3A_288] : memref<16512x8xf32, #tpu.memory_space<vmem_shared>> -> memref<1032x8xf32, #tpu.memory_space<vmem_shared>>
        tpu.wait_dma2 semaphore(%run_scoped3A_277 : memref<!tpu.dma_semaphore, #tpu.memory_space<semaphore_mem>>) src(%arg13 : memref<1032x8xf32, #tpu.memory_space<vmem>>) dst(%dma_wait3A_289 : memref<1032x8xf32, #tpu.memory_space<vmem_shared>>)
        tpu.yield
      }) : () -> ()
    } else {
    }
    %eq3A_83 = arith.constant 7 : i32
    %eq3A_84 = arith.cmpi eq, %arg1, %eq3A_83 : i32
    %convert_element_type3A_85 = arith.extui %eq3A_84 : i1 to i32
    %cond3A_86 = arith.constant 0 : i32
    %cond3A_87 = arith.cmpi ne, %convert_element_type3A_85, %cond3A_86 : i32
    scf.if %cond3A_87 {
      "tpu.region"() ({
        %run_scoped3A_277 = tpu.sem_alloc : memref<!tpu.dma_semaphore, #tpu.memory_space<semaphore_mem>>
        %dma_start3A_278 = arith.constant 7224 : i32
        %dma_start3A_279 = arith.constant 0 : i32
        %dma_start3A_280 = tpu.memref_slice %arg18[%dma_start3A_278, %dma_start3A_279] : memref<16512x32xf32, #tpu.memory_space<vmem_shared>> -> memref<1032x32xf32, #tpu.memory_space<vmem_shared>>
        %dma_start3A_281 = arith.constant 7224 : i32
        %dma_start3A_282 = arith.constant 0 : i32
        %dma_start3A_283 = tpu.memref_slice %arg18[%dma_start3A_281, %dma_start3A_282] : memref<16512x32xf32, #tpu.memory_space<vmem_shared>> -> memref<1032x32xf32, #tpu.memory_space<vmem_shared>>
        tpu.enqueue_dma source(%arg12 : memref<1032x32xf32, #tpu.memory_space<vmem>>) target(%dma_start3A_283 : memref<1032x32xf32, #tpu.memory_space<vmem_shared>>) target_semaphore(%run_scoped3A_277 : memref<!tpu.dma_semaphore, #tpu.memory_space<semaphore_mem>>)
        %dma_wait3A_284 = arith.constant 7224 : i32
        %dma_wait3A_285 = arith.constant 0 : i32
        %dma_wait3A_286 = tpu.memref_slice %arg18[%dma_wait3A_284, %dma_wait3A_285] : memref<16512x32xf32, #tpu.memory_space<vmem_shared>> -> memref<1032x32xf32, #tpu.memory_space<vmem_shared>>
        %dma_wait3A_287 = arith.constant 7224 : i32
        %dma_wait3A_288 = arith.constant 0 : i32
        %dma_wait3A_289 = tpu.memref_slice %arg18[%dma_wait3A_287, %dma_wait3A_288] : memref<16512x32xf32, #tpu.memory_space<vmem_shared>> -> memref<1032x32xf32, #tpu.memory_space<vmem_shared>>
        tpu.wait_dma2 semaphore(%run_scoped3A_277 : memref<!tpu.dma_semaphore, #tpu.memory_space<semaphore_mem>>) src(%arg12 : memref<1032x32xf32, #tpu.memory_space<vmem>>) dst(%dma_wait3A_289 : memref<1032x32xf32, #tpu.memory_space<vmem_shared>>)
        tpu.yield
      }) : () -> ()
      "tpu.region"() ({
        %run_scoped3A_277 = tpu.sem_alloc : memref<!tpu.dma_semaphore, #tpu.memory_space<semaphore_mem>>
        %dma_start3A_278 = arith.constant 7224 : i32
        %dma_start3A_279 = arith.constant 0 : i32
        %dma_start3A_280 = tpu.memref_slice %arg19[%dma_start3A_278, %dma_start3A_279] : memref<16512x8xf32, #tpu.memory_space<vmem_shared>> -> memref<1032x8xf32, #tpu.memory_space<vmem_shared>>
        %dma_start3A_281 = arith.constant 7224 : i32
        %dma_start3A_282 = arith.constant 0 : i32
        %dma_start3A_283 = tpu.memref_slice %arg19[%dma_start3A_281, %dma_start3A_282] : memref<16512x8xf32, #tpu.memory_space<vmem_shared>> -> memref<1032x8xf32, #tpu.memory_space<vmem_shared>>
        tpu.enqueue_dma source(%arg13 : memref<1032x8xf32, #tpu.memory_space<vmem>>) target(%dma_start3A_283 : memref<1032x8xf32, #tpu.memory_space<vmem_shared>>) target_semaphore(%run_scoped3A_277 : memref<!tpu.dma_semaphore, #tpu.memory_space<semaphore_mem>>)
        %dma_wait3A_284 = arith.constant 7224 : i32
        %dma_wait3A_285 = arith.constant 0 : i32
        %dma_wait3A_286 = tpu.memref_slice %arg19[%dma_wait3A_284, %dma_wait3A_285] : memref<16512x8xf32, #tpu.memory_space<vmem_shared>> -> memref<1032x8xf32, #tpu.memory_space<vmem_shared>>
        %dma_wait3A_287 = arith.constant 7224 : i32
        %dma_wait3A_288 = arith.constant 0 : i32
        %dma_wait3A_289 = tpu.memref_slice %arg19[%dma_wait3A_287, %dma_wait3A_288] : memref<16512x8xf32, #tpu.memory_space<vmem_shared>> -> memref<1032x8xf32, #tpu.memory_space<vmem_shared>>
        tpu.wait_dma2 semaphore(%run_scoped3A_277 : memref<!tpu.dma_semaphore, #tpu.memory_space<semaphore_mem>>) src(%arg13 : memref<1032x8xf32, #tpu.memory_space<vmem>>) dst(%dma_wait3A_289 : memref<1032x8xf32, #tpu.memory_space<vmem_shared>>)
        tpu.yield
      }) : () -> ()
    } else {
    }
    %eq3A_88 = arith.constant 8 : i32
    %eq3A_89 = arith.cmpi eq, %arg1, %eq3A_88 : i32
    %convert_element_type3A_90 = arith.extui %eq3A_89 : i1 to i32
    %cond3A_91 = arith.constant 0 : i32
    %cond3A_92 = arith.cmpi ne, %convert_element_type3A_90, %cond3A_91 : i32
    scf.if %cond3A_92 {
      "tpu.region"() ({
        %run_scoped3A_277 = tpu.sem_alloc : memref<!tpu.dma_semaphore, #tpu.memory_space<semaphore_mem>>
        %dma_start3A_278 = arith.constant 8256 : i32
        %dma_start3A_279 = arith.constant 0 : i32
        %dma_start3A_280 = tpu.memref_slice %arg18[%dma_start3A_278, %dma_start3A_279] : memref<16512x32xf32, #tpu.memory_space<vmem_shared>> -> memref<1032x32xf32, #tpu.memory_space<vmem_shared>>
        %dma_start3A_281 = arith.constant 8256 : i32
        %dma_start3A_282 = arith.constant 0 : i32
        %dma_start3A_283 = tpu.memref_slice %arg18[%dma_start3A_281, %dma_start3A_282] : memref<16512x32xf32, #tpu.memory_space<vmem_shared>> -> memref<1032x32xf32, #tpu.memory_space<vmem_shared>>
        tpu.enqueue_dma source(%arg12 : memref<1032x32xf32, #tpu.memory_space<vmem>>) target(%dma_start3A_283 : memref<1032x32xf32, #tpu.memory_space<vmem_shared>>) target_semaphore(%run_scoped3A_277 : memref<!tpu.dma_semaphore, #tpu.memory_space<semaphore_mem>>)
        %dma_wait3A_284 = arith.constant 8256 : i32
        %dma_wait3A_285 = arith.constant 0 : i32
        %dma_wait3A_286 = tpu.memref_slice %arg18[%dma_wait3A_284, %dma_wait3A_285] : memref<16512x32xf32, #tpu.memory_space<vmem_shared>> -> memref<1032x32xf32, #tpu.memory_space<vmem_shared>>
        %dma_wait3A_287 = arith.constant 8256 : i32
        %dma_wait3A_288 = arith.constant 0 : i32
        %dma_wait3A_289 = tpu.memref_slice %arg18[%dma_wait3A_287, %dma_wait3A_288] : memref<16512x32xf32, #tpu.memory_space<vmem_shared>> -> memref<1032x32xf32, #tpu.memory_space<vmem_shared>>
        tpu.wait_dma2 semaphore(%run_scoped3A_277 : memref<!tpu.dma_semaphore, #tpu.memory_space<semaphore_mem>>) src(%arg12 : memref<1032x32xf32, #tpu.memory_space<vmem>>) dst(%dma_wait3A_289 : memref<1032x32xf32, #tpu.memory_space<vmem_shared>>)
        tpu.yield
      }) : () -> ()
      "tpu.region"() ({
        %run_scoped3A_277 = tpu.sem_alloc : memref<!tpu.dma_semaphore, #tpu.memory_space<semaphore_mem>>
        %dma_start3A_278 = arith.constant 8256 : i32
        %dma_start3A_279 = arith.constant 0 : i32
        %dma_start3A_280 = tpu.memref_slice %arg19[%dma_start3A_278, %dma_start3A_279] : memref<16512x8xf32, #tpu.memory_space<vmem_shared>> -> memref<1032x8xf32, #tpu.memory_space<vmem_shared>>
        %dma_start3A_281 = arith.constant 8256 : i32
        %dma_start3A_282 = arith.constant 0 : i32
        %dma_start3A_283 = tpu.memref_slice %arg19[%dma_start3A_281, %dma_start3A_282] : memref<16512x8xf32, #tpu.memory_space<vmem_shared>> -> memref<1032x8xf32, #tpu.memory_space<vmem_shared>>
        tpu.enqueue_dma source(%arg13 : memref<1032x8xf32, #tpu.memory_space<vmem>>) target(%dma_start3A_283 : memref<1032x8xf32, #tpu.memory_space<vmem_shared>>) target_semaphore(%run_scoped3A_277 : memref<!tpu.dma_semaphore, #tpu.memory_space<semaphore_mem>>)
        %dma_wait3A_284 = arith.constant 8256 : i32
        %dma_wait3A_285 = arith.constant 0 : i32
        %dma_wait3A_286 = tpu.memref_slice %arg19[%dma_wait3A_284, %dma_wait3A_285] : memref<16512x8xf32, #tpu.memory_space<vmem_shared>> -> memref<1032x8xf32, #tpu.memory_space<vmem_shared>>
        %dma_wait3A_287 = arith.constant 8256 : i32
        %dma_wait3A_288 = arith.constant 0 : i32
        %dma_wait3A_289 = tpu.memref_slice %arg19[%dma_wait3A_287, %dma_wait3A_288] : memref<16512x8xf32, #tpu.memory_space<vmem_shared>> -> memref<1032x8xf32, #tpu.memory_space<vmem_shared>>
        tpu.wait_dma2 semaphore(%run_scoped3A_277 : memref<!tpu.dma_semaphore, #tpu.memory_space<semaphore_mem>>) src(%arg13 : memref<1032x8xf32, #tpu.memory_space<vmem>>) dst(%dma_wait3A_289 : memref<1032x8xf32, #tpu.memory_space<vmem_shared>>)
        tpu.yield
      }) : () -> ()
    } else {
    }
    %eq3A_93 = arith.constant 9 : i32
    %eq3A_94 = arith.cmpi eq, %arg1, %eq3A_93 : i32
    %convert_element_type3A_95 = arith.extui %eq3A_94 : i1 to i32
    %cond3A_96 = arith.constant 0 : i32
    %cond3A_97 = arith.cmpi ne, %convert_element_type3A_95, %cond3A_96 : i32
    scf.if %cond3A_97 {
      "tpu.region"() ({
        %run_scoped3A_277 = tpu.sem_alloc : memref<!tpu.dma_semaphore, #tpu.memory_space<semaphore_mem>>
        %dma_start3A_278 = arith.constant 9288 : i32
        %dma_start3A_279 = arith.constant 0 : i32
        %dma_start3A_280 = tpu.memref_slice %arg18[%dma_start3A_278, %dma_start3A_279] : memref<16512x32xf32, #tpu.memory_space<vmem_shared>> -> memref<1032x32xf32, #tpu.memory_space<vmem_shared>>
        %dma_start3A_281 = arith.constant 9288 : i32
        %dma_start3A_282 = arith.constant 0 : i32
        %dma_start3A_283 = tpu.memref_slice %arg18[%dma_start3A_281, %dma_start3A_282] : memref<16512x32xf32, #tpu.memory_space<vmem_shared>> -> memref<1032x32xf32, #tpu.memory_space<vmem_shared>>
        tpu.enqueue_dma source(%arg12 : memref<1032x32xf32, #tpu.memory_space<vmem>>) target(%dma_start3A_283 : memref<1032x32xf32, #tpu.memory_space<vmem_shared>>) target_semaphore(%run_scoped3A_277 : memref<!tpu.dma_semaphore, #tpu.memory_space<semaphore_mem>>)
        %dma_wait3A_284 = arith.constant 9288 : i32
        %dma_wait3A_285 = arith.constant 0 : i32
        %dma_wait3A_286 = tpu.memref_slice %arg18[%dma_wait3A_284, %dma_wait3A_285] : memref<16512x32xf32, #tpu.memory_space<vmem_shared>> -> memref<1032x32xf32, #tpu.memory_space<vmem_shared>>
        %dma_wait3A_287 = arith.constant 9288 : i32
        %dma_wait3A_288 = arith.constant 0 : i32
        %dma_wait3A_289 = tpu.memref_slice %arg18[%dma_wait3A_287, %dma_wait3A_288] : memref<16512x32xf32, #tpu.memory_space<vmem_shared>> -> memref<1032x32xf32, #tpu.memory_space<vmem_shared>>
        tpu.wait_dma2 semaphore(%run_scoped3A_277 : memref<!tpu.dma_semaphore, #tpu.memory_space<semaphore_mem>>) src(%arg12 : memref<1032x32xf32, #tpu.memory_space<vmem>>) dst(%dma_wait3A_289 : memref<1032x32xf32, #tpu.memory_space<vmem_shared>>)
        tpu.yield
      }) : () -> ()
      "tpu.region"() ({
        %run_scoped3A_277 = tpu.sem_alloc : memref<!tpu.dma_semaphore, #tpu.memory_space<semaphore_mem>>
        %dma_start3A_278 = arith.constant 9288 : i32
        %dma_start3A_279 = arith.constant 0 : i32
        %dma_start3A_280 = tpu.memref_slice %arg19[%dma_start3A_278, %dma_start3A_279] : memref<16512x8xf32, #tpu.memory_space<vmem_shared>> -> memref<1032x8xf32, #tpu.memory_space<vmem_shared>>
        %dma_start3A_281 = arith.constant 9288 : i32
        %dma_start3A_282 = arith.constant 0 : i32
        %dma_start3A_283 = tpu.memref_slice %arg19[%dma_start3A_281, %dma_start3A_282] : memref<16512x8xf32, #tpu.memory_space<vmem_shared>> -> memref<1032x8xf32, #tpu.memory_space<vmem_shared>>
        tpu.enqueue_dma source(%arg13 : memref<1032x8xf32, #tpu.memory_space<vmem>>) target(%dma_start3A_283 : memref<1032x8xf32, #tpu.memory_space<vmem_shared>>) target_semaphore(%run_scoped3A_277 : memref<!tpu.dma_semaphore, #tpu.memory_space<semaphore_mem>>)
        %dma_wait3A_284 = arith.constant 9288 : i32
        %dma_wait3A_285 = arith.constant 0 : i32
        %dma_wait3A_286 = tpu.memref_slice %arg19[%dma_wait3A_284, %dma_wait3A_285] : memref<16512x8xf32, #tpu.memory_space<vmem_shared>> -> memref<1032x8xf32, #tpu.memory_space<vmem_shared>>
        %dma_wait3A_287 = arith.constant 9288 : i32
        %dma_wait3A_288 = arith.constant 0 : i32
        %dma_wait3A_289 = tpu.memref_slice %arg19[%dma_wait3A_287, %dma_wait3A_288] : memref<16512x8xf32, #tpu.memory_space<vmem_shared>> -> memref<1032x8xf32, #tpu.memory_space<vmem_shared>>
        tpu.wait_dma2 semaphore(%run_scoped3A_277 : memref<!tpu.dma_semaphore, #tpu.memory_space<semaphore_mem>>) src(%arg13 : memref<1032x8xf32, #tpu.memory_space<vmem>>) dst(%dma_wait3A_289 : memref<1032x8xf32, #tpu.memory_space<vmem_shared>>)
        tpu.yield
      }) : () -> ()
    } else {
    }
    %eq3A_98 = arith.constant 10 : i32
    %eq3A_99 = arith.cmpi eq, %arg1, %eq3A_98 : i32
    %convert_element_type3A_100 = arith.extui %eq3A_99 : i1 to i32
    %cond3A_101 = arith.constant 0 : i32
    %cond3A_102 = arith.cmpi ne, %convert_element_type3A_100, %cond3A_101 : i32
    scf.if %cond3A_102 {
      "tpu.region"() ({
        %run_scoped3A_277 = tpu.sem_alloc : memref<!tpu.dma_semaphore, #tpu.memory_space<semaphore_mem>>
        %dma_start3A_278 = arith.constant 10320 : i32
        %dma_start3A_279 = arith.constant 0 : i32
        %dma_start3A_280 = tpu.memref_slice %arg18[%dma_start3A_278, %dma_start3A_279] : memref<16512x32xf32, #tpu.memory_space<vmem_shared>> -> memref<1032x32xf32, #tpu.memory_space<vmem_shared>>
        %dma_start3A_281 = arith.constant 10320 : i32
        %dma_start3A_282 = arith.constant 0 : i32
        %dma_start3A_283 = tpu.memref_slice %arg18[%dma_start3A_281, %dma_start3A_282] : memref<16512x32xf32, #tpu.memory_space<vmem_shared>> -> memref<1032x32xf32, #tpu.memory_space<vmem_shared>>
        tpu.enqueue_dma source(%arg12 : memref<1032x32xf32, #tpu.memory_space<vmem>>) target(%dma_start3A_283 : memref<1032x32xf32, #tpu.memory_space<vmem_shared>>) target_semaphore(%run_scoped3A_277 : memref<!tpu.dma_semaphore, #tpu.memory_space<semaphore_mem>>)
        %dma_wait3A_284 = arith.constant 10320 : i32
        %dma_wait3A_285 = arith.constant 0 : i32
        %dma_wait3A_286 = tpu.memref_slice %arg18[%dma_wait3A_284, %dma_wait3A_285] : memref<16512x32xf32, #tpu.memory_space<vmem_shared>> -> memref<1032x32xf32, #tpu.memory_space<vmem_shared>>
        %dma_wait3A_287 = arith.constant 10320 : i32
        %dma_wait3A_288 = arith.constant 0 : i32
        %dma_wait3A_289 = tpu.memref_slice %arg18[%dma_wait3A_287, %dma_wait3A_288] : memref<16512x32xf32, #tpu.memory_space<vmem_shared>> -> memref<1032x32xf32, #tpu.memory_space<vmem_shared>>
        tpu.wait_dma2 semaphore(%run_scoped3A_277 : memref<!tpu.dma_semaphore, #tpu.memory_space<semaphore_mem>>) src(%arg12 : memref<1032x32xf32, #tpu.memory_space<vmem>>) dst(%dma_wait3A_289 : memref<1032x32xf32, #tpu.memory_space<vmem_shared>>)
        tpu.yield
      }) : () -> ()
      "tpu.region"() ({
        %run_scoped3A_277 = tpu.sem_alloc : memref<!tpu.dma_semaphore, #tpu.memory_space<semaphore_mem>>
        %dma_start3A_278 = arith.constant 10320 : i32
        %dma_start3A_279 = arith.constant 0 : i32
        %dma_start3A_280 = tpu.memref_slice %arg19[%dma_start3A_278, %dma_start3A_279] : memref<16512x8xf32, #tpu.memory_space<vmem_shared>> -> memref<1032x8xf32, #tpu.memory_space<vmem_shared>>
        %dma_start3A_281 = arith.constant 10320 : i32
        %dma_start3A_282 = arith.constant 0 : i32
        %dma_start3A_283 = tpu.memref_slice %arg19[%dma_start3A_281, %dma_start3A_282] : memref<16512x8xf32, #tpu.memory_space<vmem_shared>> -> memref<1032x8xf32, #tpu.memory_space<vmem_shared>>
        tpu.enqueue_dma source(%arg13 : memref<1032x8xf32, #tpu.memory_space<vmem>>) target(%dma_start3A_283 : memref<1032x8xf32, #tpu.memory_space<vmem_shared>>) target_semaphore(%run_scoped3A_277 : memref<!tpu.dma_semaphore, #tpu.memory_space<semaphore_mem>>)
        %dma_wait3A_284 = arith.constant 10320 : i32
        %dma_wait3A_285 = arith.constant 0 : i32
        %dma_wait3A_286 = tpu.memref_slice %arg19[%dma_wait3A_284, %dma_wait3A_285] : memref<16512x8xf32, #tpu.memory_space<vmem_shared>> -> memref<1032x8xf32, #tpu.memory_space<vmem_shared>>
        %dma_wait3A_287 = arith.constant 10320 : i32
        %dma_wait3A_288 = arith.constant 0 : i32
        %dma_wait3A_289 = tpu.memref_slice %arg19[%dma_wait3A_287, %dma_wait3A_288] : memref<16512x8xf32, #tpu.memory_space<vmem_shared>> -> memref<1032x8xf32, #tpu.memory_space<vmem_shared>>
        tpu.wait_dma2 semaphore(%run_scoped3A_277 : memref<!tpu.dma_semaphore, #tpu.memory_space<semaphore_mem>>) src(%arg13 : memref<1032x8xf32, #tpu.memory_space<vmem>>) dst(%dma_wait3A_289 : memref<1032x8xf32, #tpu.memory_space<vmem_shared>>)
        tpu.yield
      }) : () -> ()
    } else {
    }
    %eq3A_103 = arith.constant 11 : i32
    %eq3A_104 = arith.cmpi eq, %arg1, %eq3A_103 : i32
    %convert_element_type3A_105 = arith.extui %eq3A_104 : i1 to i32
    %cond3A_106 = arith.constant 0 : i32
    %cond3A_107 = arith.cmpi ne, %convert_element_type3A_105, %cond3A_106 : i32
    scf.if %cond3A_107 {
      "tpu.region"() ({
        %run_scoped3A_277 = tpu.sem_alloc : memref<!tpu.dma_semaphore, #tpu.memory_space<semaphore_mem>>
        %dma_start3A_278 = arith.constant 11352 : i32
        %dma_start3A_279 = arith.constant 0 : i32
        %dma_start3A_280 = tpu.memref_slice %arg18[%dma_start3A_278, %dma_start3A_279] : memref<16512x32xf32, #tpu.memory_space<vmem_shared>> -> memref<1032x32xf32, #tpu.memory_space<vmem_shared>>
        %dma_start3A_281 = arith.constant 11352 : i32
        %dma_start3A_282 = arith.constant 0 : i32
        %dma_start3A_283 = tpu.memref_slice %arg18[%dma_start3A_281, %dma_start3A_282] : memref<16512x32xf32, #tpu.memory_space<vmem_shared>> -> memref<1032x32xf32, #tpu.memory_space<vmem_shared>>
        tpu.enqueue_dma source(%arg12 : memref<1032x32xf32, #tpu.memory_space<vmem>>) target(%dma_start3A_283 : memref<1032x32xf32, #tpu.memory_space<vmem_shared>>) target_semaphore(%run_scoped3A_277 : memref<!tpu.dma_semaphore, #tpu.memory_space<semaphore_mem>>)
        %dma_wait3A_284 = arith.constant 11352 : i32
        %dma_wait3A_285 = arith.constant 0 : i32
        %dma_wait3A_286 = tpu.memref_slice %arg18[%dma_wait3A_284, %dma_wait3A_285] : memref<16512x32xf32, #tpu.memory_space<vmem_shared>> -> memref<1032x32xf32, #tpu.memory_space<vmem_shared>>
        %dma_wait3A_287 = arith.constant 11352 : i32
        %dma_wait3A_288 = arith.constant 0 : i32
        %dma_wait3A_289 = tpu.memref_slice %arg18[%dma_wait3A_287, %dma_wait3A_288] : memref<16512x32xf32, #tpu.memory_space<vmem_shared>> -> memref<1032x32xf32, #tpu.memory_space<vmem_shared>>
        tpu.wait_dma2 semaphore(%run_scoped3A_277 : memref<!tpu.dma_semaphore, #tpu.memory_space<semaphore_mem>>) src(%arg12 : memref<1032x32xf32, #tpu.memory_space<vmem>>) dst(%dma_wait3A_289 : memref<1032x32xf32, #tpu.memory_space<vmem_shared>>)
        tpu.yield
      }) : () -> ()
      "tpu.region"() ({
        %run_scoped3A_277 = tpu.sem_alloc : memref<!tpu.dma_semaphore, #tpu.memory_space<semaphore_mem>>
        %dma_start3A_278 = arith.constant 11352 : i32
        %dma_start3A_279 = arith.constant 0 : i32
        %dma_start3A_280 = tpu.memref_slice %arg19[%dma_start3A_278, %dma_start3A_279] : memref<16512x8xf32, #tpu.memory_space<vmem_shared>> -> memref<1032x8xf32, #tpu.memory_space<vmem_shared>>
        %dma_start3A_281 = arith.constant 11352 : i32
        %dma_start3A_282 = arith.constant 0 : i32
        %dma_start3A_283 = tpu.memref_slice %arg19[%dma_start3A_281, %dma_start3A_282] : memref<16512x8xf32, #tpu.memory_space<vmem_shared>> -> memref<1032x8xf32, #tpu.memory_space<vmem_shared>>
        tpu.enqueue_dma source(%arg13 : memref<1032x8xf32, #tpu.memory_space<vmem>>) target(%dma_start3A_283 : memref<1032x8xf32, #tpu.memory_space<vmem_shared>>) target_semaphore(%run_scoped3A_277 : memref<!tpu.dma_semaphore, #tpu.memory_space<semaphore_mem>>)
        %dma_wait3A_284 = arith.constant 11352 : i32
        %dma_wait3A_285 = arith.constant 0 : i32
        %dma_wait3A_286 = tpu.memref_slice %arg19[%dma_wait3A_284, %dma_wait3A_285] : memref<16512x8xf32, #tpu.memory_space<vmem_shared>> -> memref<1032x8xf32, #tpu.memory_space<vmem_shared>>
        %dma_wait3A_287 = arith.constant 11352 : i32
        %dma_wait3A_288 = arith.constant 0 : i32
        %dma_wait3A_289 = tpu.memref_slice %arg19[%dma_wait3A_287, %dma_wait3A_288] : memref<16512x8xf32, #tpu.memory_space<vmem_shared>> -> memref<1032x8xf32, #tpu.memory_space<vmem_shared>>
        tpu.wait_dma2 semaphore(%run_scoped3A_277 : memref<!tpu.dma_semaphore, #tpu.memory_space<semaphore_mem>>) src(%arg13 : memref<1032x8xf32, #tpu.memory_space<vmem>>) dst(%dma_wait3A_289 : memref<1032x8xf32, #tpu.memory_space<vmem_shared>>)
        tpu.yield
      }) : () -> ()
    } else {
    }
    %eq3A_108 = arith.constant 12 : i32
    %eq3A_109 = arith.cmpi eq, %arg1, %eq3A_108 : i32
    %convert_element_type3A_110 = arith.extui %eq3A_109 : i1 to i32
    %cond3A_111 = arith.constant 0 : i32
    %cond3A_112 = arith.cmpi ne, %convert_element_type3A_110, %cond3A_111 : i32
    scf.if %cond3A_112 {
      "tpu.region"() ({
        %run_scoped3A_277 = tpu.sem_alloc : memref<!tpu.dma_semaphore, #tpu.memory_space<semaphore_mem>>
        %dma_start3A_278 = arith.constant 12384 : i32
        %dma_start3A_279 = arith.constant 0 : i32
        %dma_start3A_280 = tpu.memref_slice %arg18[%dma_start3A_278, %dma_start3A_279] : memref<16512x32xf32, #tpu.memory_space<vmem_shared>> -> memref<1032x32xf32, #tpu.memory_space<vmem_shared>>
        %dma_start3A_281 = arith.constant 12384 : i32
        %dma_start3A_282 = arith.constant 0 : i32
        %dma_start3A_283 = tpu.memref_slice %arg18[%dma_start3A_281, %dma_start3A_282] : memref<16512x32xf32, #tpu.memory_space<vmem_shared>> -> memref<1032x32xf32, #tpu.memory_space<vmem_shared>>
        tpu.enqueue_dma source(%arg12 : memref<1032x32xf32, #tpu.memory_space<vmem>>) target(%dma_start3A_283 : memref<1032x32xf32, #tpu.memory_space<vmem_shared>>) target_semaphore(%run_scoped3A_277 : memref<!tpu.dma_semaphore, #tpu.memory_space<semaphore_mem>>)
        %dma_wait3A_284 = arith.constant 12384 : i32
        %dma_wait3A_285 = arith.constant 0 : i32
        %dma_wait3A_286 = tpu.memref_slice %arg18[%dma_wait3A_284, %dma_wait3A_285] : memref<16512x32xf32, #tpu.memory_space<vmem_shared>> -> memref<1032x32xf32, #tpu.memory_space<vmem_shared>>
        %dma_wait3A_287 = arith.constant 12384 : i32
        %dma_wait3A_288 = arith.constant 0 : i32
        %dma_wait3A_289 = tpu.memref_slice %arg18[%dma_wait3A_287, %dma_wait3A_288] : memref<16512x32xf32, #tpu.memory_space<vmem_shared>> -> memref<1032x32xf32, #tpu.memory_space<vmem_shared>>
        tpu.wait_dma2 semaphore(%run_scoped3A_277 : memref<!tpu.dma_semaphore, #tpu.memory_space<semaphore_mem>>) src(%arg12 : memref<1032x32xf32, #tpu.memory_space<vmem>>) dst(%dma_wait3A_289 : memref<1032x32xf32, #tpu.memory_space<vmem_shared>>)
        tpu.yield
      }) : () -> ()
      "tpu.region"() ({
        %run_scoped3A_277 = tpu.sem_alloc : memref<!tpu.dma_semaphore, #tpu.memory_space<semaphore_mem>>
        %dma_start3A_278 = arith.constant 12384 : i32
        %dma_start3A_279 = arith.constant 0 : i32
        %dma_start3A_280 = tpu.memref_slice %arg19[%dma_start3A_278, %dma_start3A_279] : memref<16512x8xf32, #tpu.memory_space<vmem_shared>> -> memref<1032x8xf32, #tpu.memory_space<vmem_shared>>
        %dma_start3A_281 = arith.constant 12384 : i32
        %dma_start3A_282 = arith.constant 0 : i32
        %dma_start3A_283 = tpu.memref_slice %arg19[%dma_start3A_281, %dma_start3A_282] : memref<16512x8xf32, #tpu.memory_space<vmem_shared>> -> memref<1032x8xf32, #tpu.memory_space<vmem_shared>>
        tpu.enqueue_dma source(%arg13 : memref<1032x8xf32, #tpu.memory_space<vmem>>) target(%dma_start3A_283 : memref<1032x8xf32, #tpu.memory_space<vmem_shared>>) target_semaphore(%run_scoped3A_277 : memref<!tpu.dma_semaphore, #tpu.memory_space<semaphore_mem>>)
        %dma_wait3A_284 = arith.constant 12384 : i32
        %dma_wait3A_285 = arith.constant 0 : i32
        %dma_wait3A_286 = tpu.memref_slice %arg19[%dma_wait3A_284, %dma_wait3A_285] : memref<16512x8xf32, #tpu.memory_space<vmem_shared>> -> memref<1032x8xf32, #tpu.memory_space<vmem_shared>>
        %dma_wait3A_287 = arith.constant 12384 : i32
        %dma_wait3A_288 = arith.constant 0 : i32
        %dma_wait3A_289 = tpu.memref_slice %arg19[%dma_wait3A_287, %dma_wait3A_288] : memref<16512x8xf32, #tpu.memory_space<vmem_shared>> -> memref<1032x8xf32, #tpu.memory_space<vmem_shared>>
        tpu.wait_dma2 semaphore(%run_scoped3A_277 : memref<!tpu.dma_semaphore, #tpu.memory_space<semaphore_mem>>) src(%arg13 : memref<1032x8xf32, #tpu.memory_space<vmem>>) dst(%dma_wait3A_289 : memref<1032x8xf32, #tpu.memory_space<vmem_shared>>)
        tpu.yield
      }) : () -> ()
    } else {
    }
    %eq3A_113 = arith.constant 13 : i32
    %eq3A_114 = arith.cmpi eq, %arg1, %eq3A_113 : i32
    %convert_element_type3A_115 = arith.extui %eq3A_114 : i1 to i32
    %cond3A_116 = arith.constant 0 : i32
    %cond3A_117 = arith.cmpi ne, %convert_element_type3A_115, %cond3A_116 : i32
    scf.if %cond3A_117 {
      "tpu.region"() ({
        %run_scoped3A_277 = tpu.sem_alloc : memref<!tpu.dma_semaphore, #tpu.memory_space<semaphore_mem>>
        %dma_start3A_278 = arith.constant 13416 : i32
        %dma_start3A_279 = arith.constant 0 : i32
        %dma_start3A_280 = tpu.memref_slice %arg18[%dma_start3A_278, %dma_start3A_279] : memref<16512x32xf32, #tpu.memory_space<vmem_shared>> -> memref<1032x32xf32, #tpu.memory_space<vmem_shared>>
        %dma_start3A_281 = arith.constant 13416 : i32
        %dma_start3A_282 = arith.constant 0 : i32
        %dma_start3A_283 = tpu.memref_slice %arg18[%dma_start3A_281, %dma_start3A_282] : memref<16512x32xf32, #tpu.memory_space<vmem_shared>> -> memref<1032x32xf32, #tpu.memory_space<vmem_shared>>
        tpu.enqueue_dma source(%arg12 : memref<1032x32xf32, #tpu.memory_space<vmem>>) target(%dma_start3A_283 : memref<1032x32xf32, #tpu.memory_space<vmem_shared>>) target_semaphore(%run_scoped3A_277 : memref<!tpu.dma_semaphore, #tpu.memory_space<semaphore_mem>>)
        %dma_wait3A_284 = arith.constant 13416 : i32
        %dma_wait3A_285 = arith.constant 0 : i32
        %dma_wait3A_286 = tpu.memref_slice %arg18[%dma_wait3A_284, %dma_wait3A_285] : memref<16512x32xf32, #tpu.memory_space<vmem_shared>> -> memref<1032x32xf32, #tpu.memory_space<vmem_shared>>
        %dma_wait3A_287 = arith.constant 13416 : i32
        %dma_wait3A_288 = arith.constant 0 : i32
        %dma_wait3A_289 = tpu.memref_slice %arg18[%dma_wait3A_287, %dma_wait3A_288] : memref<16512x32xf32, #tpu.memory_space<vmem_shared>> -> memref<1032x32xf32, #tpu.memory_space<vmem_shared>>
        tpu.wait_dma2 semaphore(%run_scoped3A_277 : memref<!tpu.dma_semaphore, #tpu.memory_space<semaphore_mem>>) src(%arg12 : memref<1032x32xf32, #tpu.memory_space<vmem>>) dst(%dma_wait3A_289 : memref<1032x32xf32, #tpu.memory_space<vmem_shared>>)
        tpu.yield
      }) : () -> ()
      "tpu.region"() ({
        %run_scoped3A_277 = tpu.sem_alloc : memref<!tpu.dma_semaphore, #tpu.memory_space<semaphore_mem>>
        %dma_start3A_278 = arith.constant 13416 : i32
        %dma_start3A_279 = arith.constant 0 : i32
        %dma_start3A_280 = tpu.memref_slice %arg19[%dma_start3A_278, %dma_start3A_279] : memref<16512x8xf32, #tpu.memory_space<vmem_shared>> -> memref<1032x8xf32, #tpu.memory_space<vmem_shared>>
        %dma_start3A_281 = arith.constant 13416 : i32
        %dma_start3A_282 = arith.constant 0 : i32
        %dma_start3A_283 = tpu.memref_slice %arg19[%dma_start3A_281, %dma_start3A_282] : memref<16512x8xf32, #tpu.memory_space<vmem_shared>> -> memref<1032x8xf32, #tpu.memory_space<vmem_shared>>
        tpu.enqueue_dma source(%arg13 : memref<1032x8xf32, #tpu.memory_space<vmem>>) target(%dma_start3A_283 : memref<1032x8xf32, #tpu.memory_space<vmem_shared>>) target_semaphore(%run_scoped3A_277 : memref<!tpu.dma_semaphore, #tpu.memory_space<semaphore_mem>>)
        %dma_wait3A_284 = arith.constant 13416 : i32
        %dma_wait3A_285 = arith.constant 0 : i32
        %dma_wait3A_286 = tpu.memref_slice %arg19[%dma_wait3A_284, %dma_wait3A_285] : memref<16512x8xf32, #tpu.memory_space<vmem_shared>> -> memref<1032x8xf32, #tpu.memory_space<vmem_shared>>
        %dma_wait3A_287 = arith.constant 13416 : i32
        %dma_wait3A_288 = arith.constant 0 : i32
        %dma_wait3A_289 = tpu.memref_slice %arg19[%dma_wait3A_287, %dma_wait3A_288] : memref<16512x8xf32, #tpu.memory_space<vmem_shared>> -> memref<1032x8xf32, #tpu.memory_space<vmem_shared>>
        tpu.wait_dma2 semaphore(%run_scoped3A_277 : memref<!tpu.dma_semaphore, #tpu.memory_space<semaphore_mem>>) src(%arg13 : memref<1032x8xf32, #tpu.memory_space<vmem>>) dst(%dma_wait3A_289 : memref<1032x8xf32, #tpu.memory_space<vmem_shared>>)
        tpu.yield
      }) : () -> ()
    } else {
    }
    %eq3A_118 = arith.constant 14 : i32
    %eq3A_119 = arith.cmpi eq, %arg1, %eq3A_118 : i32
    %convert_element_type3A_120 = arith.extui %eq3A_119 : i1 to i32
    %cond3A_121 = arith.constant 0 : i32
    %cond3A_122 = arith.cmpi ne, %convert_element_type3A_120, %cond3A_121 : i32
    scf.if %cond3A_122 {
      "tpu.region"() ({
        %run_scoped3A_277 = tpu.sem_alloc : memref<!tpu.dma_semaphore, #tpu.memory_space<semaphore_mem>>
        %dma_start3A_278 = arith.constant 14448 : i32
        %dma_start3A_279 = arith.constant 0 : i32
        %dma_start3A_280 = tpu.memref_slice %arg18[%dma_start3A_278, %dma_start3A_279] : memref<16512x32xf32, #tpu.memory_space<vmem_shared>> -> memref<1032x32xf32, #tpu.memory_space<vmem_shared>>
        %dma_start3A_281 = arith.constant 14448 : i32
        %dma_start3A_282 = arith.constant 0 : i32
        %dma_start3A_283 = tpu.memref_slice %arg18[%dma_start3A_281, %dma_start3A_282] : memref<16512x32xf32, #tpu.memory_space<vmem_shared>> -> memref<1032x32xf32, #tpu.memory_space<vmem_shared>>
        tpu.enqueue_dma source(%arg12 : memref<1032x32xf32, #tpu.memory_space<vmem>>) target(%dma_start3A_283 : memref<1032x32xf32, #tpu.memory_space<vmem_shared>>) target_semaphore(%run_scoped3A_277 : memref<!tpu.dma_semaphore, #tpu.memory_space<semaphore_mem>>)
        %dma_wait3A_284 = arith.constant 14448 : i32
        %dma_wait3A_285 = arith.constant 0 : i32
        %dma_wait3A_286 = tpu.memref_slice %arg18[%dma_wait3A_284, %dma_wait3A_285] : memref<16512x32xf32, #tpu.memory_space<vmem_shared>> -> memref<1032x32xf32, #tpu.memory_space<vmem_shared>>
        %dma_wait3A_287 = arith.constant 14448 : i32
        %dma_wait3A_288 = arith.constant 0 : i32
        %dma_wait3A_289 = tpu.memref_slice %arg18[%dma_wait3A_287, %dma_wait3A_288] : memref<16512x32xf32, #tpu.memory_space<vmem_shared>> -> memref<1032x32xf32, #tpu.memory_space<vmem_shared>>
        tpu.wait_dma2 semaphore(%run_scoped3A_277 : memref<!tpu.dma_semaphore, #tpu.memory_space<semaphore_mem>>) src(%arg12 : memref<1032x32xf32, #tpu.memory_space<vmem>>) dst(%dma_wait3A_289 : memref<1032x32xf32, #tpu.memory_space<vmem_shared>>)
        tpu.yield
      }) : () -> ()
      "tpu.region"() ({
        %run_scoped3A_277 = tpu.sem_alloc : memref<!tpu.dma_semaphore, #tpu.memory_space<semaphore_mem>>
        %dma_start3A_278 = arith.constant 14448 : i32
        %dma_start3A_279 = arith.constant 0 : i32
        %dma_start3A_280 = tpu.memref_slice %arg19[%dma_start3A_278, %dma_start3A_279] : memref<16512x8xf32, #tpu.memory_space<vmem_shared>> -> memref<1032x8xf32, #tpu.memory_space<vmem_shared>>
        %dma_start3A_281 = arith.constant 14448 : i32
        %dma_start3A_282 = arith.constant 0 : i32
        %dma_start3A_283 = tpu.memref_slice %arg19[%dma_start3A_281, %dma_start3A_282] : memref<16512x8xf32, #tpu.memory_space<vmem_shared>> -> memref<1032x8xf32, #tpu.memory_space<vmem_shared>>
        tpu.enqueue_dma source(%arg13 : memref<1032x8xf32, #tpu.memory_space<vmem>>) target(%dma_start3A_283 : memref<1032x8xf32, #tpu.memory_space<vmem_shared>>) target_semaphore(%run_scoped3A_277 : memref<!tpu.dma_semaphore, #tpu.memory_space<semaphore_mem>>)
        %dma_wait3A_284 = arith.constant 14448 : i32
        %dma_wait3A_285 = arith.constant 0 : i32
        %dma_wait3A_286 = tpu.memref_slice %arg19[%dma_wait3A_284, %dma_wait3A_285] : memref<16512x8xf32, #tpu.memory_space<vmem_shared>> -> memref<1032x8xf32, #tpu.memory_space<vmem_shared>>
        %dma_wait3A_287 = arith.constant 14448 : i32
        %dma_wait3A_288 = arith.constant 0 : i32
        %dma_wait3A_289 = tpu.memref_slice %arg19[%dma_wait3A_287, %dma_wait3A_288] : memref<16512x8xf32, #tpu.memory_space<vmem_shared>> -> memref<1032x8xf32, #tpu.memory_space<vmem_shared>>
        tpu.wait_dma2 semaphore(%run_scoped3A_277 : memref<!tpu.dma_semaphore, #tpu.memory_space<semaphore_mem>>) src(%arg13 : memref<1032x8xf32, #tpu.memory_space<vmem>>) dst(%dma_wait3A_289 : memref<1032x8xf32, #tpu.memory_space<vmem_shared>>)
        tpu.yield
      }) : () -> ()
    } else {
    }
    %eq3A_123 = arith.constant 15 : i32
    %eq3A_124 = arith.cmpi eq, %arg1, %eq3A_123 : i32
    %convert_element_type3A_125 = arith.extui %eq3A_124 : i1 to i32
    %cond3A_126 = arith.constant 0 : i32
    %cond3A_127 = arith.cmpi ne, %convert_element_type3A_125, %cond3A_126 : i32
    scf.if %cond3A_127 {
      "tpu.region"() ({
        %run_scoped3A_277 = tpu.sem_alloc : memref<!tpu.dma_semaphore, #tpu.memory_space<semaphore_mem>>
        %dma_start3A_278 = arith.constant 15480 : i32
        %dma_start3A_279 = arith.constant 0 : i32
        %dma_start3A_280 = tpu.memref_slice %arg18[%dma_start3A_278, %dma_start3A_279] : memref<16512x32xf32, #tpu.memory_space<vmem_shared>> -> memref<1032x32xf32, #tpu.memory_space<vmem_shared>>
        %dma_start3A_281 = arith.constant 15480 : i32
        %dma_start3A_282 = arith.constant 0 : i32
        %dma_start3A_283 = tpu.memref_slice %arg18[%dma_start3A_281, %dma_start3A_282] : memref<16512x32xf32, #tpu.memory_space<vmem_shared>> -> memref<1032x32xf32, #tpu.memory_space<vmem_shared>>
        tpu.enqueue_dma source(%arg12 : memref<1032x32xf32, #tpu.memory_space<vmem>>) target(%dma_start3A_283 : memref<1032x32xf32, #tpu.memory_space<vmem_shared>>) target_semaphore(%run_scoped3A_277 : memref<!tpu.dma_semaphore, #tpu.memory_space<semaphore_mem>>)
        %dma_wait3A_284 = arith.constant 15480 : i32
        %dma_wait3A_285 = arith.constant 0 : i32
        %dma_wait3A_286 = tpu.memref_slice %arg18[%dma_wait3A_284, %dma_wait3A_285] : memref<16512x32xf32, #tpu.memory_space<vmem_shared>> -> memref<1032x32xf32, #tpu.memory_space<vmem_shared>>
        %dma_wait3A_287 = arith.constant 15480 : i32
        %dma_wait3A_288 = arith.constant 0 : i32
        %dma_wait3A_289 = tpu.memref_slice %arg18[%dma_wait3A_287, %dma_wait3A_288] : memref<16512x32xf32, #tpu.memory_space<vmem_shared>> -> memref<1032x32xf32, #tpu.memory_space<vmem_shared>>
        tpu.wait_dma2 semaphore(%run_scoped3A_277 : memref<!tpu.dma_semaphore, #tpu.memory_space<semaphore_mem>>) src(%arg12 : memref<1032x32xf32, #tpu.memory_space<vmem>>) dst(%dma_wait3A_289 : memref<1032x32xf32, #tpu.memory_space<vmem_shared>>)
        tpu.yield
      }) : () -> ()
      "tpu.region"() ({
        %run_scoped3A_277 = tpu.sem_alloc : memref<!tpu.dma_semaphore, #tpu.memory_space<semaphore_mem>>
        %dma_start3A_278 = arith.constant 15480 : i32
        %dma_start3A_279 = arith.constant 0 : i32
        %dma_start3A_280 = tpu.memref_slice %arg19[%dma_start3A_278, %dma_start3A_279] : memref<16512x8xf32, #tpu.memory_space<vmem_shared>> -> memref<1032x8xf32, #tpu.memory_space<vmem_shared>>
        %dma_start3A_281 = arith.constant 15480 : i32
        %dma_start3A_282 = arith.constant 0 : i32
        %dma_start3A_283 = tpu.memref_slice %arg19[%dma_start3A_281, %dma_start3A_282] : memref<16512x8xf32, #tpu.memory_space<vmem_shared>> -> memref<1032x8xf32, #tpu.memory_space<vmem_shared>>
        tpu.enqueue_dma source(%arg13 : memref<1032x8xf32, #tpu.memory_space<vmem>>) target(%dma_start3A_283 : memref<1032x8xf32, #tpu.memory_space<vmem_shared>>) target_semaphore(%run_scoped3A_277 : memref<!tpu.dma_semaphore, #tpu.memory_space<semaphore_mem>>)
        %dma_wait3A_284 = arith.constant 15480 : i32
        %dma_wait3A_285 = arith.constant 0 : i32
        %dma_wait3A_286 = tpu.memref_slice %arg19[%dma_wait3A_284, %dma_wait3A_285] : memref<16512x8xf32, #tpu.memory_space<vmem_shared>> -> memref<1032x8xf32, #tpu.memory_space<vmem_shared>>
        %dma_wait3A_287 = arith.constant 15480 : i32
        %dma_wait3A_288 = arith.constant 0 : i32
        %dma_wait3A_289 = tpu.memref_slice %arg19[%dma_wait3A_287, %dma_wait3A_288] : memref<16512x8xf32, #tpu.memory_space<vmem_shared>> -> memref<1032x8xf32, #tpu.memory_space<vmem_shared>>
        tpu.wait_dma2 semaphore(%run_scoped3A_277 : memref<!tpu.dma_semaphore, #tpu.memory_space<semaphore_mem>>) src(%arg13 : memref<1032x8xf32, #tpu.memory_space<vmem>>) dst(%dma_wait3A_289 : memref<1032x8xf32, #tpu.memory_space<vmem_shared>>)
        tpu.yield
      }) : () -> ()
    } else {
    }
    %barrier3A = arith.constant 0 : index
    tpu.barrier barrier_id(%barrier3A)
    %scan3A = arith.constant 0 : i32
    %scan3A_128 = arith.constant 164 : i32
    %scan3A_129 = arith.addi %scan3A, %scan3A_128 : i32
    %scan3A_130 = arith.constant 1 : i32
    scf.for %scan3A_277 = %scan3A to %scan3A_129 step %scan3A_130  : i32 {
      %mul3A_278 = arith.constant 2 : i32
      %mul3A_279 = arith.muli %scan3A_277, %mul3A_278 : i32
      %add3A_280 = arith.constant 0 : i32
      %add3A_281 = arith.addi %add3A_280, %mul3A_279 : i32
      %add3A_282 = arith.constant 0 : i32
      %add3A_283 = arith.addi %add3A_281, %add3A_282 : i32
      %mul3A_284 = arith.constant 128 : i32
      %mul3A_285 = arith.muli %add3A_283, %mul3A_284 : i32
      %add3A_286 = arith.addi %mul3A_0, %mul3A_285 : i32
      %dma_wait3A_287 = arith.constant 0 : i32
      %dma_wait3A_288 = arith.constant 0 : i32
      %dma_wait3A_289 = tpu.memref_slice %arg9[%dma_wait3A_287, %dma_wait3A_288] : memref<2x128xi32, #tpu.memory_space<vmem>> -> memref<1x128xi32, #tpu.memory_space<vmem>>
      %dma_wait3A_290 = tpu.memref_squeeze %dma_wait3A_289 : memref<1x128xi32, #tpu.memory_space<vmem>> -> memref<128xi32, #tpu.memory_space<vmem>>
      %dma_wait3A_291 = tpu.memref_slice %arg3[%add3A_286] : memref<675840xi32, #tpu.memory_space<hbm>> -> memref<128xi32, #tpu.memory_space<hbm>>
      %dma_wait3A_292 = arith.constant 0 : i32
      %dma_wait3A_293 = tpu.memref_slice %arg9[%dma_wait3A_287, %dma_wait3A_292] : memref<2x128xi32, #tpu.memory_space<vmem>> -> memref<1x128xi32, #tpu.memory_space<vmem>>
      %dma_wait3A_294 = tpu.memref_squeeze %dma_wait3A_293 : memref<1x128xi32, #tpu.memory_space<vmem>> -> memref<128xi32, #tpu.memory_space<vmem>>
      %dma_wait3A_295 = tpu.memref_slice %arg3[%add3A_286] : memref<675840xi32, #tpu.memory_space<hbm>> -> memref<128xi32, #tpu.memory_space<hbm>>
      tpu.wait_dma2 semaphore(%arg14 : memref<!tpu.dma_semaphore, #tpu.memory_space<semaphore_mem>>) src(%dma_wait3A_295 : memref<128xi32, #tpu.memory_space<hbm>>) dst(%dma_wait3A_294 : memref<128xi32, #tpu.memory_space<vmem>>)
      %dma_wait3A_296 = arith.constant 0 : i32
      %dma_wait3A_297 = arith.constant 0 : i32
      %dma_wait3A_298 = arith.constant 0 : i32
      %dma_wait3A_299 = tpu.memref_slice %arg10[%dma_wait3A_296, %dma_wait3A_297, %dma_wait3A_298] : memref<2x128x32xf32, #tpu.memory_space<vmem>> -> memref<1x128x32xf32, #tpu.memory_space<vmem>>
      %dma_wait3A_300 = tpu.memref_squeeze %dma_wait3A_299 : memref<1x128x32xf32, #tpu.memory_space<vmem>> -> memref<128x32xf32, #tpu.memory_space<vmem>>
      %dma_wait3A_301 = arith.constant 0 : i32
      %dma_wait3A_302 = tpu.memref_slice %arg2[%add3A_286, %arg0, %dma_wait3A_301] : memref<675840x2x32xf32, #tpu.memory_space<hbm>> -> memref<128x1x32xf32, #tpu.memory_space<hbm>>
      %dma_wait3A_303 = tpu.memref_squeeze %dma_wait3A_302 : memref<128x1x32xf32, #tpu.memory_space<hbm>> -> memref<128x32xf32, #tpu.memory_space<hbm>>
      %dma_wait3A_304 = arith.constant 0 : i32
      %dma_wait3A_305 = arith.constant 0 : i32
      %dma_wait3A_306 = tpu.memref_slice %arg10[%dma_wait3A_296, %dma_wait3A_304, %dma_wait3A_305] : memref<2x128x32xf32, #tpu.memory_space<vmem>> -> memref<1x128x32xf32, #tpu.memory_space<vmem>>
      %dma_wait3A_307 = tpu.memref_squeeze %dma_wait3A_306 : memref<1x128x32xf32, #tpu.memory_space<vmem>> -> memref<128x32xf32, #tpu.memory_space<vmem>>
      %dma_wait3A_308 = arith.constant 0 : i32
      %dma_wait3A_309 = tpu.memref_slice %arg2[%add3A_286, %arg0, %dma_wait3A_308] : memref<675840x2x32xf32, #tpu.memory_space<hbm>> -> memref<128x1x32xf32, #tpu.memory_space<hbm>>
      %dma_wait3A_310 = tpu.memref_squeeze %dma_wait3A_309 : memref<128x1x32xf32, #tpu.memory_space<hbm>> -> memref<128x32xf32, #tpu.memory_space<hbm>>
      tpu.wait_dma2 semaphore(%arg16 : memref<!tpu.dma_semaphore, #tpu.memory_space<semaphore_mem>>) src(%dma_wait3A_310 : memref<128x32xf32, #tpu.memory_space<hbm>>) dst(%dma_wait3A_307 : memref<128x32xf32, #tpu.memory_space<vmem>>)
      %run_scoped3A_311 = arith.constant 0 : i32
      %run_scoped3A_312 = arith.constant 0 : i32
      "tpu.region"() ({
        %run_scoped3A_412 = tpu.sem_alloc : memref<!tpu.dma_semaphore, #tpu.memory_space<semaphore_mem>>
        %dma_start3A_413 = arith.constant 0 : i32
        %dma_start3A_414 = arith.constant 0 : i32
        %dma_start3A_415 = tpu.memref_slice %arg10[%run_scoped3A_311, %dma_start3A_413, %dma_start3A_414] : memref<2x128x32xf32, #tpu.memory_space<vmem>> -> memref<1x128x32xf32, #tpu.memory_space<vmem>>
        %dma_start3A_416 = tpu.memref_squeeze %dma_start3A_415 : memref<1x128x32xf32, #tpu.memory_space<vmem>> -> memref<128x32xf32, #tpu.memory_space<vmem>>
        %dma_start3A_417 = arith.constant 0 : i32
        %dma_start3A_418 = tpu.memref_slice %arg9[%run_scoped3A_312, %dma_start3A_417] : memref<2x128xi32, #tpu.memory_space<vmem>> -> memref<1x128xi32, #tpu.memory_space<vmem>>
        %dma_start3A_419 = tpu.memref_squeeze %dma_start3A_418 : memref<1x128xi32, #tpu.memory_space<vmem>> -> memref<128xi32, #tpu.memory_space<vmem>>
        %dma_start3A_420 = arith.constant 0 : i32
        %dma_start3A_421 = arith.constant 0 : i32
        %dma_start3A_422 = tpu.memref_slice %arg18[%dma_start3A_420, %dma_start3A_421] : memref<16512x32xf32, #tpu.memory_space<vmem_shared>> -> memref<16512x32xf32, #tpu.memory_space<vmem_shared>>
        tpu.enqueue_indirect_dma source(%dma_start3A_416 : memref<128x32xf32, #tpu.memory_space<vmem>>) target(%dma_start3A_422 : memref<16512x32xf32, #tpu.memory_space<vmem_shared>>) offsets(%dma_start3A_419 : memref<128xi32, #tpu.memory_space<vmem>>) semaphore(%run_scoped3A_412 : memref<!tpu.dma_semaphore, #tpu.memory_space<semaphore_mem>>) {add = true}
        %dma_wait3A_423 = arith.constant 0 : i32
        %dma_wait3A_424 = arith.constant 0 : i32
        %dma_wait3A_425 = tpu.memref_slice %arg10[%run_scoped3A_311, %dma_wait3A_423, %dma_wait3A_424] : memref<2x128x32xf32, #tpu.memory_space<vmem>> -> memref<1x128x32xf32, #tpu.memory_space<vmem>>
        %dma_wait3A_426 = tpu.memref_squeeze %dma_wait3A_425 : memref<1x128x32xf32, #tpu.memory_space<vmem>> -> memref<128x32xf32, #tpu.memory_space<vmem>>
        %dma_wait3A_427 = arith.constant 0 : i32
        %dma_wait3A_428 = tpu.memref_slice %arg9[%run_scoped3A_312, %dma_wait3A_427] : memref<2x128xi32, #tpu.memory_space<vmem>> -> memref<1x128xi32, #tpu.memory_space<vmem>>
        %dma_wait3A_429 = tpu.memref_squeeze %dma_wait3A_428 : memref<1x128xi32, #tpu.memory_space<vmem>> -> memref<128xi32, #tpu.memory_space<vmem>>
        %dma_wait3A_430 = arith.constant 0 : i32
        %dma_wait3A_431 = arith.constant 0 : i32
        %dma_wait3A_432 = tpu.memref_slice %arg18[%dma_wait3A_430, %dma_wait3A_431] : memref<16512x32xf32, #tpu.memory_space<vmem_shared>> -> memref<16512x32xf32, #tpu.memory_space<vmem_shared>>
        tpu.wait_indirect_dma semaphore(%run_scoped3A_412 : memref<!tpu.dma_semaphore, #tpu.memory_space<semaphore_mem>>) src(%dma_wait3A_426 : memref<128x32xf32, #tpu.memory_space<vmem>>) dst(%dma_wait3A_432 : memref<16512x32xf32, #tpu.memory_space<vmem_shared>>)
        tpu.yield
      }) : () -> ()
      %eq3A_313 = arith.constant 0 : i32
      %eq3A_314 = arith.cmpi eq, %arg0, %eq3A_313 : i32
      %convert_element_type3A_315 = arith.extui %eq3A_314 : i1 to i32
      %cond3A_316 = arith.constant 0 : i32
      %cond3A_317 = arith.cmpi ne, %convert_element_type3A_315, %cond3A_316 : i32
      scf.if %cond3A_317 {
        %run_scoped3A_412 = arith.constant 0 : i32
        "tpu.region"() ({
          %run_scoped3A_413 = tpu.sem_alloc : memref<!tpu.dma_semaphore, #tpu.memory_space<semaphore_mem>>
          %dma_start3A_414 = arith.constant 0 : i32
          %dma_start3A_415 = tpu.memref_slice %arg9[%run_scoped3A_412, %dma_start3A_414] : memref<2x128xi32, #tpu.memory_space<vmem>> -> memref<1x128xi32, #tpu.memory_space<vmem>>
          %dma_start3A_416 = tpu.memref_squeeze %dma_start3A_415 : memref<1x128xi32, #tpu.memory_space<vmem>> -> memref<128xi32, #tpu.memory_space<vmem>>
          %dma_start3A_417 = arith.constant 0 : i32
          %dma_start3A_418 = arith.constant 0 : i32
          %dma_start3A_419 = tpu.memref_slice %arg19[%dma_start3A_417, %dma_start3A_418] : memref<16512x8xf32, #tpu.memory_space<vmem_shared>> -> memref<16512x8xf32, #tpu.memory_space<vmem_shared>>
          tpu.enqueue_indirect_dma source(%arg11 : memref<128x8xf32, #tpu.memory_space<vmem>>) target(%dma_start3A_419 : memref<16512x8xf32, #tpu.memory_space<vmem_shared>>) offsets(%dma_start3A_416 : memref<128xi32, #tpu.memory_space<vmem>>) semaphore(%run_scoped3A_413 : memref<!tpu.dma_semaphore, #tpu.memory_space<semaphore_mem>>) {add = true}
          %dma_wait3A_420 = arith.constant 0 : i32
          %dma_wait3A_421 = tpu.memref_slice %arg9[%run_scoped3A_412, %dma_wait3A_420] : memref<2x128xi32, #tpu.memory_space<vmem>> -> memref<1x128xi32, #tpu.memory_space<vmem>>
          %dma_wait3A_422 = tpu.memref_squeeze %dma_wait3A_421 : memref<1x128xi32, #tpu.memory_space<vmem>> -> memref<128xi32, #tpu.memory_space<vmem>>
          %dma_wait3A_423 = arith.constant 0 : i32
          %dma_wait3A_424 = arith.constant 0 : i32
          %dma_wait3A_425 = tpu.memref_slice %arg19[%dma_wait3A_423, %dma_wait3A_424] : memref<16512x8xf32, #tpu.memory_space<vmem_shared>> -> memref<16512x8xf32, #tpu.memory_space<vmem_shared>>
          tpu.wait_indirect_dma semaphore(%run_scoped3A_413 : memref<!tpu.dma_semaphore, #tpu.memory_space<semaphore_mem>>) src(%arg11 : memref<128x8xf32, #tpu.memory_space<vmem>>) dst(%dma_wait3A_425 : memref<16512x8xf32, #tpu.memory_space<vmem_shared>>)
          tpu.yield
        }) : () -> ()
      } else {
      }
      %add3A_318 = arith.constant 2 : i32
      %add3A_319 = arith.addi %add3A_283, %add3A_318 : i32
      %mul3A_320 = arith.constant 128 : i32
      %mul3A_321 = arith.muli %add3A_319, %mul3A_320 : i32
      %add3A_322 = arith.addi %mul3A_0, %mul3A_321 : i32
      %dma_start3A_323 = arith.constant 0 : i32
      %dma_start3A_324 = arith.constant 0 : i32
      %dma_start3A_325 = tpu.memref_slice %arg9[%dma_start3A_323, %dma_start3A_324] : memref<2x128xi32, #tpu.memory_space<vmem>> -> memref<1x128xi32, #tpu.memory_space<vmem>>
      %dma_start3A_326 = tpu.memref_squeeze %dma_start3A_325 : memref<1x128xi32, #tpu.memory_space<vmem>> -> memref<128xi32, #tpu.memory_space<vmem>>
      %dma_start3A_327 = tpu.memref_slice %arg3[%add3A_322] : memref<675840xi32, #tpu.memory_space<hbm>> -> memref<128xi32, #tpu.memory_space<hbm>>
      %dma_start3A_328 = arith.constant 0 : i32
      %dma_start3A_329 = tpu.memref_slice %arg9[%dma_start3A_323, %dma_start3A_328] : memref<2x128xi32, #tpu.memory_space<vmem>> -> memref<1x128xi32, #tpu.memory_space<vmem>>
      %dma_start3A_330 = tpu.memref_squeeze %dma_start3A_329 : memref<1x128xi32, #tpu.memory_space<vmem>> -> memref<128xi32, #tpu.memory_space<vmem>>
      %dma_start3A_331 = tpu.memref_slice %arg3[%add3A_322] : memref<675840xi32, #tpu.memory_space<hbm>> -> memref<128xi32, #tpu.memory_space<hbm>>
      tpu.enqueue_dma source(%dma_start3A_331 : memref<128xi32, #tpu.memory_space<hbm>>) target(%dma_start3A_330 : memref<128xi32, #tpu.memory_space<vmem>>) target_semaphore(%arg14 : memref<!tpu.dma_semaphore, #tpu.memory_space<semaphore_mem>>)
      %dma_start3A_332 = arith.constant 0 : i32
      %dma_start3A_333 = arith.constant 0 : i32
      %dma_start3A_334 = arith.constant 0 : i32
      %dma_start3A_335 = tpu.memref_slice %arg10[%dma_start3A_332, %dma_start3A_333, %dma_start3A_334] : memref<2x128x32xf32, #tpu.memory_space<vmem>> -> memref<1x128x32xf32, #tpu.memory_space<vmem>>
      %dma_start3A_336 = tpu.memref_squeeze %dma_start3A_335 : memref<1x128x32xf32, #tpu.memory_space<vmem>> -> memref<128x32xf32, #tpu.memory_space<vmem>>
      %dma_start3A_337 = arith.constant 0 : i32
      %dma_start3A_338 = tpu.memref_slice %arg2[%add3A_322, %arg0, %dma_start3A_337] : memref<675840x2x32xf32, #tpu.memory_space<hbm>> -> memref<128x1x32xf32, #tpu.memory_space<hbm>>
      %dma_start3A_339 = tpu.memref_squeeze %dma_start3A_338 : memref<128x1x32xf32, #tpu.memory_space<hbm>> -> memref<128x32xf32, #tpu.memory_space<hbm>>
      %dma_start3A_340 = arith.constant 0 : i32
      %dma_start3A_341 = arith.constant 0 : i32
      %dma_start3A_342 = tpu.memref_slice %arg10[%dma_start3A_332, %dma_start3A_340, %dma_start3A_341] : memref<2x128x32xf32, #tpu.memory_space<vmem>> -> memref<1x128x32xf32, #tpu.memory_space<vmem>>
      %dma_start3A_343 = tpu.memref_squeeze %dma_start3A_342 : memref<1x128x32xf32, #tpu.memory_space<vmem>> -> memref<128x32xf32, #tpu.memory_space<vmem>>
      %dma_start3A_344 = arith.constant 0 : i32
      %dma_start3A_345 = tpu.memref_slice %arg2[%add3A_322, %arg0, %dma_start3A_344] : memref<675840x2x32xf32, #tpu.memory_space<hbm>> -> memref<128x1x32xf32, #tpu.memory_space<hbm>>
      %dma_start3A_346 = tpu.memref_squeeze %dma_start3A_345 : memref<128x1x32xf32, #tpu.memory_space<hbm>> -> memref<128x32xf32, #tpu.memory_space<hbm>>
      tpu.enqueue_dma source(%dma_start3A_346 : memref<128x32xf32, #tpu.memory_space<hbm>>) target(%dma_start3A_343 : memref<128x32xf32, #tpu.memory_space<vmem>>) target_semaphore(%arg16 : memref<!tpu.dma_semaphore, #tpu.memory_space<semaphore_mem>>)
      %add3A_347 = arith.constant 1 : i32
      %add3A_348 = arith.addi %add3A_281, %add3A_347 : i32
      %mul3A_349 = arith.constant 128 : i32
      %mul3A_350 = arith.muli %add3A_348, %mul3A_349 : i32
      %add3A_351 = arith.addi %mul3A_0, %mul3A_350 : i32
      %dma_wait3A_352 = arith.constant 1 : i32
      %dma_wait3A_353 = arith.constant 0 : i32
      %dma_wait3A_354 = tpu.memref_slice %arg9[%dma_wait3A_352, %dma_wait3A_353] : memref<2x128xi32, #tpu.memory_space<vmem>> -> memref<1x128xi32, #tpu.memory_space<vmem>>
      %dma_wait3A_355 = tpu.memref_squeeze %dma_wait3A_354 : memref<1x128xi32, #tpu.memory_space<vmem>> -> memref<128xi32, #tpu.memory_space<vmem>>
      %dma_wait3A_356 = tpu.memref_slice %arg3[%add3A_351] : memref<675840xi32, #tpu.memory_space<hbm>> -> memref<128xi32, #tpu.memory_space<hbm>>
      %dma_wait3A_357 = arith.constant 0 : i32
      %dma_wait3A_358 = tpu.memref_slice %arg9[%dma_wait3A_352, %dma_wait3A_357] : memref<2x128xi32, #tpu.memory_space<vmem>> -> memref<1x128xi32, #tpu.memory_space<vmem>>
      %dma_wait3A_359 = tpu.memref_squeeze %dma_wait3A_358 : memref<1x128xi32, #tpu.memory_space<vmem>> -> memref<128xi32, #tpu.memory_space<vmem>>
      %dma_wait3A_360 = tpu.memref_slice %arg3[%add3A_351] : memref<675840xi32, #tpu.memory_space<hbm>> -> memref<128xi32, #tpu.memory_space<hbm>>
      tpu.wait_dma2 semaphore(%arg15 : memref<!tpu.dma_semaphore, #tpu.memory_space<semaphore_mem>>) src(%dma_wait3A_360 : memref<128xi32, #tpu.memory_space<hbm>>) dst(%dma_wait3A_359 : memref<128xi32, #tpu.memory_space<vmem>>)
      %dma_wait3A_361 = arith.constant 1 : i32
      %dma_wait3A_362 = arith.constant 0 : i32
      %dma_wait3A_363 = arith.constant 0 : i32
      %dma_wait3A_364 = tpu.memref_slice %arg10[%dma_wait3A_361, %dma_wait3A_362, %dma_wait3A_363] : memref<2x128x32xf32, #tpu.memory_space<vmem>> -> memref<1x128x32xf32, #tpu.memory_space<vmem>>
      %dma_wait3A_365 = tpu.memref_squeeze %dma_wait3A_364 : memref<1x128x32xf32, #tpu.memory_space<vmem>> -> memref<128x32xf32, #tpu.memory_space<vmem>>
      %dma_wait3A_366 = arith.constant 0 : i32
      %dma_wait3A_367 = tpu.memref_slice %arg2[%add3A_351, %arg0, %dma_wait3A_366] : memref<675840x2x32xf32, #tpu.memory_space<hbm>> -> memref<128x1x32xf32, #tpu.memory_space<hbm>>
      %dma_wait3A_368 = tpu.memref_squeeze %dma_wait3A_367 : memref<128x1x32xf32, #tpu.memory_space<hbm>> -> memref<128x32xf32, #tpu.memory_space<hbm>>
      %dma_wait3A_369 = arith.constant 0 : i32
      %dma_wait3A_370 = arith.constant 0 : i32
      %dma_wait3A_371 = tpu.memref_slice %arg10[%dma_wait3A_361, %dma_wait3A_369, %dma_wait3A_370] : memref<2x128x32xf32, #tpu.memory_space<vmem>> -> memref<1x128x32xf32, #tpu.memory_space<vmem>>
      %dma_wait3A_372 = tpu.memref_squeeze %dma_wait3A_371 : memref<1x128x32xf32, #tpu.memory_space<vmem>> -> memref<128x32xf32, #tpu.memory_space<vmem>>
      %dma_wait3A_373 = arith.constant 0 : i32
      %dma_wait3A_374 = tpu.memref_slice %arg2[%add3A_351, %arg0, %dma_wait3A_373] : memref<675840x2x32xf32, #tpu.memory_space<hbm>> -> memref<128x1x32xf32, #tpu.memory_space<hbm>>
      %dma_wait3A_375 = tpu.memref_squeeze %dma_wait3A_374 : memref<128x1x32xf32, #tpu.memory_space<hbm>> -> memref<128x32xf32, #tpu.memory_space<hbm>>
      tpu.wait_dma2 semaphore(%arg17 : memref<!tpu.dma_semaphore, #tpu.memory_space<semaphore_mem>>) src(%dma_wait3A_375 : memref<128x32xf32, #tpu.memory_space<hbm>>) dst(%dma_wait3A_372 : memref<128x32xf32, #tpu.memory_space<vmem>>)
      %run_scoped3A_376 = arith.constant 1 : i32
      %run_scoped3A_377 = arith.constant 1 : i32
      "tpu.region"() ({
        %run_scoped3A_412 = tpu.sem_alloc : memref<!tpu.dma_semaphore, #tpu.memory_space<semaphore_mem>>
        %dma_start3A_413 = arith.constant 0 : i32
        %dma_start3A_414 = arith.constant 0 : i32
        %dma_start3A_415 = tpu.memref_slice %arg10[%run_scoped3A_376, %dma_start3A_413, %dma_start3A_414] : memref<2x128x32xf32, #tpu.memory_space<vmem>> -> memref<1x128x32xf32, #tpu.memory_space<vmem>>
        %dma_start3A_416 = tpu.memref_squeeze %dma_start3A_415 : memref<1x128x32xf32, #tpu.memory_space<vmem>> -> memref<128x32xf32, #tpu.memory_space<vmem>>
        %dma_start3A_417 = arith.constant 0 : i32
        %dma_start3A_418 = tpu.memref_slice %arg9[%run_scoped3A_377, %dma_start3A_417] : memref<2x128xi32, #tpu.memory_space<vmem>> -> memref<1x128xi32, #tpu.memory_space<vmem>>
        %dma_start3A_419 = tpu.memref_squeeze %dma_start3A_418 : memref<1x128xi32, #tpu.memory_space<vmem>> -> memref<128xi32, #tpu.memory_space<vmem>>
        %dma_start3A_420 = arith.constant 0 : i32
        %dma_start3A_421 = arith.constant 0 : i32
        %dma_start3A_422 = tpu.memref_slice %arg18[%dma_start3A_420, %dma_start3A_421] : memref<16512x32xf32, #tpu.memory_space<vmem_shared>> -> memref<16512x32xf32, #tpu.memory_space<vmem_shared>>
        tpu.enqueue_indirect_dma source(%dma_start3A_416 : memref<128x32xf32, #tpu.memory_space<vmem>>) target(%dma_start3A_422 : memref<16512x32xf32, #tpu.memory_space<vmem_shared>>) offsets(%dma_start3A_419 : memref<128xi32, #tpu.memory_space<vmem>>) semaphore(%run_scoped3A_412 : memref<!tpu.dma_semaphore, #tpu.memory_space<semaphore_mem>>) {add = true}
        %dma_wait3A_423 = arith.constant 0 : i32
        %dma_wait3A_424 = arith.constant 0 : i32
        %dma_wait3A_425 = tpu.memref_slice %arg10[%run_scoped3A_376, %dma_wait3A_423, %dma_wait3A_424] : memref<2x128x32xf32, #tpu.memory_space<vmem>> -> memref<1x128x32xf32, #tpu.memory_space<vmem>>
        %dma_wait3A_426 = tpu.memref_squeeze %dma_wait3A_425 : memref<1x128x32xf32, #tpu.memory_space<vmem>> -> memref<128x32xf32, #tpu.memory_space<vmem>>
        %dma_wait3A_427 = arith.constant 0 : i32
        %dma_wait3A_428 = tpu.memref_slice %arg9[%run_scoped3A_377, %dma_wait3A_427] : memref<2x128xi32, #tpu.memory_space<vmem>> -> memref<1x128xi32, #tpu.memory_space<vmem>>
        %dma_wait3A_429 = tpu.memref_squeeze %dma_wait3A_428 : memref<1x128xi32, #tpu.memory_space<vmem>> -> memref<128xi32, #tpu.memory_space<vmem>>
        %dma_wait3A_430 = arith.constant 0 : i32
        %dma_wait3A_431 = arith.constant 0 : i32
        %dma_wait3A_432 = tpu.memref_slice %arg18[%dma_wait3A_430, %dma_wait3A_431] : memref<16512x32xf32, #tpu.memory_space<vmem_shared>> -> memref<16512x32xf32, #tpu.memory_space<vmem_shared>>
        tpu.wait_indirect_dma semaphore(%run_scoped3A_412 : memref<!tpu.dma_semaphore, #tpu.memory_space<semaphore_mem>>) src(%dma_wait3A_426 : memref<128x32xf32, #tpu.memory_space<vmem>>) dst(%dma_wait3A_432 : memref<16512x32xf32, #tpu.memory_space<vmem_shared>>)
        tpu.yield
      }) : () -> ()
      %eq3A_378 = arith.constant 1 : i32
      %eq3A_379 = arith.cmpi eq, %arg0, %eq3A_378 : i32
      %convert_element_type3A_380 = arith.extui %eq3A_379 : i1 to i32
      %cond3A_381 = arith.constant 0 : i32
      %cond3A_382 = arith.cmpi ne, %convert_element_type3A_380, %cond3A_381 : i32
      scf.if %cond3A_382 {
        %run_scoped3A_412 = arith.constant 1 : i32
        "tpu.region"() ({
          %run_scoped3A_413 = tpu.sem_alloc : memref<!tpu.dma_semaphore, #tpu.memory_space<semaphore_mem>>
          %dma_start3A_414 = arith.constant 0 : i32
          %dma_start3A_415 = tpu.memref_slice %arg9[%run_scoped3A_412, %dma_start3A_414] : memref<2x128xi32, #tpu.memory_space<vmem>> -> memref<1x128xi32, #tpu.memory_space<vmem>>
          %dma_start3A_416 = tpu.memref_squeeze %dma_start3A_415 : memref<1x128xi32, #tpu.memory_space<vmem>> -> memref<128xi32, #tpu.memory_space<vmem>>
          %dma_start3A_417 = arith.constant 0 : i32
          %dma_start3A_418 = arith.constant 0 : i32
          %dma_start3A_419 = tpu.memref_slice %arg19[%dma_start3A_417, %dma_start3A_418] : memref<16512x8xf32, #tpu.memory_space<vmem_shared>> -> memref<16512x8xf32, #tpu.memory_space<vmem_shared>>
          tpu.enqueue_indirect_dma source(%arg11 : memref<128x8xf32, #tpu.memory_space<vmem>>) target(%dma_start3A_419 : memref<16512x8xf32, #tpu.memory_space<vmem_shared>>) offsets(%dma_start3A_416 : memref<128xi32, #tpu.memory_space<vmem>>) semaphore(%run_scoped3A_413 : memref<!tpu.dma_semaphore, #tpu.memory_space<semaphore_mem>>) {add = true}
          %dma_wait3A_420 = arith.constant 0 : i32
          %dma_wait3A_421 = tpu.memref_slice %arg9[%run_scoped3A_412, %dma_wait3A_420] : memref<2x128xi32, #tpu.memory_space<vmem>> -> memref<1x128xi32, #tpu.memory_space<vmem>>
          %dma_wait3A_422 = tpu.memref_squeeze %dma_wait3A_421 : memref<1x128xi32, #tpu.memory_space<vmem>> -> memref<128xi32, #tpu.memory_space<vmem>>
          %dma_wait3A_423 = arith.constant 0 : i32
          %dma_wait3A_424 = arith.constant 0 : i32
          %dma_wait3A_425 = tpu.memref_slice %arg19[%dma_wait3A_423, %dma_wait3A_424] : memref<16512x8xf32, #tpu.memory_space<vmem_shared>> -> memref<16512x8xf32, #tpu.memory_space<vmem_shared>>
          tpu.wait_indirect_dma semaphore(%run_scoped3A_413 : memref<!tpu.dma_semaphore, #tpu.memory_space<semaphore_mem>>) src(%arg11 : memref<128x8xf32, #tpu.memory_space<vmem>>) dst(%dma_wait3A_425 : memref<16512x8xf32, #tpu.memory_space<vmem_shared>>)
          tpu.yield
        }) : () -> ()
      } else {
      }
      %add3A_383 = arith.constant 2 : i32
      %add3A_384 = arith.addi %add3A_348, %add3A_383 : i32
      %mul3A_385 = arith.constant 128 : i32
      %mul3A_386 = arith.muli %add3A_384, %mul3A_385 : i32
      %add3A_387 = arith.addi %mul3A_0, %mul3A_386 : i32
      %dma_start3A_388 = arith.constant 1 : i32
      %dma_start3A_389 = arith.constant 0 : i32
      %dma_start3A_390 = tpu.memref_slice %arg9[%dma_start3A_388, %dma_start3A_389] : memref<2x128xi32, #tpu.memory_space<vmem>> -> memref<1x128xi32, #tpu.memory_space<vmem>>
      %dma_start3A_391 = tpu.memref_squeeze %dma_start3A_390 : memref<1x128xi32, #tpu.memory_space<vmem>> -> memref<128xi32, #tpu.memory_space<vmem>>
      %dma_start3A_392 = tpu.memref_slice %arg3[%add3A_387] : memref<675840xi32, #tpu.memory_space<hbm>> -> memref<128xi32, #tpu.memory_space<hbm>>
      %dma_start3A_393 = arith.constant 0 : i32
      %dma_start3A_394 = tpu.memref_slice %arg9[%dma_start3A_388, %dma_start3A_393] : memref<2x128xi32, #tpu.memory_space<vmem>> -> memref<1x128xi32, #tpu.memory_space<vmem>>
      %dma_start3A_395 = tpu.memref_squeeze %dma_start3A_394 : memref<1x128xi32, #tpu.memory_space<vmem>> -> memref<128xi32, #tpu.memory_space<vmem>>
      %dma_start3A_396 = tpu.memref_slice %arg3[%add3A_387] : memref<675840xi32, #tpu.memory_space<hbm>> -> memref<128xi32, #tpu.memory_space<hbm>>
      tpu.enqueue_dma source(%dma_start3A_396 : memref<128xi32, #tpu.memory_space<hbm>>) target(%dma_start3A_395 : memref<128xi32, #tpu.memory_space<vmem>>) target_semaphore(%arg15 : memref<!tpu.dma_semaphore, #tpu.memory_space<semaphore_mem>>)
      %dma_start3A_397 = arith.constant 1 : i32
      %dma_start3A_398 = arith.constant 0 : i32
      %dma_start3A_399 = arith.constant 0 : i32
      %dma_start3A_400 = tpu.memref_slice %arg10[%dma_start3A_397, %dma_start3A_398, %dma_start3A_399] : memref<2x128x32xf32, #tpu.memory_space<vmem>> -> memref<1x128x32xf32, #tpu.memory_space<vmem>>
      %dma_start3A_401 = tpu.memref_squeeze %dma_start3A_400 : memref<1x128x32xf32, #tpu.memory_space<vmem>> -> memref<128x32xf32, #tpu.memory_space<vmem>>
      %dma_start3A_402 = arith.constant 0 : i32
      %dma_start3A_403 = tpu.memref_slice %arg2[%add3A_387, %arg0, %dma_start3A_402] : memref<675840x2x32xf32, #tpu.memory_space<hbm>> -> memref<128x1x32xf32, #tpu.memory_space<hbm>>
      %dma_start3A_404 = tpu.memref_squeeze %dma_start3A_403 : memref<128x1x32xf32, #tpu.memory_space<hbm>> -> memref<128x32xf32, #tpu.memory_space<hbm>>
      %dma_start3A_405 = arith.constant 0 : i32
      %dma_start3A_406 = arith.constant 0 : i32
      %dma_start3A_407 = tpu.memref_slice %arg10[%dma_start3A_397, %dma_start3A_405, %dma_start3A_406] : memref<2x128x32xf32, #tpu.memory_space<vmem>> -> memref<1x128x32xf32, #tpu.memory_space<vmem>>
      %dma_start3A_408 = tpu.memref_squeeze %dma_start3A_407 : memref<1x128x32xf32, #tpu.memory_space<vmem>> -> memref<128x32xf32, #tpu.memory_space<vmem>>
      %dma_start3A_409 = arith.constant 0 : i32
      %dma_start3A_410 = tpu.memref_slice %arg2[%add3A_387, %arg0, %dma_start3A_409] : memref<675840x2x32xf32, #tpu.memory_space<hbm>> -> memref<128x1x32xf32, #tpu.memory_space<hbm>>
      %dma_start3A_411 = tpu.memref_squeeze %dma_start3A_410 : memref<128x1x32xf32, #tpu.memory_space<hbm>> -> memref<128x32xf32, #tpu.memory_space<hbm>>
      tpu.enqueue_dma source(%dma_start3A_411 : memref<128x32xf32, #tpu.memory_space<hbm>>) target(%dma_start3A_408 : memref<128x32xf32, #tpu.memory_space<vmem>>) target_semaphore(%arg17 : memref<!tpu.dma_semaphore, #tpu.memory_space<semaphore_mem>>)
    }
    %scan3A_131 = arith.constant 164 : i32
    %add3A_132 = arith.constant 41984 : i32
    %add3A_133 = arith.addi %mul3A_0, %add3A_132 : i32
    %dma_wait3A = arith.constant 0 : i32
    %dma_wait3A_134 = arith.constant 0 : i32
    %dma_wait3A_135 = tpu.memref_slice %arg9[%dma_wait3A, %dma_wait3A_134] : memref<2x128xi32, #tpu.memory_space<vmem>> -> memref<1x128xi32, #tpu.memory_space<vmem>>
    %dma_wait3A_136 = tpu.memref_squeeze %dma_wait3A_135 : memref<1x128xi32, #tpu.memory_space<vmem>> -> memref<128xi32, #tpu.memory_space<vmem>>
    %dma_wait3A_137 = tpu.memref_slice %arg3[%add3A_133] : memref<675840xi32, #tpu.memory_space<hbm>> -> memref<128xi32, #tpu.memory_space<hbm>>
    %dma_wait3A_138 = arith.constant 0 : i32
    %dma_wait3A_139 = tpu.memref_slice %arg9[%dma_wait3A, %dma_wait3A_138] : memref<2x128xi32, #tpu.memory_space<vmem>> -> memref<1x128xi32, #tpu.memory_space<vmem>>
    %dma_wait3A_140 = tpu.memref_squeeze %dma_wait3A_139 : memref<1x128xi32, #tpu.memory_space<vmem>> -> memref<128xi32, #tpu.memory_space<vmem>>
    %dma_wait3A_141 = tpu.memref_slice %arg3[%add3A_133] : memref<675840xi32, #tpu.memory_space<hbm>> -> memref<128xi32, #tpu.memory_space<hbm>>
    tpu.wait_dma2 semaphore(%arg14 : memref<!tpu.dma_semaphore, #tpu.memory_space<semaphore_mem>>) src(%dma_wait3A_141 : memref<128xi32, #tpu.memory_space<hbm>>) dst(%dma_wait3A_140 : memref<128xi32, #tpu.memory_space<vmem>>)
    %dma_wait3A_142 = arith.constant 0 : i32
    %dma_wait3A_143 = arith.constant 0 : i32
    %dma_wait3A_144 = arith.constant 0 : i32
    %dma_wait3A_145 = tpu.memref_slice %arg10[%dma_wait3A_142, %dma_wait3A_143, %dma_wait3A_144] : memref<2x128x32xf32, #tpu.memory_space<vmem>> -> memref<1x128x32xf32, #tpu.memory_space<vmem>>
    %dma_wait3A_146 = tpu.memref_squeeze %dma_wait3A_145 : memref<1x128x32xf32, #tpu.memory_space<vmem>> -> memref<128x32xf32, #tpu.memory_space<vmem>>
    %dma_wait3A_147 = arith.constant 0 : i32
    %dma_wait3A_148 = tpu.memref_slice %arg2[%add3A_133, %arg0, %dma_wait3A_147] : memref<675840x2x32xf32, #tpu.memory_space<hbm>> -> memref<128x1x32xf32, #tpu.memory_space<hbm>>
    %dma_wait3A_149 = tpu.memref_squeeze %dma_wait3A_148 : memref<128x1x32xf32, #tpu.memory_space<hbm>> -> memref<128x32xf32, #tpu.memory_space<hbm>>
    %dma_wait3A_150 = arith.constant 0 : i32
    %dma_wait3A_151 = arith.constant 0 : i32
    %dma_wait3A_152 = tpu.memref_slice %arg10[%dma_wait3A_142, %dma_wait3A_150, %dma_wait3A_151] : memref<2x128x32xf32, #tpu.memory_space<vmem>> -> memref<1x128x32xf32, #tpu.memory_space<vmem>>
    %dma_wait3A_153 = tpu.memref_squeeze %dma_wait3A_152 : memref<1x128x32xf32, #tpu.memory_space<vmem>> -> memref<128x32xf32, #tpu.memory_space<vmem>>
    %dma_wait3A_154 = arith.constant 0 : i32
    %dma_wait3A_155 = tpu.memref_slice %arg2[%add3A_133, %arg0, %dma_wait3A_154] : memref<675840x2x32xf32, #tpu.memory_space<hbm>> -> memref<128x1x32xf32, #tpu.memory_space<hbm>>
    %dma_wait3A_156 = tpu.memref_squeeze %dma_wait3A_155 : memref<128x1x32xf32, #tpu.memory_space<hbm>> -> memref<128x32xf32, #tpu.memory_space<hbm>>
    tpu.wait_dma2 semaphore(%arg16 : memref<!tpu.dma_semaphore, #tpu.memory_space<semaphore_mem>>) src(%dma_wait3A_156 : memref<128x32xf32, #tpu.memory_space<hbm>>) dst(%dma_wait3A_153 : memref<128x32xf32, #tpu.memory_space<vmem>>)
    %run_scoped3A = arith.constant 0 : i32
    %run_scoped3A_157 = arith.constant 0 : i32
    "tpu.region"() ({
      %run_scoped3A_277 = tpu.sem_alloc : memref<!tpu.dma_semaphore, #tpu.memory_space<semaphore_mem>>
      %dma_start3A_278 = arith.constant 0 : i32
      %dma_start3A_279 = arith.constant 0 : i32
      %dma_start3A_280 = tpu.memref_slice %arg10[%run_scoped3A, %dma_start3A_278, %dma_start3A_279] : memref<2x128x32xf32, #tpu.memory_space<vmem>> -> memref<1x128x32xf32, #tpu.memory_space<vmem>>
      %dma_start3A_281 = tpu.memref_squeeze %dma_start3A_280 : memref<1x128x32xf32, #tpu.memory_space<vmem>> -> memref<128x32xf32, #tpu.memory_space<vmem>>
      %dma_start3A_282 = arith.constant 0 : i32
      %dma_start3A_283 = tpu.memref_slice %arg9[%run_scoped3A_157, %dma_start3A_282] : memref<2x128xi32, #tpu.memory_space<vmem>> -> memref<1x128xi32, #tpu.memory_space<vmem>>
      %dma_start3A_284 = tpu.memref_squeeze %dma_start3A_283 : memref<1x128xi32, #tpu.memory_space<vmem>> -> memref<128xi32, #tpu.memory_space<vmem>>
      %dma_start3A_285 = arith.constant 0 : i32
      %dma_start3A_286 = arith.constant 0 : i32
      %dma_start3A_287 = tpu.memref_slice %arg18[%dma_start3A_285, %dma_start3A_286] : memref<16512x32xf32, #tpu.memory_space<vmem_shared>> -> memref<16512x32xf32, #tpu.memory_space<vmem_shared>>
      tpu.enqueue_indirect_dma source(%dma_start3A_281 : memref<128x32xf32, #tpu.memory_space<vmem>>) target(%dma_start3A_287 : memref<16512x32xf32, #tpu.memory_space<vmem_shared>>) offsets(%dma_start3A_284 : memref<128xi32, #tpu.memory_space<vmem>>) semaphore(%run_scoped3A_277 : memref<!tpu.dma_semaphore, #tpu.memory_space<semaphore_mem>>) {add = true}
      %dma_wait3A_288 = arith.constant 0 : i32
      %dma_wait3A_289 = arith.constant 0 : i32
      %dma_wait3A_290 = tpu.memref_slice %arg10[%run_scoped3A, %dma_wait3A_288, %dma_wait3A_289] : memref<2x128x32xf32, #tpu.memory_space<vmem>> -> memref<1x128x32xf32, #tpu.memory_space<vmem>>
      %dma_wait3A_291 = tpu.memref_squeeze %dma_wait3A_290 : memref<1x128x32xf32, #tpu.memory_space<vmem>> -> memref<128x32xf32, #tpu.memory_space<vmem>>
      %dma_wait3A_292 = arith.constant 0 : i32
      %dma_wait3A_293 = tpu.memref_slice %arg9[%run_scoped3A_157, %dma_wait3A_292] : memref<2x128xi32, #tpu.memory_space<vmem>> -> memref<1x128xi32, #tpu.memory_space<vmem>>
      %dma_wait3A_294 = tpu.memref_squeeze %dma_wait3A_293 : memref<1x128xi32, #tpu.memory_space<vmem>> -> memref<128xi32, #tpu.memory_space<vmem>>
      %dma_wait3A_295 = arith.constant 0 : i32
      %dma_wait3A_296 = arith.constant 0 : i32
      %dma_wait3A_297 = tpu.memref_slice %arg18[%dma_wait3A_295, %dma_wait3A_296] : memref<16512x32xf32, #tpu.memory_space<vmem_shared>> -> memref<16512x32xf32, #tpu.memory_space<vmem_shared>>
      tpu.wait_indirect_dma semaphore(%run_scoped3A_277 : memref<!tpu.dma_semaphore, #tpu.memory_space<semaphore_mem>>) src(%dma_wait3A_291 : memref<128x32xf32, #tpu.memory_space<vmem>>) dst(%dma_wait3A_297 : memref<16512x32xf32, #tpu.memory_space<vmem_shared>>)
      tpu.yield
    }) : () -> ()
    %eq3A_158 = arith.constant 0 : i32
    %eq3A_159 = arith.cmpi eq, %arg0, %eq3A_158 : i32
    %convert_element_type3A_160 = arith.extui %eq3A_159 : i1 to i32
    %cond3A_161 = arith.constant 0 : i32
    %cond3A_162 = arith.cmpi ne, %convert_element_type3A_160, %cond3A_161 : i32
    scf.if %cond3A_162 {
      %run_scoped3A_277 = arith.constant 0 : i32
      "tpu.region"() ({
        %run_scoped3A_278 = tpu.sem_alloc : memref<!tpu.dma_semaphore, #tpu.memory_space<semaphore_mem>>
        %dma_start3A_279 = arith.constant 0 : i32
        %dma_start3A_280 = tpu.memref_slice %arg9[%run_scoped3A_277, %dma_start3A_279] : memref<2x128xi32, #tpu.memory_space<vmem>> -> memref<1x128xi32, #tpu.memory_space<vmem>>
        %dma_start3A_281 = tpu.memref_squeeze %dma_start3A_280 : memref<1x128xi32, #tpu.memory_space<vmem>> -> memref<128xi32, #tpu.memory_space<vmem>>
        %dma_start3A_282 = arith.constant 0 : i32
        %dma_start3A_283 = arith.constant 0 : i32
        %dma_start3A_284 = tpu.memref_slice %arg19[%dma_start3A_282, %dma_start3A_283] : memref<16512x8xf32, #tpu.memory_space<vmem_shared>> -> memref<16512x8xf32, #tpu.memory_space<vmem_shared>>
        tpu.enqueue_indirect_dma source(%arg11 : memref<128x8xf32, #tpu.memory_space<vmem>>) target(%dma_start3A_284 : memref<16512x8xf32, #tpu.memory_space<vmem_shared>>) offsets(%dma_start3A_281 : memref<128xi32, #tpu.memory_space<vmem>>) semaphore(%run_scoped3A_278 : memref<!tpu.dma_semaphore, #tpu.memory_space<semaphore_mem>>) {add = true}
        %dma_wait3A_285 = arith.constant 0 : i32
        %dma_wait3A_286 = tpu.memref_slice %arg9[%run_scoped3A_277, %dma_wait3A_285] : memref<2x128xi32, #tpu.memory_space<vmem>> -> memref<1x128xi32, #tpu.memory_space<vmem>>
        %dma_wait3A_287 = tpu.memref_squeeze %dma_wait3A_286 : memref<1x128xi32, #tpu.memory_space<vmem>> -> memref<128xi32, #tpu.memory_space<vmem>>
        %dma_wait3A_288 = arith.constant 0 : i32
        %dma_wait3A_289 = arith.constant 0 : i32
        %dma_wait3A_290 = tpu.memref_slice %arg19[%dma_wait3A_288, %dma_wait3A_289] : memref<16512x8xf32, #tpu.memory_space<vmem_shared>> -> memref<16512x8xf32, #tpu.memory_space<vmem_shared>>
        tpu.wait_indirect_dma semaphore(%run_scoped3A_278 : memref<!tpu.dma_semaphore, #tpu.memory_space<semaphore_mem>>) src(%arg11 : memref<128x8xf32, #tpu.memory_space<vmem>>) dst(%dma_wait3A_290 : memref<16512x8xf32, #tpu.memory_space<vmem_shared>>)
        tpu.yield
      }) : () -> ()
    } else {
    }
    %add3A_163 = arith.constant 42112 : i32
    %add3A_164 = arith.addi %mul3A_0, %add3A_163 : i32
    %dma_wait3A_165 = arith.constant 1 : i32
    %dma_wait3A_166 = arith.constant 0 : i32
    %dma_wait3A_167 = tpu.memref_slice %arg9[%dma_wait3A_165, %dma_wait3A_166] : memref<2x128xi32, #tpu.memory_space<vmem>> -> memref<1x128xi32, #tpu.memory_space<vmem>>
    %dma_wait3A_168 = tpu.memref_squeeze %dma_wait3A_167 : memref<1x128xi32, #tpu.memory_space<vmem>> -> memref<128xi32, #tpu.memory_space<vmem>>
    %dma_wait3A_169 = tpu.memref_slice %arg3[%add3A_164] : memref<675840xi32, #tpu.memory_space<hbm>> -> memref<128xi32, #tpu.memory_space<hbm>>
    %dma_wait3A_170 = arith.constant 0 : i32
    %dma_wait3A_171 = tpu.memref_slice %arg9[%dma_wait3A_165, %dma_wait3A_170] : memref<2x128xi32, #tpu.memory_space<vmem>> -> memref<1x128xi32, #tpu.memory_space<vmem>>
    %dma_wait3A_172 = tpu.memref_squeeze %dma_wait3A_171 : memref<1x128xi32, #tpu.memory_space<vmem>> -> memref<128xi32, #tpu.memory_space<vmem>>
    %dma_wait3A_173 = tpu.memref_slice %arg3[%add3A_164] : memref<675840xi32, #tpu.memory_space<hbm>> -> memref<128xi32, #tpu.memory_space<hbm>>
    tpu.wait_dma2 semaphore(%arg15 : memref<!tpu.dma_semaphore, #tpu.memory_space<semaphore_mem>>) src(%dma_wait3A_173 : memref<128xi32, #tpu.memory_space<hbm>>) dst(%dma_wait3A_172 : memref<128xi32, #tpu.memory_space<vmem>>)
    %dma_wait3A_174 = arith.constant 1 : i32
    %dma_wait3A_175 = arith.constant 0 : i32
    %dma_wait3A_176 = arith.constant 0 : i32
    %dma_wait3A_177 = tpu.memref_slice %arg10[%dma_wait3A_174, %dma_wait3A_175, %dma_wait3A_176] : memref<2x128x32xf32, #tpu.memory_space<vmem>> -> memref<1x128x32xf32, #tpu.memory_space<vmem>>
    %dma_wait3A_178 = tpu.memref_squeeze %dma_wait3A_177 : memref<1x128x32xf32, #tpu.memory_space<vmem>> -> memref<128x32xf32, #tpu.memory_space<vmem>>
    %dma_wait3A_179 = arith.constant 0 : i32
    %dma_wait3A_180 = tpu.memref_slice %arg2[%add3A_164, %arg0, %dma_wait3A_179] : memref<675840x2x32xf32, #tpu.memory_space<hbm>> -> memref<128x1x32xf32, #tpu.memory_space<hbm>>
    %dma_wait3A_181 = tpu.memref_squeeze %dma_wait3A_180 : memref<128x1x32xf32, #tpu.memory_space<hbm>> -> memref<128x32xf32, #tpu.memory_space<hbm>>
    %dma_wait3A_182 = arith.constant 0 : i32
    %dma_wait3A_183 = arith.constant 0 : i32
    %dma_wait3A_184 = tpu.memref_slice %arg10[%dma_wait3A_174, %dma_wait3A_182, %dma_wait3A_183] : memref<2x128x32xf32, #tpu.memory_space<vmem>> -> memref<1x128x32xf32, #tpu.memory_space<vmem>>
    %dma_wait3A_185 = tpu.memref_squeeze %dma_wait3A_184 : memref<1x128x32xf32, #tpu.memory_space<vmem>> -> memref<128x32xf32, #tpu.memory_space<vmem>>
    %dma_wait3A_186 = arith.constant 0 : i32
    %dma_wait3A_187 = tpu.memref_slice %arg2[%add3A_164, %arg0, %dma_wait3A_186] : memref<675840x2x32xf32, #tpu.memory_space<hbm>> -> memref<128x1x32xf32, #tpu.memory_space<hbm>>
    %dma_wait3A_188 = tpu.memref_squeeze %dma_wait3A_187 : memref<128x1x32xf32, #tpu.memory_space<hbm>> -> memref<128x32xf32, #tpu.memory_space<hbm>>
    tpu.wait_dma2 semaphore(%arg17 : memref<!tpu.dma_semaphore, #tpu.memory_space<semaphore_mem>>) src(%dma_wait3A_188 : memref<128x32xf32, #tpu.memory_space<hbm>>) dst(%dma_wait3A_185 : memref<128x32xf32, #tpu.memory_space<vmem>>)
    %run_scoped3A_189 = arith.constant 1 : i32
    %run_scoped3A_190 = arith.constant 1 : i32
    "tpu.region"() ({
      %run_scoped3A_277 = tpu.sem_alloc : memref<!tpu.dma_semaphore, #tpu.memory_space<semaphore_mem>>
      %dma_start3A_278 = arith.constant 0 : i32
      %dma_start3A_279 = arith.constant 0 : i32
      %dma_start3A_280 = tpu.memref_slice %arg10[%run_scoped3A_189, %dma_start3A_278, %dma_start3A_279] : memref<2x128x32xf32, #tpu.memory_space<vmem>> -> memref<1x128x32xf32, #tpu.memory_space<vmem>>
      %dma_start3A_281 = tpu.memref_squeeze %dma_start3A_280 : memref<1x128x32xf32, #tpu.memory_space<vmem>> -> memref<128x32xf32, #tpu.memory_space<vmem>>
      %dma_start3A_282 = arith.constant 0 : i32
      %dma_start3A_283 = tpu.memref_slice %arg9[%run_scoped3A_190, %dma_start3A_282] : memref<2x128xi32, #tpu.memory_space<vmem>> -> memref<1x128xi32, #tpu.memory_space<vmem>>
      %dma_start3A_284 = tpu.memref_squeeze %dma_start3A_283 : memref<1x128xi32, #tpu.memory_space<vmem>> -> memref<128xi32, #tpu.memory_space<vmem>>
      %dma_start3A_285 = arith.constant 0 : i32
      %dma_start3A_286 = arith.constant 0 : i32
      %dma_start3A_287 = tpu.memref_slice %arg18[%dma_start3A_285, %dma_start3A_286] : memref<16512x32xf32, #tpu.memory_space<vmem_shared>> -> memref<16512x32xf32, #tpu.memory_space<vmem_shared>>
      tpu.enqueue_indirect_dma source(%dma_start3A_281 : memref<128x32xf32, #tpu.memory_space<vmem>>) target(%dma_start3A_287 : memref<16512x32xf32, #tpu.memory_space<vmem_shared>>) offsets(%dma_start3A_284 : memref<128xi32, #tpu.memory_space<vmem>>) semaphore(%run_scoped3A_277 : memref<!tpu.dma_semaphore, #tpu.memory_space<semaphore_mem>>) {add = true}
      %dma_wait3A_288 = arith.constant 0 : i32
      %dma_wait3A_289 = arith.constant 0 : i32
      %dma_wait3A_290 = tpu.memref_slice %arg10[%run_scoped3A_189, %dma_wait3A_288, %dma_wait3A_289] : memref<2x128x32xf32, #tpu.memory_space<vmem>> -> memref<1x128x32xf32, #tpu.memory_space<vmem>>
      %dma_wait3A_291 = tpu.memref_squeeze %dma_wait3A_290 : memref<1x128x32xf32, #tpu.memory_space<vmem>> -> memref<128x32xf32, #tpu.memory_space<vmem>>
      %dma_wait3A_292 = arith.constant 0 : i32
      %dma_wait3A_293 = tpu.memref_slice %arg9[%run_scoped3A_190, %dma_wait3A_292] : memref<2x128xi32, #tpu.memory_space<vmem>> -> memref<1x128xi32, #tpu.memory_space<vmem>>
      %dma_wait3A_294 = tpu.memref_squeeze %dma_wait3A_293 : memref<1x128xi32, #tpu.memory_space<vmem>> -> memref<128xi32, #tpu.memory_space<vmem>>
      %dma_wait3A_295 = arith.constant 0 : i32
      %dma_wait3A_296 = arith.constant 0 : i32
      %dma_wait3A_297 = tpu.memref_slice %arg18[%dma_wait3A_295, %dma_wait3A_296] : memref<16512x32xf32, #tpu.memory_space<vmem_shared>> -> memref<16512x32xf32, #tpu.memory_space<vmem_shared>>
      tpu.wait_indirect_dma semaphore(%run_scoped3A_277 : memref<!tpu.dma_semaphore, #tpu.memory_space<semaphore_mem>>) src(%dma_wait3A_291 : memref<128x32xf32, #tpu.memory_space<vmem>>) dst(%dma_wait3A_297 : memref<16512x32xf32, #tpu.memory_space<vmem_shared>>)
      tpu.yield
    }) : () -> ()
    %eq3A_191 = arith.constant 1 : i32
    %eq3A_192 = arith.cmpi eq, %arg0, %eq3A_191 : i32
    %convert_element_type3A_193 = arith.extui %eq3A_192 : i1 to i32
    %cond3A_194 = arith.constant 0 : i32
    %cond3A_195 = arith.cmpi ne, %convert_element_type3A_193, %cond3A_194 : i32
    scf.if %cond3A_195 {
      %run_scoped3A_277 = arith.constant 1 : i32
      "tpu.region"() ({
        %run_scoped3A_278 = tpu.sem_alloc : memref<!tpu.dma_semaphore, #tpu.memory_space<semaphore_mem>>
        %dma_start3A_279 = arith.constant 0 : i32
        %dma_start3A_280 = tpu.memref_slice %arg9[%run_scoped3A_277, %dma_start3A_279] : memref<2x128xi32, #tpu.memory_space<vmem>> -> memref<1x128xi32, #tpu.memory_space<vmem>>
        %dma_start3A_281 = tpu.memref_squeeze %dma_start3A_280 : memref<1x128xi32, #tpu.memory_space<vmem>> -> memref<128xi32, #tpu.memory_space<vmem>>
        %dma_start3A_282 = arith.constant 0 : i32
        %dma_start3A_283 = arith.constant 0 : i32
        %dma_start3A_284 = tpu.memref_slice %arg19[%dma_start3A_282, %dma_start3A_283] : memref<16512x8xf32, #tpu.memory_space<vmem_shared>> -> memref<16512x8xf32, #tpu.memory_space<vmem_shared>>
        tpu.enqueue_indirect_dma source(%arg11 : memref<128x8xf32, #tpu.memory_space<vmem>>) target(%dma_start3A_284 : memref<16512x8xf32, #tpu.memory_space<vmem_shared>>) offsets(%dma_start3A_281 : memref<128xi32, #tpu.memory_space<vmem>>) semaphore(%run_scoped3A_278 : memref<!tpu.dma_semaphore, #tpu.memory_space<semaphore_mem>>) {add = true}
        %dma_wait3A_285 = arith.constant 0 : i32
        %dma_wait3A_286 = tpu.memref_slice %arg9[%run_scoped3A_277, %dma_wait3A_285] : memref<2x128xi32, #tpu.memory_space<vmem>> -> memref<1x128xi32, #tpu.memory_space<vmem>>
        %dma_wait3A_287 = tpu.memref_squeeze %dma_wait3A_286 : memref<1x128xi32, #tpu.memory_space<vmem>> -> memref<128xi32, #tpu.memory_space<vmem>>
        %dma_wait3A_288 = arith.constant 0 : i32
        %dma_wait3A_289 = arith.constant 0 : i32
        %dma_wait3A_290 = tpu.memref_slice %arg19[%dma_wait3A_288, %dma_wait3A_289] : memref<16512x8xf32, #tpu.memory_space<vmem_shared>> -> memref<16512x8xf32, #tpu.memory_space<vmem_shared>>
        tpu.wait_indirect_dma semaphore(%run_scoped3A_278 : memref<!tpu.dma_semaphore, #tpu.memory_space<semaphore_mem>>) src(%arg11 : memref<128x8xf32, #tpu.memory_space<vmem>>) dst(%dma_wait3A_290 : memref<16512x8xf32, #tpu.memory_space<vmem_shared>>)
        tpu.yield
      }) : () -> ()
    } else {
    }
    %barrier3A_196 = arith.constant 0 : index
    tpu.barrier barrier_id(%barrier3A_196)
    %eq3A_197 = arith.constant 0 : i32
    %eq3A_198 = arith.cmpi eq, %arg1, %eq3A_197 : i32
    %convert_element_type3A_199 = arith.extui %eq3A_198 : i1 to i32
    %cond3A_200 = arith.constant 0 : i32
    %cond3A_201 = arith.cmpi ne, %convert_element_type3A_199, %cond3A_200 : i32
    scf.if %cond3A_201 {
      "tpu.region"() ({
        %run_scoped3A_277 = tpu.sem_alloc : memref<!tpu.dma_semaphore, #tpu.memory_space<semaphore_mem>>
        %dma_start3A_278 = arith.constant 0 : i32
        %dma_start3A_279 = arith.constant 0 : i32
        %dma_start3A_280 = tpu.memref_slice %arg18[%dma_start3A_278, %dma_start3A_279] : memref<16512x32xf32, #tpu.memory_space<vmem_shared>> -> memref<1032x32xf32, #tpu.memory_space<vmem_shared>>
        %dma_start3A_281 = arith.constant 0 : i32
        %dma_start3A_282 = arith.constant 0 : i32
        %dma_start3A_283 = tpu.memref_slice %arg18[%dma_start3A_281, %dma_start3A_282] : memref<16512x32xf32, #tpu.memory_space<vmem_shared>> -> memref<1032x32xf32, #tpu.memory_space<vmem_shared>>
        tpu.enqueue_dma source(%dma_start3A_283 : memref<1032x32xf32, #tpu.memory_space<vmem_shared>>) target(%arg12 : memref<1032x32xf32, #tpu.memory_space<vmem>>) target_semaphore(%run_scoped3A_277 : memref<!tpu.dma_semaphore, #tpu.memory_space<semaphore_mem>>)
        %dma_wait3A_284 = arith.constant 0 : i32
        %dma_wait3A_285 = arith.constant 0 : i32
        %dma_wait3A_286 = tpu.memref_slice %arg18[%dma_wait3A_284, %dma_wait3A_285] : memref<16512x32xf32, #tpu.memory_space<vmem_shared>> -> memref<1032x32xf32, #tpu.memory_space<vmem_shared>>
        %dma_wait3A_287 = arith.constant 0 : i32
        %dma_wait3A_288 = arith.constant 0 : i32
        %dma_wait3A_289 = tpu.memref_slice %arg18[%dma_wait3A_287, %dma_wait3A_288] : memref<16512x32xf32, #tpu.memory_space<vmem_shared>> -> memref<1032x32xf32, #tpu.memory_space<vmem_shared>>
        tpu.wait_dma2 semaphore(%run_scoped3A_277 : memref<!tpu.dma_semaphore, #tpu.memory_space<semaphore_mem>>) src(%dma_wait3A_289 : memref<1032x32xf32, #tpu.memory_space<vmem_shared>>) dst(%arg12 : memref<1032x32xf32, #tpu.memory_space<vmem>>)
        tpu.yield
      }) : () -> ()
      "tpu.region"() ({
        %run_scoped3A_277 = tpu.sem_alloc : memref<!tpu.dma_semaphore, #tpu.memory_space<semaphore_mem>>
        %dma_start3A_278 = arith.constant 0 : i32
        %dma_start3A_279 = arith.constant 0 : i32
        %dma_start3A_280 = tpu.memref_slice %arg7[%arg0, %dma_start3A_278, %dma_start3A_279] : memref<2x16512x32xf32, #tpu.memory_space<hbm>> -> memref<1x1032x32xf32, #tpu.memory_space<hbm>>
        %dma_start3A_281 = tpu.memref_squeeze %dma_start3A_280 : memref<1x1032x32xf32, #tpu.memory_space<hbm>> -> memref<1032x32xf32, #tpu.memory_space<hbm>>
        %dma_start3A_282 = arith.constant 0 : i32
        %dma_start3A_283 = arith.constant 0 : i32
        %dma_start3A_284 = tpu.memref_slice %arg7[%arg0, %dma_start3A_282, %dma_start3A_283] : memref<2x16512x32xf32, #tpu.memory_space<hbm>> -> memref<1x1032x32xf32, #tpu.memory_space<hbm>>
        %dma_start3A_285 = tpu.memref_squeeze %dma_start3A_284 : memref<1x1032x32xf32, #tpu.memory_space<hbm>> -> memref<1032x32xf32, #tpu.memory_space<hbm>>
        tpu.enqueue_dma source(%arg12 : memref<1032x32xf32, #tpu.memory_space<vmem>>) target(%dma_start3A_285 : memref<1032x32xf32, #tpu.memory_space<hbm>>) target_semaphore(%run_scoped3A_277 : memref<!tpu.dma_semaphore, #tpu.memory_space<semaphore_mem>>)
        %dma_wait3A_286 = arith.constant 0 : i32
        %dma_wait3A_287 = arith.constant 0 : i32
        %dma_wait3A_288 = tpu.memref_slice %arg7[%arg0, %dma_wait3A_286, %dma_wait3A_287] : memref<2x16512x32xf32, #tpu.memory_space<hbm>> -> memref<1x1032x32xf32, #tpu.memory_space<hbm>>
        %dma_wait3A_289 = tpu.memref_squeeze %dma_wait3A_288 : memref<1x1032x32xf32, #tpu.memory_space<hbm>> -> memref<1032x32xf32, #tpu.memory_space<hbm>>
        %dma_wait3A_290 = arith.constant 0 : i32
        %dma_wait3A_291 = arith.constant 0 : i32
        %dma_wait3A_292 = tpu.memref_slice %arg7[%arg0, %dma_wait3A_290, %dma_wait3A_291] : memref<2x16512x32xf32, #tpu.memory_space<hbm>> -> memref<1x1032x32xf32, #tpu.memory_space<hbm>>
        %dma_wait3A_293 = tpu.memref_squeeze %dma_wait3A_292 : memref<1x1032x32xf32, #tpu.memory_space<hbm>> -> memref<1032x32xf32, #tpu.memory_space<hbm>>
        tpu.wait_dma2 semaphore(%run_scoped3A_277 : memref<!tpu.dma_semaphore, #tpu.memory_space<semaphore_mem>>) src(%arg12 : memref<1032x32xf32, #tpu.memory_space<vmem>>) dst(%dma_wait3A_293 : memref<1032x32xf32, #tpu.memory_space<hbm>>)
        tpu.yield
      }) : () -> ()
      "tpu.region"() ({
        %run_scoped3A_277 = tpu.sem_alloc : memref<!tpu.dma_semaphore, #tpu.memory_space<semaphore_mem>>
        %dma_start3A_278 = arith.constant 0 : i32
        %dma_start3A_279 = arith.constant 0 : i32
        %dma_start3A_280 = tpu.memref_slice %arg19[%dma_start3A_278, %dma_start3A_279] : memref<16512x8xf32, #tpu.memory_space<vmem_shared>> -> memref<1032x8xf32, #tpu.memory_space<vmem_shared>>
        %dma_start3A_281 = arith.constant 0 : i32
        %dma_start3A_282 = arith.constant 0 : i32
        %dma_start3A_283 = tpu.memref_slice %arg19[%dma_start3A_281, %dma_start3A_282] : memref<16512x8xf32, #tpu.memory_space<vmem_shared>> -> memref<1032x8xf32, #tpu.memory_space<vmem_shared>>
        tpu.enqueue_dma source(%dma_start3A_283 : memref<1032x8xf32, #tpu.memory_space<vmem_shared>>) target(%arg13 : memref<1032x8xf32, #tpu.memory_space<vmem>>) target_semaphore(%run_scoped3A_277 : memref<!tpu.dma_semaphore, #tpu.memory_space<semaphore_mem>>)
        %dma_wait3A_284 = arith.constant 0 : i32
        %dma_wait3A_285 = arith.constant 0 : i32
        %dma_wait3A_286 = tpu.memref_slice %arg19[%dma_wait3A_284, %dma_wait3A_285] : memref<16512x8xf32, #tpu.memory_space<vmem_shared>> -> memref<1032x8xf32, #tpu.memory_space<vmem_shared>>
        %dma_wait3A_287 = arith.constant 0 : i32
        %dma_wait3A_288 = arith.constant 0 : i32
        %dma_wait3A_289 = tpu.memref_slice %arg19[%dma_wait3A_287, %dma_wait3A_288] : memref<16512x8xf32, #tpu.memory_space<vmem_shared>> -> memref<1032x8xf32, #tpu.memory_space<vmem_shared>>
        tpu.wait_dma2 semaphore(%run_scoped3A_277 : memref<!tpu.dma_semaphore, #tpu.memory_space<semaphore_mem>>) src(%dma_wait3A_289 : memref<1032x8xf32, #tpu.memory_space<vmem_shared>>) dst(%arg13 : memref<1032x8xf32, #tpu.memory_space<vmem>>)
        tpu.yield
      }) : () -> ()
      "tpu.region"() ({
        %run_scoped3A_277 = tpu.sem_alloc : memref<!tpu.dma_semaphore, #tpu.memory_space<semaphore_mem>>
        %dma_start3A_278 = arith.constant 0 : i32
        %dma_start3A_279 = arith.constant 0 : i32
        %dma_start3A_280 = tpu.memref_slice %arg8[%arg0, %dma_start3A_278, %dma_start3A_279] : memref<2x16512x8xf32, #tpu.memory_space<hbm>> -> memref<1x1032x8xf32, #tpu.memory_space<hbm>>
        %dma_start3A_281 = tpu.memref_squeeze %dma_start3A_280 : memref<1x1032x8xf32, #tpu.memory_space<hbm>> -> memref<1032x8xf32, #tpu.memory_space<hbm>>
        %dma_start3A_282 = arith.constant 0 : i32
        %dma_start3A_283 = arith.constant 0 : i32
        %dma_start3A_284 = tpu.memref_slice %arg8[%arg0, %dma_start3A_282, %dma_start3A_283] : memref<2x16512x8xf32, #tpu.memory_space<hbm>> -> memref<1x1032x8xf32, #tpu.memory_space<hbm>>
        %dma_start3A_285 = tpu.memref_squeeze %dma_start3A_284 : memref<1x1032x8xf32, #tpu.memory_space<hbm>> -> memref<1032x8xf32, #tpu.memory_space<hbm>>
        tpu.enqueue_dma source(%arg13 : memref<1032x8xf32, #tpu.memory_space<vmem>>) target(%dma_start3A_285 : memref<1032x8xf32, #tpu.memory_space<hbm>>) target_semaphore(%run_scoped3A_277 : memref<!tpu.dma_semaphore, #tpu.memory_space<semaphore_mem>>)
        %dma_wait3A_286 = arith.constant 0 : i32
        %dma_wait3A_287 = arith.constant 0 : i32
        %dma_wait3A_288 = tpu.memref_slice %arg8[%arg0, %dma_wait3A_286, %dma_wait3A_287] : memref<2x16512x8xf32, #tpu.memory_space<hbm>> -> memref<1x1032x8xf32, #tpu.memory_space<hbm>>
        %dma_wait3A_289 = tpu.memref_squeeze %dma_wait3A_288 : memref<1x1032x8xf32, #tpu.memory_space<hbm>> -> memref<1032x8xf32, #tpu.memory_space<hbm>>
        %dma_wait3A_290 = arith.constant 0 : i32
        %dma_wait3A_291 = arith.constant 0 : i32
        %dma_wait3A_292 = tpu.memref_slice %arg8[%arg0, %dma_wait3A_290, %dma_wait3A_291] : memref<2x16512x8xf32, #tpu.memory_space<hbm>> -> memref<1x1032x8xf32, #tpu.memory_space<hbm>>
        %dma_wait3A_293 = tpu.memref_squeeze %dma_wait3A_292 : memref<1x1032x8xf32, #tpu.memory_space<hbm>> -> memref<1032x8xf32, #tpu.memory_space<hbm>>
        tpu.wait_dma2 semaphore(%run_scoped3A_277 : memref<!tpu.dma_semaphore, #tpu.memory_space<semaphore_mem>>) src(%arg13 : memref<1032x8xf32, #tpu.memory_space<vmem>>) dst(%dma_wait3A_293 : memref<1032x8xf32, #tpu.memory_space<hbm>>)
        tpu.yield
      }) : () -> ()
    } else {
    }
    %eq3A_202 = arith.constant 1 : i32
    %eq3A_203 = arith.cmpi eq, %arg1, %eq3A_202 : i32
    %convert_element_type3A_204 = arith.extui %eq3A_203 : i1 to i32
    %cond3A_205 = arith.constant 0 : i32
    %cond3A_206 = arith.cmpi ne, %convert_element_type3A_204, %cond3A_205 : i32
    scf.if %cond3A_206 {
      "tpu.region"() ({
        %run_scoped3A_277 = tpu.sem_alloc : memref<!tpu.dma_semaphore, #tpu.memory_space<semaphore_mem>>
        %dma_start3A_278 = arith.constant 1032 : i32
        %dma_start3A_279 = arith.constant 0 : i32
        %dma_start3A_280 = tpu.memref_slice %arg18[%dma_start3A_278, %dma_start3A_279] : memref<16512x32xf32, #tpu.memory_space<vmem_shared>> -> memref<1032x32xf32, #tpu.memory_space<vmem_shared>>
        %dma_start3A_281 = arith.constant 1032 : i32
        %dma_start3A_282 = arith.constant 0 : i32
        %dma_start3A_283 = tpu.memref_slice %arg18[%dma_start3A_281, %dma_start3A_282] : memref<16512x32xf32, #tpu.memory_space<vmem_shared>> -> memref<1032x32xf32, #tpu.memory_space<vmem_shared>>
        tpu.enqueue_dma source(%dma_start3A_283 : memref<1032x32xf32, #tpu.memory_space<vmem_shared>>) target(%arg12 : memref<1032x32xf32, #tpu.memory_space<vmem>>) target_semaphore(%run_scoped3A_277 : memref<!tpu.dma_semaphore, #tpu.memory_space<semaphore_mem>>)
        %dma_wait3A_284 = arith.constant 1032 : i32
        %dma_wait3A_285 = arith.constant 0 : i32
        %dma_wait3A_286 = tpu.memref_slice %arg18[%dma_wait3A_284, %dma_wait3A_285] : memref<16512x32xf32, #tpu.memory_space<vmem_shared>> -> memref<1032x32xf32, #tpu.memory_space<vmem_shared>>
        %dma_wait3A_287 = arith.constant 1032 : i32
        %dma_wait3A_288 = arith.constant 0 : i32
        %dma_wait3A_289 = tpu.memref_slice %arg18[%dma_wait3A_287, %dma_wait3A_288] : memref<16512x32xf32, #tpu.memory_space<vmem_shared>> -> memref<1032x32xf32, #tpu.memory_space<vmem_shared>>
        tpu.wait_dma2 semaphore(%run_scoped3A_277 : memref<!tpu.dma_semaphore, #tpu.memory_space<semaphore_mem>>) src(%dma_wait3A_289 : memref<1032x32xf32, #tpu.memory_space<vmem_shared>>) dst(%arg12 : memref<1032x32xf32, #tpu.memory_space<vmem>>)
        tpu.yield
      }) : () -> ()
      "tpu.region"() ({
        %run_scoped3A_277 = tpu.sem_alloc : memref<!tpu.dma_semaphore, #tpu.memory_space<semaphore_mem>>
        %dma_start3A_278 = arith.constant 1032 : i32
        %dma_start3A_279 = arith.constant 0 : i32
        %dma_start3A_280 = tpu.memref_slice %arg7[%arg0, %dma_start3A_278, %dma_start3A_279] : memref<2x16512x32xf32, #tpu.memory_space<hbm>> -> memref<1x1032x32xf32, #tpu.memory_space<hbm>>
        %dma_start3A_281 = tpu.memref_squeeze %dma_start3A_280 : memref<1x1032x32xf32, #tpu.memory_space<hbm>> -> memref<1032x32xf32, #tpu.memory_space<hbm>>
        %dma_start3A_282 = arith.constant 1032 : i32
        %dma_start3A_283 = arith.constant 0 : i32
        %dma_start3A_284 = tpu.memref_slice %arg7[%arg0, %dma_start3A_282, %dma_start3A_283] : memref<2x16512x32xf32, #tpu.memory_space<hbm>> -> memref<1x1032x32xf32, #tpu.memory_space<hbm>>
        %dma_start3A_285 = tpu.memref_squeeze %dma_start3A_284 : memref<1x1032x32xf32, #tpu.memory_space<hbm>> -> memref<1032x32xf32, #tpu.memory_space<hbm>>
        tpu.enqueue_dma source(%arg12 : memref<1032x32xf32, #tpu.memory_space<vmem>>) target(%dma_start3A_285 : memref<1032x32xf32, #tpu.memory_space<hbm>>) target_semaphore(%run_scoped3A_277 : memref<!tpu.dma_semaphore, #tpu.memory_space<semaphore_mem>>)
        %dma_wait3A_286 = arith.constant 1032 : i32
        %dma_wait3A_287 = arith.constant 0 : i32
        %dma_wait3A_288 = tpu.memref_slice %arg7[%arg0, %dma_wait3A_286, %dma_wait3A_287] : memref<2x16512x32xf32, #tpu.memory_space<hbm>> -> memref<1x1032x32xf32, #tpu.memory_space<hbm>>
        %dma_wait3A_289 = tpu.memref_squeeze %dma_wait3A_288 : memref<1x1032x32xf32, #tpu.memory_space<hbm>> -> memref<1032x32xf32, #tpu.memory_space<hbm>>
        %dma_wait3A_290 = arith.constant 1032 : i32
        %dma_wait3A_291 = arith.constant 0 : i32
        %dma_wait3A_292 = tpu.memref_slice %arg7[%arg0, %dma_wait3A_290, %dma_wait3A_291] : memref<2x16512x32xf32, #tpu.memory_space<hbm>> -> memref<1x1032x32xf32, #tpu.memory_space<hbm>>
        %dma_wait3A_293 = tpu.memref_squeeze %dma_wait3A_292 : memref<1x1032x32xf32, #tpu.memory_space<hbm>> -> memref<1032x32xf32, #tpu.memory_space<hbm>>
        tpu.wait_dma2 semaphore(%run_scoped3A_277 : memref<!tpu.dma_semaphore, #tpu.memory_space<semaphore_mem>>) src(%arg12 : memref<1032x32xf32, #tpu.memory_space<vmem>>) dst(%dma_wait3A_293 : memref<1032x32xf32, #tpu.memory_space<hbm>>)
        tpu.yield
      }) : () -> ()
      "tpu.region"() ({
        %run_scoped3A_277 = tpu.sem_alloc : memref<!tpu.dma_semaphore, #tpu.memory_space<semaphore_mem>>
        %dma_start3A_278 = arith.constant 1032 : i32
        %dma_start3A_279 = arith.constant 0 : i32
        %dma_start3A_280 = tpu.memref_slice %arg19[%dma_start3A_278, %dma_start3A_279] : memref<16512x8xf32, #tpu.memory_space<vmem_shared>> -> memref<1032x8xf32, #tpu.memory_space<vmem_shared>>
        %dma_start3A_281 = arith.constant 1032 : i32
        %dma_start3A_282 = arith.constant 0 : i32
        %dma_start3A_283 = tpu.memref_slice %arg19[%dma_start3A_281, %dma_start3A_282] : memref<16512x8xf32, #tpu.memory_space<vmem_shared>> -> memref<1032x8xf32, #tpu.memory_space<vmem_shared>>
        tpu.enqueue_dma source(%dma_start3A_283 : memref<1032x8xf32, #tpu.memory_space<vmem_shared>>) target(%arg13 : memref<1032x8xf32, #tpu.memory_space<vmem>>) target_semaphore(%run_scoped3A_277 : memref<!tpu.dma_semaphore, #tpu.memory_space<semaphore_mem>>)
        %dma_wait3A_284 = arith.constant 1032 : i32
        %dma_wait3A_285 = arith.constant 0 : i32
        %dma_wait3A_286 = tpu.memref_slice %arg19[%dma_wait3A_284, %dma_wait3A_285] : memref<16512x8xf32, #tpu.memory_space<vmem_shared>> -> memref<1032x8xf32, #tpu.memory_space<vmem_shared>>
        %dma_wait3A_287 = arith.constant 1032 : i32
        %dma_wait3A_288 = arith.constant 0 : i32
        %dma_wait3A_289 = tpu.memref_slice %arg19[%dma_wait3A_287, %dma_wait3A_288] : memref<16512x8xf32, #tpu.memory_space<vmem_shared>> -> memref<1032x8xf32, #tpu.memory_space<vmem_shared>>
        tpu.wait_dma2 semaphore(%run_scoped3A_277 : memref<!tpu.dma_semaphore, #tpu.memory_space<semaphore_mem>>) src(%dma_wait3A_289 : memref<1032x8xf32, #tpu.memory_space<vmem_shared>>) dst(%arg13 : memref<1032x8xf32, #tpu.memory_space<vmem>>)
        tpu.yield
      }) : () -> ()
      "tpu.region"() ({
        %run_scoped3A_277 = tpu.sem_alloc : memref<!tpu.dma_semaphore, #tpu.memory_space<semaphore_mem>>
        %dma_start3A_278 = arith.constant 1032 : i32
        %dma_start3A_279 = arith.constant 0 : i32
        %dma_start3A_280 = tpu.memref_slice %arg8[%arg0, %dma_start3A_278, %dma_start3A_279] : memref<2x16512x8xf32, #tpu.memory_space<hbm>> -> memref<1x1032x8xf32, #tpu.memory_space<hbm>>
        %dma_start3A_281 = tpu.memref_squeeze %dma_start3A_280 : memref<1x1032x8xf32, #tpu.memory_space<hbm>> -> memref<1032x8xf32, #tpu.memory_space<hbm>>
        %dma_start3A_282 = arith.constant 1032 : i32
        %dma_start3A_283 = arith.constant 0 : i32
        %dma_start3A_284 = tpu.memref_slice %arg8[%arg0, %dma_start3A_282, %dma_start3A_283] : memref<2x16512x8xf32, #tpu.memory_space<hbm>> -> memref<1x1032x8xf32, #tpu.memory_space<hbm>>
        %dma_start3A_285 = tpu.memref_squeeze %dma_start3A_284 : memref<1x1032x8xf32, #tpu.memory_space<hbm>> -> memref<1032x8xf32, #tpu.memory_space<hbm>>
        tpu.enqueue_dma source(%arg13 : memref<1032x8xf32, #tpu.memory_space<vmem>>) target(%dma_start3A_285 : memref<1032x8xf32, #tpu.memory_space<hbm>>) target_semaphore(%run_scoped3A_277 : memref<!tpu.dma_semaphore, #tpu.memory_space<semaphore_mem>>)
        %dma_wait3A_286 = arith.constant 1032 : i32
        %dma_wait3A_287 = arith.constant 0 : i32
        %dma_wait3A_288 = tpu.memref_slice %arg8[%arg0, %dma_wait3A_286, %dma_wait3A_287] : memref<2x16512x8xf32, #tpu.memory_space<hbm>> -> memref<1x1032x8xf32, #tpu.memory_space<hbm>>
        %dma_wait3A_289 = tpu.memref_squeeze %dma_wait3A_288 : memref<1x1032x8xf32, #tpu.memory_space<hbm>> -> memref<1032x8xf32, #tpu.memory_space<hbm>>
        %dma_wait3A_290 = arith.constant 1032 : i32
        %dma_wait3A_291 = arith.constant 0 : i32
        %dma_wait3A_292 = tpu.memref_slice %arg8[%arg0, %dma_wait3A_290, %dma_wait3A_291] : memref<2x16512x8xf32, #tpu.memory_space<hbm>> -> memref<1x1032x8xf32, #tpu.memory_space<hbm>>
        %dma_wait3A_293 = tpu.memref_squeeze %dma_wait3A_292 : memref<1x1032x8xf32, #tpu.memory_space<hbm>> -> memref<1032x8xf32, #tpu.memory_space<hbm>>
        tpu.wait_dma2 semaphore(%run_scoped3A_277 : memref<!tpu.dma_semaphore, #tpu.memory_space<semaphore_mem>>) src(%arg13 : memref<1032x8xf32, #tpu.memory_space<vmem>>) dst(%dma_wait3A_293 : memref<1032x8xf32, #tpu.memory_space<hbm>>)
        tpu.yield
      }) : () -> ()
    } else {
    }
    %eq3A_207 = arith.constant 2 : i32
    %eq3A_208 = arith.cmpi eq, %arg1, %eq3A_207 : i32
    %convert_element_type3A_209 = arith.extui %eq3A_208 : i1 to i32
    %cond3A_210 = arith.constant 0 : i32
    %cond3A_211 = arith.cmpi ne, %convert_element_type3A_209, %cond3A_210 : i32
    scf.if %cond3A_211 {
      "tpu.region"() ({
        %run_scoped3A_277 = tpu.sem_alloc : memref<!tpu.dma_semaphore, #tpu.memory_space<semaphore_mem>>
        %dma_start3A_278 = arith.constant 2064 : i32
        %dma_start3A_279 = arith.constant 0 : i32
        %dma_start3A_280 = tpu.memref_slice %arg18[%dma_start3A_278, %dma_start3A_279] : memref<16512x32xf32, #tpu.memory_space<vmem_shared>> -> memref<1032x32xf32, #tpu.memory_space<vmem_shared>>
        %dma_start3A_281 = arith.constant 2064 : i32
        %dma_start3A_282 = arith.constant 0 : i32
        %dma_start3A_283 = tpu.memref_slice %arg18[%dma_start3A_281, %dma_start3A_282] : memref<16512x32xf32, #tpu.memory_space<vmem_shared>> -> memref<1032x32xf32, #tpu.memory_space<vmem_shared>>
        tpu.enqueue_dma source(%dma_start3A_283 : memref<1032x32xf32, #tpu.memory_space<vmem_shared>>) target(%arg12 : memref<1032x32xf32, #tpu.memory_space<vmem>>) target_semaphore(%run_scoped3A_277 : memref<!tpu.dma_semaphore, #tpu.memory_space<semaphore_mem>>)
        %dma_wait3A_284 = arith.constant 2064 : i32
        %dma_wait3A_285 = arith.constant 0 : i32
        %dma_wait3A_286 = tpu.memref_slice %arg18[%dma_wait3A_284, %dma_wait3A_285] : memref<16512x32xf32, #tpu.memory_space<vmem_shared>> -> memref<1032x32xf32, #tpu.memory_space<vmem_shared>>
        %dma_wait3A_287 = arith.constant 2064 : i32
        %dma_wait3A_288 = arith.constant 0 : i32
        %dma_wait3A_289 = tpu.memref_slice %arg18[%dma_wait3A_287, %dma_wait3A_288] : memref<16512x32xf32, #tpu.memory_space<vmem_shared>> -> memref<1032x32xf32, #tpu.memory_space<vmem_shared>>
        tpu.wait_dma2 semaphore(%run_scoped3A_277 : memref<!tpu.dma_semaphore, #tpu.memory_space<semaphore_mem>>) src(%dma_wait3A_289 : memref<1032x32xf32, #tpu.memory_space<vmem_shared>>) dst(%arg12 : memref<1032x32xf32, #tpu.memory_space<vmem>>)
        tpu.yield
      }) : () -> ()
      "tpu.region"() ({
        %run_scoped3A_277 = tpu.sem_alloc : memref<!tpu.dma_semaphore, #tpu.memory_space<semaphore_mem>>
        %dma_start3A_278 = arith.constant 2064 : i32
        %dma_start3A_279 = arith.constant 0 : i32
        %dma_start3A_280 = tpu.memref_slice %arg7[%arg0, %dma_start3A_278, %dma_start3A_279] : memref<2x16512x32xf32, #tpu.memory_space<hbm>> -> memref<1x1032x32xf32, #tpu.memory_space<hbm>>
        %dma_start3A_281 = tpu.memref_squeeze %dma_start3A_280 : memref<1x1032x32xf32, #tpu.memory_space<hbm>> -> memref<1032x32xf32, #tpu.memory_space<hbm>>
        %dma_start3A_282 = arith.constant 2064 : i32
        %dma_start3A_283 = arith.constant 0 : i32
        %dma_start3A_284 = tpu.memref_slice %arg7[%arg0, %dma_start3A_282, %dma_start3A_283] : memref<2x16512x32xf32, #tpu.memory_space<hbm>> -> memref<1x1032x32xf32, #tpu.memory_space<hbm>>
        %dma_start3A_285 = tpu.memref_squeeze %dma_start3A_284 : memref<1x1032x32xf32, #tpu.memory_space<hbm>> -> memref<1032x32xf32, #tpu.memory_space<hbm>>
        tpu.enqueue_dma source(%arg12 : memref<1032x32xf32, #tpu.memory_space<vmem>>) target(%dma_start3A_285 : memref<1032x32xf32, #tpu.memory_space<hbm>>) target_semaphore(%run_scoped3A_277 : memref<!tpu.dma_semaphore, #tpu.memory_space<semaphore_mem>>)
        %dma_wait3A_286 = arith.constant 2064 : i32
        %dma_wait3A_287 = arith.constant 0 : i32
        %dma_wait3A_288 = tpu.memref_slice %arg7[%arg0, %dma_wait3A_286, %dma_wait3A_287] : memref<2x16512x32xf32, #tpu.memory_space<hbm>> -> memref<1x1032x32xf32, #tpu.memory_space<hbm>>
        %dma_wait3A_289 = tpu.memref_squeeze %dma_wait3A_288 : memref<1x1032x32xf32, #tpu.memory_space<hbm>> -> memref<1032x32xf32, #tpu.memory_space<hbm>>
        %dma_wait3A_290 = arith.constant 2064 : i32
        %dma_wait3A_291 = arith.constant 0 : i32
        %dma_wait3A_292 = tpu.memref_slice %arg7[%arg0, %dma_wait3A_290, %dma_wait3A_291] : memref<2x16512x32xf32, #tpu.memory_space<hbm>> -> memref<1x1032x32xf32, #tpu.memory_space<hbm>>
        %dma_wait3A_293 = tpu.memref_squeeze %dma_wait3A_292 : memref<1x1032x32xf32, #tpu.memory_space<hbm>> -> memref<1032x32xf32, #tpu.memory_space<hbm>>
        tpu.wait_dma2 semaphore(%run_scoped3A_277 : memref<!tpu.dma_semaphore, #tpu.memory_space<semaphore_mem>>) src(%arg12 : memref<1032x32xf32, #tpu.memory_space<vmem>>) dst(%dma_wait3A_293 : memref<1032x32xf32, #tpu.memory_space<hbm>>)
        tpu.yield
      }) : () -> ()
      "tpu.region"() ({
        %run_scoped3A_277 = tpu.sem_alloc : memref<!tpu.dma_semaphore, #tpu.memory_space<semaphore_mem>>
        %dma_start3A_278 = arith.constant 2064 : i32
        %dma_start3A_279 = arith.constant 0 : i32
        %dma_start3A_280 = tpu.memref_slice %arg19[%dma_start3A_278, %dma_start3A_279] : memref<16512x8xf32, #tpu.memory_space<vmem_shared>> -> memref<1032x8xf32, #tpu.memory_space<vmem_shared>>
        %dma_start3A_281 = arith.constant 2064 : i32
        %dma_start3A_282 = arith.constant 0 : i32
        %dma_start3A_283 = tpu.memref_slice %arg19[%dma_start3A_281, %dma_start3A_282] : memref<16512x8xf32, #tpu.memory_space<vmem_shared>> -> memref<1032x8xf32, #tpu.memory_space<vmem_shared>>
        tpu.enqueue_dma source(%dma_start3A_283 : memref<1032x8xf32, #tpu.memory_space<vmem_shared>>) target(%arg13 : memref<1032x8xf32, #tpu.memory_space<vmem>>) target_semaphore(%run_scoped3A_277 : memref<!tpu.dma_semaphore, #tpu.memory_space<semaphore_mem>>)
        %dma_wait3A_284 = arith.constant 2064 : i32
        %dma_wait3A_285 = arith.constant 0 : i32
        %dma_wait3A_286 = tpu.memref_slice %arg19[%dma_wait3A_284, %dma_wait3A_285] : memref<16512x8xf32, #tpu.memory_space<vmem_shared>> -> memref<1032x8xf32, #tpu.memory_space<vmem_shared>>
        %dma_wait3A_287 = arith.constant 2064 : i32
        %dma_wait3A_288 = arith.constant 0 : i32
        %dma_wait3A_289 = tpu.memref_slice %arg19[%dma_wait3A_287, %dma_wait3A_288] : memref<16512x8xf32, #tpu.memory_space<vmem_shared>> -> memref<1032x8xf32, #tpu.memory_space<vmem_shared>>
        tpu.wait_dma2 semaphore(%run_scoped3A_277 : memref<!tpu.dma_semaphore, #tpu.memory_space<semaphore_mem>>) src(%dma_wait3A_289 : memref<1032x8xf32, #tpu.memory_space<vmem_shared>>) dst(%arg13 : memref<1032x8xf32, #tpu.memory_space<vmem>>)
        tpu.yield
      }) : () -> ()
      "tpu.region"() ({
        %run_scoped3A_277 = tpu.sem_alloc : memref<!tpu.dma_semaphore, #tpu.memory_space<semaphore_mem>>
        %dma_start3A_278 = arith.constant 2064 : i32
        %dma_start3A_279 = arith.constant 0 : i32
        %dma_start3A_280 = tpu.memref_slice %arg8[%arg0, %dma_start3A_278, %dma_start3A_279] : memref<2x16512x8xf32, #tpu.memory_space<hbm>> -> memref<1x1032x8xf32, #tpu.memory_space<hbm>>
        %dma_start3A_281 = tpu.memref_squeeze %dma_start3A_280 : memref<1x1032x8xf32, #tpu.memory_space<hbm>> -> memref<1032x8xf32, #tpu.memory_space<hbm>>
        %dma_start3A_282 = arith.constant 2064 : i32
        %dma_start3A_283 = arith.constant 0 : i32
        %dma_start3A_284 = tpu.memref_slice %arg8[%arg0, %dma_start3A_282, %dma_start3A_283] : memref<2x16512x8xf32, #tpu.memory_space<hbm>> -> memref<1x1032x8xf32, #tpu.memory_space<hbm>>
        %dma_start3A_285 = tpu.memref_squeeze %dma_start3A_284 : memref<1x1032x8xf32, #tpu.memory_space<hbm>> -> memref<1032x8xf32, #tpu.memory_space<hbm>>
        tpu.enqueue_dma source(%arg13 : memref<1032x8xf32, #tpu.memory_space<vmem>>) target(%dma_start3A_285 : memref<1032x8xf32, #tpu.memory_space<hbm>>) target_semaphore(%run_scoped3A_277 : memref<!tpu.dma_semaphore, #tpu.memory_space<semaphore_mem>>)
        %dma_wait3A_286 = arith.constant 2064 : i32
        %dma_wait3A_287 = arith.constant 0 : i32
        %dma_wait3A_288 = tpu.memref_slice %arg8[%arg0, %dma_wait3A_286, %dma_wait3A_287] : memref<2x16512x8xf32, #tpu.memory_space<hbm>> -> memref<1x1032x8xf32, #tpu.memory_space<hbm>>
        %dma_wait3A_289 = tpu.memref_squeeze %dma_wait3A_288 : memref<1x1032x8xf32, #tpu.memory_space<hbm>> -> memref<1032x8xf32, #tpu.memory_space<hbm>>
        %dma_wait3A_290 = arith.constant 2064 : i32
        %dma_wait3A_291 = arith.constant 0 : i32
        %dma_wait3A_292 = tpu.memref_slice %arg8[%arg0, %dma_wait3A_290, %dma_wait3A_291] : memref<2x16512x8xf32, #tpu.memory_space<hbm>> -> memref<1x1032x8xf32, #tpu.memory_space<hbm>>
        %dma_wait3A_293 = tpu.memref_squeeze %dma_wait3A_292 : memref<1x1032x8xf32, #tpu.memory_space<hbm>> -> memref<1032x8xf32, #tpu.memory_space<hbm>>
        tpu.wait_dma2 semaphore(%run_scoped3A_277 : memref<!tpu.dma_semaphore, #tpu.memory_space<semaphore_mem>>) src(%arg13 : memref<1032x8xf32, #tpu.memory_space<vmem>>) dst(%dma_wait3A_293 : memref<1032x8xf32, #tpu.memory_space<hbm>>)
        tpu.yield
      }) : () -> ()
    } else {
    }
    %eq3A_212 = arith.constant 3 : i32
    %eq3A_213 = arith.cmpi eq, %arg1, %eq3A_212 : i32
    %convert_element_type3A_214 = arith.extui %eq3A_213 : i1 to i32
    %cond3A_215 = arith.constant 0 : i32
    %cond3A_216 = arith.cmpi ne, %convert_element_type3A_214, %cond3A_215 : i32
    scf.if %cond3A_216 {
      "tpu.region"() ({
        %run_scoped3A_277 = tpu.sem_alloc : memref<!tpu.dma_semaphore, #tpu.memory_space<semaphore_mem>>
        %dma_start3A_278 = arith.constant 3096 : i32
        %dma_start3A_279 = arith.constant 0 : i32
        %dma_start3A_280 = tpu.memref_slice %arg18[%dma_start3A_278, %dma_start3A_279] : memref<16512x32xf32, #tpu.memory_space<vmem_shared>> -> memref<1032x32xf32, #tpu.memory_space<vmem_shared>>
        %dma_start3A_281 = arith.constant 3096 : i32
        %dma_start3A_282 = arith.constant 0 : i32
        %dma_start3A_283 = tpu.memref_slice %arg18[%dma_start3A_281, %dma_start3A_282] : memref<16512x32xf32, #tpu.memory_space<vmem_shared>> -> memref<1032x32xf32, #tpu.memory_space<vmem_shared>>
        tpu.enqueue_dma source(%dma_start3A_283 : memref<1032x32xf32, #tpu.memory_space<vmem_shared>>) target(%arg12 : memref<1032x32xf32, #tpu.memory_space<vmem>>) target_semaphore(%run_scoped3A_277 : memref<!tpu.dma_semaphore, #tpu.memory_space<semaphore_mem>>)
        %dma_wait3A_284 = arith.constant 3096 : i32
        %dma_wait3A_285 = arith.constant 0 : i32
        %dma_wait3A_286 = tpu.memref_slice %arg18[%dma_wait3A_284, %dma_wait3A_285] : memref<16512x32xf32, #tpu.memory_space<vmem_shared>> -> memref<1032x32xf32, #tpu.memory_space<vmem_shared>>
        %dma_wait3A_287 = arith.constant 3096 : i32
        %dma_wait3A_288 = arith.constant 0 : i32
        %dma_wait3A_289 = tpu.memref_slice %arg18[%dma_wait3A_287, %dma_wait3A_288] : memref<16512x32xf32, #tpu.memory_space<vmem_shared>> -> memref<1032x32xf32, #tpu.memory_space<vmem_shared>>
        tpu.wait_dma2 semaphore(%run_scoped3A_277 : memref<!tpu.dma_semaphore, #tpu.memory_space<semaphore_mem>>) src(%dma_wait3A_289 : memref<1032x32xf32, #tpu.memory_space<vmem_shared>>) dst(%arg12 : memref<1032x32xf32, #tpu.memory_space<vmem>>)
        tpu.yield
      }) : () -> ()
      "tpu.region"() ({
        %run_scoped3A_277 = tpu.sem_alloc : memref<!tpu.dma_semaphore, #tpu.memory_space<semaphore_mem>>
        %dma_start3A_278 = arith.constant 3096 : i32
        %dma_start3A_279 = arith.constant 0 : i32
        %dma_start3A_280 = tpu.memref_slice %arg7[%arg0, %dma_start3A_278, %dma_start3A_279] : memref<2x16512x32xf32, #tpu.memory_space<hbm>> -> memref<1x1032x32xf32, #tpu.memory_space<hbm>>
        %dma_start3A_281 = tpu.memref_squeeze %dma_start3A_280 : memref<1x1032x32xf32, #tpu.memory_space<hbm>> -> memref<1032x32xf32, #tpu.memory_space<hbm>>
        %dma_start3A_282 = arith.constant 3096 : i32
        %dma_start3A_283 = arith.constant 0 : i32
        %dma_start3A_284 = tpu.memref_slice %arg7[%arg0, %dma_start3A_282, %dma_start3A_283] : memref<2x16512x32xf32, #tpu.memory_space<hbm>> -> memref<1x1032x32xf32, #tpu.memory_space<hbm>>
        %dma_start3A_285 = tpu.memref_squeeze %dma_start3A_284 : memref<1x1032x32xf32, #tpu.memory_space<hbm>> -> memref<1032x32xf32, #tpu.memory_space<hbm>>
        tpu.enqueue_dma source(%arg12 : memref<1032x32xf32, #tpu.memory_space<vmem>>) target(%dma_start3A_285 : memref<1032x32xf32, #tpu.memory_space<hbm>>) target_semaphore(%run_scoped3A_277 : memref<!tpu.dma_semaphore, #tpu.memory_space<semaphore_mem>>)
        %dma_wait3A_286 = arith.constant 3096 : i32
        %dma_wait3A_287 = arith.constant 0 : i32
        %dma_wait3A_288 = tpu.memref_slice %arg7[%arg0, %dma_wait3A_286, %dma_wait3A_287] : memref<2x16512x32xf32, #tpu.memory_space<hbm>> -> memref<1x1032x32xf32, #tpu.memory_space<hbm>>
        %dma_wait3A_289 = tpu.memref_squeeze %dma_wait3A_288 : memref<1x1032x32xf32, #tpu.memory_space<hbm>> -> memref<1032x32xf32, #tpu.memory_space<hbm>>
        %dma_wait3A_290 = arith.constant 3096 : i32
        %dma_wait3A_291 = arith.constant 0 : i32
        %dma_wait3A_292 = tpu.memref_slice %arg7[%arg0, %dma_wait3A_290, %dma_wait3A_291] : memref<2x16512x32xf32, #tpu.memory_space<hbm>> -> memref<1x1032x32xf32, #tpu.memory_space<hbm>>
        %dma_wait3A_293 = tpu.memref_squeeze %dma_wait3A_292 : memref<1x1032x32xf32, #tpu.memory_space<hbm>> -> memref<1032x32xf32, #tpu.memory_space<hbm>>
        tpu.wait_dma2 semaphore(%run_scoped3A_277 : memref<!tpu.dma_semaphore, #tpu.memory_space<semaphore_mem>>) src(%arg12 : memref<1032x32xf32, #tpu.memory_space<vmem>>) dst(%dma_wait3A_293 : memref<1032x32xf32, #tpu.memory_space<hbm>>)
        tpu.yield
      }) : () -> ()
      "tpu.region"() ({
        %run_scoped3A_277 = tpu.sem_alloc : memref<!tpu.dma_semaphore, #tpu.memory_space<semaphore_mem>>
        %dma_start3A_278 = arith.constant 3096 : i32
        %dma_start3A_279 = arith.constant 0 : i32
        %dma_start3A_280 = tpu.memref_slice %arg19[%dma_start3A_278, %dma_start3A_279] : memref<16512x8xf32, #tpu.memory_space<vmem_shared>> -> memref<1032x8xf32, #tpu.memory_space<vmem_shared>>
        %dma_start3A_281 = arith.constant 3096 : i32
        %dma_start3A_282 = arith.constant 0 : i32
        %dma_start3A_283 = tpu.memref_slice %arg19[%dma_start3A_281, %dma_start3A_282] : memref<16512x8xf32, #tpu.memory_space<vmem_shared>> -> memref<1032x8xf32, #tpu.memory_space<vmem_shared>>
        tpu.enqueue_dma source(%dma_start3A_283 : memref<1032x8xf32, #tpu.memory_space<vmem_shared>>) target(%arg13 : memref<1032x8xf32, #tpu.memory_space<vmem>>) target_semaphore(%run_scoped3A_277 : memref<!tpu.dma_semaphore, #tpu.memory_space<semaphore_mem>>)
        %dma_wait3A_284 = arith.constant 3096 : i32
        %dma_wait3A_285 = arith.constant 0 : i32
        %dma_wait3A_286 = tpu.memref_slice %arg19[%dma_wait3A_284, %dma_wait3A_285] : memref<16512x8xf32, #tpu.memory_space<vmem_shared>> -> memref<1032x8xf32, #tpu.memory_space<vmem_shared>>
        %dma_wait3A_287 = arith.constant 3096 : i32
        %dma_wait3A_288 = arith.constant 0 : i32
        %dma_wait3A_289 = tpu.memref_slice %arg19[%dma_wait3A_287, %dma_wait3A_288] : memref<16512x8xf32, #tpu.memory_space<vmem_shared>> -> memref<1032x8xf32, #tpu.memory_space<vmem_shared>>
        tpu.wait_dma2 semaphore(%run_scoped3A_277 : memref<!tpu.dma_semaphore, #tpu.memory_space<semaphore_mem>>) src(%dma_wait3A_289 : memref<1032x8xf32, #tpu.memory_space<vmem_shared>>) dst(%arg13 : memref<1032x8xf32, #tpu.memory_space<vmem>>)
        tpu.yield
      }) : () -> ()
      "tpu.region"() ({
        %run_scoped3A_277 = tpu.sem_alloc : memref<!tpu.dma_semaphore, #tpu.memory_space<semaphore_mem>>
        %dma_start3A_278 = arith.constant 3096 : i32
        %dma_start3A_279 = arith.constant 0 : i32
        %dma_start3A_280 = tpu.memref_slice %arg8[%arg0, %dma_start3A_278, %dma_start3A_279] : memref<2x16512x8xf32, #tpu.memory_space<hbm>> -> memref<1x1032x8xf32, #tpu.memory_space<hbm>>
        %dma_start3A_281 = tpu.memref_squeeze %dma_start3A_280 : memref<1x1032x8xf32, #tpu.memory_space<hbm>> -> memref<1032x8xf32, #tpu.memory_space<hbm>>
        %dma_start3A_282 = arith.constant 3096 : i32
        %dma_start3A_283 = arith.constant 0 : i32
        %dma_start3A_284 = tpu.memref_slice %arg8[%arg0, %dma_start3A_282, %dma_start3A_283] : memref<2x16512x8xf32, #tpu.memory_space<hbm>> -> memref<1x1032x8xf32, #tpu.memory_space<hbm>>
        %dma_start3A_285 = tpu.memref_squeeze %dma_start3A_284 : memref<1x1032x8xf32, #tpu.memory_space<hbm>> -> memref<1032x8xf32, #tpu.memory_space<hbm>>
        tpu.enqueue_dma source(%arg13 : memref<1032x8xf32, #tpu.memory_space<vmem>>) target(%dma_start3A_285 : memref<1032x8xf32, #tpu.memory_space<hbm>>) target_semaphore(%run_scoped3A_277 : memref<!tpu.dma_semaphore, #tpu.memory_space<semaphore_mem>>)
        %dma_wait3A_286 = arith.constant 3096 : i32
        %dma_wait3A_287 = arith.constant 0 : i32
        %dma_wait3A_288 = tpu.memref_slice %arg8[%arg0, %dma_wait3A_286, %dma_wait3A_287] : memref<2x16512x8xf32, #tpu.memory_space<hbm>> -> memref<1x1032x8xf32, #tpu.memory_space<hbm>>
        %dma_wait3A_289 = tpu.memref_squeeze %dma_wait3A_288 : memref<1x1032x8xf32, #tpu.memory_space<hbm>> -> memref<1032x8xf32, #tpu.memory_space<hbm>>
        %dma_wait3A_290 = arith.constant 3096 : i32
        %dma_wait3A_291 = arith.constant 0 : i32
        %dma_wait3A_292 = tpu.memref_slice %arg8[%arg0, %dma_wait3A_290, %dma_wait3A_291] : memref<2x16512x8xf32, #tpu.memory_space<hbm>> -> memref<1x1032x8xf32, #tpu.memory_space<hbm>>
        %dma_wait3A_293 = tpu.memref_squeeze %dma_wait3A_292 : memref<1x1032x8xf32, #tpu.memory_space<hbm>> -> memref<1032x8xf32, #tpu.memory_space<hbm>>
        tpu.wait_dma2 semaphore(%run_scoped3A_277 : memref<!tpu.dma_semaphore, #tpu.memory_space<semaphore_mem>>) src(%arg13 : memref<1032x8xf32, #tpu.memory_space<vmem>>) dst(%dma_wait3A_293 : memref<1032x8xf32, #tpu.memory_space<hbm>>)
        tpu.yield
      }) : () -> ()
    } else {
    }
    %eq3A_217 = arith.constant 4 : i32
    %eq3A_218 = arith.cmpi eq, %arg1, %eq3A_217 : i32
    %convert_element_type3A_219 = arith.extui %eq3A_218 : i1 to i32
    %cond3A_220 = arith.constant 0 : i32
    %cond3A_221 = arith.cmpi ne, %convert_element_type3A_219, %cond3A_220 : i32
    scf.if %cond3A_221 {
      "tpu.region"() ({
        %run_scoped3A_277 = tpu.sem_alloc : memref<!tpu.dma_semaphore, #tpu.memory_space<semaphore_mem>>
        %dma_start3A_278 = arith.constant 4128 : i32
        %dma_start3A_279 = arith.constant 0 : i32
        %dma_start3A_280 = tpu.memref_slice %arg18[%dma_start3A_278, %dma_start3A_279] : memref<16512x32xf32, #tpu.memory_space<vmem_shared>> -> memref<1032x32xf32, #tpu.memory_space<vmem_shared>>
        %dma_start3A_281 = arith.constant 4128 : i32
        %dma_start3A_282 = arith.constant 0 : i32
        %dma_start3A_283 = tpu.memref_slice %arg18[%dma_start3A_281, %dma_start3A_282] : memref<16512x32xf32, #tpu.memory_space<vmem_shared>> -> memref<1032x32xf32, #tpu.memory_space<vmem_shared>>
        tpu.enqueue_dma source(%dma_start3A_283 : memref<1032x32xf32, #tpu.memory_space<vmem_shared>>) target(%arg12 : memref<1032x32xf32, #tpu.memory_space<vmem>>) target_semaphore(%run_scoped3A_277 : memref<!tpu.dma_semaphore, #tpu.memory_space<semaphore_mem>>)
        %dma_wait3A_284 = arith.constant 4128 : i32
        %dma_wait3A_285 = arith.constant 0 : i32
        %dma_wait3A_286 = tpu.memref_slice %arg18[%dma_wait3A_284, %dma_wait3A_285] : memref<16512x32xf32, #tpu.memory_space<vmem_shared>> -> memref<1032x32xf32, #tpu.memory_space<vmem_shared>>
        %dma_wait3A_287 = arith.constant 4128 : i32
        %dma_wait3A_288 = arith.constant 0 : i32
        %dma_wait3A_289 = tpu.memref_slice %arg18[%dma_wait3A_287, %dma_wait3A_288] : memref<16512x32xf32, #tpu.memory_space<vmem_shared>> -> memref<1032x32xf32, #tpu.memory_space<vmem_shared>>
        tpu.wait_dma2 semaphore(%run_scoped3A_277 : memref<!tpu.dma_semaphore, #tpu.memory_space<semaphore_mem>>) src(%dma_wait3A_289 : memref<1032x32xf32, #tpu.memory_space<vmem_shared>>) dst(%arg12 : memref<1032x32xf32, #tpu.memory_space<vmem>>)
        tpu.yield
      }) : () -> ()
      "tpu.region"() ({
        %run_scoped3A_277 = tpu.sem_alloc : memref<!tpu.dma_semaphore, #tpu.memory_space<semaphore_mem>>
        %dma_start3A_278 = arith.constant 4128 : i32
        %dma_start3A_279 = arith.constant 0 : i32
        %dma_start3A_280 = tpu.memref_slice %arg7[%arg0, %dma_start3A_278, %dma_start3A_279] : memref<2x16512x32xf32, #tpu.memory_space<hbm>> -> memref<1x1032x32xf32, #tpu.memory_space<hbm>>
        %dma_start3A_281 = tpu.memref_squeeze %dma_start3A_280 : memref<1x1032x32xf32, #tpu.memory_space<hbm>> -> memref<1032x32xf32, #tpu.memory_space<hbm>>
        %dma_start3A_282 = arith.constant 4128 : i32
        %dma_start3A_283 = arith.constant 0 : i32
        %dma_start3A_284 = tpu.memref_slice %arg7[%arg0, %dma_start3A_282, %dma_start3A_283] : memref<2x16512x32xf32, #tpu.memory_space<hbm>> -> memref<1x1032x32xf32, #tpu.memory_space<hbm>>
        %dma_start3A_285 = tpu.memref_squeeze %dma_start3A_284 : memref<1x1032x32xf32, #tpu.memory_space<hbm>> -> memref<1032x32xf32, #tpu.memory_space<hbm>>
        tpu.enqueue_dma source(%arg12 : memref<1032x32xf32, #tpu.memory_space<vmem>>) target(%dma_start3A_285 : memref<1032x32xf32, #tpu.memory_space<hbm>>) target_semaphore(%run_scoped3A_277 : memref<!tpu.dma_semaphore, #tpu.memory_space<semaphore_mem>>)
        %dma_wait3A_286 = arith.constant 4128 : i32
        %dma_wait3A_287 = arith.constant 0 : i32
        %dma_wait3A_288 = tpu.memref_slice %arg7[%arg0, %dma_wait3A_286, %dma_wait3A_287] : memref<2x16512x32xf32, #tpu.memory_space<hbm>> -> memref<1x1032x32xf32, #tpu.memory_space<hbm>>
        %dma_wait3A_289 = tpu.memref_squeeze %dma_wait3A_288 : memref<1x1032x32xf32, #tpu.memory_space<hbm>> -> memref<1032x32xf32, #tpu.memory_space<hbm>>
        %dma_wait3A_290 = arith.constant 4128 : i32
        %dma_wait3A_291 = arith.constant 0 : i32
        %dma_wait3A_292 = tpu.memref_slice %arg7[%arg0, %dma_wait3A_290, %dma_wait3A_291] : memref<2x16512x32xf32, #tpu.memory_space<hbm>> -> memref<1x1032x32xf32, #tpu.memory_space<hbm>>
        %dma_wait3A_293 = tpu.memref_squeeze %dma_wait3A_292 : memref<1x1032x32xf32, #tpu.memory_space<hbm>> -> memref<1032x32xf32, #tpu.memory_space<hbm>>
        tpu.wait_dma2 semaphore(%run_scoped3A_277 : memref<!tpu.dma_semaphore, #tpu.memory_space<semaphore_mem>>) src(%arg12 : memref<1032x32xf32, #tpu.memory_space<vmem>>) dst(%dma_wait3A_293 : memref<1032x32xf32, #tpu.memory_space<hbm>>)
        tpu.yield
      }) : () -> ()
      "tpu.region"() ({
        %run_scoped3A_277 = tpu.sem_alloc : memref<!tpu.dma_semaphore, #tpu.memory_space<semaphore_mem>>
        %dma_start3A_278 = arith.constant 4128 : i32
        %dma_start3A_279 = arith.constant 0 : i32
        %dma_start3A_280 = tpu.memref_slice %arg19[%dma_start3A_278, %dma_start3A_279] : memref<16512x8xf32, #tpu.memory_space<vmem_shared>> -> memref<1032x8xf32, #tpu.memory_space<vmem_shared>>
        %dma_start3A_281 = arith.constant 4128 : i32
        %dma_start3A_282 = arith.constant 0 : i32
        %dma_start3A_283 = tpu.memref_slice %arg19[%dma_start3A_281, %dma_start3A_282] : memref<16512x8xf32, #tpu.memory_space<vmem_shared>> -> memref<1032x8xf32, #tpu.memory_space<vmem_shared>>
        tpu.enqueue_dma source(%dma_start3A_283 : memref<1032x8xf32, #tpu.memory_space<vmem_shared>>) target(%arg13 : memref<1032x8xf32, #tpu.memory_space<vmem>>) target_semaphore(%run_scoped3A_277 : memref<!tpu.dma_semaphore, #tpu.memory_space<semaphore_mem>>)
        %dma_wait3A_284 = arith.constant 4128 : i32
        %dma_wait3A_285 = arith.constant 0 : i32
        %dma_wait3A_286 = tpu.memref_slice %arg19[%dma_wait3A_284, %dma_wait3A_285] : memref<16512x8xf32, #tpu.memory_space<vmem_shared>> -> memref<1032x8xf32, #tpu.memory_space<vmem_shared>>
        %dma_wait3A_287 = arith.constant 4128 : i32
        %dma_wait3A_288 = arith.constant 0 : i32
        %dma_wait3A_289 = tpu.memref_slice %arg19[%dma_wait3A_287, %dma_wait3A_288] : memref<16512x8xf32, #tpu.memory_space<vmem_shared>> -> memref<1032x8xf32, #tpu.memory_space<vmem_shared>>
        tpu.wait_dma2 semaphore(%run_scoped3A_277 : memref<!tpu.dma_semaphore, #tpu.memory_space<semaphore_mem>>) src(%dma_wait3A_289 : memref<1032x8xf32, #tpu.memory_space<vmem_shared>>) dst(%arg13 : memref<1032x8xf32, #tpu.memory_space<vmem>>)
        tpu.yield
      }) : () -> ()
      "tpu.region"() ({
        %run_scoped3A_277 = tpu.sem_alloc : memref<!tpu.dma_semaphore, #tpu.memory_space<semaphore_mem>>
        %dma_start3A_278 = arith.constant 4128 : i32
        %dma_start3A_279 = arith.constant 0 : i32
        %dma_start3A_280 = tpu.memref_slice %arg8[%arg0, %dma_start3A_278, %dma_start3A_279] : memref<2x16512x8xf32, #tpu.memory_space<hbm>> -> memref<1x1032x8xf32, #tpu.memory_space<hbm>>
        %dma_start3A_281 = tpu.memref_squeeze %dma_start3A_280 : memref<1x1032x8xf32, #tpu.memory_space<hbm>> -> memref<1032x8xf32, #tpu.memory_space<hbm>>
        %dma_start3A_282 = arith.constant 4128 : i32
        %dma_start3A_283 = arith.constant 0 : i32
        %dma_start3A_284 = tpu.memref_slice %arg8[%arg0, %dma_start3A_282, %dma_start3A_283] : memref<2x16512x8xf32, #tpu.memory_space<hbm>> -> memref<1x1032x8xf32, #tpu.memory_space<hbm>>
        %dma_start3A_285 = tpu.memref_squeeze %dma_start3A_284 : memref<1x1032x8xf32, #tpu.memory_space<hbm>> -> memref<1032x8xf32, #tpu.memory_space<hbm>>
        tpu.enqueue_dma source(%arg13 : memref<1032x8xf32, #tpu.memory_space<vmem>>) target(%dma_start3A_285 : memref<1032x8xf32, #tpu.memory_space<hbm>>) target_semaphore(%run_scoped3A_277 : memref<!tpu.dma_semaphore, #tpu.memory_space<semaphore_mem>>)
        %dma_wait3A_286 = arith.constant 4128 : i32
        %dma_wait3A_287 = arith.constant 0 : i32
        %dma_wait3A_288 = tpu.memref_slice %arg8[%arg0, %dma_wait3A_286, %dma_wait3A_287] : memref<2x16512x8xf32, #tpu.memory_space<hbm>> -> memref<1x1032x8xf32, #tpu.memory_space<hbm>>
        %dma_wait3A_289 = tpu.memref_squeeze %dma_wait3A_288 : memref<1x1032x8xf32, #tpu.memory_space<hbm>> -> memref<1032x8xf32, #tpu.memory_space<hbm>>
        %dma_wait3A_290 = arith.constant 4128 : i32
        %dma_wait3A_291 = arith.constant 0 : i32
        %dma_wait3A_292 = tpu.memref_slice %arg8[%arg0, %dma_wait3A_290, %dma_wait3A_291] : memref<2x16512x8xf32, #tpu.memory_space<hbm>> -> memref<1x1032x8xf32, #tpu.memory_space<hbm>>
        %dma_wait3A_293 = tpu.memref_squeeze %dma_wait3A_292 : memref<1x1032x8xf32, #tpu.memory_space<hbm>> -> memref<1032x8xf32, #tpu.memory_space<hbm>>
        tpu.wait_dma2 semaphore(%run_scoped3A_277 : memref<!tpu.dma_semaphore, #tpu.memory_space<semaphore_mem>>) src(%arg13 : memref<1032x8xf32, #tpu.memory_space<vmem>>) dst(%dma_wait3A_293 : memref<1032x8xf32, #tpu.memory_space<hbm>>)
        tpu.yield
      }) : () -> ()
    } else {
    }
    %eq3A_222 = arith.constant 5 : i32
    %eq3A_223 = arith.cmpi eq, %arg1, %eq3A_222 : i32
    %convert_element_type3A_224 = arith.extui %eq3A_223 : i1 to i32
    %cond3A_225 = arith.constant 0 : i32
    %cond3A_226 = arith.cmpi ne, %convert_element_type3A_224, %cond3A_225 : i32
    scf.if %cond3A_226 {
      "tpu.region"() ({
        %run_scoped3A_277 = tpu.sem_alloc : memref<!tpu.dma_semaphore, #tpu.memory_space<semaphore_mem>>
        %dma_start3A_278 = arith.constant 5160 : i32
        %dma_start3A_279 = arith.constant 0 : i32
        %dma_start3A_280 = tpu.memref_slice %arg18[%dma_start3A_278, %dma_start3A_279] : memref<16512x32xf32, #tpu.memory_space<vmem_shared>> -> memref<1032x32xf32, #tpu.memory_space<vmem_shared>>
        %dma_start3A_281 = arith.constant 5160 : i32
        %dma_start3A_282 = arith.constant 0 : i32
        %dma_start3A_283 = tpu.memref_slice %arg18[%dma_start3A_281, %dma_start3A_282] : memref<16512x32xf32, #tpu.memory_space<vmem_shared>> -> memref<1032x32xf32, #tpu.memory_space<vmem_shared>>
        tpu.enqueue_dma source(%dma_start3A_283 : memref<1032x32xf32, #tpu.memory_space<vmem_shared>>) target(%arg12 : memref<1032x32xf32, #tpu.memory_space<vmem>>) target_semaphore(%run_scoped3A_277 : memref<!tpu.dma_semaphore, #tpu.memory_space<semaphore_mem>>)
        %dma_wait3A_284 = arith.constant 5160 : i32
        %dma_wait3A_285 = arith.constant 0 : i32
        %dma_wait3A_286 = tpu.memref_slice %arg18[%dma_wait3A_284, %dma_wait3A_285] : memref<16512x32xf32, #tpu.memory_space<vmem_shared>> -> memref<1032x32xf32, #tpu.memory_space<vmem_shared>>
        %dma_wait3A_287 = arith.constant 5160 : i32
        %dma_wait3A_288 = arith.constant 0 : i32
        %dma_wait3A_289 = tpu.memref_slice %arg18[%dma_wait3A_287, %dma_wait3A_288] : memref<16512x32xf32, #tpu.memory_space<vmem_shared>> -> memref<1032x32xf32, #tpu.memory_space<vmem_shared>>
        tpu.wait_dma2 semaphore(%run_scoped3A_277 : memref<!tpu.dma_semaphore, #tpu.memory_space<semaphore_mem>>) src(%dma_wait3A_289 : memref<1032x32xf32, #tpu.memory_space<vmem_shared>>) dst(%arg12 : memref<1032x32xf32, #tpu.memory_space<vmem>>)
        tpu.yield
      }) : () -> ()
      "tpu.region"() ({
        %run_scoped3A_277 = tpu.sem_alloc : memref<!tpu.dma_semaphore, #tpu.memory_space<semaphore_mem>>
        %dma_start3A_278 = arith.constant 5160 : i32
        %dma_start3A_279 = arith.constant 0 : i32
        %dma_start3A_280 = tpu.memref_slice %arg7[%arg0, %dma_start3A_278, %dma_start3A_279] : memref<2x16512x32xf32, #tpu.memory_space<hbm>> -> memref<1x1032x32xf32, #tpu.memory_space<hbm>>
        %dma_start3A_281 = tpu.memref_squeeze %dma_start3A_280 : memref<1x1032x32xf32, #tpu.memory_space<hbm>> -> memref<1032x32xf32, #tpu.memory_space<hbm>>
        %dma_start3A_282 = arith.constant 5160 : i32
        %dma_start3A_283 = arith.constant 0 : i32
        %dma_start3A_284 = tpu.memref_slice %arg7[%arg0, %dma_start3A_282, %dma_start3A_283] : memref<2x16512x32xf32, #tpu.memory_space<hbm>> -> memref<1x1032x32xf32, #tpu.memory_space<hbm>>
        %dma_start3A_285 = tpu.memref_squeeze %dma_start3A_284 : memref<1x1032x32xf32, #tpu.memory_space<hbm>> -> memref<1032x32xf32, #tpu.memory_space<hbm>>
        tpu.enqueue_dma source(%arg12 : memref<1032x32xf32, #tpu.memory_space<vmem>>) target(%dma_start3A_285 : memref<1032x32xf32, #tpu.memory_space<hbm>>) target_semaphore(%run_scoped3A_277 : memref<!tpu.dma_semaphore, #tpu.memory_space<semaphore_mem>>)
        %dma_wait3A_286 = arith.constant 5160 : i32
        %dma_wait3A_287 = arith.constant 0 : i32
        %dma_wait3A_288 = tpu.memref_slice %arg7[%arg0, %dma_wait3A_286, %dma_wait3A_287] : memref<2x16512x32xf32, #tpu.memory_space<hbm>> -> memref<1x1032x32xf32, #tpu.memory_space<hbm>>
        %dma_wait3A_289 = tpu.memref_squeeze %dma_wait3A_288 : memref<1x1032x32xf32, #tpu.memory_space<hbm>> -> memref<1032x32xf32, #tpu.memory_space<hbm>>
        %dma_wait3A_290 = arith.constant 5160 : i32
        %dma_wait3A_291 = arith.constant 0 : i32
        %dma_wait3A_292 = tpu.memref_slice %arg7[%arg0, %dma_wait3A_290, %dma_wait3A_291] : memref<2x16512x32xf32, #tpu.memory_space<hbm>> -> memref<1x1032x32xf32, #tpu.memory_space<hbm>>
        %dma_wait3A_293 = tpu.memref_squeeze %dma_wait3A_292 : memref<1x1032x32xf32, #tpu.memory_space<hbm>> -> memref<1032x32xf32, #tpu.memory_space<hbm>>
        tpu.wait_dma2 semaphore(%run_scoped3A_277 : memref<!tpu.dma_semaphore, #tpu.memory_space<semaphore_mem>>) src(%arg12 : memref<1032x32xf32, #tpu.memory_space<vmem>>) dst(%dma_wait3A_293 : memref<1032x32xf32, #tpu.memory_space<hbm>>)
        tpu.yield
      }) : () -> ()
      "tpu.region"() ({
        %run_scoped3A_277 = tpu.sem_alloc : memref<!tpu.dma_semaphore, #tpu.memory_space<semaphore_mem>>
        %dma_start3A_278 = arith.constant 5160 : i32
        %dma_start3A_279 = arith.constant 0 : i32
        %dma_start3A_280 = tpu.memref_slice %arg19[%dma_start3A_278, %dma_start3A_279] : memref<16512x8xf32, #tpu.memory_space<vmem_shared>> -> memref<1032x8xf32, #tpu.memory_space<vmem_shared>>
        %dma_start3A_281 = arith.constant 5160 : i32
        %dma_start3A_282 = arith.constant 0 : i32
        %dma_start3A_283 = tpu.memref_slice %arg19[%dma_start3A_281, %dma_start3A_282] : memref<16512x8xf32, #tpu.memory_space<vmem_shared>> -> memref<1032x8xf32, #tpu.memory_space<vmem_shared>>
        tpu.enqueue_dma source(%dma_start3A_283 : memref<1032x8xf32, #tpu.memory_space<vmem_shared>>) target(%arg13 : memref<1032x8xf32, #tpu.memory_space<vmem>>) target_semaphore(%run_scoped3A_277 : memref<!tpu.dma_semaphore, #tpu.memory_space<semaphore_mem>>)
        %dma_wait3A_284 = arith.constant 5160 : i32
        %dma_wait3A_285 = arith.constant 0 : i32
        %dma_wait3A_286 = tpu.memref_slice %arg19[%dma_wait3A_284, %dma_wait3A_285] : memref<16512x8xf32, #tpu.memory_space<vmem_shared>> -> memref<1032x8xf32, #tpu.memory_space<vmem_shared>>
        %dma_wait3A_287 = arith.constant 5160 : i32
        %dma_wait3A_288 = arith.constant 0 : i32
        %dma_wait3A_289 = tpu.memref_slice %arg19[%dma_wait3A_287, %dma_wait3A_288] : memref<16512x8xf32, #tpu.memory_space<vmem_shared>> -> memref<1032x8xf32, #tpu.memory_space<vmem_shared>>
        tpu.wait_dma2 semaphore(%run_scoped3A_277 : memref<!tpu.dma_semaphore, #tpu.memory_space<semaphore_mem>>) src(%dma_wait3A_289 : memref<1032x8xf32, #tpu.memory_space<vmem_shared>>) dst(%arg13 : memref<1032x8xf32, #tpu.memory_space<vmem>>)
        tpu.yield
      }) : () -> ()
      "tpu.region"() ({
        %run_scoped3A_277 = tpu.sem_alloc : memref<!tpu.dma_semaphore, #tpu.memory_space<semaphore_mem>>
        %dma_start3A_278 = arith.constant 5160 : i32
        %dma_start3A_279 = arith.constant 0 : i32
        %dma_start3A_280 = tpu.memref_slice %arg8[%arg0, %dma_start3A_278, %dma_start3A_279] : memref<2x16512x8xf32, #tpu.memory_space<hbm>> -> memref<1x1032x8xf32, #tpu.memory_space<hbm>>
        %dma_start3A_281 = tpu.memref_squeeze %dma_start3A_280 : memref<1x1032x8xf32, #tpu.memory_space<hbm>> -> memref<1032x8xf32, #tpu.memory_space<hbm>>
        %dma_start3A_282 = arith.constant 5160 : i32
        %dma_start3A_283 = arith.constant 0 : i32
        %dma_start3A_284 = tpu.memref_slice %arg8[%arg0, %dma_start3A_282, %dma_start3A_283] : memref<2x16512x8xf32, #tpu.memory_space<hbm>> -> memref<1x1032x8xf32, #tpu.memory_space<hbm>>
        %dma_start3A_285 = tpu.memref_squeeze %dma_start3A_284 : memref<1x1032x8xf32, #tpu.memory_space<hbm>> -> memref<1032x8xf32, #tpu.memory_space<hbm>>
        tpu.enqueue_dma source(%arg13 : memref<1032x8xf32, #tpu.memory_space<vmem>>) target(%dma_start3A_285 : memref<1032x8xf32, #tpu.memory_space<hbm>>) target_semaphore(%run_scoped3A_277 : memref<!tpu.dma_semaphore, #tpu.memory_space<semaphore_mem>>)
        %dma_wait3A_286 = arith.constant 5160 : i32
        %dma_wait3A_287 = arith.constant 0 : i32
        %dma_wait3A_288 = tpu.memref_slice %arg8[%arg0, %dma_wait3A_286, %dma_wait3A_287] : memref<2x16512x8xf32, #tpu.memory_space<hbm>> -> memref<1x1032x8xf32, #tpu.memory_space<hbm>>
        %dma_wait3A_289 = tpu.memref_squeeze %dma_wait3A_288 : memref<1x1032x8xf32, #tpu.memory_space<hbm>> -> memref<1032x8xf32, #tpu.memory_space<hbm>>
        %dma_wait3A_290 = arith.constant 5160 : i32
        %dma_wait3A_291 = arith.constant 0 : i32
        %dma_wait3A_292 = tpu.memref_slice %arg8[%arg0, %dma_wait3A_290, %dma_wait3A_291] : memref<2x16512x8xf32, #tpu.memory_space<hbm>> -> memref<1x1032x8xf32, #tpu.memory_space<hbm>>
        %dma_wait3A_293 = tpu.memref_squeeze %dma_wait3A_292 : memref<1x1032x8xf32, #tpu.memory_space<hbm>> -> memref<1032x8xf32, #tpu.memory_space<hbm>>
        tpu.wait_dma2 semaphore(%run_scoped3A_277 : memref<!tpu.dma_semaphore, #tpu.memory_space<semaphore_mem>>) src(%arg13 : memref<1032x8xf32, #tpu.memory_space<vmem>>) dst(%dma_wait3A_293 : memref<1032x8xf32, #tpu.memory_space<hbm>>)
        tpu.yield
      }) : () -> ()
    } else {
    }
    %eq3A_227 = arith.constant 6 : i32
    %eq3A_228 = arith.cmpi eq, %arg1, %eq3A_227 : i32
    %convert_element_type3A_229 = arith.extui %eq3A_228 : i1 to i32
    %cond3A_230 = arith.constant 0 : i32
    %cond3A_231 = arith.cmpi ne, %convert_element_type3A_229, %cond3A_230 : i32
    scf.if %cond3A_231 {
      "tpu.region"() ({
        %run_scoped3A_277 = tpu.sem_alloc : memref<!tpu.dma_semaphore, #tpu.memory_space<semaphore_mem>>
        %dma_start3A_278 = arith.constant 6192 : i32
        %dma_start3A_279 = arith.constant 0 : i32
        %dma_start3A_280 = tpu.memref_slice %arg18[%dma_start3A_278, %dma_start3A_279] : memref<16512x32xf32, #tpu.memory_space<vmem_shared>> -> memref<1032x32xf32, #tpu.memory_space<vmem_shared>>
        %dma_start3A_281 = arith.constant 6192 : i32
        %dma_start3A_282 = arith.constant 0 : i32
        %dma_start3A_283 = tpu.memref_slice %arg18[%dma_start3A_281, %dma_start3A_282] : memref<16512x32xf32, #tpu.memory_space<vmem_shared>> -> memref<1032x32xf32, #tpu.memory_space<vmem_shared>>
        tpu.enqueue_dma source(%dma_start3A_283 : memref<1032x32xf32, #tpu.memory_space<vmem_shared>>) target(%arg12 : memref<1032x32xf32, #tpu.memory_space<vmem>>) target_semaphore(%run_scoped3A_277 : memref<!tpu.dma_semaphore, #tpu.memory_space<semaphore_mem>>)
        %dma_wait3A_284 = arith.constant 6192 : i32
        %dma_wait3A_285 = arith.constant 0 : i32
        %dma_wait3A_286 = tpu.memref_slice %arg18[%dma_wait3A_284, %dma_wait3A_285] : memref<16512x32xf32, #tpu.memory_space<vmem_shared>> -> memref<1032x32xf32, #tpu.memory_space<vmem_shared>>
        %dma_wait3A_287 = arith.constant 6192 : i32
        %dma_wait3A_288 = arith.constant 0 : i32
        %dma_wait3A_289 = tpu.memref_slice %arg18[%dma_wait3A_287, %dma_wait3A_288] : memref<16512x32xf32, #tpu.memory_space<vmem_shared>> -> memref<1032x32xf32, #tpu.memory_space<vmem_shared>>
        tpu.wait_dma2 semaphore(%run_scoped3A_277 : memref<!tpu.dma_semaphore, #tpu.memory_space<semaphore_mem>>) src(%dma_wait3A_289 : memref<1032x32xf32, #tpu.memory_space<vmem_shared>>) dst(%arg12 : memref<1032x32xf32, #tpu.memory_space<vmem>>)
        tpu.yield
      }) : () -> ()
      "tpu.region"() ({
        %run_scoped3A_277 = tpu.sem_alloc : memref<!tpu.dma_semaphore, #tpu.memory_space<semaphore_mem>>
        %dma_start3A_278 = arith.constant 6192 : i32
        %dma_start3A_279 = arith.constant 0 : i32
        %dma_start3A_280 = tpu.memref_slice %arg7[%arg0, %dma_start3A_278, %dma_start3A_279] : memref<2x16512x32xf32, #tpu.memory_space<hbm>> -> memref<1x1032x32xf32, #tpu.memory_space<hbm>>
        %dma_start3A_281 = tpu.memref_squeeze %dma_start3A_280 : memref<1x1032x32xf32, #tpu.memory_space<hbm>> -> memref<1032x32xf32, #tpu.memory_space<hbm>>
        %dma_start3A_282 = arith.constant 6192 : i32
        %dma_start3A_283 = arith.constant 0 : i32
        %dma_start3A_284 = tpu.memref_slice %arg7[%arg0, %dma_start3A_282, %dma_start3A_283] : memref<2x16512x32xf32, #tpu.memory_space<hbm>> -> memref<1x1032x32xf32, #tpu.memory_space<hbm>>
        %dma_start3A_285 = tpu.memref_squeeze %dma_start3A_284 : memref<1x1032x32xf32, #tpu.memory_space<hbm>> -> memref<1032x32xf32, #tpu.memory_space<hbm>>
        tpu.enqueue_dma source(%arg12 : memref<1032x32xf32, #tpu.memory_space<vmem>>) target(%dma_start3A_285 : memref<1032x32xf32, #tpu.memory_space<hbm>>) target_semaphore(%run_scoped3A_277 : memref<!tpu.dma_semaphore, #tpu.memory_space<semaphore_mem>>)
        %dma_wait3A_286 = arith.constant 6192 : i32
        %dma_wait3A_287 = arith.constant 0 : i32
        %dma_wait3A_288 = tpu.memref_slice %arg7[%arg0, %dma_wait3A_286, %dma_wait3A_287] : memref<2x16512x32xf32, #tpu.memory_space<hbm>> -> memref<1x1032x32xf32, #tpu.memory_space<hbm>>
        %dma_wait3A_289 = tpu.memref_squeeze %dma_wait3A_288 : memref<1x1032x32xf32, #tpu.memory_space<hbm>> -> memref<1032x32xf32, #tpu.memory_space<hbm>>
        %dma_wait3A_290 = arith.constant 6192 : i32
        %dma_wait3A_291 = arith.constant 0 : i32
        %dma_wait3A_292 = tpu.memref_slice %arg7[%arg0, %dma_wait3A_290, %dma_wait3A_291] : memref<2x16512x32xf32, #tpu.memory_space<hbm>> -> memref<1x1032x32xf32, #tpu.memory_space<hbm>>
        %dma_wait3A_293 = tpu.memref_squeeze %dma_wait3A_292 : memref<1x1032x32xf32, #tpu.memory_space<hbm>> -> memref<1032x32xf32, #tpu.memory_space<hbm>>
        tpu.wait_dma2 semaphore(%run_scoped3A_277 : memref<!tpu.dma_semaphore, #tpu.memory_space<semaphore_mem>>) src(%arg12 : memref<1032x32xf32, #tpu.memory_space<vmem>>) dst(%dma_wait3A_293 : memref<1032x32xf32, #tpu.memory_space<hbm>>)
        tpu.yield
      }) : () -> ()
      "tpu.region"() ({
        %run_scoped3A_277 = tpu.sem_alloc : memref<!tpu.dma_semaphore, #tpu.memory_space<semaphore_mem>>
        %dma_start3A_278 = arith.constant 6192 : i32
        %dma_start3A_279 = arith.constant 0 : i32
        %dma_start3A_280 = tpu.memref_slice %arg19[%dma_start3A_278, %dma_start3A_279] : memref<16512x8xf32, #tpu.memory_space<vmem_shared>> -> memref<1032x8xf32, #tpu.memory_space<vmem_shared>>
        %dma_start3A_281 = arith.constant 6192 : i32
        %dma_start3A_282 = arith.constant 0 : i32
        %dma_start3A_283 = tpu.memref_slice %arg19[%dma_start3A_281, %dma_start3A_282] : memref<16512x8xf32, #tpu.memory_space<vmem_shared>> -> memref<1032x8xf32, #tpu.memory_space<vmem_shared>>
        tpu.enqueue_dma source(%dma_start3A_283 : memref<1032x8xf32, #tpu.memory_space<vmem_shared>>) target(%arg13 : memref<1032x8xf32, #tpu.memory_space<vmem>>) target_semaphore(%run_scoped3A_277 : memref<!tpu.dma_semaphore, #tpu.memory_space<semaphore_mem>>)
        %dma_wait3A_284 = arith.constant 6192 : i32
        %dma_wait3A_285 = arith.constant 0 : i32
        %dma_wait3A_286 = tpu.memref_slice %arg19[%dma_wait3A_284, %dma_wait3A_285] : memref<16512x8xf32, #tpu.memory_space<vmem_shared>> -> memref<1032x8xf32, #tpu.memory_space<vmem_shared>>
        %dma_wait3A_287 = arith.constant 6192 : i32
        %dma_wait3A_288 = arith.constant 0 : i32
        %dma_wait3A_289 = tpu.memref_slice %arg19[%dma_wait3A_287, %dma_wait3A_288] : memref<16512x8xf32, #tpu.memory_space<vmem_shared>> -> memref<1032x8xf32, #tpu.memory_space<vmem_shared>>
        tpu.wait_dma2 semaphore(%run_scoped3A_277 : memref<!tpu.dma_semaphore, #tpu.memory_space<semaphore_mem>>) src(%dma_wait3A_289 : memref<1032x8xf32, #tpu.memory_space<vmem_shared>>) dst(%arg13 : memref<1032x8xf32, #tpu.memory_space<vmem>>)
        tpu.yield
      }) : () -> ()
      "tpu.region"() ({
        %run_scoped3A_277 = tpu.sem_alloc : memref<!tpu.dma_semaphore, #tpu.memory_space<semaphore_mem>>
        %dma_start3A_278 = arith.constant 6192 : i32
        %dma_start3A_279 = arith.constant 0 : i32
        %dma_start3A_280 = tpu.memref_slice %arg8[%arg0, %dma_start3A_278, %dma_start3A_279] : memref<2x16512x8xf32, #tpu.memory_space<hbm>> -> memref<1x1032x8xf32, #tpu.memory_space<hbm>>
        %dma_start3A_281 = tpu.memref_squeeze %dma_start3A_280 : memref<1x1032x8xf32, #tpu.memory_space<hbm>> -> memref<1032x8xf32, #tpu.memory_space<hbm>>
        %dma_start3A_282 = arith.constant 6192 : i32
        %dma_start3A_283 = arith.constant 0 : i32
        %dma_start3A_284 = tpu.memref_slice %arg8[%arg0, %dma_start3A_282, %dma_start3A_283] : memref<2x16512x8xf32, #tpu.memory_space<hbm>> -> memref<1x1032x8xf32, #tpu.memory_space<hbm>>
        %dma_start3A_285 = tpu.memref_squeeze %dma_start3A_284 : memref<1x1032x8xf32, #tpu.memory_space<hbm>> -> memref<1032x8xf32, #tpu.memory_space<hbm>>
        tpu.enqueue_dma source(%arg13 : memref<1032x8xf32, #tpu.memory_space<vmem>>) target(%dma_start3A_285 : memref<1032x8xf32, #tpu.memory_space<hbm>>) target_semaphore(%run_scoped3A_277 : memref<!tpu.dma_semaphore, #tpu.memory_space<semaphore_mem>>)
        %dma_wait3A_286 = arith.constant 6192 : i32
        %dma_wait3A_287 = arith.constant 0 : i32
        %dma_wait3A_288 = tpu.memref_slice %arg8[%arg0, %dma_wait3A_286, %dma_wait3A_287] : memref<2x16512x8xf32, #tpu.memory_space<hbm>> -> memref<1x1032x8xf32, #tpu.memory_space<hbm>>
        %dma_wait3A_289 = tpu.memref_squeeze %dma_wait3A_288 : memref<1x1032x8xf32, #tpu.memory_space<hbm>> -> memref<1032x8xf32, #tpu.memory_space<hbm>>
        %dma_wait3A_290 = arith.constant 6192 : i32
        %dma_wait3A_291 = arith.constant 0 : i32
        %dma_wait3A_292 = tpu.memref_slice %arg8[%arg0, %dma_wait3A_290, %dma_wait3A_291] : memref<2x16512x8xf32, #tpu.memory_space<hbm>> -> memref<1x1032x8xf32, #tpu.memory_space<hbm>>
        %dma_wait3A_293 = tpu.memref_squeeze %dma_wait3A_292 : memref<1x1032x8xf32, #tpu.memory_space<hbm>> -> memref<1032x8xf32, #tpu.memory_space<hbm>>
        tpu.wait_dma2 semaphore(%run_scoped3A_277 : memref<!tpu.dma_semaphore, #tpu.memory_space<semaphore_mem>>) src(%arg13 : memref<1032x8xf32, #tpu.memory_space<vmem>>) dst(%dma_wait3A_293 : memref<1032x8xf32, #tpu.memory_space<hbm>>)
        tpu.yield
      }) : () -> ()
    } else {
    }
    %eq3A_232 = arith.constant 7 : i32
    %eq3A_233 = arith.cmpi eq, %arg1, %eq3A_232 : i32
    %convert_element_type3A_234 = arith.extui %eq3A_233 : i1 to i32
    %cond3A_235 = arith.constant 0 : i32
    %cond3A_236 = arith.cmpi ne, %convert_element_type3A_234, %cond3A_235 : i32
    scf.if %cond3A_236 {
      "tpu.region"() ({
        %run_scoped3A_277 = tpu.sem_alloc : memref<!tpu.dma_semaphore, #tpu.memory_space<semaphore_mem>>
        %dma_start3A_278 = arith.constant 7224 : i32
        %dma_start3A_279 = arith.constant 0 : i32
        %dma_start3A_280 = tpu.memref_slice %arg18[%dma_start3A_278, %dma_start3A_279] : memref<16512x32xf32, #tpu.memory_space<vmem_shared>> -> memref<1032x32xf32, #tpu.memory_space<vmem_shared>>
        %dma_start3A_281 = arith.constant 7224 : i32
        %dma_start3A_282 = arith.constant 0 : i32
        %dma_start3A_283 = tpu.memref_slice %arg18[%dma_start3A_281, %dma_start3A_282] : memref<16512x32xf32, #tpu.memory_space<vmem_shared>> -> memref<1032x32xf32, #tpu.memory_space<vmem_shared>>
        tpu.enqueue_dma source(%dma_start3A_283 : memref<1032x32xf32, #tpu.memory_space<vmem_shared>>) target(%arg12 : memref<1032x32xf32, #tpu.memory_space<vmem>>) target_semaphore(%run_scoped3A_277 : memref<!tpu.dma_semaphore, #tpu.memory_space<semaphore_mem>>)
        %dma_wait3A_284 = arith.constant 7224 : i32
        %dma_wait3A_285 = arith.constant 0 : i32
        %dma_wait3A_286 = tpu.memref_slice %arg18[%dma_wait3A_284, %dma_wait3A_285] : memref<16512x32xf32, #tpu.memory_space<vmem_shared>> -> memref<1032x32xf32, #tpu.memory_space<vmem_shared>>
        %dma_wait3A_287 = arith.constant 7224 : i32
        %dma_wait3A_288 = arith.constant 0 : i32
        %dma_wait3A_289 = tpu.memref_slice %arg18[%dma_wait3A_287, %dma_wait3A_288] : memref<16512x32xf32, #tpu.memory_space<vmem_shared>> -> memref<1032x32xf32, #tpu.memory_space<vmem_shared>>
        tpu.wait_dma2 semaphore(%run_scoped3A_277 : memref<!tpu.dma_semaphore, #tpu.memory_space<semaphore_mem>>) src(%dma_wait3A_289 : memref<1032x32xf32, #tpu.memory_space<vmem_shared>>) dst(%arg12 : memref<1032x32xf32, #tpu.memory_space<vmem>>)
        tpu.yield
      }) : () -> ()
      "tpu.region"() ({
        %run_scoped3A_277 = tpu.sem_alloc : memref<!tpu.dma_semaphore, #tpu.memory_space<semaphore_mem>>
        %dma_start3A_278 = arith.constant 7224 : i32
        %dma_start3A_279 = arith.constant 0 : i32
        %dma_start3A_280 = tpu.memref_slice %arg7[%arg0, %dma_start3A_278, %dma_start3A_279] : memref<2x16512x32xf32, #tpu.memory_space<hbm>> -> memref<1x1032x32xf32, #tpu.memory_space<hbm>>
        %dma_start3A_281 = tpu.memref_squeeze %dma_start3A_280 : memref<1x1032x32xf32, #tpu.memory_space<hbm>> -> memref<1032x32xf32, #tpu.memory_space<hbm>>
        %dma_start3A_282 = arith.constant 7224 : i32
        %dma_start3A_283 = arith.constant 0 : i32
        %dma_start3A_284 = tpu.memref_slice %arg7[%arg0, %dma_start3A_282, %dma_start3A_283] : memref<2x16512x32xf32, #tpu.memory_space<hbm>> -> memref<1x1032x32xf32, #tpu.memory_space<hbm>>
        %dma_start3A_285 = tpu.memref_squeeze %dma_start3A_284 : memref<1x1032x32xf32, #tpu.memory_space<hbm>> -> memref<1032x32xf32, #tpu.memory_space<hbm>>
        tpu.enqueue_dma source(%arg12 : memref<1032x32xf32, #tpu.memory_space<vmem>>) target(%dma_start3A_285 : memref<1032x32xf32, #tpu.memory_space<hbm>>) target_semaphore(%run_scoped3A_277 : memref<!tpu.dma_semaphore, #tpu.memory_space<semaphore_mem>>)
        %dma_wait3A_286 = arith.constant 7224 : i32
        %dma_wait3A_287 = arith.constant 0 : i32
        %dma_wait3A_288 = tpu.memref_slice %arg7[%arg0, %dma_wait3A_286, %dma_wait3A_287] : memref<2x16512x32xf32, #tpu.memory_space<hbm>> -> memref<1x1032x32xf32, #tpu.memory_space<hbm>>
        %dma_wait3A_289 = tpu.memref_squeeze %dma_wait3A_288 : memref<1x1032x32xf32, #tpu.memory_space<hbm>> -> memref<1032x32xf32, #tpu.memory_space<hbm>>
        %dma_wait3A_290 = arith.constant 7224 : i32
        %dma_wait3A_291 = arith.constant 0 : i32
        %dma_wait3A_292 = tpu.memref_slice %arg7[%arg0, %dma_wait3A_290, %dma_wait3A_291] : memref<2x16512x32xf32, #tpu.memory_space<hbm>> -> memref<1x1032x32xf32, #tpu.memory_space<hbm>>
        %dma_wait3A_293 = tpu.memref_squeeze %dma_wait3A_292 : memref<1x1032x32xf32, #tpu.memory_space<hbm>> -> memref<1032x32xf32, #tpu.memory_space<hbm>>
        tpu.wait_dma2 semaphore(%run_scoped3A_277 : memref<!tpu.dma_semaphore, #tpu.memory_space<semaphore_mem>>) src(%arg12 : memref<1032x32xf32, #tpu.memory_space<vmem>>) dst(%dma_wait3A_293 : memref<1032x32xf32, #tpu.memory_space<hbm>>)
        tpu.yield
      }) : () -> ()
      "tpu.region"() ({
        %run_scoped3A_277 = tpu.sem_alloc : memref<!tpu.dma_semaphore, #tpu.memory_space<semaphore_mem>>
        %dma_start3A_278 = arith.constant 7224 : i32
        %dma_start3A_279 = arith.constant 0 : i32
        %dma_start3A_280 = tpu.memref_slice %arg19[%dma_start3A_278, %dma_start3A_279] : memref<16512x8xf32, #tpu.memory_space<vmem_shared>> -> memref<1032x8xf32, #tpu.memory_space<vmem_shared>>
        %dma_start3A_281 = arith.constant 7224 : i32
        %dma_start3A_282 = arith.constant 0 : i32
        %dma_start3A_283 = tpu.memref_slice %arg19[%dma_start3A_281, %dma_start3A_282] : memref<16512x8xf32, #tpu.memory_space<vmem_shared>> -> memref<1032x8xf32, #tpu.memory_space<vmem_shared>>
        tpu.enqueue_dma source(%dma_start3A_283 : memref<1032x8xf32, #tpu.memory_space<vmem_shared>>) target(%arg13 : memref<1032x8xf32, #tpu.memory_space<vmem>>) target_semaphore(%run_scoped3A_277 : memref<!tpu.dma_semaphore, #tpu.memory_space<semaphore_mem>>)
        %dma_wait3A_284 = arith.constant 7224 : i32
        %dma_wait3A_285 = arith.constant 0 : i32
        %dma_wait3A_286 = tpu.memref_slice %arg19[%dma_wait3A_284, %dma_wait3A_285] : memref<16512x8xf32, #tpu.memory_space<vmem_shared>> -> memref<1032x8xf32, #tpu.memory_space<vmem_shared>>
        %dma_wait3A_287 = arith.constant 7224 : i32
        %dma_wait3A_288 = arith.constant 0 : i32
        %dma_wait3A_289 = tpu.memref_slice %arg19[%dma_wait3A_287, %dma_wait3A_288] : memref<16512x8xf32, #tpu.memory_space<vmem_shared>> -> memref<1032x8xf32, #tpu.memory_space<vmem_shared>>
        tpu.wait_dma2 semaphore(%run_scoped3A_277 : memref<!tpu.dma_semaphore, #tpu.memory_space<semaphore_mem>>) src(%dma_wait3A_289 : memref<1032x8xf32, #tpu.memory_space<vmem_shared>>) dst(%arg13 : memref<1032x8xf32, #tpu.memory_space<vmem>>)
        tpu.yield
      }) : () -> ()
      "tpu.region"() ({
        %run_scoped3A_277 = tpu.sem_alloc : memref<!tpu.dma_semaphore, #tpu.memory_space<semaphore_mem>>
        %dma_start3A_278 = arith.constant 7224 : i32
        %dma_start3A_279 = arith.constant 0 : i32
        %dma_start3A_280 = tpu.memref_slice %arg8[%arg0, %dma_start3A_278, %dma_start3A_279] : memref<2x16512x8xf32, #tpu.memory_space<hbm>> -> memref<1x1032x8xf32, #tpu.memory_space<hbm>>
        %dma_start3A_281 = tpu.memref_squeeze %dma_start3A_280 : memref<1x1032x8xf32, #tpu.memory_space<hbm>> -> memref<1032x8xf32, #tpu.memory_space<hbm>>
        %dma_start3A_282 = arith.constant 7224 : i32
        %dma_start3A_283 = arith.constant 0 : i32
        %dma_start3A_284 = tpu.memref_slice %arg8[%arg0, %dma_start3A_282, %dma_start3A_283] : memref<2x16512x8xf32, #tpu.memory_space<hbm>> -> memref<1x1032x8xf32, #tpu.memory_space<hbm>>
        %dma_start3A_285 = tpu.memref_squeeze %dma_start3A_284 : memref<1x1032x8xf32, #tpu.memory_space<hbm>> -> memref<1032x8xf32, #tpu.memory_space<hbm>>
        tpu.enqueue_dma source(%arg13 : memref<1032x8xf32, #tpu.memory_space<vmem>>) target(%dma_start3A_285 : memref<1032x8xf32, #tpu.memory_space<hbm>>) target_semaphore(%run_scoped3A_277 : memref<!tpu.dma_semaphore, #tpu.memory_space<semaphore_mem>>)
        %dma_wait3A_286 = arith.constant 7224 : i32
        %dma_wait3A_287 = arith.constant 0 : i32
        %dma_wait3A_288 = tpu.memref_slice %arg8[%arg0, %dma_wait3A_286, %dma_wait3A_287] : memref<2x16512x8xf32, #tpu.memory_space<hbm>> -> memref<1x1032x8xf32, #tpu.memory_space<hbm>>
        %dma_wait3A_289 = tpu.memref_squeeze %dma_wait3A_288 : memref<1x1032x8xf32, #tpu.memory_space<hbm>> -> memref<1032x8xf32, #tpu.memory_space<hbm>>
        %dma_wait3A_290 = arith.constant 7224 : i32
        %dma_wait3A_291 = arith.constant 0 : i32
        %dma_wait3A_292 = tpu.memref_slice %arg8[%arg0, %dma_wait3A_290, %dma_wait3A_291] : memref<2x16512x8xf32, #tpu.memory_space<hbm>> -> memref<1x1032x8xf32, #tpu.memory_space<hbm>>
        %dma_wait3A_293 = tpu.memref_squeeze %dma_wait3A_292 : memref<1x1032x8xf32, #tpu.memory_space<hbm>> -> memref<1032x8xf32, #tpu.memory_space<hbm>>
        tpu.wait_dma2 semaphore(%run_scoped3A_277 : memref<!tpu.dma_semaphore, #tpu.memory_space<semaphore_mem>>) src(%arg13 : memref<1032x8xf32, #tpu.memory_space<vmem>>) dst(%dma_wait3A_293 : memref<1032x8xf32, #tpu.memory_space<hbm>>)
        tpu.yield
      }) : () -> ()
    } else {
    }
    %eq3A_237 = arith.constant 8 : i32
    %eq3A_238 = arith.cmpi eq, %arg1, %eq3A_237 : i32
    %convert_element_type3A_239 = arith.extui %eq3A_238 : i1 to i32
    %cond3A_240 = arith.constant 0 : i32
    %cond3A_241 = arith.cmpi ne, %convert_element_type3A_239, %cond3A_240 : i32
    scf.if %cond3A_241 {
      "tpu.region"() ({
        %run_scoped3A_277 = tpu.sem_alloc : memref<!tpu.dma_semaphore, #tpu.memory_space<semaphore_mem>>
        %dma_start3A_278 = arith.constant 8256 : i32
        %dma_start3A_279 = arith.constant 0 : i32
        %dma_start3A_280 = tpu.memref_slice %arg18[%dma_start3A_278, %dma_start3A_279] : memref<16512x32xf32, #tpu.memory_space<vmem_shared>> -> memref<1032x32xf32, #tpu.memory_space<vmem_shared>>
        %dma_start3A_281 = arith.constant 8256 : i32
        %dma_start3A_282 = arith.constant 0 : i32
        %dma_start3A_283 = tpu.memref_slice %arg18[%dma_start3A_281, %dma_start3A_282] : memref<16512x32xf32, #tpu.memory_space<vmem_shared>> -> memref<1032x32xf32, #tpu.memory_space<vmem_shared>>
        tpu.enqueue_dma source(%dma_start3A_283 : memref<1032x32xf32, #tpu.memory_space<vmem_shared>>) target(%arg12 : memref<1032x32xf32, #tpu.memory_space<vmem>>) target_semaphore(%run_scoped3A_277 : memref<!tpu.dma_semaphore, #tpu.memory_space<semaphore_mem>>)
        %dma_wait3A_284 = arith.constant 8256 : i32
        %dma_wait3A_285 = arith.constant 0 : i32
        %dma_wait3A_286 = tpu.memref_slice %arg18[%dma_wait3A_284, %dma_wait3A_285] : memref<16512x32xf32, #tpu.memory_space<vmem_shared>> -> memref<1032x32xf32, #tpu.memory_space<vmem_shared>>
        %dma_wait3A_287 = arith.constant 8256 : i32
        %dma_wait3A_288 = arith.constant 0 : i32
        %dma_wait3A_289 = tpu.memref_slice %arg18[%dma_wait3A_287, %dma_wait3A_288] : memref<16512x32xf32, #tpu.memory_space<vmem_shared>> -> memref<1032x32xf32, #tpu.memory_space<vmem_shared>>
        tpu.wait_dma2 semaphore(%run_scoped3A_277 : memref<!tpu.dma_semaphore, #tpu.memory_space<semaphore_mem>>) src(%dma_wait3A_289 : memref<1032x32xf32, #tpu.memory_space<vmem_shared>>) dst(%arg12 : memref<1032x32xf32, #tpu.memory_space<vmem>>)
        tpu.yield
      }) : () -> ()
      "tpu.region"() ({
        %run_scoped3A_277 = tpu.sem_alloc : memref<!tpu.dma_semaphore, #tpu.memory_space<semaphore_mem>>
        %dma_start3A_278 = arith.constant 8256 : i32
        %dma_start3A_279 = arith.constant 0 : i32
        %dma_start3A_280 = tpu.memref_slice %arg7[%arg0, %dma_start3A_278, %dma_start3A_279] : memref<2x16512x32xf32, #tpu.memory_space<hbm>> -> memref<1x1032x32xf32, #tpu.memory_space<hbm>>
        %dma_start3A_281 = tpu.memref_squeeze %dma_start3A_280 : memref<1x1032x32xf32, #tpu.memory_space<hbm>> -> memref<1032x32xf32, #tpu.memory_space<hbm>>
        %dma_start3A_282 = arith.constant 8256 : i32
        %dma_start3A_283 = arith.constant 0 : i32
        %dma_start3A_284 = tpu.memref_slice %arg7[%arg0, %dma_start3A_282, %dma_start3A_283] : memref<2x16512x32xf32, #tpu.memory_space<hbm>> -> memref<1x1032x32xf32, #tpu.memory_space<hbm>>
        %dma_start3A_285 = tpu.memref_squeeze %dma_start3A_284 : memref<1x1032x32xf32, #tpu.memory_space<hbm>> -> memref<1032x32xf32, #tpu.memory_space<hbm>>
        tpu.enqueue_dma source(%arg12 : memref<1032x32xf32, #tpu.memory_space<vmem>>) target(%dma_start3A_285 : memref<1032x32xf32, #tpu.memory_space<hbm>>) target_semaphore(%run_scoped3A_277 : memref<!tpu.dma_semaphore, #tpu.memory_space<semaphore_mem>>)
        %dma_wait3A_286 = arith.constant 8256 : i32
        %dma_wait3A_287 = arith.constant 0 : i32
        %dma_wait3A_288 = tpu.memref_slice %arg7[%arg0, %dma_wait3A_286, %dma_wait3A_287] : memref<2x16512x32xf32, #tpu.memory_space<hbm>> -> memref<1x1032x32xf32, #tpu.memory_space<hbm>>
        %dma_wait3A_289 = tpu.memref_squeeze %dma_wait3A_288 : memref<1x1032x32xf32, #tpu.memory_space<hbm>> -> memref<1032x32xf32, #tpu.memory_space<hbm>>
        %dma_wait3A_290 = arith.constant 8256 : i32
        %dma_wait3A_291 = arith.constant 0 : i32
        %dma_wait3A_292 = tpu.memref_slice %arg7[%arg0, %dma_wait3A_290, %dma_wait3A_291] : memref<2x16512x32xf32, #tpu.memory_space<hbm>> -> memref<1x1032x32xf32, #tpu.memory_space<hbm>>
        %dma_wait3A_293 = tpu.memref_squeeze %dma_wait3A_292 : memref<1x1032x32xf32, #tpu.memory_space<hbm>> -> memref<1032x32xf32, #tpu.memory_space<hbm>>
        tpu.wait_dma2 semaphore(%run_scoped3A_277 : memref<!tpu.dma_semaphore, #tpu.memory_space<semaphore_mem>>) src(%arg12 : memref<1032x32xf32, #tpu.memory_space<vmem>>) dst(%dma_wait3A_293 : memref<1032x32xf32, #tpu.memory_space<hbm>>)
        tpu.yield
      }) : () -> ()
      "tpu.region"() ({
        %run_scoped3A_277 = tpu.sem_alloc : memref<!tpu.dma_semaphore, #tpu.memory_space<semaphore_mem>>
        %dma_start3A_278 = arith.constant 8256 : i32
        %dma_start3A_279 = arith.constant 0 : i32
        %dma_start3A_280 = tpu.memref_slice %arg19[%dma_start3A_278, %dma_start3A_279] : memref<16512x8xf32, #tpu.memory_space<vmem_shared>> -> memref<1032x8xf32, #tpu.memory_space<vmem_shared>>
        %dma_start3A_281 = arith.constant 8256 : i32
        %dma_start3A_282 = arith.constant 0 : i32
        %dma_start3A_283 = tpu.memref_slice %arg19[%dma_start3A_281, %dma_start3A_282] : memref<16512x8xf32, #tpu.memory_space<vmem_shared>> -> memref<1032x8xf32, #tpu.memory_space<vmem_shared>>
        tpu.enqueue_dma source(%dma_start3A_283 : memref<1032x8xf32, #tpu.memory_space<vmem_shared>>) target(%arg13 : memref<1032x8xf32, #tpu.memory_space<vmem>>) target_semaphore(%run_scoped3A_277 : memref<!tpu.dma_semaphore, #tpu.memory_space<semaphore_mem>>)
        %dma_wait3A_284 = arith.constant 8256 : i32
        %dma_wait3A_285 = arith.constant 0 : i32
        %dma_wait3A_286 = tpu.memref_slice %arg19[%dma_wait3A_284, %dma_wait3A_285] : memref<16512x8xf32, #tpu.memory_space<vmem_shared>> -> memref<1032x8xf32, #tpu.memory_space<vmem_shared>>
        %dma_wait3A_287 = arith.constant 8256 : i32
        %dma_wait3A_288 = arith.constant 0 : i32
        %dma_wait3A_289 = tpu.memref_slice %arg19[%dma_wait3A_287, %dma_wait3A_288] : memref<16512x8xf32, #tpu.memory_space<vmem_shared>> -> memref<1032x8xf32, #tpu.memory_space<vmem_shared>>
        tpu.wait_dma2 semaphore(%run_scoped3A_277 : memref<!tpu.dma_semaphore, #tpu.memory_space<semaphore_mem>>) src(%dma_wait3A_289 : memref<1032x8xf32, #tpu.memory_space<vmem_shared>>) dst(%arg13 : memref<1032x8xf32, #tpu.memory_space<vmem>>)
        tpu.yield
      }) : () -> ()
      "tpu.region"() ({
        %run_scoped3A_277 = tpu.sem_alloc : memref<!tpu.dma_semaphore, #tpu.memory_space<semaphore_mem>>
        %dma_start3A_278 = arith.constant 8256 : i32
        %dma_start3A_279 = arith.constant 0 : i32
        %dma_start3A_280 = tpu.memref_slice %arg8[%arg0, %dma_start3A_278, %dma_start3A_279] : memref<2x16512x8xf32, #tpu.memory_space<hbm>> -> memref<1x1032x8xf32, #tpu.memory_space<hbm>>
        %dma_start3A_281 = tpu.memref_squeeze %dma_start3A_280 : memref<1x1032x8xf32, #tpu.memory_space<hbm>> -> memref<1032x8xf32, #tpu.memory_space<hbm>>
        %dma_start3A_282 = arith.constant 8256 : i32
        %dma_start3A_283 = arith.constant 0 : i32
        %dma_start3A_284 = tpu.memref_slice %arg8[%arg0, %dma_start3A_282, %dma_start3A_283] : memref<2x16512x8xf32, #tpu.memory_space<hbm>> -> memref<1x1032x8xf32, #tpu.memory_space<hbm>>
        %dma_start3A_285 = tpu.memref_squeeze %dma_start3A_284 : memref<1x1032x8xf32, #tpu.memory_space<hbm>> -> memref<1032x8xf32, #tpu.memory_space<hbm>>
        tpu.enqueue_dma source(%arg13 : memref<1032x8xf32, #tpu.memory_space<vmem>>) target(%dma_start3A_285 : memref<1032x8xf32, #tpu.memory_space<hbm>>) target_semaphore(%run_scoped3A_277 : memref<!tpu.dma_semaphore, #tpu.memory_space<semaphore_mem>>)
        %dma_wait3A_286 = arith.constant 8256 : i32
        %dma_wait3A_287 = arith.constant 0 : i32
        %dma_wait3A_288 = tpu.memref_slice %arg8[%arg0, %dma_wait3A_286, %dma_wait3A_287] : memref<2x16512x8xf32, #tpu.memory_space<hbm>> -> memref<1x1032x8xf32, #tpu.memory_space<hbm>>
        %dma_wait3A_289 = tpu.memref_squeeze %dma_wait3A_288 : memref<1x1032x8xf32, #tpu.memory_space<hbm>> -> memref<1032x8xf32, #tpu.memory_space<hbm>>
        %dma_wait3A_290 = arith.constant 8256 : i32
        %dma_wait3A_291 = arith.constant 0 : i32
        %dma_wait3A_292 = tpu.memref_slice %arg8[%arg0, %dma_wait3A_290, %dma_wait3A_291] : memref<2x16512x8xf32, #tpu.memory_space<hbm>> -> memref<1x1032x8xf32, #tpu.memory_space<hbm>>
        %dma_wait3A_293 = tpu.memref_squeeze %dma_wait3A_292 : memref<1x1032x8xf32, #tpu.memory_space<hbm>> -> memref<1032x8xf32, #tpu.memory_space<hbm>>
        tpu.wait_dma2 semaphore(%run_scoped3A_277 : memref<!tpu.dma_semaphore, #tpu.memory_space<semaphore_mem>>) src(%arg13 : memref<1032x8xf32, #tpu.memory_space<vmem>>) dst(%dma_wait3A_293 : memref<1032x8xf32, #tpu.memory_space<hbm>>)
        tpu.yield
      }) : () -> ()
    } else {
    }
    %eq3A_242 = arith.constant 9 : i32
    %eq3A_243 = arith.cmpi eq, %arg1, %eq3A_242 : i32
    %convert_element_type3A_244 = arith.extui %eq3A_243 : i1 to i32
    %cond3A_245 = arith.constant 0 : i32
    %cond3A_246 = arith.cmpi ne, %convert_element_type3A_244, %cond3A_245 : i32
    scf.if %cond3A_246 {
      "tpu.region"() ({
        %run_scoped3A_277 = tpu.sem_alloc : memref<!tpu.dma_semaphore, #tpu.memory_space<semaphore_mem>>
        %dma_start3A_278 = arith.constant 9288 : i32
        %dma_start3A_279 = arith.constant 0 : i32
        %dma_start3A_280 = tpu.memref_slice %arg18[%dma_start3A_278, %dma_start3A_279] : memref<16512x32xf32, #tpu.memory_space<vmem_shared>> -> memref<1032x32xf32, #tpu.memory_space<vmem_shared>>
        %dma_start3A_281 = arith.constant 9288 : i32
        %dma_start3A_282 = arith.constant 0 : i32
        %dma_start3A_283 = tpu.memref_slice %arg18[%dma_start3A_281, %dma_start3A_282] : memref<16512x32xf32, #tpu.memory_space<vmem_shared>> -> memref<1032x32xf32, #tpu.memory_space<vmem_shared>>
        tpu.enqueue_dma source(%dma_start3A_283 : memref<1032x32xf32, #tpu.memory_space<vmem_shared>>) target(%arg12 : memref<1032x32xf32, #tpu.memory_space<vmem>>) target_semaphore(%run_scoped3A_277 : memref<!tpu.dma_semaphore, #tpu.memory_space<semaphore_mem>>)
        %dma_wait3A_284 = arith.constant 9288 : i32
        %dma_wait3A_285 = arith.constant 0 : i32
        %dma_wait3A_286 = tpu.memref_slice %arg18[%dma_wait3A_284, %dma_wait3A_285] : memref<16512x32xf32, #tpu.memory_space<vmem_shared>> -> memref<1032x32xf32, #tpu.memory_space<vmem_shared>>
        %dma_wait3A_287 = arith.constant 9288 : i32
        %dma_wait3A_288 = arith.constant 0 : i32
        %dma_wait3A_289 = tpu.memref_slice %arg18[%dma_wait3A_287, %dma_wait3A_288] : memref<16512x32xf32, #tpu.memory_space<vmem_shared>> -> memref<1032x32xf32, #tpu.memory_space<vmem_shared>>
        tpu.wait_dma2 semaphore(%run_scoped3A_277 : memref<!tpu.dma_semaphore, #tpu.memory_space<semaphore_mem>>) src(%dma_wait3A_289 : memref<1032x32xf32, #tpu.memory_space<vmem_shared>>) dst(%arg12 : memref<1032x32xf32, #tpu.memory_space<vmem>>)
        tpu.yield
      }) : () -> ()
      "tpu.region"() ({
        %run_scoped3A_277 = tpu.sem_alloc : memref<!tpu.dma_semaphore, #tpu.memory_space<semaphore_mem>>
        %dma_start3A_278 = arith.constant 9288 : i32
        %dma_start3A_279 = arith.constant 0 : i32
        %dma_start3A_280 = tpu.memref_slice %arg7[%arg0, %dma_start3A_278, %dma_start3A_279] : memref<2x16512x32xf32, #tpu.memory_space<hbm>> -> memref<1x1032x32xf32, #tpu.memory_space<hbm>>
        %dma_start3A_281 = tpu.memref_squeeze %dma_start3A_280 : memref<1x1032x32xf32, #tpu.memory_space<hbm>> -> memref<1032x32xf32, #tpu.memory_space<hbm>>
        %dma_start3A_282 = arith.constant 9288 : i32
        %dma_start3A_283 = arith.constant 0 : i32
        %dma_start3A_284 = tpu.memref_slice %arg7[%arg0, %dma_start3A_282, %dma_start3A_283] : memref<2x16512x32xf32, #tpu.memory_space<hbm>> -> memref<1x1032x32xf32, #tpu.memory_space<hbm>>
        %dma_start3A_285 = tpu.memref_squeeze %dma_start3A_284 : memref<1x1032x32xf32, #tpu.memory_space<hbm>> -> memref<1032x32xf32, #tpu.memory_space<hbm>>
        tpu.enqueue_dma source(%arg12 : memref<1032x32xf32, #tpu.memory_space<vmem>>) target(%dma_start3A_285 : memref<1032x32xf32, #tpu.memory_space<hbm>>) target_semaphore(%run_scoped3A_277 : memref<!tpu.dma_semaphore, #tpu.memory_space<semaphore_mem>>)
        %dma_wait3A_286 = arith.constant 9288 : i32
        %dma_wait3A_287 = arith.constant 0 : i32
        %dma_wait3A_288 = tpu.memref_slice %arg7[%arg0, %dma_wait3A_286, %dma_wait3A_287] : memref<2x16512x32xf32, #tpu.memory_space<hbm>> -> memref<1x1032x32xf32, #tpu.memory_space<hbm>>
        %dma_wait3A_289 = tpu.memref_squeeze %dma_wait3A_288 : memref<1x1032x32xf32, #tpu.memory_space<hbm>> -> memref<1032x32xf32, #tpu.memory_space<hbm>>
        %dma_wait3A_290 = arith.constant 9288 : i32
        %dma_wait3A_291 = arith.constant 0 : i32
        %dma_wait3A_292 = tpu.memref_slice %arg7[%arg0, %dma_wait3A_290, %dma_wait3A_291] : memref<2x16512x32xf32, #tpu.memory_space<hbm>> -> memref<1x1032x32xf32, #tpu.memory_space<hbm>>
        %dma_wait3A_293 = tpu.memref_squeeze %dma_wait3A_292 : memref<1x1032x32xf32, #tpu.memory_space<hbm>> -> memref<1032x32xf32, #tpu.memory_space<hbm>>
        tpu.wait_dma2 semaphore(%run_scoped3A_277 : memref<!tpu.dma_semaphore, #tpu.memory_space<semaphore_mem>>) src(%arg12 : memref<1032x32xf32, #tpu.memory_space<vmem>>) dst(%dma_wait3A_293 : memref<1032x32xf32, #tpu.memory_space<hbm>>)
        tpu.yield
      }) : () -> ()
      "tpu.region"() ({
        %run_scoped3A_277 = tpu.sem_alloc : memref<!tpu.dma_semaphore, #tpu.memory_space<semaphore_mem>>
        %dma_start3A_278 = arith.constant 9288 : i32
        %dma_start3A_279 = arith.constant 0 : i32
        %dma_start3A_280 = tpu.memref_slice %arg19[%dma_start3A_278, %dma_start3A_279] : memref<16512x8xf32, #tpu.memory_space<vmem_shared>> -> memref<1032x8xf32, #tpu.memory_space<vmem_shared>>
        %dma_start3A_281 = arith.constant 9288 : i32
        %dma_start3A_282 = arith.constant 0 : i32
        %dma_start3A_283 = tpu.memref_slice %arg19[%dma_start3A_281, %dma_start3A_282] : memref<16512x8xf32, #tpu.memory_space<vmem_shared>> -> memref<1032x8xf32, #tpu.memory_space<vmem_shared>>
        tpu.enqueue_dma source(%dma_start3A_283 : memref<1032x8xf32, #tpu.memory_space<vmem_shared>>) target(%arg13 : memref<1032x8xf32, #tpu.memory_space<vmem>>) target_semaphore(%run_scoped3A_277 : memref<!tpu.dma_semaphore, #tpu.memory_space<semaphore_mem>>)
        %dma_wait3A_284 = arith.constant 9288 : i32
        %dma_wait3A_285 = arith.constant 0 : i32
        %dma_wait3A_286 = tpu.memref_slice %arg19[%dma_wait3A_284, %dma_wait3A_285] : memref<16512x8xf32, #tpu.memory_space<vmem_shared>> -> memref<1032x8xf32, #tpu.memory_space<vmem_shared>>
        %dma_wait3A_287 = arith.constant 9288 : i32
        %dma_wait3A_288 = arith.constant 0 : i32
        %dma_wait3A_289 = tpu.memref_slice %arg19[%dma_wait3A_287, %dma_wait3A_288] : memref<16512x8xf32, #tpu.memory_space<vmem_shared>> -> memref<1032x8xf32, #tpu.memory_space<vmem_shared>>
        tpu.wait_dma2 semaphore(%run_scoped3A_277 : memref<!tpu.dma_semaphore, #tpu.memory_space<semaphore_mem>>) src(%dma_wait3A_289 : memref<1032x8xf32, #tpu.memory_space<vmem_shared>>) dst(%arg13 : memref<1032x8xf32, #tpu.memory_space<vmem>>)
        tpu.yield
      }) : () -> ()
      "tpu.region"() ({
        %run_scoped3A_277 = tpu.sem_alloc : memref<!tpu.dma_semaphore, #tpu.memory_space<semaphore_mem>>
        %dma_start3A_278 = arith.constant 9288 : i32
        %dma_start3A_279 = arith.constant 0 : i32
        %dma_start3A_280 = tpu.memref_slice %arg8[%arg0, %dma_start3A_278, %dma_start3A_279] : memref<2x16512x8xf32, #tpu.memory_space<hbm>> -> memref<1x1032x8xf32, #tpu.memory_space<hbm>>
        %dma_start3A_281 = tpu.memref_squeeze %dma_start3A_280 : memref<1x1032x8xf32, #tpu.memory_space<hbm>> -> memref<1032x8xf32, #tpu.memory_space<hbm>>
        %dma_start3A_282 = arith.constant 9288 : i32
        %dma_start3A_283 = arith.constant 0 : i32
        %dma_start3A_284 = tpu.memref_slice %arg8[%arg0, %dma_start3A_282, %dma_start3A_283] : memref<2x16512x8xf32, #tpu.memory_space<hbm>> -> memref<1x1032x8xf32, #tpu.memory_space<hbm>>
        %dma_start3A_285 = tpu.memref_squeeze %dma_start3A_284 : memref<1x1032x8xf32, #tpu.memory_space<hbm>> -> memref<1032x8xf32, #tpu.memory_space<hbm>>
        tpu.enqueue_dma source(%arg13 : memref<1032x8xf32, #tpu.memory_space<vmem>>) target(%dma_start3A_285 : memref<1032x8xf32, #tpu.memory_space<hbm>>) target_semaphore(%run_scoped3A_277 : memref<!tpu.dma_semaphore, #tpu.memory_space<semaphore_mem>>)
        %dma_wait3A_286 = arith.constant 9288 : i32
        %dma_wait3A_287 = arith.constant 0 : i32
        %dma_wait3A_288 = tpu.memref_slice %arg8[%arg0, %dma_wait3A_286, %dma_wait3A_287] : memref<2x16512x8xf32, #tpu.memory_space<hbm>> -> memref<1x1032x8xf32, #tpu.memory_space<hbm>>
        %dma_wait3A_289 = tpu.memref_squeeze %dma_wait3A_288 : memref<1x1032x8xf32, #tpu.memory_space<hbm>> -> memref<1032x8xf32, #tpu.memory_space<hbm>>
        %dma_wait3A_290 = arith.constant 9288 : i32
        %dma_wait3A_291 = arith.constant 0 : i32
        %dma_wait3A_292 = tpu.memref_slice %arg8[%arg0, %dma_wait3A_290, %dma_wait3A_291] : memref<2x16512x8xf32, #tpu.memory_space<hbm>> -> memref<1x1032x8xf32, #tpu.memory_space<hbm>>
        %dma_wait3A_293 = tpu.memref_squeeze %dma_wait3A_292 : memref<1x1032x8xf32, #tpu.memory_space<hbm>> -> memref<1032x8xf32, #tpu.memory_space<hbm>>
        tpu.wait_dma2 semaphore(%run_scoped3A_277 : memref<!tpu.dma_semaphore, #tpu.memory_space<semaphore_mem>>) src(%arg13 : memref<1032x8xf32, #tpu.memory_space<vmem>>) dst(%dma_wait3A_293 : memref<1032x8xf32, #tpu.memory_space<hbm>>)
        tpu.yield
      }) : () -> ()
    } else {
    }
    %eq3A_247 = arith.constant 10 : i32
    %eq3A_248 = arith.cmpi eq, %arg1, %eq3A_247 : i32
    %convert_element_type3A_249 = arith.extui %eq3A_248 : i1 to i32
    %cond3A_250 = arith.constant 0 : i32
    %cond3A_251 = arith.cmpi ne, %convert_element_type3A_249, %cond3A_250 : i32
    scf.if %cond3A_251 {
      "tpu.region"() ({
        %run_scoped3A_277 = tpu.sem_alloc : memref<!tpu.dma_semaphore, #tpu.memory_space<semaphore_mem>>
        %dma_start3A_278 = arith.constant 10320 : i32
        %dma_start3A_279 = arith.constant 0 : i32
        %dma_start3A_280 = tpu.memref_slice %arg18[%dma_start3A_278, %dma_start3A_279] : memref<16512x32xf32, #tpu.memory_space<vmem_shared>> -> memref<1032x32xf32, #tpu.memory_space<vmem_shared>>
        %dma_start3A_281 = arith.constant 10320 : i32
        %dma_start3A_282 = arith.constant 0 : i32
        %dma_start3A_283 = tpu.memref_slice %arg18[%dma_start3A_281, %dma_start3A_282] : memref<16512x32xf32, #tpu.memory_space<vmem_shared>> -> memref<1032x32xf32, #tpu.memory_space<vmem_shared>>
        tpu.enqueue_dma source(%dma_start3A_283 : memref<1032x32xf32, #tpu.memory_space<vmem_shared>>) target(%arg12 : memref<1032x32xf32, #tpu.memory_space<vmem>>) target_semaphore(%run_scoped3A_277 : memref<!tpu.dma_semaphore, #tpu.memory_space<semaphore_mem>>)
        %dma_wait3A_284 = arith.constant 10320 : i32
        %dma_wait3A_285 = arith.constant 0 : i32
        %dma_wait3A_286 = tpu.memref_slice %arg18[%dma_wait3A_284, %dma_wait3A_285] : memref<16512x32xf32, #tpu.memory_space<vmem_shared>> -> memref<1032x32xf32, #tpu.memory_space<vmem_shared>>
        %dma_wait3A_287 = arith.constant 10320 : i32
        %dma_wait3A_288 = arith.constant 0 : i32
        %dma_wait3A_289 = tpu.memref_slice %arg18[%dma_wait3A_287, %dma_wait3A_288] : memref<16512x32xf32, #tpu.memory_space<vmem_shared>> -> memref<1032x32xf32, #tpu.memory_space<vmem_shared>>
        tpu.wait_dma2 semaphore(%run_scoped3A_277 : memref<!tpu.dma_semaphore, #tpu.memory_space<semaphore_mem>>) src(%dma_wait3A_289 : memref<1032x32xf32, #tpu.memory_space<vmem_shared>>) dst(%arg12 : memref<1032x32xf32, #tpu.memory_space<vmem>>)
        tpu.yield
      }) : () -> ()
      "tpu.region"() ({
        %run_scoped3A_277 = tpu.sem_alloc : memref<!tpu.dma_semaphore, #tpu.memory_space<semaphore_mem>>
        %dma_start3A_278 = arith.constant 10320 : i32
        %dma_start3A_279 = arith.constant 0 : i32
        %dma_start3A_280 = tpu.memref_slice %arg7[%arg0, %dma_start3A_278, %dma_start3A_279] : memref<2x16512x32xf32, #tpu.memory_space<hbm>> -> memref<1x1032x32xf32, #tpu.memory_space<hbm>>
        %dma_start3A_281 = tpu.memref_squeeze %dma_start3A_280 : memref<1x1032x32xf32, #tpu.memory_space<hbm>> -> memref<1032x32xf32, #tpu.memory_space<hbm>>
        %dma_start3A_282 = arith.constant 10320 : i32
        %dma_start3A_283 = arith.constant 0 : i32
        %dma_start3A_284 = tpu.memref_slice %arg7[%arg0, %dma_start3A_282, %dma_start3A_283] : memref<2x16512x32xf32, #tpu.memory_space<hbm>> -> memref<1x1032x32xf32, #tpu.memory_space<hbm>>
        %dma_start3A_285 = tpu.memref_squeeze %dma_start3A_284 : memref<1x1032x32xf32, #tpu.memory_space<hbm>> -> memref<1032x32xf32, #tpu.memory_space<hbm>>
        tpu.enqueue_dma source(%arg12 : memref<1032x32xf32, #tpu.memory_space<vmem>>) target(%dma_start3A_285 : memref<1032x32xf32, #tpu.memory_space<hbm>>) target_semaphore(%run_scoped3A_277 : memref<!tpu.dma_semaphore, #tpu.memory_space<semaphore_mem>>)
        %dma_wait3A_286 = arith.constant 10320 : i32
        %dma_wait3A_287 = arith.constant 0 : i32
        %dma_wait3A_288 = tpu.memref_slice %arg7[%arg0, %dma_wait3A_286, %dma_wait3A_287] : memref<2x16512x32xf32, #tpu.memory_space<hbm>> -> memref<1x1032x32xf32, #tpu.memory_space<hbm>>
        %dma_wait3A_289 = tpu.memref_squeeze %dma_wait3A_288 : memref<1x1032x32xf32, #tpu.memory_space<hbm>> -> memref<1032x32xf32, #tpu.memory_space<hbm>>
        %dma_wait3A_290 = arith.constant 10320 : i32
        %dma_wait3A_291 = arith.constant 0 : i32
        %dma_wait3A_292 = tpu.memref_slice %arg7[%arg0, %dma_wait3A_290, %dma_wait3A_291] : memref<2x16512x32xf32, #tpu.memory_space<hbm>> -> memref<1x1032x32xf32, #tpu.memory_space<hbm>>
        %dma_wait3A_293 = tpu.memref_squeeze %dma_wait3A_292 : memref<1x1032x32xf32, #tpu.memory_space<hbm>> -> memref<1032x32xf32, #tpu.memory_space<hbm>>
        tpu.wait_dma2 semaphore(%run_scoped3A_277 : memref<!tpu.dma_semaphore, #tpu.memory_space<semaphore_mem>>) src(%arg12 : memref<1032x32xf32, #tpu.memory_space<vmem>>) dst(%dma_wait3A_293 : memref<1032x32xf32, #tpu.memory_space<hbm>>)
        tpu.yield
      }) : () -> ()
      "tpu.region"() ({
        %run_scoped3A_277 = tpu.sem_alloc : memref<!tpu.dma_semaphore, #tpu.memory_space<semaphore_mem>>
        %dma_start3A_278 = arith.constant 10320 : i32
        %dma_start3A_279 = arith.constant 0 : i32
        %dma_start3A_280 = tpu.memref_slice %arg19[%dma_start3A_278, %dma_start3A_279] : memref<16512x8xf32, #tpu.memory_space<vmem_shared>> -> memref<1032x8xf32, #tpu.memory_space<vmem_shared>>
        %dma_start3A_281 = arith.constant 10320 : i32
        %dma_start3A_282 = arith.constant 0 : i32
        %dma_start3A_283 = tpu.memref_slice %arg19[%dma_start3A_281, %dma_start3A_282] : memref<16512x8xf32, #tpu.memory_space<vmem_shared>> -> memref<1032x8xf32, #tpu.memory_space<vmem_shared>>
        tpu.enqueue_dma source(%dma_start3A_283 : memref<1032x8xf32, #tpu.memory_space<vmem_shared>>) target(%arg13 : memref<1032x8xf32, #tpu.memory_space<vmem>>) target_semaphore(%run_scoped3A_277 : memref<!tpu.dma_semaphore, #tpu.memory_space<semaphore_mem>>)
        %dma_wait3A_284 = arith.constant 10320 : i32
        %dma_wait3A_285 = arith.constant 0 : i32
        %dma_wait3A_286 = tpu.memref_slice %arg19[%dma_wait3A_284, %dma_wait3A_285] : memref<16512x8xf32, #tpu.memory_space<vmem_shared>> -> memref<1032x8xf32, #tpu.memory_space<vmem_shared>>
        %dma_wait3A_287 = arith.constant 10320 : i32
        %dma_wait3A_288 = arith.constant 0 : i32
        %dma_wait3A_289 = tpu.memref_slice %arg19[%dma_wait3A_287, %dma_wait3A_288] : memref<16512x8xf32, #tpu.memory_space<vmem_shared>> -> memref<1032x8xf32, #tpu.memory_space<vmem_shared>>
        tpu.wait_dma2 semaphore(%run_scoped3A_277 : memref<!tpu.dma_semaphore, #tpu.memory_space<semaphore_mem>>) src(%dma_wait3A_289 : memref<1032x8xf32, #tpu.memory_space<vmem_shared>>) dst(%arg13 : memref<1032x8xf32, #tpu.memory_space<vmem>>)
        tpu.yield
      }) : () -> ()
      "tpu.region"() ({
        %run_scoped3A_277 = tpu.sem_alloc : memref<!tpu.dma_semaphore, #tpu.memory_space<semaphore_mem>>
        %dma_start3A_278 = arith.constant 10320 : i32
        %dma_start3A_279 = arith.constant 0 : i32
        %dma_start3A_280 = tpu.memref_slice %arg8[%arg0, %dma_start3A_278, %dma_start3A_279] : memref<2x16512x8xf32, #tpu.memory_space<hbm>> -> memref<1x1032x8xf32, #tpu.memory_space<hbm>>
        %dma_start3A_281 = tpu.memref_squeeze %dma_start3A_280 : memref<1x1032x8xf32, #tpu.memory_space<hbm>> -> memref<1032x8xf32, #tpu.memory_space<hbm>>
        %dma_start3A_282 = arith.constant 10320 : i32
        %dma_start3A_283 = arith.constant 0 : i32
        %dma_start3A_284 = tpu.memref_slice %arg8[%arg0, %dma_start3A_282, %dma_start3A_283] : memref<2x16512x8xf32, #tpu.memory_space<hbm>> -> memref<1x1032x8xf32, #tpu.memory_space<hbm>>
        %dma_start3A_285 = tpu.memref_squeeze %dma_start3A_284 : memref<1x1032x8xf32, #tpu.memory_space<hbm>> -> memref<1032x8xf32, #tpu.memory_space<hbm>>
        tpu.enqueue_dma source(%arg13 : memref<1032x8xf32, #tpu.memory_space<vmem>>) target(%dma_start3A_285 : memref<1032x8xf32, #tpu.memory_space<hbm>>) target_semaphore(%run_scoped3A_277 : memref<!tpu.dma_semaphore, #tpu.memory_space<semaphore_mem>>)
        %dma_wait3A_286 = arith.constant 10320 : i32
        %dma_wait3A_287 = arith.constant 0 : i32
        %dma_wait3A_288 = tpu.memref_slice %arg8[%arg0, %dma_wait3A_286, %dma_wait3A_287] : memref<2x16512x8xf32, #tpu.memory_space<hbm>> -> memref<1x1032x8xf32, #tpu.memory_space<hbm>>
        %dma_wait3A_289 = tpu.memref_squeeze %dma_wait3A_288 : memref<1x1032x8xf32, #tpu.memory_space<hbm>> -> memref<1032x8xf32, #tpu.memory_space<hbm>>
        %dma_wait3A_290 = arith.constant 10320 : i32
        %dma_wait3A_291 = arith.constant 0 : i32
        %dma_wait3A_292 = tpu.memref_slice %arg8[%arg0, %dma_wait3A_290, %dma_wait3A_291] : memref<2x16512x8xf32, #tpu.memory_space<hbm>> -> memref<1x1032x8xf32, #tpu.memory_space<hbm>>
        %dma_wait3A_293 = tpu.memref_squeeze %dma_wait3A_292 : memref<1x1032x8xf32, #tpu.memory_space<hbm>> -> memref<1032x8xf32, #tpu.memory_space<hbm>>
        tpu.wait_dma2 semaphore(%run_scoped3A_277 : memref<!tpu.dma_semaphore, #tpu.memory_space<semaphore_mem>>) src(%arg13 : memref<1032x8xf32, #tpu.memory_space<vmem>>) dst(%dma_wait3A_293 : memref<1032x8xf32, #tpu.memory_space<hbm>>)
        tpu.yield
      }) : () -> ()
    } else {
    }
    %eq3A_252 = arith.constant 11 : i32
    %eq3A_253 = arith.cmpi eq, %arg1, %eq3A_252 : i32
    %convert_element_type3A_254 = arith.extui %eq3A_253 : i1 to i32
    %cond3A_255 = arith.constant 0 : i32
    %cond3A_256 = arith.cmpi ne, %convert_element_type3A_254, %cond3A_255 : i32
    scf.if %cond3A_256 {
      "tpu.region"() ({
        %run_scoped3A_277 = tpu.sem_alloc : memref<!tpu.dma_semaphore, #tpu.memory_space<semaphore_mem>>
        %dma_start3A_278 = arith.constant 11352 : i32
        %dma_start3A_279 = arith.constant 0 : i32
        %dma_start3A_280 = tpu.memref_slice %arg18[%dma_start3A_278, %dma_start3A_279] : memref<16512x32xf32, #tpu.memory_space<vmem_shared>> -> memref<1032x32xf32, #tpu.memory_space<vmem_shared>>
        %dma_start3A_281 = arith.constant 11352 : i32
        %dma_start3A_282 = arith.constant 0 : i32
        %dma_start3A_283 = tpu.memref_slice %arg18[%dma_start3A_281, %dma_start3A_282] : memref<16512x32xf32, #tpu.memory_space<vmem_shared>> -> memref<1032x32xf32, #tpu.memory_space<vmem_shared>>
        tpu.enqueue_dma source(%dma_start3A_283 : memref<1032x32xf32, #tpu.memory_space<vmem_shared>>) target(%arg12 : memref<1032x32xf32, #tpu.memory_space<vmem>>) target_semaphore(%run_scoped3A_277 : memref<!tpu.dma_semaphore, #tpu.memory_space<semaphore_mem>>)
        %dma_wait3A_284 = arith.constant 11352 : i32
        %dma_wait3A_285 = arith.constant 0 : i32
        %dma_wait3A_286 = tpu.memref_slice %arg18[%dma_wait3A_284, %dma_wait3A_285] : memref<16512x32xf32, #tpu.memory_space<vmem_shared>> -> memref<1032x32xf32, #tpu.memory_space<vmem_shared>>
        %dma_wait3A_287 = arith.constant 11352 : i32
        %dma_wait3A_288 = arith.constant 0 : i32
        %dma_wait3A_289 = tpu.memref_slice %arg18[%dma_wait3A_287, %dma_wait3A_288] : memref<16512x32xf32, #tpu.memory_space<vmem_shared>> -> memref<1032x32xf32, #tpu.memory_space<vmem_shared>>
        tpu.wait_dma2 semaphore(%run_scoped3A_277 : memref<!tpu.dma_semaphore, #tpu.memory_space<semaphore_mem>>) src(%dma_wait3A_289 : memref<1032x32xf32, #tpu.memory_space<vmem_shared>>) dst(%arg12 : memref<1032x32xf32, #tpu.memory_space<vmem>>)
        tpu.yield
      }) : () -> ()
      "tpu.region"() ({
        %run_scoped3A_277 = tpu.sem_alloc : memref<!tpu.dma_semaphore, #tpu.memory_space<semaphore_mem>>
        %dma_start3A_278 = arith.constant 11352 : i32
        %dma_start3A_279 = arith.constant 0 : i32
        %dma_start3A_280 = tpu.memref_slice %arg7[%arg0, %dma_start3A_278, %dma_start3A_279] : memref<2x16512x32xf32, #tpu.memory_space<hbm>> -> memref<1x1032x32xf32, #tpu.memory_space<hbm>>
        %dma_start3A_281 = tpu.memref_squeeze %dma_start3A_280 : memref<1x1032x32xf32, #tpu.memory_space<hbm>> -> memref<1032x32xf32, #tpu.memory_space<hbm>>
        %dma_start3A_282 = arith.constant 11352 : i32
        %dma_start3A_283 = arith.constant 0 : i32
        %dma_start3A_284 = tpu.memref_slice %arg7[%arg0, %dma_start3A_282, %dma_start3A_283] : memref<2x16512x32xf32, #tpu.memory_space<hbm>> -> memref<1x1032x32xf32, #tpu.memory_space<hbm>>
        %dma_start3A_285 = tpu.memref_squeeze %dma_start3A_284 : memref<1x1032x32xf32, #tpu.memory_space<hbm>> -> memref<1032x32xf32, #tpu.memory_space<hbm>>
        tpu.enqueue_dma source(%arg12 : memref<1032x32xf32, #tpu.memory_space<vmem>>) target(%dma_start3A_285 : memref<1032x32xf32, #tpu.memory_space<hbm>>) target_semaphore(%run_scoped3A_277 : memref<!tpu.dma_semaphore, #tpu.memory_space<semaphore_mem>>)
        %dma_wait3A_286 = arith.constant 11352 : i32
        %dma_wait3A_287 = arith.constant 0 : i32
        %dma_wait3A_288 = tpu.memref_slice %arg7[%arg0, %dma_wait3A_286, %dma_wait3A_287] : memref<2x16512x32xf32, #tpu.memory_space<hbm>> -> memref<1x1032x32xf32, #tpu.memory_space<hbm>>
        %dma_wait3A_289 = tpu.memref_squeeze %dma_wait3A_288 : memref<1x1032x32xf32, #tpu.memory_space<hbm>> -> memref<1032x32xf32, #tpu.memory_space<hbm>>
        %dma_wait3A_290 = arith.constant 11352 : i32
        %dma_wait3A_291 = arith.constant 0 : i32
        %dma_wait3A_292 = tpu.memref_slice %arg7[%arg0, %dma_wait3A_290, %dma_wait3A_291] : memref<2x16512x32xf32, #tpu.memory_space<hbm>> -> memref<1x1032x32xf32, #tpu.memory_space<hbm>>
        %dma_wait3A_293 = tpu.memref_squeeze %dma_wait3A_292 : memref<1x1032x32xf32, #tpu.memory_space<hbm>> -> memref<1032x32xf32, #tpu.memory_space<hbm>>
        tpu.wait_dma2 semaphore(%run_scoped3A_277 : memref<!tpu.dma_semaphore, #tpu.memory_space<semaphore_mem>>) src(%arg12 : memref<1032x32xf32, #tpu.memory_space<vmem>>) dst(%dma_wait3A_293 : memref<1032x32xf32, #tpu.memory_space<hbm>>)
        tpu.yield
      }) : () -> ()
      "tpu.region"() ({
        %run_scoped3A_277 = tpu.sem_alloc : memref<!tpu.dma_semaphore, #tpu.memory_space<semaphore_mem>>
        %dma_start3A_278 = arith.constant 11352 : i32
        %dma_start3A_279 = arith.constant 0 : i32
        %dma_start3A_280 = tpu.memref_slice %arg19[%dma_start3A_278, %dma_start3A_279] : memref<16512x8xf32, #tpu.memory_space<vmem_shared>> -> memref<1032x8xf32, #tpu.memory_space<vmem_shared>>
        %dma_start3A_281 = arith.constant 11352 : i32
        %dma_start3A_282 = arith.constant 0 : i32
        %dma_start3A_283 = tpu.memref_slice %arg19[%dma_start3A_281, %dma_start3A_282] : memref<16512x8xf32, #tpu.memory_space<vmem_shared>> -> memref<1032x8xf32, #tpu.memory_space<vmem_shared>>
        tpu.enqueue_dma source(%dma_start3A_283 : memref<1032x8xf32, #tpu.memory_space<vmem_shared>>) target(%arg13 : memref<1032x8xf32, #tpu.memory_space<vmem>>) target_semaphore(%run_scoped3A_277 : memref<!tpu.dma_semaphore, #tpu.memory_space<semaphore_mem>>)
        %dma_wait3A_284 = arith.constant 11352 : i32
        %dma_wait3A_285 = arith.constant 0 : i32
        %dma_wait3A_286 = tpu.memref_slice %arg19[%dma_wait3A_284, %dma_wait3A_285] : memref<16512x8xf32, #tpu.memory_space<vmem_shared>> -> memref<1032x8xf32, #tpu.memory_space<vmem_shared>>
        %dma_wait3A_287 = arith.constant 11352 : i32
        %dma_wait3A_288 = arith.constant 0 : i32
        %dma_wait3A_289 = tpu.memref_slice %arg19[%dma_wait3A_287, %dma_wait3A_288] : memref<16512x8xf32, #tpu.memory_space<vmem_shared>> -> memref<1032x8xf32, #tpu.memory_space<vmem_shared>>
        tpu.wait_dma2 semaphore(%run_scoped3A_277 : memref<!tpu.dma_semaphore, #tpu.memory_space<semaphore_mem>>) src(%dma_wait3A_289 : memref<1032x8xf32, #tpu.memory_space<vmem_shared>>) dst(%arg13 : memref<1032x8xf32, #tpu.memory_space<vmem>>)
        tpu.yield
      }) : () -> ()
      "tpu.region"() ({
        %run_scoped3A_277 = tpu.sem_alloc : memref<!tpu.dma_semaphore, #tpu.memory_space<semaphore_mem>>
        %dma_start3A_278 = arith.constant 11352 : i32
        %dma_start3A_279 = arith.constant 0 : i32
        %dma_start3A_280 = tpu.memref_slice %arg8[%arg0, %dma_start3A_278, %dma_start3A_279] : memref<2x16512x8xf32, #tpu.memory_space<hbm>> -> memref<1x1032x8xf32, #tpu.memory_space<hbm>>
        %dma_start3A_281 = tpu.memref_squeeze %dma_start3A_280 : memref<1x1032x8xf32, #tpu.memory_space<hbm>> -> memref<1032x8xf32, #tpu.memory_space<hbm>>
        %dma_start3A_282 = arith.constant 11352 : i32
        %dma_start3A_283 = arith.constant 0 : i32
        %dma_start3A_284 = tpu.memref_slice %arg8[%arg0, %dma_start3A_282, %dma_start3A_283] : memref<2x16512x8xf32, #tpu.memory_space<hbm>> -> memref<1x1032x8xf32, #tpu.memory_space<hbm>>
        %dma_start3A_285 = tpu.memref_squeeze %dma_start3A_284 : memref<1x1032x8xf32, #tpu.memory_space<hbm>> -> memref<1032x8xf32, #tpu.memory_space<hbm>>
        tpu.enqueue_dma source(%arg13 : memref<1032x8xf32, #tpu.memory_space<vmem>>) target(%dma_start3A_285 : memref<1032x8xf32, #tpu.memory_space<hbm>>) target_semaphore(%run_scoped3A_277 : memref<!tpu.dma_semaphore, #tpu.memory_space<semaphore_mem>>)
        %dma_wait3A_286 = arith.constant 11352 : i32
        %dma_wait3A_287 = arith.constant 0 : i32
        %dma_wait3A_288 = tpu.memref_slice %arg8[%arg0, %dma_wait3A_286, %dma_wait3A_287] : memref<2x16512x8xf32, #tpu.memory_space<hbm>> -> memref<1x1032x8xf32, #tpu.memory_space<hbm>>
        %dma_wait3A_289 = tpu.memref_squeeze %dma_wait3A_288 : memref<1x1032x8xf32, #tpu.memory_space<hbm>> -> memref<1032x8xf32, #tpu.memory_space<hbm>>
        %dma_wait3A_290 = arith.constant 11352 : i32
        %dma_wait3A_291 = arith.constant 0 : i32
        %dma_wait3A_292 = tpu.memref_slice %arg8[%arg0, %dma_wait3A_290, %dma_wait3A_291] : memref<2x16512x8xf32, #tpu.memory_space<hbm>> -> memref<1x1032x8xf32, #tpu.memory_space<hbm>>
        %dma_wait3A_293 = tpu.memref_squeeze %dma_wait3A_292 : memref<1x1032x8xf32, #tpu.memory_space<hbm>> -> memref<1032x8xf32, #tpu.memory_space<hbm>>
        tpu.wait_dma2 semaphore(%run_scoped3A_277 : memref<!tpu.dma_semaphore, #tpu.memory_space<semaphore_mem>>) src(%arg13 : memref<1032x8xf32, #tpu.memory_space<vmem>>) dst(%dma_wait3A_293 : memref<1032x8xf32, #tpu.memory_space<hbm>>)
        tpu.yield
      }) : () -> ()
    } else {
    }
    %eq3A_257 = arith.constant 12 : i32
    %eq3A_258 = arith.cmpi eq, %arg1, %eq3A_257 : i32
    %convert_element_type3A_259 = arith.extui %eq3A_258 : i1 to i32
    %cond3A_260 = arith.constant 0 : i32
    %cond3A_261 = arith.cmpi ne, %convert_element_type3A_259, %cond3A_260 : i32
    scf.if %cond3A_261 {
      "tpu.region"() ({
        %run_scoped3A_277 = tpu.sem_alloc : memref<!tpu.dma_semaphore, #tpu.memory_space<semaphore_mem>>
        %dma_start3A_278 = arith.constant 12384 : i32
        %dma_start3A_279 = arith.constant 0 : i32
        %dma_start3A_280 = tpu.memref_slice %arg18[%dma_start3A_278, %dma_start3A_279] : memref<16512x32xf32, #tpu.memory_space<vmem_shared>> -> memref<1032x32xf32, #tpu.memory_space<vmem_shared>>
        %dma_start3A_281 = arith.constant 12384 : i32
        %dma_start3A_282 = arith.constant 0 : i32
        %dma_start3A_283 = tpu.memref_slice %arg18[%dma_start3A_281, %dma_start3A_282] : memref<16512x32xf32, #tpu.memory_space<vmem_shared>> -> memref<1032x32xf32, #tpu.memory_space<vmem_shared>>
        tpu.enqueue_dma source(%dma_start3A_283 : memref<1032x32xf32, #tpu.memory_space<vmem_shared>>) target(%arg12 : memref<1032x32xf32, #tpu.memory_space<vmem>>) target_semaphore(%run_scoped3A_277 : memref<!tpu.dma_semaphore, #tpu.memory_space<semaphore_mem>>)
        %dma_wait3A_284 = arith.constant 12384 : i32
        %dma_wait3A_285 = arith.constant 0 : i32
        %dma_wait3A_286 = tpu.memref_slice %arg18[%dma_wait3A_284, %dma_wait3A_285] : memref<16512x32xf32, #tpu.memory_space<vmem_shared>> -> memref<1032x32xf32, #tpu.memory_space<vmem_shared>>
        %dma_wait3A_287 = arith.constant 12384 : i32
        %dma_wait3A_288 = arith.constant 0 : i32
        %dma_wait3A_289 = tpu.memref_slice %arg18[%dma_wait3A_287, %dma_wait3A_288] : memref<16512x32xf32, #tpu.memory_space<vmem_shared>> -> memref<1032x32xf32, #tpu.memory_space<vmem_shared>>
        tpu.wait_dma2 semaphore(%run_scoped3A_277 : memref<!tpu.dma_semaphore, #tpu.memory_space<semaphore_mem>>) src(%dma_wait3A_289 : memref<1032x32xf32, #tpu.memory_space<vmem_shared>>) dst(%arg12 : memref<1032x32xf32, #tpu.memory_space<vmem>>)
        tpu.yield
      }) : () -> ()
      "tpu.region"() ({
        %run_scoped3A_277 = tpu.sem_alloc : memref<!tpu.dma_semaphore, #tpu.memory_space<semaphore_mem>>
        %dma_start3A_278 = arith.constant 12384 : i32
        %dma_start3A_279 = arith.constant 0 : i32
        %dma_start3A_280 = tpu.memref_slice %arg7[%arg0, %dma_start3A_278, %dma_start3A_279] : memref<2x16512x32xf32, #tpu.memory_space<hbm>> -> memref<1x1032x32xf32, #tpu.memory_space<hbm>>
        %dma_start3A_281 = tpu.memref_squeeze %dma_start3A_280 : memref<1x1032x32xf32, #tpu.memory_space<hbm>> -> memref<1032x32xf32, #tpu.memory_space<hbm>>
        %dma_start3A_282 = arith.constant 12384 : i32
        %dma_start3A_283 = arith.constant 0 : i32
        %dma_start3A_284 = tpu.memref_slice %arg7[%arg0, %dma_start3A_282, %dma_start3A_283] : memref<2x16512x32xf32, #tpu.memory_space<hbm>> -> memref<1x1032x32xf32, #tpu.memory_space<hbm>>
        %dma_start3A_285 = tpu.memref_squeeze %dma_start3A_284 : memref<1x1032x32xf32, #tpu.memory_space<hbm>> -> memref<1032x32xf32, #tpu.memory_space<hbm>>
        tpu.enqueue_dma source(%arg12 : memref<1032x32xf32, #tpu.memory_space<vmem>>) target(%dma_start3A_285 : memref<1032x32xf32, #tpu.memory_space<hbm>>) target_semaphore(%run_scoped3A_277 : memref<!tpu.dma_semaphore, #tpu.memory_space<semaphore_mem>>)
        %dma_wait3A_286 = arith.constant 12384 : i32
        %dma_wait3A_287 = arith.constant 0 : i32
        %dma_wait3A_288 = tpu.memref_slice %arg7[%arg0, %dma_wait3A_286, %dma_wait3A_287] : memref<2x16512x32xf32, #tpu.memory_space<hbm>> -> memref<1x1032x32xf32, #tpu.memory_space<hbm>>
        %dma_wait3A_289 = tpu.memref_squeeze %dma_wait3A_288 : memref<1x1032x32xf32, #tpu.memory_space<hbm>> -> memref<1032x32xf32, #tpu.memory_space<hbm>>
        %dma_wait3A_290 = arith.constant 12384 : i32
        %dma_wait3A_291 = arith.constant 0 : i32
        %dma_wait3A_292 = tpu.memref_slice %arg7[%arg0, %dma_wait3A_290, %dma_wait3A_291] : memref<2x16512x32xf32, #tpu.memory_space<hbm>> -> memref<1x1032x32xf32, #tpu.memory_space<hbm>>
        %dma_wait3A_293 = tpu.memref_squeeze %dma_wait3A_292 : memref<1x1032x32xf32, #tpu.memory_space<hbm>> -> memref<1032x32xf32, #tpu.memory_space<hbm>>
        tpu.wait_dma2 semaphore(%run_scoped3A_277 : memref<!tpu.dma_semaphore, #tpu.memory_space<semaphore_mem>>) src(%arg12 : memref<1032x32xf32, #tpu.memory_space<vmem>>) dst(%dma_wait3A_293 : memref<1032x32xf32, #tpu.memory_space<hbm>>)
        tpu.yield
      }) : () -> ()
      "tpu.region"() ({
        %run_scoped3A_277 = tpu.sem_alloc : memref<!tpu.dma_semaphore, #tpu.memory_space<semaphore_mem>>
        %dma_start3A_278 = arith.constant 12384 : i32
        %dma_start3A_279 = arith.constant 0 : i32
        %dma_start3A_280 = tpu.memref_slice %arg19[%dma_start3A_278, %dma_start3A_279] : memref<16512x8xf32, #tpu.memory_space<vmem_shared>> -> memref<1032x8xf32, #tpu.memory_space<vmem_shared>>
        %dma_start3A_281 = arith.constant 12384 : i32
        %dma_start3A_282 = arith.constant 0 : i32
        %dma_start3A_283 = tpu.memref_slice %arg19[%dma_start3A_281, %dma_start3A_282] : memref<16512x8xf32, #tpu.memory_space<vmem_shared>> -> memref<1032x8xf32, #tpu.memory_space<vmem_shared>>
        tpu.enqueue_dma source(%dma_start3A_283 : memref<1032x8xf32, #tpu.memory_space<vmem_shared>>) target(%arg13 : memref<1032x8xf32, #tpu.memory_space<vmem>>) target_semaphore(%run_scoped3A_277 : memref<!tpu.dma_semaphore, #tpu.memory_space<semaphore_mem>>)
        %dma_wait3A_284 = arith.constant 12384 : i32
        %dma_wait3A_285 = arith.constant 0 : i32
        %dma_wait3A_286 = tpu.memref_slice %arg19[%dma_wait3A_284, %dma_wait3A_285] : memref<16512x8xf32, #tpu.memory_space<vmem_shared>> -> memref<1032x8xf32, #tpu.memory_space<vmem_shared>>
        %dma_wait3A_287 = arith.constant 12384 : i32
        %dma_wait3A_288 = arith.constant 0 : i32
        %dma_wait3A_289 = tpu.memref_slice %arg19[%dma_wait3A_287, %dma_wait3A_288] : memref<16512x8xf32, #tpu.memory_space<vmem_shared>> -> memref<1032x8xf32, #tpu.memory_space<vmem_shared>>
        tpu.wait_dma2 semaphore(%run_scoped3A_277 : memref<!tpu.dma_semaphore, #tpu.memory_space<semaphore_mem>>) src(%dma_wait3A_289 : memref<1032x8xf32, #tpu.memory_space<vmem_shared>>) dst(%arg13 : memref<1032x8xf32, #tpu.memory_space<vmem>>)
        tpu.yield
      }) : () -> ()
      "tpu.region"() ({
        %run_scoped3A_277 = tpu.sem_alloc : memref<!tpu.dma_semaphore, #tpu.memory_space<semaphore_mem>>
        %dma_start3A_278 = arith.constant 12384 : i32
        %dma_start3A_279 = arith.constant 0 : i32
        %dma_start3A_280 = tpu.memref_slice %arg8[%arg0, %dma_start3A_278, %dma_start3A_279] : memref<2x16512x8xf32, #tpu.memory_space<hbm>> -> memref<1x1032x8xf32, #tpu.memory_space<hbm>>
        %dma_start3A_281 = tpu.memref_squeeze %dma_start3A_280 : memref<1x1032x8xf32, #tpu.memory_space<hbm>> -> memref<1032x8xf32, #tpu.memory_space<hbm>>
        %dma_start3A_282 = arith.constant 12384 : i32
        %dma_start3A_283 = arith.constant 0 : i32
        %dma_start3A_284 = tpu.memref_slice %arg8[%arg0, %dma_start3A_282, %dma_start3A_283] : memref<2x16512x8xf32, #tpu.memory_space<hbm>> -> memref<1x1032x8xf32, #tpu.memory_space<hbm>>
        %dma_start3A_285 = tpu.memref_squeeze %dma_start3A_284 : memref<1x1032x8xf32, #tpu.memory_space<hbm>> -> memref<1032x8xf32, #tpu.memory_space<hbm>>
        tpu.enqueue_dma source(%arg13 : memref<1032x8xf32, #tpu.memory_space<vmem>>) target(%dma_start3A_285 : memref<1032x8xf32, #tpu.memory_space<hbm>>) target_semaphore(%run_scoped3A_277 : memref<!tpu.dma_semaphore, #tpu.memory_space<semaphore_mem>>)
        %dma_wait3A_286 = arith.constant 12384 : i32
        %dma_wait3A_287 = arith.constant 0 : i32
        %dma_wait3A_288 = tpu.memref_slice %arg8[%arg0, %dma_wait3A_286, %dma_wait3A_287] : memref<2x16512x8xf32, #tpu.memory_space<hbm>> -> memref<1x1032x8xf32, #tpu.memory_space<hbm>>
        %dma_wait3A_289 = tpu.memref_squeeze %dma_wait3A_288 : memref<1x1032x8xf32, #tpu.memory_space<hbm>> -> memref<1032x8xf32, #tpu.memory_space<hbm>>
        %dma_wait3A_290 = arith.constant 12384 : i32
        %dma_wait3A_291 = arith.constant 0 : i32
        %dma_wait3A_292 = tpu.memref_slice %arg8[%arg0, %dma_wait3A_290, %dma_wait3A_291] : memref<2x16512x8xf32, #tpu.memory_space<hbm>> -> memref<1x1032x8xf32, #tpu.memory_space<hbm>>
        %dma_wait3A_293 = tpu.memref_squeeze %dma_wait3A_292 : memref<1x1032x8xf32, #tpu.memory_space<hbm>> -> memref<1032x8xf32, #tpu.memory_space<hbm>>
        tpu.wait_dma2 semaphore(%run_scoped3A_277 : memref<!tpu.dma_semaphore, #tpu.memory_space<semaphore_mem>>) src(%arg13 : memref<1032x8xf32, #tpu.memory_space<vmem>>) dst(%dma_wait3A_293 : memref<1032x8xf32, #tpu.memory_space<hbm>>)
        tpu.yield
      }) : () -> ()
    } else {
    }
    %eq3A_262 = arith.constant 13 : i32
    %eq3A_263 = arith.cmpi eq, %arg1, %eq3A_262 : i32
    %convert_element_type3A_264 = arith.extui %eq3A_263 : i1 to i32
    %cond3A_265 = arith.constant 0 : i32
    %cond3A_266 = arith.cmpi ne, %convert_element_type3A_264, %cond3A_265 : i32
    scf.if %cond3A_266 {
      "tpu.region"() ({
        %run_scoped3A_277 = tpu.sem_alloc : memref<!tpu.dma_semaphore, #tpu.memory_space<semaphore_mem>>
        %dma_start3A_278 = arith.constant 13416 : i32
        %dma_start3A_279 = arith.constant 0 : i32
        %dma_start3A_280 = tpu.memref_slice %arg18[%dma_start3A_278, %dma_start3A_279] : memref<16512x32xf32, #tpu.memory_space<vmem_shared>> -> memref<1032x32xf32, #tpu.memory_space<vmem_shared>>
        %dma_start3A_281 = arith.constant 13416 : i32
        %dma_start3A_282 = arith.constant 0 : i32
        %dma_start3A_283 = tpu.memref_slice %arg18[%dma_start3A_281, %dma_start3A_282] : memref<16512x32xf32, #tpu.memory_space<vmem_shared>> -> memref<1032x32xf32, #tpu.memory_space<vmem_shared>>
        tpu.enqueue_dma source(%dma_start3A_283 : memref<1032x32xf32, #tpu.memory_space<vmem_shared>>) target(%arg12 : memref<1032x32xf32, #tpu.memory_space<vmem>>) target_semaphore(%run_scoped3A_277 : memref<!tpu.dma_semaphore, #tpu.memory_space<semaphore_mem>>)
        %dma_wait3A_284 = arith.constant 13416 : i32
        %dma_wait3A_285 = arith.constant 0 : i32
        %dma_wait3A_286 = tpu.memref_slice %arg18[%dma_wait3A_284, %dma_wait3A_285] : memref<16512x32xf32, #tpu.memory_space<vmem_shared>> -> memref<1032x32xf32, #tpu.memory_space<vmem_shared>>
        %dma_wait3A_287 = arith.constant 13416 : i32
        %dma_wait3A_288 = arith.constant 0 : i32
        %dma_wait3A_289 = tpu.memref_slice %arg18[%dma_wait3A_287, %dma_wait3A_288] : memref<16512x32xf32, #tpu.memory_space<vmem_shared>> -> memref<1032x32xf32, #tpu.memory_space<vmem_shared>>
        tpu.wait_dma2 semaphore(%run_scoped3A_277 : memref<!tpu.dma_semaphore, #tpu.memory_space<semaphore_mem>>) src(%dma_wait3A_289 : memref<1032x32xf32, #tpu.memory_space<vmem_shared>>) dst(%arg12 : memref<1032x32xf32, #tpu.memory_space<vmem>>)
        tpu.yield
      }) : () -> ()
      "tpu.region"() ({
        %run_scoped3A_277 = tpu.sem_alloc : memref<!tpu.dma_semaphore, #tpu.memory_space<semaphore_mem>>
        %dma_start3A_278 = arith.constant 13416 : i32
        %dma_start3A_279 = arith.constant 0 : i32
        %dma_start3A_280 = tpu.memref_slice %arg7[%arg0, %dma_start3A_278, %dma_start3A_279] : memref<2x16512x32xf32, #tpu.memory_space<hbm>> -> memref<1x1032x32xf32, #tpu.memory_space<hbm>>
        %dma_start3A_281 = tpu.memref_squeeze %dma_start3A_280 : memref<1x1032x32xf32, #tpu.memory_space<hbm>> -> memref<1032x32xf32, #tpu.memory_space<hbm>>
        %dma_start3A_282 = arith.constant 13416 : i32
        %dma_start3A_283 = arith.constant 0 : i32
        %dma_start3A_284 = tpu.memref_slice %arg7[%arg0, %dma_start3A_282, %dma_start3A_283] : memref<2x16512x32xf32, #tpu.memory_space<hbm>> -> memref<1x1032x32xf32, #tpu.memory_space<hbm>>
        %dma_start3A_285 = tpu.memref_squeeze %dma_start3A_284 : memref<1x1032x32xf32, #tpu.memory_space<hbm>> -> memref<1032x32xf32, #tpu.memory_space<hbm>>
        tpu.enqueue_dma source(%arg12 : memref<1032x32xf32, #tpu.memory_space<vmem>>) target(%dma_start3A_285 : memref<1032x32xf32, #tpu.memory_space<hbm>>) target_semaphore(%run_scoped3A_277 : memref<!tpu.dma_semaphore, #tpu.memory_space<semaphore_mem>>)
        %dma_wait3A_286 = arith.constant 13416 : i32
        %dma_wait3A_287 = arith.constant 0 : i32
        %dma_wait3A_288 = tpu.memref_slice %arg7[%arg0, %dma_wait3A_286, %dma_wait3A_287] : memref<2x16512x32xf32, #tpu.memory_space<hbm>> -> memref<1x1032x32xf32, #tpu.memory_space<hbm>>
        %dma_wait3A_289 = tpu.memref_squeeze %dma_wait3A_288 : memref<1x1032x32xf32, #tpu.memory_space<hbm>> -> memref<1032x32xf32, #tpu.memory_space<hbm>>
        %dma_wait3A_290 = arith.constant 13416 : i32
        %dma_wait3A_291 = arith.constant 0 : i32
        %dma_wait3A_292 = tpu.memref_slice %arg7[%arg0, %dma_wait3A_290, %dma_wait3A_291] : memref<2x16512x32xf32, #tpu.memory_space<hbm>> -> memref<1x1032x32xf32, #tpu.memory_space<hbm>>
        %dma_wait3A_293 = tpu.memref_squeeze %dma_wait3A_292 : memref<1x1032x32xf32, #tpu.memory_space<hbm>> -> memref<1032x32xf32, #tpu.memory_space<hbm>>
        tpu.wait_dma2 semaphore(%run_scoped3A_277 : memref<!tpu.dma_semaphore, #tpu.memory_space<semaphore_mem>>) src(%arg12 : memref<1032x32xf32, #tpu.memory_space<vmem>>) dst(%dma_wait3A_293 : memref<1032x32xf32, #tpu.memory_space<hbm>>)
        tpu.yield
      }) : () -> ()
      "tpu.region"() ({
        %run_scoped3A_277 = tpu.sem_alloc : memref<!tpu.dma_semaphore, #tpu.memory_space<semaphore_mem>>
        %dma_start3A_278 = arith.constant 13416 : i32
        %dma_start3A_279 = arith.constant 0 : i32
        %dma_start3A_280 = tpu.memref_slice %arg19[%dma_start3A_278, %dma_start3A_279] : memref<16512x8xf32, #tpu.memory_space<vmem_shared>> -> memref<1032x8xf32, #tpu.memory_space<vmem_shared>>
        %dma_start3A_281 = arith.constant 13416 : i32
        %dma_start3A_282 = arith.constant 0 : i32
        %dma_start3A_283 = tpu.memref_slice %arg19[%dma_start3A_281, %dma_start3A_282] : memref<16512x8xf32, #tpu.memory_space<vmem_shared>> -> memref<1032x8xf32, #tpu.memory_space<vmem_shared>>
        tpu.enqueue_dma source(%dma_start3A_283 : memref<1032x8xf32, #tpu.memory_space<vmem_shared>>) target(%arg13 : memref<1032x8xf32, #tpu.memory_space<vmem>>) target_semaphore(%run_scoped3A_277 : memref<!tpu.dma_semaphore, #tpu.memory_space<semaphore_mem>>)
        %dma_wait3A_284 = arith.constant 13416 : i32
        %dma_wait3A_285 = arith.constant 0 : i32
        %dma_wait3A_286 = tpu.memref_slice %arg19[%dma_wait3A_284, %dma_wait3A_285] : memref<16512x8xf32, #tpu.memory_space<vmem_shared>> -> memref<1032x8xf32, #tpu.memory_space<vmem_shared>>
        %dma_wait3A_287 = arith.constant 13416 : i32
        %dma_wait3A_288 = arith.constant 0 : i32
        %dma_wait3A_289 = tpu.memref_slice %arg19[%dma_wait3A_287, %dma_wait3A_288] : memref<16512x8xf32, #tpu.memory_space<vmem_shared>> -> memref<1032x8xf32, #tpu.memory_space<vmem_shared>>
        tpu.wait_dma2 semaphore(%run_scoped3A_277 : memref<!tpu.dma_semaphore, #tpu.memory_space<semaphore_mem>>) src(%dma_wait3A_289 : memref<1032x8xf32, #tpu.memory_space<vmem_shared>>) dst(%arg13 : memref<1032x8xf32, #tpu.memory_space<vmem>>)
        tpu.yield
      }) : () -> ()
      "tpu.region"() ({
        %run_scoped3A_277 = tpu.sem_alloc : memref<!tpu.dma_semaphore, #tpu.memory_space<semaphore_mem>>
        %dma_start3A_278 = arith.constant 13416 : i32
        %dma_start3A_279 = arith.constant 0 : i32
        %dma_start3A_280 = tpu.memref_slice %arg8[%arg0, %dma_start3A_278, %dma_start3A_279] : memref<2x16512x8xf32, #tpu.memory_space<hbm>> -> memref<1x1032x8xf32, #tpu.memory_space<hbm>>
        %dma_start3A_281 = tpu.memref_squeeze %dma_start3A_280 : memref<1x1032x8xf32, #tpu.memory_space<hbm>> -> memref<1032x8xf32, #tpu.memory_space<hbm>>
        %dma_start3A_282 = arith.constant 13416 : i32
        %dma_start3A_283 = arith.constant 0 : i32
        %dma_start3A_284 = tpu.memref_slice %arg8[%arg0, %dma_start3A_282, %dma_start3A_283] : memref<2x16512x8xf32, #tpu.memory_space<hbm>> -> memref<1x1032x8xf32, #tpu.memory_space<hbm>>
        %dma_start3A_285 = tpu.memref_squeeze %dma_start3A_284 : memref<1x1032x8xf32, #tpu.memory_space<hbm>> -> memref<1032x8xf32, #tpu.memory_space<hbm>>
        tpu.enqueue_dma source(%arg13 : memref<1032x8xf32, #tpu.memory_space<vmem>>) target(%dma_start3A_285 : memref<1032x8xf32, #tpu.memory_space<hbm>>) target_semaphore(%run_scoped3A_277 : memref<!tpu.dma_semaphore, #tpu.memory_space<semaphore_mem>>)
        %dma_wait3A_286 = arith.constant 13416 : i32
        %dma_wait3A_287 = arith.constant 0 : i32
        %dma_wait3A_288 = tpu.memref_slice %arg8[%arg0, %dma_wait3A_286, %dma_wait3A_287] : memref<2x16512x8xf32, #tpu.memory_space<hbm>> -> memref<1x1032x8xf32, #tpu.memory_space<hbm>>
        %dma_wait3A_289 = tpu.memref_squeeze %dma_wait3A_288 : memref<1x1032x8xf32, #tpu.memory_space<hbm>> -> memref<1032x8xf32, #tpu.memory_space<hbm>>
        %dma_wait3A_290 = arith.constant 13416 : i32
        %dma_wait3A_291 = arith.constant 0 : i32
        %dma_wait3A_292 = tpu.memref_slice %arg8[%arg0, %dma_wait3A_290, %dma_wait3A_291] : memref<2x16512x8xf32, #tpu.memory_space<hbm>> -> memref<1x1032x8xf32, #tpu.memory_space<hbm>>
        %dma_wait3A_293 = tpu.memref_squeeze %dma_wait3A_292 : memref<1x1032x8xf32, #tpu.memory_space<hbm>> -> memref<1032x8xf32, #tpu.memory_space<hbm>>
        tpu.wait_dma2 semaphore(%run_scoped3A_277 : memref<!tpu.dma_semaphore, #tpu.memory_space<semaphore_mem>>) src(%arg13 : memref<1032x8xf32, #tpu.memory_space<vmem>>) dst(%dma_wait3A_293 : memref<1032x8xf32, #tpu.memory_space<hbm>>)
        tpu.yield
      }) : () -> ()
    } else {
    }
    %eq3A_267 = arith.constant 14 : i32
    %eq3A_268 = arith.cmpi eq, %arg1, %eq3A_267 : i32
    %convert_element_type3A_269 = arith.extui %eq3A_268 : i1 to i32
    %cond3A_270 = arith.constant 0 : i32
    %cond3A_271 = arith.cmpi ne, %convert_element_type3A_269, %cond3A_270 : i32
    scf.if %cond3A_271 {
      "tpu.region"() ({
        %run_scoped3A_277 = tpu.sem_alloc : memref<!tpu.dma_semaphore, #tpu.memory_space<semaphore_mem>>
        %dma_start3A_278 = arith.constant 14448 : i32
        %dma_start3A_279 = arith.constant 0 : i32
        %dma_start3A_280 = tpu.memref_slice %arg18[%dma_start3A_278, %dma_start3A_279] : memref<16512x32xf32, #tpu.memory_space<vmem_shared>> -> memref<1032x32xf32, #tpu.memory_space<vmem_shared>>
        %dma_start3A_281 = arith.constant 14448 : i32
        %dma_start3A_282 = arith.constant 0 : i32
        %dma_start3A_283 = tpu.memref_slice %arg18[%dma_start3A_281, %dma_start3A_282] : memref<16512x32xf32, #tpu.memory_space<vmem_shared>> -> memref<1032x32xf32, #tpu.memory_space<vmem_shared>>
        tpu.enqueue_dma source(%dma_start3A_283 : memref<1032x32xf32, #tpu.memory_space<vmem_shared>>) target(%arg12 : memref<1032x32xf32, #tpu.memory_space<vmem>>) target_semaphore(%run_scoped3A_277 : memref<!tpu.dma_semaphore, #tpu.memory_space<semaphore_mem>>)
        %dma_wait3A_284 = arith.constant 14448 : i32
        %dma_wait3A_285 = arith.constant 0 : i32
        %dma_wait3A_286 = tpu.memref_slice %arg18[%dma_wait3A_284, %dma_wait3A_285] : memref<16512x32xf32, #tpu.memory_space<vmem_shared>> -> memref<1032x32xf32, #tpu.memory_space<vmem_shared>>
        %dma_wait3A_287 = arith.constant 14448 : i32
        %dma_wait3A_288 = arith.constant 0 : i32
        %dma_wait3A_289 = tpu.memref_slice %arg18[%dma_wait3A_287, %dma_wait3A_288] : memref<16512x32xf32, #tpu.memory_space<vmem_shared>> -> memref<1032x32xf32, #tpu.memory_space<vmem_shared>>
        tpu.wait_dma2 semaphore(%run_scoped3A_277 : memref<!tpu.dma_semaphore, #tpu.memory_space<semaphore_mem>>) src(%dma_wait3A_289 : memref<1032x32xf32, #tpu.memory_space<vmem_shared>>) dst(%arg12 : memref<1032x32xf32, #tpu.memory_space<vmem>>)
        tpu.yield
      }) : () -> ()
      "tpu.region"() ({
        %run_scoped3A_277 = tpu.sem_alloc : memref<!tpu.dma_semaphore, #tpu.memory_space<semaphore_mem>>
        %dma_start3A_278 = arith.constant 14448 : i32
        %dma_start3A_279 = arith.constant 0 : i32
        %dma_start3A_280 = tpu.memref_slice %arg7[%arg0, %dma_start3A_278, %dma_start3A_279] : memref<2x16512x32xf32, #tpu.memory_space<hbm>> -> memref<1x1032x32xf32, #tpu.memory_space<hbm>>
        %dma_start3A_281 = tpu.memref_squeeze %dma_start3A_280 : memref<1x1032x32xf32, #tpu.memory_space<hbm>> -> memref<1032x32xf32, #tpu.memory_space<hbm>>
        %dma_start3A_282 = arith.constant 14448 : i32
        %dma_start3A_283 = arith.constant 0 : i32
        %dma_start3A_284 = tpu.memref_slice %arg7[%arg0, %dma_start3A_282, %dma_start3A_283] : memref<2x16512x32xf32, #tpu.memory_space<hbm>> -> memref<1x1032x32xf32, #tpu.memory_space<hbm>>
        %dma_start3A_285 = tpu.memref_squeeze %dma_start3A_284 : memref<1x1032x32xf32, #tpu.memory_space<hbm>> -> memref<1032x32xf32, #tpu.memory_space<hbm>>
        tpu.enqueue_dma source(%arg12 : memref<1032x32xf32, #tpu.memory_space<vmem>>) target(%dma_start3A_285 : memref<1032x32xf32, #tpu.memory_space<hbm>>) target_semaphore(%run_scoped3A_277 : memref<!tpu.dma_semaphore, #tpu.memory_space<semaphore_mem>>)
        %dma_wait3A_286 = arith.constant 14448 : i32
        %dma_wait3A_287 = arith.constant 0 : i32
        %dma_wait3A_288 = tpu.memref_slice %arg7[%arg0, %dma_wait3A_286, %dma_wait3A_287] : memref<2x16512x32xf32, #tpu.memory_space<hbm>> -> memref<1x1032x32xf32, #tpu.memory_space<hbm>>
        %dma_wait3A_289 = tpu.memref_squeeze %dma_wait3A_288 : memref<1x1032x32xf32, #tpu.memory_space<hbm>> -> memref<1032x32xf32, #tpu.memory_space<hbm>>
        %dma_wait3A_290 = arith.constant 14448 : i32
        %dma_wait3A_291 = arith.constant 0 : i32
        %dma_wait3A_292 = tpu.memref_slice %arg7[%arg0, %dma_wait3A_290, %dma_wait3A_291] : memref<2x16512x32xf32, #tpu.memory_space<hbm>> -> memref<1x1032x32xf32, #tpu.memory_space<hbm>>
        %dma_wait3A_293 = tpu.memref_squeeze %dma_wait3A_292 : memref<1x1032x32xf32, #tpu.memory_space<hbm>> -> memref<1032x32xf32, #tpu.memory_space<hbm>>
        tpu.wait_dma2 semaphore(%run_scoped3A_277 : memref<!tpu.dma_semaphore, #tpu.memory_space<semaphore_mem>>) src(%arg12 : memref<1032x32xf32, #tpu.memory_space<vmem>>) dst(%dma_wait3A_293 : memref<1032x32xf32, #tpu.memory_space<hbm>>)
        tpu.yield
      }) : () -> ()
      "tpu.region"() ({
        %run_scoped3A_277 = tpu.sem_alloc : memref<!tpu.dma_semaphore, #tpu.memory_space<semaphore_mem>>
        %dma_start3A_278 = arith.constant 14448 : i32
        %dma_start3A_279 = arith.constant 0 : i32
        %dma_start3A_280 = tpu.memref_slice %arg19[%dma_start3A_278, %dma_start3A_279] : memref<16512x8xf32, #tpu.memory_space<vmem_shared>> -> memref<1032x8xf32, #tpu.memory_space<vmem_shared>>
        %dma_start3A_281 = arith.constant 14448 : i32
        %dma_start3A_282 = arith.constant 0 : i32
        %dma_start3A_283 = tpu.memref_slice %arg19[%dma_start3A_281, %dma_start3A_282] : memref<16512x8xf32, #tpu.memory_space<vmem_shared>> -> memref<1032x8xf32, #tpu.memory_space<vmem_shared>>
        tpu.enqueue_dma source(%dma_start3A_283 : memref<1032x8xf32, #tpu.memory_space<vmem_shared>>) target(%arg13 : memref<1032x8xf32, #tpu.memory_space<vmem>>) target_semaphore(%run_scoped3A_277 : memref<!tpu.dma_semaphore, #tpu.memory_space<semaphore_mem>>)
        %dma_wait3A_284 = arith.constant 14448 : i32
        %dma_wait3A_285 = arith.constant 0 : i32
        %dma_wait3A_286 = tpu.memref_slice %arg19[%dma_wait3A_284, %dma_wait3A_285] : memref<16512x8xf32, #tpu.memory_space<vmem_shared>> -> memref<1032x8xf32, #tpu.memory_space<vmem_shared>>
        %dma_wait3A_287 = arith.constant 14448 : i32
        %dma_wait3A_288 = arith.constant 0 : i32
        %dma_wait3A_289 = tpu.memref_slice %arg19[%dma_wait3A_287, %dma_wait3A_288] : memref<16512x8xf32, #tpu.memory_space<vmem_shared>> -> memref<1032x8xf32, #tpu.memory_space<vmem_shared>>
        tpu.wait_dma2 semaphore(%run_scoped3A_277 : memref<!tpu.dma_semaphore, #tpu.memory_space<semaphore_mem>>) src(%dma_wait3A_289 : memref<1032x8xf32, #tpu.memory_space<vmem_shared>>) dst(%arg13 : memref<1032x8xf32, #tpu.memory_space<vmem>>)
        tpu.yield
      }) : () -> ()
      "tpu.region"() ({
        %run_scoped3A_277 = tpu.sem_alloc : memref<!tpu.dma_semaphore, #tpu.memory_space<semaphore_mem>>
        %dma_start3A_278 = arith.constant 14448 : i32
        %dma_start3A_279 = arith.constant 0 : i32
        %dma_start3A_280 = tpu.memref_slice %arg8[%arg0, %dma_start3A_278, %dma_start3A_279] : memref<2x16512x8xf32, #tpu.memory_space<hbm>> -> memref<1x1032x8xf32, #tpu.memory_space<hbm>>
        %dma_start3A_281 = tpu.memref_squeeze %dma_start3A_280 : memref<1x1032x8xf32, #tpu.memory_space<hbm>> -> memref<1032x8xf32, #tpu.memory_space<hbm>>
        %dma_start3A_282 = arith.constant 14448 : i32
        %dma_start3A_283 = arith.constant 0 : i32
        %dma_start3A_284 = tpu.memref_slice %arg8[%arg0, %dma_start3A_282, %dma_start3A_283] : memref<2x16512x8xf32, #tpu.memory_space<hbm>> -> memref<1x1032x8xf32, #tpu.memory_space<hbm>>
        %dma_start3A_285 = tpu.memref_squeeze %dma_start3A_284 : memref<1x1032x8xf32, #tpu.memory_space<hbm>> -> memref<1032x8xf32, #tpu.memory_space<hbm>>
        tpu.enqueue_dma source(%arg13 : memref<1032x8xf32, #tpu.memory_space<vmem>>) target(%dma_start3A_285 : memref<1032x8xf32, #tpu.memory_space<hbm>>) target_semaphore(%run_scoped3A_277 : memref<!tpu.dma_semaphore, #tpu.memory_space<semaphore_mem>>)
        %dma_wait3A_286 = arith.constant 14448 : i32
        %dma_wait3A_287 = arith.constant 0 : i32
        %dma_wait3A_288 = tpu.memref_slice %arg8[%arg0, %dma_wait3A_286, %dma_wait3A_287] : memref<2x16512x8xf32, #tpu.memory_space<hbm>> -> memref<1x1032x8xf32, #tpu.memory_space<hbm>>
        %dma_wait3A_289 = tpu.memref_squeeze %dma_wait3A_288 : memref<1x1032x8xf32, #tpu.memory_space<hbm>> -> memref<1032x8xf32, #tpu.memory_space<hbm>>
        %dma_wait3A_290 = arith.constant 14448 : i32
        %dma_wait3A_291 = arith.constant 0 : i32
        %dma_wait3A_292 = tpu.memref_slice %arg8[%arg0, %dma_wait3A_290, %dma_wait3A_291] : memref<2x16512x8xf32, #tpu.memory_space<hbm>> -> memref<1x1032x8xf32, #tpu.memory_space<hbm>>
        %dma_wait3A_293 = tpu.memref_squeeze %dma_wait3A_292 : memref<1x1032x8xf32, #tpu.memory_space<hbm>> -> memref<1032x8xf32, #tpu.memory_space<hbm>>
        tpu.wait_dma2 semaphore(%run_scoped3A_277 : memref<!tpu.dma_semaphore, #tpu.memory_space<semaphore_mem>>) src(%arg13 : memref<1032x8xf32, #tpu.memory_space<vmem>>) dst(%dma_wait3A_293 : memref<1032x8xf32, #tpu.memory_space<hbm>>)
        tpu.yield
      }) : () -> ()
    } else {
    }
    %eq3A_272 = arith.constant 15 : i32
    %eq3A_273 = arith.cmpi eq, %arg1, %eq3A_272 : i32
    %convert_element_type3A_274 = arith.extui %eq3A_273 : i1 to i32
    %cond3A_275 = arith.constant 0 : i32
    %cond3A_276 = arith.cmpi ne, %convert_element_type3A_274, %cond3A_275 : i32
    scf.if %cond3A_276 {
      "tpu.region"() ({
        %run_scoped3A_277 = tpu.sem_alloc : memref<!tpu.dma_semaphore, #tpu.memory_space<semaphore_mem>>
        %dma_start3A_278 = arith.constant 15480 : i32
        %dma_start3A_279 = arith.constant 0 : i32
        %dma_start3A_280 = tpu.memref_slice %arg18[%dma_start3A_278, %dma_start3A_279] : memref<16512x32xf32, #tpu.memory_space<vmem_shared>> -> memref<1032x32xf32, #tpu.memory_space<vmem_shared>>
        %dma_start3A_281 = arith.constant 15480 : i32
        %dma_start3A_282 = arith.constant 0 : i32
        %dma_start3A_283 = tpu.memref_slice %arg18[%dma_start3A_281, %dma_start3A_282] : memref<16512x32xf32, #tpu.memory_space<vmem_shared>> -> memref<1032x32xf32, #tpu.memory_space<vmem_shared>>
        tpu.enqueue_dma source(%dma_start3A_283 : memref<1032x32xf32, #tpu.memory_space<vmem_shared>>) target(%arg12 : memref<1032x32xf32, #tpu.memory_space<vmem>>) target_semaphore(%run_scoped3A_277 : memref<!tpu.dma_semaphore, #tpu.memory_space<semaphore_mem>>)
        %dma_wait3A_284 = arith.constant 15480 : i32
        %dma_wait3A_285 = arith.constant 0 : i32
        %dma_wait3A_286 = tpu.memref_slice %arg18[%dma_wait3A_284, %dma_wait3A_285] : memref<16512x32xf32, #tpu.memory_space<vmem_shared>> -> memref<1032x32xf32, #tpu.memory_space<vmem_shared>>
        %dma_wait3A_287 = arith.constant 15480 : i32
        %dma_wait3A_288 = arith.constant 0 : i32
        %dma_wait3A_289 = tpu.memref_slice %arg18[%dma_wait3A_287, %dma_wait3A_288] : memref<16512x32xf32, #tpu.memory_space<vmem_shared>> -> memref<1032x32xf32, #tpu.memory_space<vmem_shared>>
        tpu.wait_dma2 semaphore(%run_scoped3A_277 : memref<!tpu.dma_semaphore, #tpu.memory_space<semaphore_mem>>) src(%dma_wait3A_289 : memref<1032x32xf32, #tpu.memory_space<vmem_shared>>) dst(%arg12 : memref<1032x32xf32, #tpu.memory_space<vmem>>)
        tpu.yield
      }) : () -> ()
      "tpu.region"() ({
        %run_scoped3A_277 = tpu.sem_alloc : memref<!tpu.dma_semaphore, #tpu.memory_space<semaphore_mem>>
        %dma_start3A_278 = arith.constant 15480 : i32
        %dma_start3A_279 = arith.constant 0 : i32
        %dma_start3A_280 = tpu.memref_slice %arg7[%arg0, %dma_start3A_278, %dma_start3A_279] : memref<2x16512x32xf32, #tpu.memory_space<hbm>> -> memref<1x1032x32xf32, #tpu.memory_space<hbm>>
        %dma_start3A_281 = tpu.memref_squeeze %dma_start3A_280 : memref<1x1032x32xf32, #tpu.memory_space<hbm>> -> memref<1032x32xf32, #tpu.memory_space<hbm>>
        %dma_start3A_282 = arith.constant 15480 : i32
        %dma_start3A_283 = arith.constant 0 : i32
        %dma_start3A_284 = tpu.memref_slice %arg7[%arg0, %dma_start3A_282, %dma_start3A_283] : memref<2x16512x32xf32, #tpu.memory_space<hbm>> -> memref<1x1032x32xf32, #tpu.memory_space<hbm>>
        %dma_start3A_285 = tpu.memref_squeeze %dma_start3A_284 : memref<1x1032x32xf32, #tpu.memory_space<hbm>> -> memref<1032x32xf32, #tpu.memory_space<hbm>>
        tpu.enqueue_dma source(%arg12 : memref<1032x32xf32, #tpu.memory_space<vmem>>) target(%dma_start3A_285 : memref<1032x32xf32, #tpu.memory_space<hbm>>) target_semaphore(%run_scoped3A_277 : memref<!tpu.dma_semaphore, #tpu.memory_space<semaphore_mem>>)
        %dma_wait3A_286 = arith.constant 15480 : i32
        %dma_wait3A_287 = arith.constant 0 : i32
        %dma_wait3A_288 = tpu.memref_slice %arg7[%arg0, %dma_wait3A_286, %dma_wait3A_287] : memref<2x16512x32xf32, #tpu.memory_space<hbm>> -> memref<1x1032x32xf32, #tpu.memory_space<hbm>>
        %dma_wait3A_289 = tpu.memref_squeeze %dma_wait3A_288 : memref<1x1032x32xf32, #tpu.memory_space<hbm>> -> memref<1032x32xf32, #tpu.memory_space<hbm>>
        %dma_wait3A_290 = arith.constant 15480 : i32
        %dma_wait3A_291 = arith.constant 0 : i32
        %dma_wait3A_292 = tpu.memref_slice %arg7[%arg0, %dma_wait3A_290, %dma_wait3A_291] : memref<2x16512x32xf32, #tpu.memory_space<hbm>> -> memref<1x1032x32xf32, #tpu.memory_space<hbm>>
        %dma_wait3A_293 = tpu.memref_squeeze %dma_wait3A_292 : memref<1x1032x32xf32, #tpu.memory_space<hbm>> -> memref<1032x32xf32, #tpu.memory_space<hbm>>
        tpu.wait_dma2 semaphore(%run_scoped3A_277 : memref<!tpu.dma_semaphore, #tpu.memory_space<semaphore_mem>>) src(%arg12 : memref<1032x32xf32, #tpu.memory_space<vmem>>) dst(%dma_wait3A_293 : memref<1032x32xf32, #tpu.memory_space<hbm>>)
        tpu.yield
      }) : () -> ()
      "tpu.region"() ({
        %run_scoped3A_277 = tpu.sem_alloc : memref<!tpu.dma_semaphore, #tpu.memory_space<semaphore_mem>>
        %dma_start3A_278 = arith.constant 15480 : i32
        %dma_start3A_279 = arith.constant 0 : i32
        %dma_start3A_280 = tpu.memref_slice %arg19[%dma_start3A_278, %dma_start3A_279] : memref<16512x8xf32, #tpu.memory_space<vmem_shared>> -> memref<1032x8xf32, #tpu.memory_space<vmem_shared>>
        %dma_start3A_281 = arith.constant 15480 : i32
        %dma_start3A_282 = arith.constant 0 : i32
        %dma_start3A_283 = tpu.memref_slice %arg19[%dma_start3A_281, %dma_start3A_282] : memref<16512x8xf32, #tpu.memory_space<vmem_shared>> -> memref<1032x8xf32, #tpu.memory_space<vmem_shared>>
        tpu.enqueue_dma source(%dma_start3A_283 : memref<1032x8xf32, #tpu.memory_space<vmem_shared>>) target(%arg13 : memref<1032x8xf32, #tpu.memory_space<vmem>>) target_semaphore(%run_scoped3A_277 : memref<!tpu.dma_semaphore, #tpu.memory_space<semaphore_mem>>)
        %dma_wait3A_284 = arith.constant 15480 : i32
        %dma_wait3A_285 = arith.constant 0 : i32
        %dma_wait3A_286 = tpu.memref_slice %arg19[%dma_wait3A_284, %dma_wait3A_285] : memref<16512x8xf32, #tpu.memory_space<vmem_shared>> -> memref<1032x8xf32, #tpu.memory_space<vmem_shared>>
        %dma_wait3A_287 = arith.constant 15480 : i32
        %dma_wait3A_288 = arith.constant 0 : i32
        %dma_wait3A_289 = tpu.memref_slice %arg19[%dma_wait3A_287, %dma_wait3A_288] : memref<16512x8xf32, #tpu.memory_space<vmem_shared>> -> memref<1032x8xf32, #tpu.memory_space<vmem_shared>>
        tpu.wait_dma2 semaphore(%run_scoped3A_277 : memref<!tpu.dma_semaphore, #tpu.memory_space<semaphore_mem>>) src(%dma_wait3A_289 : memref<1032x8xf32, #tpu.memory_space<vmem_shared>>) dst(%arg13 : memref<1032x8xf32, #tpu.memory_space<vmem>>)
        tpu.yield
      }) : () -> ()
      "tpu.region"() ({
        %run_scoped3A_277 = tpu.sem_alloc : memref<!tpu.dma_semaphore, #tpu.memory_space<semaphore_mem>>
        %dma_start3A_278 = arith.constant 15480 : i32
        %dma_start3A_279 = arith.constant 0 : i32
        %dma_start3A_280 = tpu.memref_slice %arg8[%arg0, %dma_start3A_278, %dma_start3A_279] : memref<2x16512x8xf32, #tpu.memory_space<hbm>> -> memref<1x1032x8xf32, #tpu.memory_space<hbm>>
        %dma_start3A_281 = tpu.memref_squeeze %dma_start3A_280 : memref<1x1032x8xf32, #tpu.memory_space<hbm>> -> memref<1032x8xf32, #tpu.memory_space<hbm>>
        %dma_start3A_282 = arith.constant 15480 : i32
        %dma_start3A_283 = arith.constant 0 : i32
        %dma_start3A_284 = tpu.memref_slice %arg8[%arg0, %dma_start3A_282, %dma_start3A_283] : memref<2x16512x8xf32, #tpu.memory_space<hbm>> -> memref<1x1032x8xf32, #tpu.memory_space<hbm>>
        %dma_start3A_285 = tpu.memref_squeeze %dma_start3A_284 : memref<1x1032x8xf32, #tpu.memory_space<hbm>> -> memref<1032x8xf32, #tpu.memory_space<hbm>>
        tpu.enqueue_dma source(%arg13 : memref<1032x8xf32, #tpu.memory_space<vmem>>) target(%dma_start3A_285 : memref<1032x8xf32, #tpu.memory_space<hbm>>) target_semaphore(%run_scoped3A_277 : memref<!tpu.dma_semaphore, #tpu.memory_space<semaphore_mem>>)
        %dma_wait3A_286 = arith.constant 15480 : i32
        %dma_wait3A_287 = arith.constant 0 : i32
        %dma_wait3A_288 = tpu.memref_slice %arg8[%arg0, %dma_wait3A_286, %dma_wait3A_287] : memref<2x16512x8xf32, #tpu.memory_space<hbm>> -> memref<1x1032x8xf32, #tpu.memory_space<hbm>>
        %dma_wait3A_289 = tpu.memref_squeeze %dma_wait3A_288 : memref<1x1032x8xf32, #tpu.memory_space<hbm>> -> memref<1032x8xf32, #tpu.memory_space<hbm>>
        %dma_wait3A_290 = arith.constant 15480 : i32
        %dma_wait3A_291 = arith.constant 0 : i32
        %dma_wait3A_292 = tpu.memref_slice %arg8[%arg0, %dma_wait3A_290, %dma_wait3A_291] : memref<2x16512x8xf32, #tpu.memory_space<hbm>> -> memref<1x1032x8xf32, #tpu.memory_space<hbm>>
        %dma_wait3A_293 = tpu.memref_squeeze %dma_wait3A_292 : memref<1x1032x8xf32, #tpu.memory_space<hbm>> -> memref<1032x8xf32, #tpu.memory_space<hbm>>
        tpu.wait_dma2 semaphore(%run_scoped3A_277 : memref<!tpu.dma_semaphore, #tpu.memory_space<semaphore_mem>>) src(%arg13 : memref<1032x8xf32, #tpu.memory_space<vmem>>) dst(%dma_wait3A_293 : memref<1032x8xf32, #tpu.memory_space<hbm>>)
        tpu.yield
      }) : () -> ()
    } else {
    }
    return
  }
}

module attributes {stable_mosaic.version = 14 : i64} {
  func.func @_voxel_body(%arg0: i32, %arg1: memref<1x3x32x88xf32, #tpu.memory_space<vmem>>, %arg2: memref<1x32x88xi32, #tpu.memory_space<vmem>>) attributes {dimension_semantics = [#tpu.dimension_semantics<arbitrary>], iteration_bounds = array<i64: 240>, scalar_prefetch = 0 : i64, scratch_operands = 0 : i64, tpu.core_type = #tpu.core_type<tc>, window_params = [{transform_indices = @transform_0, window_bounds = array<i64: 1, 3, 32, 88>}, {transform_indices = @transform_1, window_bounds = array<i64: 1, 32, 88>}]} {
    %get3A = arith.constant 0 : index
    %get3A_0 = arith.constant 0 : index
    %get3A_1 = arith.constant 0 : index
    %get3A_2 = arith.constant 0 : index
    %get3A_3 = vector.load %arg1[%get3A, %get3A_0, %get3A_1, %get3A_2] : memref<1x3x32x88xf32, #tpu.memory_space<vmem>>, vector<1x1x32x88xf32>
    %get3A_4 = vector.shape_cast %get3A_3 : vector<1x1x32x88xf32> to vector<32x88xf32>
    %get3A_5 = arith.constant 0 : index
    %get3A_6 = arith.constant 1 : index
    %get3A_7 = arith.constant 0 : index
    %get3A_8 = arith.constant 0 : index
    %get3A_9 = vector.load %arg1[%get3A_5, %get3A_6, %get3A_7, %get3A_8] : memref<1x3x32x88xf32, #tpu.memory_space<vmem>>, vector<1x1x32x88xf32>
    %get3A_10 = vector.shape_cast %get3A_9 : vector<1x1x32x88xf32> to vector<32x88xf32>
    %get3A_11 = arith.constant 0 : index
    %get3A_12 = arith.constant 2 : index
    %get3A_13 = arith.constant 0 : index
    %get3A_14 = arith.constant 0 : index
    %get3A_15 = vector.load %arg1[%get3A_11, %get3A_12, %get3A_13, %get3A_14] : memref<1x3x32x88xf32, #tpu.memory_space<vmem>>, vector<1x1x32x88xf32>
    %get3A_16 = vector.shape_cast %get3A_15 : vector<1x1x32x88xf32> to vector<32x88xf32>
    %sub3A = arith.constant -5.120000e+01 : f32
    %sub3A_17 = vector.broadcast %sub3A : f32 to vector<32x88xf32>
    %sub3A_18 = arith.subf %get3A_4, %sub3A_17 : vector<32x88xf32>
    %div3A = arith.constant 8.000000e-01 : f32
    %div3A_19 = vector.broadcast %div3A : f32 to vector<32x88xf32>
    %div3A_20 = arith.divf %sub3A_18, %div3A_19 : vector<32x88xf32>
    %convert_element_type3A = arith.fptosi %div3A_20 : vector<32x88xf32> to vector<32x88xi32>
    %sub3A_21 = arith.constant -5.120000e+01 : f32
    %sub3A_22 = vector.broadcast %sub3A_21 : f32 to vector<32x88xf32>
    %sub3A_23 = arith.subf %get3A_10, %sub3A_22 : vector<32x88xf32>
    %div3A_24 = arith.constant 8.000000e-01 : f32
    %div3A_25 = vector.broadcast %div3A_24 : f32 to vector<32x88xf32>
    %div3A_26 = arith.divf %sub3A_23, %div3A_25 : vector<32x88xf32>
    %convert_element_type3A_27 = arith.fptosi %div3A_26 : vector<32x88xf32> to vector<32x88xi32>
    %sub3A_28 = arith.constant -1.000000e+01 : f32
    %sub3A_29 = vector.broadcast %sub3A_28 : f32 to vector<32x88xf32>
    %sub3A_30 = arith.subf %get3A_16, %sub3A_29 : vector<32x88xf32>
    %div3A_31 = arith.constant 2.000000e+01 : f32
    %div3A_32 = vector.broadcast %div3A_31 : f32 to vector<32x88xf32>
    %div3A_33 = arith.divf %sub3A_30, %div3A_32 : vector<32x88xf32>
    %convert_element_type3A_34 = arith.fptosi %div3A_33 : vector<32x88xf32> to vector<32x88xi32>
    %ge3A = arith.constant 0 : i32
    %ge3A_35 = vector.broadcast %ge3A : i32 to vector<32x88xi32>
    %ge3A_36 = arith.cmpi sge, %convert_element_type3A, %ge3A_35 : vector<32x88xi32>
    %lt3A = arith.constant 128 : i32
    %lt3A_37 = vector.broadcast %lt3A : i32 to vector<32x88xi32>
    %lt3A_38 = arith.cmpi slt, %convert_element_type3A, %lt3A_37 : vector<32x88xi32>
    %and3A = arith.andi %ge3A_36, %lt3A_38 : vector<32x88xi1>
    %ge3A_39 = arith.constant 0 : i32
    %ge3A_40 = vector.broadcast %ge3A_39 : i32 to vector<32x88xi32>
    %ge3A_41 = arith.cmpi sge, %convert_element_type3A_27, %ge3A_40 : vector<32x88xi32>
    %and3A_42 = arith.andi %and3A, %ge3A_41 : vector<32x88xi1>
    %lt3A_43 = arith.constant 128 : i32
    %lt3A_44 = vector.broadcast %lt3A_43 : i32 to vector<32x88xi32>
    %lt3A_45 = arith.cmpi slt, %convert_element_type3A_27, %lt3A_44 : vector<32x88xi32>
    %and3A_46 = arith.andi %and3A_42, %lt3A_45 : vector<32x88xi1>
    %ge3A_47 = arith.constant 0 : i32
    %ge3A_48 = vector.broadcast %ge3A_47 : i32 to vector<32x88xi32>
    %ge3A_49 = arith.cmpi sge, %convert_element_type3A_34, %ge3A_48 : vector<32x88xi32>
    %and3A_50 = arith.andi %and3A_46, %ge3A_49 : vector<32x88xi1>
    %lt3A_51 = arith.constant 1 : i32
    %lt3A_52 = vector.broadcast %lt3A_51 : i32 to vector<32x88xi32>
    %lt3A_53 = arith.cmpi slt, %convert_element_type3A_34, %lt3A_52 : vector<32x88xi32>
    %and3A_54 = arith.andi %and3A_50, %lt3A_53 : vector<32x88xi1>
    %iota3A = tpu.iota {dimensions = array<i32: 0>} : vector<32x88xi32>
    %iota3A_55 = tpu.iota {dimensions = array<i32: 1>} : vector<32x88xi32>
    %mul3A = arith.constant 88 : i32
    %mul3A_56 = vector.broadcast %mul3A : i32 to vector<32x88xi32>
    %mul3A_57 = arith.muli %iota3A, %mul3A_56 : vector<32x88xi32>
    %add3A = arith.addi %mul3A_57, %iota3A_55 : vector<32x88xi32>
    %and3A_58 = arith.constant 127 : i32
    %and3A_59 = vector.broadcast %and3A_58 : i32 to vector<32x88xi32>
    %and3A_60 = arith.andi %add3A, %and3A_59 : vector<32x88xi32>
    %add3A_61 = arith.constant 16384 : i32
    %add3A_62 = vector.broadcast %add3A_61 : i32 to vector<32x88xi32>
    %add3A_63 = arith.addi %add3A_62, %and3A_60 : vector<32x88xi32>
    %mul3A_64 = arith.constant 128 : i32
    %mul3A_65 = vector.broadcast %mul3A_64 : i32 to vector<32x88xi32>
    %mul3A_66 = arith.muli %convert_element_type3A, %mul3A_65 : vector<32x88xi32>
    %add3A_67 = arith.addi %mul3A_66, %convert_element_type3A_27 : vector<32x88xi32>
    %select_n3A = arith.select %and3A_54, %add3A_67, %add3A_63 : vector<32x88xi1>, vector<32x88xi32>
    %swap3A = arith.constant 0 : index
    %swap3A_68 = arith.constant 0 : index
    %swap3A_69 = arith.constant 0 : index
    %swap3A_70 = vector.load %arg2[%swap3A, %swap3A_68, %swap3A_69] : memref<1x32x88xi32, #tpu.memory_space<vmem>>, vector<1x32x88xi32>
    %swap3A_71 = vector.shape_cast %swap3A_70 : vector<1x32x88xi32> to vector<32x88xi32>
    %swap3A_72 = vector.shape_cast %select_n3A : vector<32x88xi32> to vector<1x32x88xi32>
    tpu.vector_store %arg2[%swap3A, %swap3A_68, %swap3A_69], %swap3A_72 {strides = array<i32>} : memref<1x32x88xi32, #tpu.memory_space<vmem>>, vector<1x32x88xi32>,
    return
  }
  func.func @transform_0(%arg0: i32) -> (i32, i32, i32, i32) {
    %c0_i32 = arith.constant 0 : i32
    %c0_i32_0 = arith.constant 0 : i32
    %c0_i32_1 = arith.constant 0 : i32
    %c0_i32_2 = arith.constant 0 : i32
    return %arg0, %c0_i32, %c0_i32_0, %c0_i32_1 : i32, i32, i32, i32
  }
  func.func @transform_1(%arg0: i32) -> (i32, i32, i32) {
    %c0_i32 = arith.constant 0 : i32
    %c0_i32_0 = arith.constant 0 : i32
    %c0_i32_1 = arith.constant 0 : i32
    return %arg0, %c0_i32, %c0_i32_0 : i32, i32, i32
  }
}

module attributes {stable_mosaic.version = 14 : i64} {
  func.func @_combine_body(%arg0: i32, %arg1: memref<2x1x128x32xf32, #tpu.memory_space<vmem>>, %arg2: memref<2x1x128x8xf32, #tpu.memory_space<vmem>>, %arg3: memref<1x64x128xf32, #tpu.memory_space<vmem>>) attributes {dimension_semantics = [#tpu.dimension_semantics<arbitrary>], iteration_bounds = array<i64: 128>, scalar_prefetch = 0 : i64, scratch_operands = 0 : i64, tpu.core_type = #tpu.core_type<tc>, window_params = [{transform_indices = @transform_0, window_bounds = array<i64: 2, 1, 128, 32>}, {transform_indices = @transform_1, window_bounds = array<i64: 2, 1, 128, 8>}, {transform_indices = @transform_2, window_bounds = array<i64: 1, 64, 128>}]} {
    %get3A = arith.constant 0 : index
    %get3A_0 = arith.constant 0 : index
    %get3A_1 = arith.constant 0 : index
    %get3A_2 = arith.constant 0 : index
    %get3A_3 = vector.load %arg1[%get3A, %get3A_0, %get3A_1, %get3A_2] : memref<2x1x128x32xf32, #tpu.memory_space<vmem>>, vector<1x1x128x32xf32>
    %get3A_4 = vector.shape_cast %get3A_3 : vector<1x1x128x32xf32> to vector<128x32xf32>
    %get3A_5 = arith.constant 1 : index
    %get3A_6 = arith.constant 0 : index
    %get3A_7 = arith.constant 0 : index
    %get3A_8 = arith.constant 0 : index
    %get3A_9 = vector.load %arg1[%get3A_5, %get3A_6, %get3A_7, %get3A_8] : memref<2x1x128x32xf32, #tpu.memory_space<vmem>>, vector<1x1x128x32xf32>
    %get3A_10 = vector.shape_cast %get3A_9 : vector<1x1x128x32xf32> to vector<128x32xf32>
    %concatenate3A = tpu.concatenate %get3A_4, %get3A_10 in 1 : vector<128x32xf32>, vector<128x32xf32> -> vector<128x64xf32>
    %get3A_11 = arith.constant 0 : index
    %get3A_12 = arith.constant 0 : index
    %get3A_13 = arith.constant 0 : index
    %get3A_14 = arith.constant 0 : index
    %get3A_15 = vector.load %arg2[%get3A_11, %get3A_12, %get3A_13, %get3A_14] : memref<2x1x128x8xf32, #tpu.memory_space<vmem>>, vector<1x1x128x1xf32>
    %get3A_16 = vector.shape_cast %get3A_15 : vector<1x1x128x1xf32> to vector<128xf32>
    %get3A_17 = arith.constant 1 : index
    %get3A_18 = arith.constant 0 : index
    %get3A_19 = arith.constant 0 : index
    %get3A_20 = arith.constant 0 : index
    %get3A_21 = vector.load %arg2[%get3A_17, %get3A_18, %get3A_19, %get3A_20] : memref<2x1x128x8xf32, #tpu.memory_space<vmem>>, vector<1x1x128x1xf32>
    %get3A_22 = vector.shape_cast %get3A_21 : vector<1x1x128x1xf32> to vector<128xf32>
    %add3A = arith.addf %get3A_16, %get3A_22 : vector<128xf32>
    %max3A = arith.constant 1.000000e+00 : f32
    %max3A_23 = vector.broadcast %max3A : f32 to vector<128xf32>
    %max3A_24 = arith.maximumf %add3A, %max3A_23 : vector<128xf32>
    %broadcast_in_dim3A = vector.shape_cast %max3A_24 : vector<128xf32> to vector<128x1xf32>
    %div3A = vector.broadcast %broadcast_in_dim3A : vector<128x1xf32> to vector<128x64xf32>
    %div3A_25 = arith.divf %concatenate3A, %div3A : vector<128x64xf32>
    %transpose3A = tpu.transpose %div3A_25, [1, 0] : vector<128x64xf32> -> vector<64x128xf32>
    %swap3A = arith.constant 0 : index
    %swap3A_26 = arith.constant 0 : index
    %swap3A_27 = arith.constant 0 : index
    %swap3A_28 = vector.load %arg3[%swap3A, %swap3A_26, %swap3A_27] : memref<1x64x128xf32, #tpu.memory_space<vmem>>, vector<1x64x128xf32>
    %swap3A_29 = vector.shape_cast %swap3A_28 : vector<1x64x128xf32> to vector<64x128xf32>
    %swap3A_30 = vector.shape_cast %transpose3A : vector<64x128xf32> to vector<1x64x128xf32>
    tpu.vector_store %arg3[%swap3A, %swap3A_26, %swap3A_27], %swap3A_30 {strides = array<i32>} : memref<1x64x128xf32, #tpu.memory_space<vmem>>, vector<1x64x128xf32>,
    return
  }
  func.func @transform_0(%arg0: i32) -> (i32, i32, i32, i32) {
    %c0_i32 = arith.constant 0 : i32
    %c0_i32_0 = arith.constant 0 : i32
    %c0_i32_1 = arith.constant 0 : i32
    %c0_i32_2 = arith.constant 0 : i32
    return %c0_i32, %arg0, %c0_i32_0, %c0_i32_1 : i32, i32, i32, i32
  }
  func.func @transform_1(%arg0: i32) -> (i32, i32, i32, i32) {
    %c0_i32 = arith.constant 0 : i32
    %c0_i32_0 = arith.constant 0 : i32
    %c0_i32_1 = arith.constant 0 : i32
    %c0_i32_2 = arith.constant 0 : i32
    return %c0_i32, %arg0, %c0_i32_0, %c0_i32_1 : i32, i32, i32, i32
  }
  func.func @transform_2(%arg0: i32) -> (i32, i32, i32) {
    %c0_i32 = arith.constant 0 : i32
    %c0_i32_0 = arith.constant 0 : i32
    %c0_i32_1 = arith.constant 0 : i32
    return %arg0, %c0_i32, %c0_i32_0 : i32, i32, i32
  }
}

</mosaic_0001>

<sc_bundles>
// kernel: kernel.5.cloned.1.call-start
scs
__scs_entry_jumppad:
0x0: {  	(pc) =	sbr.rel $0x88, $3  }
0x1: {  	(tag) =	ssettag $0x0;
	lr =	simm.s32 $0x1  }
0x2: {  	[smem:$0x3F9C] =	sst lr;
	_ =	strace $0xD0000000  }
0x3: {  	_ = 	snop  }
0x4: {  	_ = 	snop  }
0x5: {  	_ = 	snop  }
0x6: {  	_ = 	snop  }
0x7: {  	_ = 	snop  }
__scs_overlays_trampoline_lowered:
0x8: {  	[smem:$0x3FAB] =	sst s0  }
0x9: {  	[smem:$0x3FAC] =	sst s1  }
0xa: {  	[smem:$0x3FAD] =	sst s2  }
0xb: {  	[smem:$0x3FAE] =	sst s3  }
0xc: {  	[smem:$0x3FAF] =	sst s4  }
0xd: {  	[smem:$0x3FB0] =	sst s5  }
0xe: {  	[smem:$0x3FB1] =	sst s6  }
0xf: {  	[smem:$0x3FB2] =	sst s7  }
0x10: {  	[smem:$0x3FB3] =	sst s8  }
0x11: {  	[smem:$0x3FB4] =	sst s9;
	s0 =	simm.s32 @!p0 $0x0  }
0x12: {  	s1 =	sld [smem:$0x3F9A];
	s0 =	simm.s32 @p0 $0x1  }
0x13: {  	[smem:$0x3FB5] =	sst s0;
	s0 =	simm.s32 @!p1 $0x0  }
0x14: {  	s2 =	sld [smem:$0x3F99];
	s0 =	simm.s32 @p1 $0x1  }
0x15: {  	[smem:$0x3FB6] =	sst s0;
	s0 =	simm.s32 @!p2 $0x0  }
0x16: {  	s3 =	sld [smem:$0x3FDB];
	s0 =	simm.s32 @p2 $0x1  }
0x17: {  	s4 =	simm.s32 $0x1BF5;
	[smem:$0x3FB8] =	sst s0  }
0x18: {  	s0 =	sld [smem:$0x3F9B];
	_ =	swait.ge [sflag:s4], $0x0  }
0x19: {  	s7 =	sld [smem:$0x3F9C]  }
0x1a: {  	s8 =	sadd.s32 $0xFFFFE003, lr  }
0x1b: {  	s9 =	sadd.s32 $0xFFFFFEF7, lr;
	s5 =	simm.s32 $0xFFFFFFFF;
	p2 =	slt.u32 s8, $0xFFFFF086  }
0x1c: {  	p1 =	slt.u32 s9, $0xF7A;
	s5 =	simm.s32 @!p2 $0x0  }
0x1d: {  	s5 =	simm.s32 @p1 $0x1;
	p0 =	seq.s32 s7, s2  }
0x1e: {  	s7 =	smul.u32 @!p0 $0xF7A, s2;
	p2 =	seq.s32 @!p0 s5, $0x0  }
0x1f: {  	s9 =	smul.u32 $0xF7A, s1;
	s8 =	simm.s32 @!p0 $0x1BF5;
	p2 =	por !p2, p0  }
0x20: {  	[sflag:s8] =	ssyncset.s32 @!p0 $0xFFFFF086;
	s6 =	sadd.s32 @!p0 s3, s7;
	s7 =	simm.s32 @!p0 $0x108  }
0x21: {  	s3 =	sadd.s32 s3, s9;
	s6 =	sadd.s32 @!p0 $0x88, s6;
	s7 =	simm.s32 @p2 $0x1082  }
0x22: {  	[simem:s7], [sflag:s8] =	dma.local @!p0 [hbm:s6], $0xF7A  }
0x23: {  	s9 =	sor.u32 $0xD0000000, s2;
	s6 =	simm.s32 $0x108;
	_ =	swait.ge @!p0 [sflag:s8], $0x0  }
0x24: {  	s3 =	sadd.s32 $0x88, s3;
	s6 =	simm.s32 @!p1 $0x1082;
	[sflag:s4] =	ssyncset.s32 $0xFFFFF086  }
0x25: {  	[simem:s6], [sflag:s4] =	dma.local [hbm:s3], $0xF7A  }
0x26: {  	[smem:$0x3F9C] =	sst s1;
	(tag) =	ssettag s2;
	_ =	strace s9  }
0x27: {  	s1 =	sld [smem:$0x3FAC]  }
0x28: {  	s2 =	sld [smem:$0x3FAD]  }
0x29: {  	s4 =	sld [smem:$0x3FAF]  }
0x2a: {  	p0 =	seq.s32 s5, $0x0;
	s5 =	sld [smem:$0x3FB0]  }
0x2b: {  	s6 =	sld [smem:$0x3FB1]  }
0x2c: {  	s7 =	sld [smem:$0x3FB2]  }
0x2d: {  	s3 =	simm.s32 $0x108;
	s8 =	sld [smem:$0x3FB3]  }
0x2e: {  	s3 =	simm.s32 @!p0 $0x1082;
	s9 =	sld [smem:$0x3FB4]  }
0x2f: {  	lr =	sadd.s32 s0, s3;
	s0 =	sld [smem:$0x3FAB]  }
0x30: {  	s3 =	sld [smem:$0x3FAE]  }
0x31: {  	[smem:$0x3FB7] =	sst s10  }
0x32: {  	s10 =	sld [smem:$0x3FB5];
	_ =	sdelay $0x3  }
0x33: {  	p0 =	seq.s32 s10, $0x1;
	s10 =	sld [smem:$0x3FB7];
	_ =	sdelay $0x3  }
0x34: {  	[smem:$0x3FB7] =	sst s10  }
0x35: {  	s10 =	sld [smem:$0x3FB6];
	_ =	sdelay $0x3  }
0x36: {  	p1 =	seq.s32 s10, $0x1;
	s10 =	sld [smem:$0x3FB7];
	_ =	sdelay $0x3  }
0x37: {  	[smem:$0x3FB7] =	sst s10  }
0x38: {  	s10 =	sld [smem:$0x3FB8]  }
0x39: {  	_ = 	snop;
	(pc) =	sbr.ind lr, $3  }
0x3a: {  	_ = 	snop  }
0x3b: {  	_ = 	snop  }
0x3c: {  	p2 =	seq.s32 s10, $0x1;
	s10 =	sld [smem:$0x3FB7]  }
0x3d: {  	_ =	shalt  }
0x3e: {  	_ =	shalt  }
0x3f: {  	_ =	shalt  }
0x40: {  	_ =	shalt  }
0x41: {  	_ =	shalt  }
0x42: {  	_ =	shalt  }
0x43: {  	_ =	shalt  }
0x44: {  	_ =	shalt  }
0x45: {  	_ =	shalt  }
0x46: {  	_ =	shalt  }
0x47: {  	_ =	shalt  }
0x48: {  	_ =	shalt  }
0x49: {  	_ =	shalt  }
0x4a: {  	_ =	shalt  }
0x4b: {  	_ =	shalt  }
0x4c: {  	_ =	shalt  }
0x4d: {  	_ =	shalt  }
0x4e: {  	_ =	shalt  }
0x4f: {  	_ =	shalt  }
0x50: {  	_ =	shalt  }
0x51: {  	_ =	shalt  }
0x52: {  	_ =	shalt  }
0x53: {  	_ =	shalt  }
0x54: {  	_ =	shalt  }
0x55: {  	_ =	shalt  }
0x56: {  	_ =	shalt  }
0x57: {  	_ =	shalt  }
0x58: {  	_ =	shalt  }
0x59: {  	_ =	shalt  }
0x5a: {  	_ =	shalt  }
0x5b: {  	_ =	shalt  }
0x5c: {  	_ =	shalt  }
0x5d: {  	_ =	shalt  }
0x5e: {  	_ =	shalt  }
0x5f: {  	_ =	shalt  }
0x60: {  	_ =	shalt  }
0x61: {  	_ =	shalt  }
0x62: {  	_ =	shalt  }
0x63: {  	_ =	shalt  }
0x64: {  	_ =	shalt  }
0x65: {  	_ =	shalt  }
0x66: {  	_ =	shalt  }
0x67: {  	_ =	shalt  }
0x68: {  	_ =	shalt  }
0x69: {  	_ =	shalt  }
0x6a: {  	_ =	shalt  }
0x6b: {  	_ =	shalt  }
0x6c: {  	_ =	shalt  }
0x6d: {  	_ =	shalt  }
0x6e: {  	_ =	shalt  }
0x6f: {  	_ =	shalt  }
0x70: {  	_ =	shalt  }
0x71: {  	_ =	shalt  }
0x72: {  	_ =	shalt  }
0x73: {  	_ =	shalt  }
0x74: {  	_ =	shalt  }
0x75: {  	_ =	shalt  }
0x76: {  	_ =	shalt  }
0x77: {  	_ =	shalt  }
0x78: {  	_ =	shalt  }
0x79: {  	_ =	shalt  }
0x7a: {  	_ =	shalt  }
0x7b: {  	_ =	shalt  }
0x7c: {  	_ =	shalt  }
0x7d: {  	_ =	shalt  }
0x7e: {  	_ =	shalt  }
0x7f: {  	_ =	shalt  }
0x80: {  	_ =	shalt  }
0x81: {  	_ =	shalt  }
0x82: {  	_ =	shalt  }
0x83: {  	_ =	shalt  }
0x84: {  	_ =	shalt  }
0x85: {  	_ =	shalt  }
0x86: {  	_ =	shalt  }
0x87: {  	_ =	shalt  }
.Lfunc_end0:
.L_simem_size_0:
called_computation.1_lowered:
.L_overlay_start_0:
0x88: {  	s2 =	sld [smem:$0x3FD9]  }
0x89: {  	s3 =	sld [smem:$0x3FFE];
	_ =	sdelay $0x1  }
0x8a: {  	s1 =	srdreg.scid  }
0x8b: {  	s0 =	sand.u32 $0x1, s1  }
0x8c: {  	s17 =	sshll.u32 s0, $0xA;
	s2 =	sadd.s32 s3, s2  }
0x8d: {  	s2 =	sadd.s32 s2, s17  }
0x8e: {  	[smem:$0x3FC3] =	sst s2  }
0x8f: {  	_ = 	snop  }
0x90: {  	s2 =	sld [smem:$0x3FD0];
	(tm) =	ssettm $0x1  }
0x91: {  	s18 =	sld [smem:$0x3FFB];
	_ =	sdelay $0x3  }
0x92: {  	_ =	strace s18  }
0x93: {  	s3 =	sld [smem:$0x3FFC];
	_ =	sdelay $0x3  }
0x94: {  	_ =	strace s3  }
0x95: {  	s3 =	sld [smem:$0x3FFD];
	_ =	sdelay $0x3  }
0x96: {  	_ =	strace s3  }
0x97: {  	_ =	strace $0x8FFFFFFF  }
0x98: {  	s19 =	sld [smem:$0x3FDB];
	_ =	sdelay $0x1  }
0x99: {  	s4 =	simm.s32 $_scs_section_size  }
0x9a: {  	s5 =	simm.s32 $_size__tile_overlayer_lowered;
	s6 =	simm.s32 $_tile_overlayer_lowered  }
0x9b: {  	s22 =	simm.s32 $0x1BFF;
	s21 =	sshll.u32 s6, $0x1;
	s3 =	sadd.s32 s4, s19  }
0x9c: {  	s7 =	simm.s32 $0x0;
	s20 =	sshll.u32 s5, $0x1;
	s5 =	sadd.s32 s21, s3  }
0x9d: {  	[timem:s7], [sflag:s22] =	dma.local [hbm:s5], s20  }
0x9e: {  	_ =	swait.ge [sflag:s22], s20  }
0x9f: {  	s4 =	ssub.s32 $0x0, s20;
	[sflag:s22] =	ssyncset.done $0x0  }
0xa0: {  	[sflag:s22] =	ssyncadd.s32 s4;
	_ =	sdelay $0x1  }
0xa1: {  	s23 =	simm.s32 $0x1B8B  }
0xa2: {  	_ =	swait.ge [sflag:s23], $0x1  }
0xa3: {  	[sflag:s23] =	ssyncset.done $0x0  }
0xa4: {  	s25 =	simm.s32 $0x1B8E;
	s24 =	sld [smem:$0x3FFE];
	[sflag:s23] =	ssyncadd.s32 $0xFFFFFFFF  }
0xa5: {  	s26 =	simm.s32 $execute0_lowered;
	[smem:$0x3FD2] =	sst s25  }
0xa6: {  	s5 =	sshll.u32 s26, $0x1;
	_ =	strace $0x80000049;
	[dreg:$0x1] =	wrdreg $0xFFFFFFFF  }
0xa7: {  	s28 =	simm.s32 $_size_execute0_lowered;
	s3 =	sadd.s32 s3, s5;
	[dreg:$0x0] =	wrdreg $0x0  }
0xa8: {  	s5 =	sshll.u32 s28, $0x1;
	[dreg:$0x2] =	wrdreg s3  }
0xa9: {  	[dreg:$0x3] =	wrdreg s5  }
0xaa: {  	[dreg:$0x4] =	wrdreg $0xC0  }
0xab: {  	_ =	task [dreg:s7], $0x5FFFF  }
0xac: {  	[dreg:$0x1] =	wrdreg $0xFFFFFFFF  }
0xad: {  	[dreg:$0x0] =	wrdreg $0x60  }
0xae: {  	[dreg:$0x2] =	wrdreg s24  }
0xaf: {  	[dreg:$0x3] =	wrdreg s2  }
0xb0: {  	[dreg:$0x4] =	wrdreg $0xC6400  }
0xb1: {  	[dreg:$0x5] =	wrdreg $0x147400  }
0xb2: {  	[dreg:$0x6] =	wrdreg $0x9  }
0xb3: {  	_ =	task.clear_ibuf [dreg:s7], $0x7FFFF;
	_ =	strace $0x90000049  }
0xb4: {  	s29 =	simm.s32 $0x9;
	_ =	strace $0x8000004B  }
0xb5: {  	_ =	swait.ge [sflag:s29], $0x1  }
0xb6: {  	[sflag:s29] =	ssyncadd.s32 $0xFFFFFFFF  }
0xb7: {  	_ =	strace $0x9000004B  }
0xb8: {  	_ =	sfence  }
0xb9: {  	s30 =	sld [smem:$0x0];
	_ =	sdelay $0x2  }
0xba: {  	s31 =	sshll.u32 s1, $0xD;
	s1 =	sshrl.u32 s1, $0x2  }
0xbb: {  	s3 =	sand.u32 $0x4000, s31;
	s1 =	sadd.s32 s1, s30  }
0xbc: {  	s0 =	sor.u32 s3, s0;
	s1 =	sshll.u32 s1, $0x11  }
0xbd: {  	s0 =	sor.u32 s1, s0  }
0xbe: {  	s0 =	sadd.s32 $0x8F2B, s0  }
0xbf: {  	[sflag:s0] =	ssyncadd.remote.s32 $0x1  }
0xc0: {  	_ =	sfence.sel $0xFFFF  }
0xc1: {  	[dreg:$0x0] =	wrdreg $0xFFFFFFFF;
	(pc) =	sbr.abs _section_cstart, $3  }
0xc2: {  	[dreg:$0x1] =	wrdreg $0xFFFFFFFF  }
0xc3: {  	_ =	task.clear_ibuf [dreg:s7], $0x2FFFF;
	_ =	strace $0x9FFFFFFF  }
0xc4: {  	(tm) =	ssettm $0x7FFFFFFF  }
0xc5: {  	_ =	shalt  }
tec
execute0_lowered:
.L_overlay_start_1:
0x0: {  	(tag) =	ssettag $0x1  }
0x1: {  	s0 =	rddreg [dreg:$0x0]  }
0x2: {  	s5 =	rddreg [dreg:$0x1]  }
0x3: {  	s1 =	rddreg [dreg:$0x2]  }
0x4: {  	s2 =	rddreg [dreg:$0x3];
	s3 =	simm.s32 $0x0;
	s16 =	srdreg.scid  }
0x5: {  	s17 =	stileid.u32;
	[smem:$0x7FF] =	sst s3  }
0x6: {  	s4 =	sadd.s32 $0xA52000, s0;
	s6 =	sadd.s32 $0x2000, s0;
	s15 =	sadd.s32 $0x3200, s0  }
0x7: {  	s7 =	sadd.s32 $0x3800, s0;
	_ =	strace $0x8000004A;
	[dreg:$0x6] =	wrdreg s6  }
0x8: {  	s9 =	sand.u32 $0x1, s16;
	s10 =	smul.u32 $0xA500, s17;
	[dreg:$0x7] =	wrdreg s15  }
0x9: {  	s18 =	sadd.s32 $0x3A00, s0;
	s12 =	smul.u32 $0x294000, s17;
	[dreg:$0x8] =	wrdreg s7  }
0xa: {  	s19 =	ssub.s32 $0x2, s9;
	s13 =	sshll.u32 s9, $0x5;
	s24 =	smul.u32 $0x81000, s9  }
0xb: {  	s11 =	sshrl.u32 s19, $0x1;
	s20 =	sshrl.u32 s10, $0x3;
	s10 =	sor.u32 $0x80, s10  }
0xc: {  	s7 =	ssub.s32 s19, s11;
	s8 =	sadd.s32 s5, s20;
	s11 =	sor.u32 s13, s12  }
0xd: {  	s14 =	sshll.u32 s10, $0x6;
	s10 =	sshrl.u32 s10, $0x3;
	s16 =	sshrl.u32 s24, $0x3  }
0xe: {  	[dreg:$0x9] =	wrdreg s8;
	s12 =	sshrl.u32 s11, $0x3;
	s25 =	sadd.s32 s5, s10  }
0xf: {  	s6 =	sadd.s32 s18, s16;
	s21 =	sadd.s32 s4, s12;
	[dreg:$0xb] =	wrdreg s25  }
0x10: {  	s19 =	sadd.s32 $0x1020, s6;
	[dreg:$0xa] =	wrdreg s21  }
0x11: {  	s29 =	smul.u32 $0x20400, s9;
	s24 =	sadd.s32 $0x4080, s6;
	[dreg:$0xf] =	wrdreg s19  }
0x12: {  	s25 =	sadd.s32 $0x50A0, s6;
	[dreg:$0x12] =	wrdreg s24  }
0x13: {  	s10 =	sshrl.u32 s29, $0x3;
	s29 =	sadd.s32 $0x70E0, s6;
	[dreg:$0x13] =	wrdreg s25  }
0x14: {  	s22 =	sor.u32 s13, s14;
	s13 =	sadd.s32 $0xA140, s6;
	[dreg:$0x15] =	wrdreg s29  }
0x15: {  	s15 =	smul.u32 $0x10200, s9;
	s14 =	sadd.s32 $0xB160, s6;
	[dreg:$0x18] =	wrdreg s13  }
0x16: {  	s12 =	sshrl.u32 s22, $0x3;
	s16 =	sadd.s32 $0xD1A0, s6;
	[dreg:$0x19] =	wrdreg s14  }
0x17: {  	s23 =	smul.u32 $0x4080, s9;
	s26 =	sadd.s32 s4, s12;
	[dreg:$0x1b] =	wrdreg s16  }
0x18: {  	s0 =	sadd.s32 $0x23E00, s0;
	s12 =	sadd.s32 s18, s15;
	[dreg:$0xc] =	wrdreg s26  }
0x19: {  	s15 =	sadd.s32 s0, s23;
	[dreg:$0xd] =	wrdreg s12  }
0x1a: {  	s21 =	sadd.s32 $0x2040, s6;
	[dreg:$0xe] =	wrdreg s15  }
0x1b: {  	s23 =	sadd.s32 $0x3060, s6;
	[dreg:$0x10] =	wrdreg s21  }
0x1c: {  	s16 =	sadd.s32 $0x78F00, s1;
	[dreg:$0x11] =	wrdreg s23  }
0x1d: {  	s26 =	sadd.s32 $0x60C0, s6;
	[smem:$0x7E0] =	sst s16  }
0x1e: {  	s18 =	sadd.s32 $0x6000, s11;
	s12 =	sadd.s32 $0x9120, s6;
	[dreg:$0x14] =	wrdreg s26  }
0x1f: {  	s0 =	sadd.s32 s0, s10;
	s15 =	sadd.s32 $0xC180, s6;
	[dreg:$0x17] =	wrdreg s12  }
0x20: {  	s20 =	sshrl.u32 s18, $0x3;
	s18 =	sadd.s32 $0xE1C0, s6;
	[dreg:$0x1a] =	wrdreg s15  }
0x21: {  	s22 =	smul.u32 $0x14A0, s17;
	s19 =	sadd.s32 $0x408, s0;
	[dreg:$0x1c] =	wrdreg s18  }
0x22: {  	s21 =	sadd.s32 $0xC18, s0;
	[dreg:$0x1e] =	wrdreg s19  }
0x23: {  	s5 =	sadd.s32 s22, s5;
	s22 =	sadd.s32 $0x1020, s0;
	[smem:$0x7C2] =	sst s21  }
0x24: {  	s23 =	sadd.s32 $0x1428, s0;
	[smem:$0x7C3] =	sst s22  }
0x25: {  	s24 =	sadd.s32 $0x1830, s0;
	[smem:$0x7C4] =	sst s23  }
0x26: {  	s25 =	sadd.s32 $0x1C38, s0;
	[smem:$0x7C5] =	sst s24  }
0x27: {  	s29 =	sadd.s32 $0x2448, s0;
	[smem:$0x7C6] =	sst s25  }
0x28: {  	s8 =	sadd.s32 $0x2850, s0;
	[smem:$0x7C8] =	sst s29  }
0x29: {  	s13 =	sadd.s32 $0x3468, s0;
	[smem:$0x7C9] =	sst s8  }
0x2a: {  	s14 =	sadd.s32 $0x3870, s0;
	[smem:$0x7CC] =	sst s13  }
0x2b: {  	s16 =	sadd.s32 $0x28500, s1;
	[smem:$0x7CD] =	sst s14  }
0x2c: {  	s10 =	sadd.s32 s20, s4;
	[smem:$0x7F4] =	sst s16  }
0x2d: {  	s20 =	sadd.s32 $0x810, s0;
	[dreg:$0x5] =	wrdreg s10  }
0x2e: {  	s26 =	sadd.s32 $0x2040, s0;
	[dreg:$0x1f] =	wrdreg s20  }
0x2f: {  	s12 =	sadd.s32 $0x3060, s0;
	[smem:$0x7C7] =	sst s26  }
0x30: {  	s15 =	smax.u32 s7, $0x1;
	[smem:$0x7CB] =	sst s12  }
0x31: {  	s18 =	sadd.s32 $0x1E3C0, s2;
	[smem:$0x7CF] =	sst s15  }
0x32: {  	s19 =	sadd.s32 $0x70E00, s1;
	[smem:$0x7E1] =	sst s18  }
0x33: {  	s21 =	sadd.s32 $0x68D00, s1;
	[smem:$0x7E2] =	sst s19  }
0x34: {  	p3 =	por $0x0, $0x0;
	s22 =	sadd.s32 $0x1A340, s2;
	[smem:$0x7E4] =	sst s21  }
0x35: {  	s28 =	simm.s32 $0x20;
	s24 =	sadd.s32 $0x60C00, s1;
	[smem:$0x7E5] =	sst s22  }
0x36: {  	s31 =	simm.s32 $0x80;
	s25 =	sadd.s32 $0x18300, s2;
	[smem:$0x7E6] =	sst s24  }
0x37: {  	p2 =	sgt.s32 s17, $0x1;
	s29 =	sadd.s32 $0x162C0, s2;
	[smem:$0x7E7] =	sst s25  }
0x38: {  	s30 =	sadd.s32 $0x30, s5;
	s5 =	sadd.s32 $0x50A00, s1;
	[smem:$0x7E9] =	sst s29  }
0x39: {  	p6 =	sgt.s32 s17, $0x5;
	s7 =	sadd.s32 $0x48900, s1;
	[smem:$0x7EA] =	sst s5  }
0x3a: {  	p0 =	seq.s32 @p2 s17, $0x2;
	s8 =	sadd.s32 $0x12240, s2;
	[smem:$0x7EC] =	sst s7  }
0x3b: {  	s23 =	sadd.s32 $0x4000, s11;
	s11 =	sadd.s32 $0x10200, s2;
	[smem:$0x7ED] =	sst s8  }
0x3c: {  	p1 =	seq.s32 @!p2 s17, $0x0;
	s13 =	sadd.s32 $0xE1C0, s2;
	[smem:$0x7EF] =	sst s11  }
0x3d: {  	p4 =	por !p0, !p2;
	s14 =	sadd.s32 $0x30600, s1;
	[smem:$0x7F1] =	sst s13  }
0x3e: {  	p5 =	por p1, p2;
	s10 =	sadd.s32 $0x8100, s6;
	[smem:$0x7F2] =	sst s14  }
0x3f: {  	p1 =	por !p1, p2;
	s6 =	sadd.s32 $0xF1E0, s6;
	[dreg:$0x16] =	wrdreg s10  }
0x40: {  	p0 =	por p0, !p2;
	s20 =	sadd.s32 $0x1C380, s2;
	[dreg:$0x1d] =	wrdreg s6  }
0x41: {  	s16 =	simm.s32 $0x1;
	s26 =	sadd.s32 $0x58B00, s1;
	[smem:$0x7E3] =	sst s20  }
0x42: {  	s10 =	sadd.s32 $0x2C58, s0;
	s0 =	sadd.s32 $0x3C78, s0;
	[smem:$0x7E8] =	sst s26  }
0x43: {  	s12 =	sadd.s32 $0x38700, s1;
	[smem:$0x7CE] =	sst s0;
	s0 =	simm.s32 @!p5 $0x0  }
0x44: {  	s15 =	sadd.s32 $0xC180, s2;
	[smem:$0x7F0] =	sst s12;
	s0 =	simm.s32 @p5 $0x1  }
0x45: {  	s18 =	sadd.s32 $0xA140, s2;
	[smem:$0x7D0] =	sst s0;
	s0 =	simm.s32 @!p2 $0x0  }
0x46: {  	s19 =	sadd.s32 $0x20400, s1;
	[smem:$0x7F3] =	sst s15;
	s0 =	simm.s32 @p2 $0x1  }
0x47: {  	s21 =	sadd.s32 $0x18300, s1;
	[smem:$0x7D1] =	sst s0;
	s0 =	simm.s32 @!p0 $0x0  }
0x48: {  	s22 =	sadd.s32 $0x60C0, s2;
	[smem:$0x7F5] =	sst s18;
	s0 =	simm.s32 @p0 $0x1  }
0x49: {  	p5 =	por @!p5 $0x1, $0x1;
	[smem:$0x7D2] =	sst s0;
	s0 =	simm.s32 @!p1 $0x0  }
0x4a: {  	[smem:$0x7F6] =	sst s19;
	p5 =	por @!p1 p3, p3;
	s0 =	simm.s32 @p1 $0x1  }
0x4b: {  	p0 =	seq.s32 @p6 s17, $0x6;
	[smem:$0x7D3] =	sst s0;
	s0 =	simm.s32 @!p5 $0x0  }
0x4c: {  	p1 =	por !p0, !p6;
	p0 =	por p0, !p6;
	s0 =	simm.s32 @p5 $0x1  }
0x4d: {  	s24 =	sadd.s32 $0x10200, s1;
	[smem:$0x7D4] =	sst s0;
	s0 =	simm.s32 @!p0 $0x0  }
0x4e: {  	s25 =	sadd.s32 $0x4080, s2;
	[smem:$0x7F8] =	sst s21;
	s0 =	simm.s32 @p0 $0x1  }
0x4f: {  	p0 =	seq.s32 @!p6 s17, $0x4;
	[smem:$0x7D5] =	sst s0;
	s0 =	simm.s32 @!p6 $0x0  }
0x50: {  	p2 =	por !p0, p6;
	p0 =	por p0, p6;
	s0 =	simm.s32 @p6 $0x1  }
0x51: {  	s29 =	sadd.s32 $0x2040, s2;
	[smem:$0x7D6] =	sst s0;
	s0 =	simm.s32 @!p0 $0x0  }
0x52: {  	[smem:$0x7F9] =	sst s22;
	s0 =	simm.s32 @p0 $0x1;
	p0 =	sgt.s32 s17, $0x7  }
0x53: {  	s11 =	simm.s32 $0x40;
	[smem:$0x7D7] =	sst s0;
	s0 =	simm.s32 @!p0 $0x0  }
0x54: {  	[smem:$0x7FA] =	sst s24;
	s0 =	simm.s32 @p0 $0x1;
	p0 =	sgt.s32 s17, $0x3  }
0x55: {  	s7 =	simm.s32 $0x3;
	[smem:$0x7D8] =	sst s0;
	s0 =	simm.s32 @!p0 $0x0  }
0x56: {  	s6 =	sadd.s32 $0x14280, s2;
	[smem:$0x7FB] =	sst s25;
	s0 =	simm.s32 @p0 $0x1  }
0x57: {  	s20 =	sadd.s32 $0x8100, s2;
	[smem:$0x7D9] =	sst s0;
	s0 =	simm.s32 @!p4 $0x0  }
0x58: {  	[smem:$0x7FD] =	sst s29;
	p0 =	por @!p4 $0x1, $0x1;
	s0 =	simm.s32 @p4 $0x1  }
0x59: {  	s26 =	sadd.s32 $0x8100, s1;
	[smem:$0x7DA] =	sst s0;
	s0 =	simm.s32 @!p0 $0x0  }
0x5a: {  	s12 =	simm.s32 $0x100;
	[smem:$0x7CA] =	sst s10;
	s0 =	simm.s32 @p0 $0x1  }
0x5b: {  	s18 =	simm.s32 $0x2500;
	[smem:$0x7DB] =	sst s0;
	s0 =	simm.s32 @!p1 $0x0  }
0x5c: {  	[smem:$0x7EB] =	sst s6;
	p0 =	por @!p1 $0x1, $0x1;
	s0 =	simm.s32 @p1 $0x1  }
0x5d: {  	s15 =	simm.s32 $0x5;
	[smem:$0x7DC] =	sst s0;
	s0 =	simm.s32 @!p0 $0x0  }
0x5e: {  	s21 =	simm.s32 $0xA600;
	[smem:$0x7F7] =	sst s20;
	s0 =	simm.s32 @p0 $0x1  }
0x5f: {  	s19 =	simm.s32 $0x4;
	[smem:$0x7DD] =	sst s0;
	s0 =	simm.s32 @!p2 $0x0  }
0x60: {  	[smem:$0x7FC] =	sst s26;
	p0 =	por @!p2 $0x1, $0x1;
	s0 =	simm.s32 @p2 $0x1  }
0x61: {  	s10 =	sadd.s32 $0x40800, s1;
	[smem:$0x7DE] =	sst s0;
	s0 =	simm.s32 @!p0 $0x0  }
0x62: {  	s20 =	simm.s32 $0x0;
	[smem:$0x7EE] =	sst s10;
	s0 =	simm.s32 @p0 $0x1  }
0x63: {  	s10 =	simm.s32 $0x2;
	[smem:$0x7DF] =	sst s0;
	s0 =	simm.s32 $0x1100  }
.LBB2_1:
0x64: {  	s5 =	rddreg [dreg:$0x9]  }
0x65: {  	[tilespmem:s3], [sflag:$0x1] =	stream.linear.gather [hbm4b:s5+s3], $0x80, $0x38;
	[tilespmem:$0x16780] =	vst v63  }
0x66: {  	s13 =	rddreg [dreg:$0xa]  }
0x67: {  	[tilespmem:s12], [sflag:$0x3] =	stream.strided.gather [hbm4b:s13+s28], $0x1000, s11, s28, $0x38;
	[tilespmem:$0x16780] =	vst v63  }
0x68: {  	s14 =	rddreg [dreg:$0xb]  }
0x69: {  	[tilespmem:s31], [sflag:$0x2] =	stream.linear.gather [hbm4b:s14+s3], $0x80, $0x38;
	[tilespmem:$0x16780] =	vst v63  }
0x6a: {  	s22 =	rddreg [dreg:$0xc]  }
0x6b: {  	[tilespmem:s0], [sflag:$0x4] =	stream.strided.gather [hbm4b:s22+s28], $0x1000, s11, s28, $0x38;
	[tilespmem:$0x16780] =	vst v63  }
0x6c: {  	s24 =	rddreg [dreg:$0x6]  }
0x6d: {  	[tilespmem:s18], [sflag:$0x5] =	stream.linear.gather [hbm4b:s24+s3], $0x8100, $0x38;
	[tilespmem:$0x16780] =	vst v63  }
0x6e: {  	_ =	swait.ge [sflag:s15], $0x8100  }
0x6f: {  	[sflag:s15] =	ssyncset.done $0x0  }
0x70: {  	s25 =	rddreg [dreg:$0x7];
	[sflag:s15] =	ssyncadd.s32 $0xFFFF7F00  }
0x71: {  	[tilespmem:s21], [sflag:$0x5] =	stream.linear.gather [hbm4b:s25+s3], $0x2040, $0x38;
	[tilespmem:$0x16780] =	vst v63  }
0x72: {  	_ =	swait.ge [sflag:s15], $0x2040  }
0x73: {  	[sflag:s15] =	ssyncset.done $0x0  }
0x74: {  	s6 =	simm.s32 $0x2100;
	s26 =	rddreg [dreg:$0x8];
	[sflag:s15] =	ssyncadd.s32 $0xFFFFDFC0  }
0x75: {  	[tilespmem:s6], [sflag:$0x5] =	stream.linear.gather [hbm4b:s26+s3], $0x400, $0x38;
	[tilespmem:$0x16780] =	vst v63  }
0x76: {  	_ =	swait.ge [sflag:s15], $0x400  }
0x77: {  	s29 =	sld [smem:$0x7D8];
	_ =	sdelay $0x2  }
0x78: {  	p0 =	seq.s32 s29, $0x1  }
.Ltmp0:
0x79: {  	_ = 	snop;
	(pc) =	sbr.rel @p0 .LBB2_5-.Ltmp0, $3  }
0x7a: {  	_ =	sdelay $0x1  }
0x7b: {  	[sflag:s15] =	ssyncset.done $0x0  }
0x7c: {  	[sflag:s15] =	ssyncadd.s32 $0xFFFFFC00  }
0x7d: {  	s5 =	sld [smem:$0x7D9];
	_ =	sdelay $0x2  }
0x7e: {  	p0 =	seq.s32 s5, $0x1  }
.Ltmp1:
0x7f: {  	_ = 	snop;
	(pc) =	sbr.rel @p0 .LBB2_4-.Ltmp1, $1  }
0x80: {  	_ =	sdelay $0x3  }
0x81: {  	s5 =	sld [smem:$0x7DA]  }
0x82: {  	s14 =	sld [smem:$0x7D2]  }
0x83: {  	s17 =	sld [smem:$0x7D0]  }
0x84: {  	s22 =	sld [smem:$0x7D3]  }
0x85: {  	s24 =	sld [smem:$0x7DB];
	p2 =	seq.s32 s5, $0x1;
	p4 =	seq.s32 s14, $0x1  }
0x86: {  	s25 =	sld [smem:$0x7D1];
	p1 =	por @!p2 $0x0, $0x0;
	p3 =	por @!p4 $0x1, $0x1  }
0x87: {  	p0 =	seq.s32 s17, $0x1;
	p6 =	por @!p4 $0x0, $0x0;
	p3 =	por @!p2 p1, p1  }
0x88: {  	p0 =	por @!p0 $0x0, $0x0;
	p6 =	por @!p2 p1, p1;
	s5 =	simm.s32 @!p3 $0x0  }
0x89: {  	p1 =	por $0x0, $0x0;
	s5 =	simm.s32 @p3 $0x1;
	p3 =	seq.s32 s22, $0x1  }
0x8a: {  	p4 =	por @!p4 $0x0, $0x0;
	p0 =	por @!p3 p1, p1;
	p1 =	seq.s32 s24, $0x1  }
0x8b: {  	p5 =	por p6, p6;
	p4 =	por @!p2 p1, p1;
	p1 =	seq.s32 s25, $0x1  }
0x8c: {  	p5 =	por @!p1 p0, p0  }
0x8d: {  	[smem:$0x7BC] =	sst s5;
	s5 =	simm.s32 @!p5 $0x0  }
0x8e: {  	s5 =	simm.s32 @p5 $0x1;
	p5 =	por p6, p6  }
0x8f: {  	p5 =	por @!p1 p0, p0  }
0x90: {  	p2 =	por p6, p6;
	[smem:$0x7B6] =	sst s5;
	s5 =	simm.s32 @!p5 $0x0  }
0x91: {  	p2 =	por @!p1 p0, p0;
	s5 =	simm.s32 @p5 $0x1  }
0x92: {  	[smem:$0x7B7] =	sst s5;
	s5 =	simm.s32 @!p2 $0x0  }
0x93: {  	s5 =	simm.s32 @p2 $0x1;
	p2 =	por p6, p6  }
0x94: {  	p2 =	por @!p1 p0, p0  }
0x95: {  	p3 =	por p6, p6;
	[smem:$0x7B8] =	sst s5;
	s5 =	simm.s32 @!p2 $0x0  }
0x96: {  	s26 =	sld [smem:$0x7BC];
	p3 =	por @!p1 p0, p0;
	s5 =	simm.s32 @p2 $0x1  }
0x97: {  	p2 =	por p6, p6;
	[smem:$0x7B9] =	sst s5;
	s5 =	simm.s32 @!p3 $0x0  }
0x98: {  	p2 =	por @!p1 p0, p0;
	s5 =	simm.s32 @p3 $0x1  }
0x99: {  	[smem:$0x7BA] =	sst s5;
	s5 =	simm.s32 @!p2 $0x0  }
0x9a: {  	s5 =	simm.s32 @p2 $0x1;
	p2 =	seq.s32 s26, $0x1  }
0x9b: {  	p2 =	por @!p1 p0, p0  }
0x9c: {  	[smem:$0x7BB] =	sst s5;
	s5 =	simm.s32 @!p2 $0x0  }
0x9d: {  	s5 =	simm.s32 @p2 $0x1;
	p2 =	por p6, p6  }
0x9e: {  	p2 =	por @!p1 p0, p0  }
0x9f: {  	p3 =	por p6, p6;
	[smem:$0x7BC] =	sst s5;
	s5 =	simm.s32 @!p2 $0x0  }
0xa0: {  	s8 =	sld [smem:$0x7DA];
	p3 =	por @!p1 p0, p0;
	s5 =	simm.s32 @p2 $0x1  }
0xa1: {  	p2 =	por p6, p6;
	[smem:$0x7BD] =	sst s5;
	s5 =	simm.s32 @!p3 $0x0  }
0xa2: {  	s13 =	sld [smem:$0x7D3];
	p2 =	por @!p1 p0, p0;
	s5 =	simm.s32 @p3 $0x1  }
0xa3: {  	[smem:$0x7BE] =	sst s5;
	s5 =	simm.s32 @!p2 $0x0  }
0xa4: {  	s14 =	sld [smem:$0x7FB];
	s5 =	simm.s32 @p2 $0x1;
	p2 =	por p6, p6  }
0xa5: {  	p4 =	por @!p1 p0, p0;
	p5 =	por p6, p6;
	p2 =	por @!p1 p0, p0  }
0xa6: {  	p3 =	por p6, p6;
	[smem:$0x7BF] =	sst s5;
	s6 =	simm.s32 @!p2 $0x0  }
0xa7: {  	p6 =	por @!p1 p0, p0;
	s5 =	sld [smem:$0x7FA];
	s6 =	simm.s32 @p2 $0x1  }
0xa8: {  	p3 =	por @!p1 p0, p0;
	[smem:$0x7C0] =	sst s6;
	s6 =	simm.s32 @!p6 $0x0  }
0xa9: {  	p0 =	seq.s32 s8, $0x1;
	s8 =	sld [smem:$0x7F9];
	s6 =	simm.s32 @p6 $0x1  }
0xaa: {  	[smem:$0x7C1] =	sst s6  }
0xab: {  	s6 =	sld [smem:$0x7F8]  }
0xac: {  	s14 =	smov.u32 @p0 s8;
	s8 =	sld [smem:$0x7FC]  }
0xad: {  	s29 =	sld [smem:$0x7D4]  }
0xae: {  	s5 =	smov.u32 @p0 s6;
	s6 =	smov.u32 s1;
	p0 =	seq.s32 s13, $0x1  }
.Ltmp2:
0xaf: {  	s6 =	smov.u32 @p0 s8;
	s8 =	sld [smem:$0x7FD];
	(pc) =	sbr.rel .LBB2_8-.Ltmp2, $4  }
0xb0: {  	_ = 	snop  }
0xb1: {  	s13 =	smov.u32 s2  }
0xb2: {  	s13 =	smov.u32 @p0 s8;
	p0 =	seq.s32 s29, $0x1  }
0xb3: {  	s6 =	smov.u32 @p1 s5;
	s13 =	smov.u32 @p1 s14;
	p5 =	por @!p1 p0, p0  }
.LBB2_5:
0xb4: {  	p0 =	sgt.s32 s17, $0xB  }
.Ltmp3:
0xb5: {  	_ = 	snop;
	(pc) =	sbr.rel @p0 .LBB2_7-.Ltmp3, $1  }
0xb6: {  	_ =	sdelay $0x3  }
0xb7: {  	p0 =	sgt.s32 s17, $0x9  }
0xb8: {  	p1 =	seq.s32 @p0 s17, $0xA  }
0xb9: {  	p2 =	por p1, !p0;
	p1 =	por !p1, !p0  }
0xba: {  	p5 =	por @!p2 $0x0, $0x0;
	p3 =	por @!p1 $0x0, $0x0;
	p2 =	por @!p2 $0x1, $0x1  }
0xbb: {  	p2 =	por @!p1 p3, p3  }
0xbc: {  	s5 =	simm.s32 @!p2 $0x0  }
0xbd: {  	s5 =	simm.s32 @p2 $0x1;
	p2 =	por @!p1 $0x1, $0x1  }
0xbe: {  	p6 =	por p5, p5;
	p5 =	por @!p1 p2, p2  }
0xbf: {  	[smem:$0x7B8] =	sst s5;
	s6 =	simm.s32 @!p5 $0x0  }
0xc0: {  	s5 =	sld [smem:$0x7EA];
	s6 =	simm.s32 @p5 $0x1  }
0xc1: {  	[smem:$0x7B4] =	sst s6  }
0xc2: {  	s6 =	sld [smem:$0x7E8];
	_ =	sdelay $0x1  }
0xc3: {  	s14 =	sld [smem:$0x7EB]  }
0xc4: {  	s5 =	smov.u32 @p1 s6;
	s6 =	sld [smem:$0x7E9]  }
0xc5: {  	s8 =	sld [smem:$0x7EC];
	p4 =	seq.s32 @!p0 s17, $0x8  }
0xc6: {  	p6 =	por @!p1 p3, p3;
	p3 =	por p4, p0;
	p4 =	por !p4, p0  }
0xc7: {  	p2 =	por @!p3 $0x0, $0x0;
	s14 =	smov.u32 @p1 s6;
	s6 =	sld [smem:$0x7EE]  }
0xc8: {  	p3 =	por @!p3 $0x1, $0x1;
	p5 =	por @!p4 $0x0, $0x0;
	p1 =	por p2, p2  }
0xc9: {  	s13 =	sld [smem:$0x7EF];
	p3 =	por @!p4 p5, p5;
	p1 =	por @!p4 p5, p5  }
0xca: {  	p5 =	por @!p4 $0x1, $0x1;
	s6 =	smov.u32 @p4 s8;
	s8 =	sld [smem:$0x7ED]  }
0xcb: {  	p2 =	por @!p4 p5, p5;
	p5 =	por p6, p6  }
0xcc: {  	p5 =	por @!p0 p3, p3  }
0xcd: {  	s13 =	smov.u32 @p4 s8;
	s8 =	simm.s32 @!p5 $0x0;
	p4 =	por p6, p6  }
0xce: {  	s8 =	simm.s32 @p5 $0x1;
	p4 =	por @!p0 p2, p2  }
0xcf: {  	p3 =	por p6, p6;
	[smem:$0x7B9] =	sst s8;
	s8 =	simm.s32 @!p4 $0x0  }
0xd0: {  	s29 =	sld [smem:$0x7B8];
	p3 =	por @!p0 p1, p1;
	s8 =	simm.s32 @p4 $0x1  }
0xd1: {  	p2 =	por p6, p6;
	[smem:$0x7BF] =	sst s8;
	s8 =	simm.s32 @!p3 $0x0  }
0xd2: {  	p2 =	por @!p0 p1, p1;
	s8 =	simm.s32 @p3 $0x1  }
0xd3: {  	[smem:$0x7B6] =	sst s8;
	s8 =	simm.s32 @!p2 $0x0  }
0xd4: {  	s8 =	simm.s32 @p2 $0x1;
	p2 =	seq.s32 s29, $0x1  }
0xd5: {  	p2 =	por @!p0 p1, p1  }
0xd6: {  	[smem:$0x7B7] =	sst s8;
	s8 =	simm.s32 @!p2 $0x0  }
0xd7: {  	s8 =	simm.s32 @p2 $0x1;
	p2 =	por p6, p6  }
0xd8: {  	p2 =	por @!p0 p1, p1  }
0xd9: {  	p4 =	por p6, p6;
	[smem:$0x7B8] =	sst s8;
	s8 =	simm.s32 @!p2 $0x0  }
0xda: {  	p4 =	por @!p0 p1, p1;
	s8 =	simm.s32 @p2 $0x1  }
0xdb: {  	p2 =	por p6, p6;
	[smem:$0x7BA] =	sst s8;
	s8 =	simm.s32 @!p4 $0x0  }
0xdc: {  	p2 =	por @!p0 p1, p1;
	s8 =	simm.s32 @p4 $0x1  }
0xdd: {  	[smem:$0x7BB] =	sst s8;
	s8 =	simm.s32 @!p2 $0x0  }
0xde: {  	s8 =	simm.s32 @p2 $0x1;
	p2 =	por p6, p6  }
0xdf: {  	p2 =	por @!p0 p1, p1  }
0xe0: {  	[smem:$0x7BC] =	sst s8;
	s8 =	simm.s32 @!p2 $0x0  }
0xe1: {  	s8 =	simm.s32 @p2 $0x1;
	p2 =	por p6, p6  }
0xe2: {  	p2 =	por @!p0 p1, p1  }
0xe3: {  	[smem:$0x7BD] =	sst s8;
	s8 =	simm.s32 @!p2 $0x0  }
0xe4: {  	s26 =	sld [smem:$0x7B4];
	s8 =	simm.s32 @p2 $0x1;
	p2 =	por p6, p6  }
0xe5: {  	s6 =	smov.u32 @p0 s5;
	p5 =	por p6, p6;
	p2 =	por @!p0 p1, p1  }
.Ltmp4:
0xe6: {  	[smem:$0x7BE] =	sst s8;
	s8 =	simm.s32 @!p2 $0x0;
	(pc) =	sbr.rel .LBB2_8-.Ltmp4, $4  }
0xe7: {  	p4 =	por p6, p6;
	p6 =	por @!p0 p1, p1;
	s8 =	simm.s32 @p2 $0x1  }
0xe8: {  	s13 =	smov.u32 @p0 s14;
	[smem:$0x7C0] =	sst s8;
	s8 =	simm.s32 @!p6 $0x0  }
0xe9: {  	p5 =	por @!p0 p1, p1;
	p3 =	seq.s32 s26, $0x1;
	s8 =	simm.s32 @p6 $0x1  }
0xea: {  	p3 =	por @!p0 p1, p1;
	p4 =	por @!p0 p1, p1;
	[smem:$0x7C1] =	sst s8  }
.LBB2_4:
0xeb: {  	s5 =	sld [smem:$0x7DC]  }
0xec: {  	s26 =	sld [smem:$0x7D5];
	_ =	sdelay $0x2  }
0xed: {  	s6 =	sld [smem:$0x7D7];
	p1 =	seq.s32 s5, $0x1;
	p5 =	seq.s32 s26, $0x1  }
0xee: {  	p0 =	por @!p1 $0x0, $0x0;
	p2 =	por @!p5 $0x1, $0x1  }
0xef: {  	p2 =	por @!p1 p0, p0  }
0xf0: {  	p3 =	seq.s32 s6, $0x1;
	s5 =	simm.s32 @!p2 $0x0  }
0xf1: {  	s29 =	sld [smem:$0x7DE];
	p4 =	por @!p3 $0x0, $0x0;
	s5 =	simm.s32 @p2 $0x1  }
0xf2: {  	[smem:$0x7BA] =	sst s5;
	s5 =	simm.s32 @!p4 $0x0  }
0xf3: {  	s8 =	sld [smem:$0x7DF];
	s5 =	simm.s32 @p4 $0x1  }
0xf4: {  	[smem:$0x7B5] =	sst s5  }
0xf5: {  	p6 =	por @!p5 $0x0, $0x0;
	p2 =	seq.s32 s29, $0x1;
	s13 =	sld [smem:$0x7B5]  }
0xf6: {  	p6 =	por @!p1 p0, p0;
	p0 =	por @!p3 $0x0, $0x0;
	p1 =	por @!p2 $0x0, $0x0  }
0xf7: {  	s14 =	sld [smem:$0x7D6];
	p0 =	por @!p2 p1, p1;
	p4 =	por @!p3 $0x1, $0x1  }
0xf8: {  	p4 =	por @!p2 p1, p1;
	p1 =	seq.s32 s8, $0x1;
	p3 =	seq.s32 s13, $0x1  }
0xf9: {  	p3 =	por @!p2 p1, p1  }
0xfa: {  	s5 =	simm.s32 @!p3 $0x0  }
0xfb: {  	p1 =	seq.s32 s14, $0x1;
	s5 =	simm.s32 @p3 $0x1;
	p3 =	por p6, p6  }
0xfc: {  	s22 =	sld [smem:$0x7DD];
	p3 =	por @!p1 p4, p4  }
0xfd: {  	[smem:$0x7B5] =	sst s5;
	s5 =	simm.s32 @!p3 $0x0  }
0xfe: {  	s17 =	sld [smem:$0x7B5];
	s5 =	simm.s32 @p3 $0x1;
	p3 =	por @!p5 $0x0, $0x0  }
0xff: {  	[smem:$0x7BB] =	sst s5;
	s5 =	simm.s32 @!p3 $0x0  }
0x100: {  	s24 =	sld [smem:$0x7DC];
	s5 =	simm.s32 @p3 $0x1  }
0x101: {  	[smem:$0x7BE] =	sst s5  }
0x102: {  	p2 =	por p6, p6;
	p3 =	seq.s32 s17, $0x1;
	s25 =	sld [smem:$0x7BE]  }
0x103: {  	p2 =	por @!p1 p3, p3  }
0x104: {  	p4 =	seq.s32 s24, $0x1;
	s5 =	simm.s32 @!p2 $0x0  }
0x105: {  	s5 =	simm.s32 @p2 $0x1;
	p2 =	seq.s32 s22, $0x1;
	p5 =	seq.s32 s25, $0x1  }
0x106: {  	p5 =	por @!p4 p2, p2  }
0x107: {  	p3 =	por p6, p6;
	[smem:$0x7BD] =	sst s5;
	s5 =	simm.s32 @!p5 $0x0  }
0x108: {  	p3 =	por @!p1 p0, p0;
	s5 =	simm.s32 @p5 $0x1  }
0x109: {  	p2 =	por p6, p6;
	[smem:$0x7BE] =	sst s5;
	s5 =	simm.s32 @!p3 $0x0  }
0x10a: {  	p2 =	por @!p1 p0, p0;
	s5 =	simm.s32 @p3 $0x1  }
0x10b: {  	p3 =	por p6, p6;
	[smem:$0x7B6] =	sst s5;
	s5 =	simm.s32 @!p2 $0x0  }
0x10c: {  	s26 =	sld [smem:$0x7BA];
	p3 =	por @!p1 p0, p0;
	s5 =	simm.s32 @p2 $0x1  }
0x10d: {  	p2 =	por p6, p6;
	[smem:$0x7B7] =	sst s5;
	s5 =	simm.s32 @!p3 $0x0  }
0x10e: {  	p2 =	por @!p1 p0, p0;
	s5 =	simm.s32 @p3 $0x1  }
0x10f: {  	[smem:$0x7B8] =	sst s5;
	s5 =	simm.s32 @!p2 $0x0  }
0x110: {  	s5 =	simm.s32 @p2 $0x1;
	p2 =	seq.s32 s26, $0x1  }
0x111: {  	p2 =	por @!p1 p0, p0  }
0x112: {  	[smem:$0x7B9] =	sst s5;
	s5 =	simm.s32 @!p2 $0x0  }
0x113: {  	s29 =	sld [smem:$0x7BE];
	s5 =	simm.s32 @p2 $0x1;
	p2 =	por p6, p6  }
0x114: {  	p2 =	por @!p1 p0, p0  }
0x115: {  	[smem:$0x7BA] =	sst s5;
	s5 =	simm.s32 @!p2 $0x0  }
0x116: {  	s5 =	simm.s32 @p2 $0x1;
	p2 =	seq.s32 s29, $0x1  }
0x117: {  	p2 =	por @!p1 p0, p0  }
0x118: {  	[smem:$0x7BC] =	sst s5;
	s5 =	simm.s32 @!p2 $0x0  }
0x119: {  	s5 =	simm.s32 @p2 $0x1;
	p2 =	por p6, p6  }
0x11a: {  	p2 =	por @!p1 p0, p0  }
0x11b: {  	[smem:$0x7BE] =	sst s5;
	s5 =	simm.s32 @!p2 $0x0  }
0x11c: {  	s5 =	simm.s32 @p2 $0x1;
	p2 =	por p6, p6  }
0x11d: {  	s6 =	sld [smem:$0x7F0];
	p4 =	por p6, p6;
	p2 =	por @!p1 p0, p0  }
0x11e: {  	p5 =	por p6, p6;
	[smem:$0x7BF] =	sst s5;
	s5 =	simm.s32 @!p2 $0x0  }
0x11f: {  	p3 =	por p6, p6;
	p6 =	por @!p1 p0, p0;
	s5 =	simm.s32 @p2 $0x1  }
0x120: {  	[smem:$0x7C0] =	sst s5;
	s5 =	simm.s32 @!p6 $0x0  }
0x121: {  	s8 =	sld [smem:$0x7DC];
	s5 =	simm.s32 @p6 $0x1  }
0x122: {  	[smem:$0x7C1] =	sst s5  }
0x123: {  	s5 =	sld [smem:$0x7F2]  }
0x124: {  	s14 =	sld [smem:$0x7F3];
	p4 =	por @!p1 p0, p0  }
0x125: {  	p5 =	por @!p1 p0, p0;
	p3 =	por @!p1 p0, p0;
	p0 =	seq.s32 s8, $0x1  }
0x126: {  	s5 =	smov.u32 @p0 s6;
	s6 =	sld [smem:$0x7F1]  }
0x127: {  	s17 =	sld [smem:$0x7DE]  }
0x128: {  	s8 =	sld [smem:$0x7F4]  }
0x129: {  	s14 =	smov.u32 @p0 s6;
	s6 =	sld [smem:$0x7F6];
	_ =	sdelay $0x1  }
0x12a: {  	s13 =	sld [smem:$0x7F7];
	p0 =	seq.s32 s17, $0x1  }
.Ltmp5:
0x12b: {  	s6 =	smov.u32 @p0 s8;
	s8 =	sld [smem:$0x7F5];
	(pc) =	sbr.rel .LBB2_8-.Ltmp5, $3  }
0x12c: {  	_ =	sdelay $0x1  }
0x12d: {  	s13 =	smov.u32 @p0 s8  }
0x12e: {  	s6 =	smov.u32 @p1 s5;
	s13 =	smov.u32 @p1 s14  }
.LBB2_7:
0x12f: {  	p0 =	sgt.s32 s17, $0xD  }
0x130: {  	p2 =	seq.s32 @p0 s17, $0xE  }
0x131: {  	p1 =	por !p2, !p0;
	p2 =	por p2, !p0  }
0x132: {  	p5 =	por @!p1 $0x0, $0x0;
	p3 =	por @!p2 $0x1, $0x1  }
0x133: {  	p3 =	por @!p1 p5, p5  }
0x134: {  	p6 =	por @!p2 $0x0, $0x0;
	p2 =	por @!p1 $0x1, $0x1;
	s5 =	simm.s32 @!p3 $0x0  }
0x135: {  	s5 =	simm.s32 @p3 $0x1;
	p3 =	por p6, p6;
	p6 =	por @!p1 p2, p2  }
0x136: {  	[smem:$0x7B6] =	sst s5;
	s6 =	simm.s32 @!p6 $0x0  }
0x137: {  	s5 =	sld [smem:$0x7E2];
	s6 =	simm.s32 @p6 $0x1  }
0x138: {  	[smem:$0x7C1] =	sst s6  }
0x139: {  	s6 =	sld [smem:$0x7E0];
	_ =	sdelay $0x1  }
0x13a: {  	s14 =	sld [smem:$0x7E3]  }
0x13b: {  	p4 =	seq.s32 @!p0 s17, $0xC;
	s5 =	smov.u32 @p1 s6;
	s6 =	sld [smem:$0x7E1]  }
0x13c: {  	p2 =	por p4, p0;
	p4 =	por !p4, p0  }
0x13d: {  	p3 =	por @!p1 p5, p5;
	p5 =	por @!p4 $0x0, $0x0;
	p6 =	por @!p2 $0x0, $0x0  }
0x13e: {  	p2 =	por @!p2 $0x1, $0x1;
	s14 =	smov.u32 @p1 s6;
	p1 =	por p6, p6  }
0x13f: {  	p2 =	por @!p4 p5, p5;
	p1 =	por @!p4 p5, p5;
	p5 =	por @!p4 $0x1, $0x1  }
0x140: {  	p6 =	por @!p4 p5, p5  }
0x141: {  	s8 =	simm.s32 @!p6 $0x0  }
0x142: {  	s6 =	sld [smem:$0x7E6];
	s8 =	simm.s32 @p6 $0x1  }
0x143: {  	[smem:$0x7B3] =	sst s8  }
0x144: {  	s8 =	sld [smem:$0x7E4];
	_ =	sdelay $0x1  }
0x145: {  	s13 =	sld [smem:$0x7E7]  }
0x146: {  	s6 =	smov.u32 @p4 s8;
	s8 =	sld [smem:$0x7E5]  }
0x147: {  	p5 =	por p3, p3  }
0x148: {  	p5 =	por @!p0 p2, p2  }
0x149: {  	s13 =	smov.u32 @p4 s8;
	s8 =	simm.s32 @!p5 $0x0  }
0x14a: {  	s8 =	simm.s32 @p5 $0x1  }
0x14b: {  	[smem:$0x7B7] =	sst s8;
	s8 =	simm.s32 @!p3 $0x0  }
0x14c: {  	s8 =	simm.s32 @p3 $0x1  }
0x14d: {  	[smem:$0x7B8] =	sst s8;
	s8 =	simm.s32 @!p3 $0x0  }
0x14e: {  	s8 =	simm.s32 @p3 $0x1  }
0x14f: {  	[smem:$0x7BA] =	sst s8;
	s8 =	simm.s32 @!p3 $0x0  }
0x150: {  	s8 =	simm.s32 @p3 $0x1  }
0x151: {  	[smem:$0x7BB] =	sst s8;
	s8 =	simm.s32 @!p3 $0x0  }
0x152: {  	s8 =	simm.s32 @p3 $0x1  }
0x153: {  	[smem:$0x7BC] =	sst s8;
	s8 =	simm.s32 @!p3 $0x0  }
0x154: {  	s22 =	sld [smem:$0x7B3];
	s8 =	simm.s32 @p3 $0x1  }
0x155: {  	[smem:$0x7BD] =	sst s8;
	s8 =	simm.s32 @!p3 $0x0  }
0x156: {  	s25 =	sld [smem:$0x7B6];
	s8 =	simm.s32 @p3 $0x1  }
0x157: {  	p6 =	por p3, p3;
	[smem:$0x7BE] =	sst s8;
	s8 =	simm.s32 @!p3 $0x0  }
0x158: {  	p2 =	seq.s32 s22, $0x1;
	p4 =	por p3, p3;
	s8 =	simm.s32 @p3 $0x1  }
0x159: {  	p5 =	por p3, p3;
	[smem:$0x7BF] =	sst s8;
	s8 =	simm.s32 @!p3 $0x0  }
0x15a: {  	s26 =	sld [smem:$0x7B8];
	s8 =	simm.s32 @p3 $0x1;
	p3 =	por @!p0 p2, p2  }
0x15b: {  	p2 =	seq.s32 s25, $0x1;
	[smem:$0x7B4] =	sst s8;
	s8 =	simm.s32 @!p3 $0x0  }
0x15c: {  	p2 =	por @!p0 p1, p1;
	s8 =	simm.s32 @p3 $0x1  }
0x15d: {  	[smem:$0x7C0] =	sst s8;
	s8 =	simm.s32 @!p2 $0x0  }
0x15e: {  	s8 =	simm.s32 @p2 $0x1;
	p2 =	seq.s32 s26, $0x1  }
0x15f: {  	s29 =	sld [smem:$0x7BA];
	p2 =	por @!p0 p1, p1  }
0x160: {  	[smem:$0x7B6] =	sst s8;
	s8 =	simm.s32 @!p2 $0x0  }
0x161: {  	p6 =	por @!p0 p1, p1;
	s17 =	sld [smem:$0x7BB];
	s8 =	simm.s32 @p2 $0x1  }
0x162: {  	p2 =	seq.s32 s29, $0x1;
	[smem:$0x7B8] =	sst s8;
	s8 =	simm.s32 @!p6 $0x0  }
0x163: {  	s24 =	sld [smem:$0x7B4];
	p2 =	por @!p0 p1, p1;
	s8 =	simm.s32 @p6 $0x1  }
0x164: {  	[smem:$0x7B9] =	sst s8;
	s8 =	simm.s32 @!p2 $0x0  }
0x165: {  	s22 =	sld [smem:$0x7BC];
	s8 =	simm.s32 @p2 $0x1;
	p2 =	seq.s32 s17, $0x1  }
0x166: {  	p2 =	por @!p0 p1, p1  }
0x167: {  	p3 =	seq.s32 s24, $0x1;
	[smem:$0x7BA] =	sst s8;
	s8 =	simm.s32 @!p2 $0x0  }
0x168: {  	s24 =	sld [smem:$0x7BD];
	s8 =	simm.s32 @p2 $0x1;
	p2 =	seq.s32 s22, $0x1  }
0x169: {  	p2 =	por @!p0 p1, p1  }
0x16a: {  	[smem:$0x7BB] =	sst s8;
	s8 =	simm.s32 @!p2 $0x0  }
0x16b: {  	s25 =	sld [smem:$0x7BE];
	s8 =	simm.s32 @p2 $0x1;
	p2 =	seq.s32 s24, $0x1  }
0x16c: {  	p2 =	por @!p0 p1, p1  }
0x16d: {  	[smem:$0x7BC] =	sst s8;
	s8 =	simm.s32 @!p2 $0x0  }
0x16e: {  	s26 =	sld [smem:$0x7BF];
	s8 =	simm.s32 @p2 $0x1;
	p2 =	seq.s32 s25, $0x1  }
0x16f: {  	p2 =	por @!p0 p1, p1  }
0x170: {  	[smem:$0x7BD] =	sst s8;
	s8 =	simm.s32 @!p2 $0x0  }
0x171: {  	s29 =	sld [smem:$0x7C1];
	s8 =	simm.s32 @p2 $0x1;
	p2 =	seq.s32 s26, $0x1  }
0x172: {  	p2 =	por @!p0 p1, p1  }
0x173: {  	[smem:$0x7BE] =	sst s8;
	s8 =	simm.s32 @!p2 $0x0  }
0x174: {  	s8 =	simm.s32 @p2 $0x1;
	p2 =	seq.s32 s29, $0x1  }
0x175: {  	p2 =	por @!p0 p1, p1  }
0x176: {  	s6 =	smov.u32 @p0 s5;
	[smem:$0x7BF] =	sst s8;
	s8 =	simm.s32 @!p2 $0x0  }
0x177: {  	p4 =	por @!p0 p1, p1;
	s13 =	smov.u32 @p0 s14;
	s8 =	simm.s32 @p2 $0x1  }
0x178: {  	p5 =	por @!p0 p1, p1;
	p3 =	por @!p0 p1, p1;
	[smem:$0x7C1] =	sst s8  }
.LBB2_8:
0x179: {  	[spmem:s6] =	stream.linear.scatter [tilespmem:s18], [sflag:$0x5], $0x8100, $0x38;
	[tilespmem:$0x16780] =	vst v63  }
0x17a: {  	_ =	swait.ge [sflag:s15], $0x8100  }
0x17b: {  	[sflag:s15] =	ssyncset.done $0x0  }
0x17c: {  	[sflag:s15] =	ssyncadd.s32 $0xFFFF7F00  }
0x17d: {  	[spmem:s13] =	stream.linear.scatter [tilespmem:s21], [sflag:$0x5], $0x2040, $0x38;
	[tilespmem:$0x16780] =	vst v63  }
0x17e: {  	_ =	swait.ge [sflag:s15], $0x2040  }
0x17f: {  	[sflag:s15] =	ssyncset.done $0x0  }
0x180: {  	[sflag:s15] =	ssyncadd.s32 $0xFFFFDFC0  }
0x181: {  	[bflag:$0x0] =	sbarrier.arrive $0xFFFF  }
0x182: {  	_ =	swait.ge [sflag:s16], $0x80  }
0x183: {  	[sflag:s16] =	ssyncset.done $0x0  }
0x184: {  	[sflag:s16] =	ssyncadd.s32 $0xFFFFFF80  }
0x185: {  	_ =	swait.ge [sflag:s7], $0x1000  }
0x186: {  	[sflag:s7] =	ssyncset.done $0x0  }
0x187: {  	[sflag:s7] =	ssyncadd.s32 $0xFFFFF000  }
0x188: {  	[spmem:s1] =	stream.indirect.scatter.add.f32 [tilespmem:s12], [sflag:$0x5], $0x20, s3, s31, $0xb8;
	[tilespmem:$0x16780] =	vst v63  }
0x189: {  	p0 =	sne.s32 s9, $0x0;
	_ =	swait.ge [sflag:s15], $0x1000  }
0x18a: {  	s25 =	simm.s32 @!p0 $0x0;
	s29 =	simm.s32 @!p0 $0x2100;
	[sflag:s15] =	ssyncset.done $0x0  }
0x18b: {  	s14 =	simm.s32 @!p0 $0x5;
	s13 =	simm.s32 @!p0 $0x80;
	[sflag:s15] =	ssyncadd.s32 $0xFFFFF000  }
0x18c: {  	[spmem:s2] =	stream.indirect.scatter.add.f32 @!p0 [tilespmem:s29], [sflag:$0x5], $0x8, s25, s13, $0xb8;
	[tilespmem:$0x16780] =	vst v63  }
0x18d: {  	_ =	swait.ge @!p0 [sflag:s14], $0x400  }
0x18e: {  	[sflag:s14] =	ssyncset.done @!p0 $0x0  }
0x18f: {  	s5 =	sadd.s32 $0xFFFFFFF0, s30;
	s24 =	sshrl.u32 s23, $0x3;
	[sflag:s14] =	ssyncadd.s32 @!p0 $0xFFFFFC00  }
0x190: {  	[tilespmem:s3], [sflag:$0x1] =	stream.linear.gather [hbm4b:s5+s3], $0x80, $0x38;
	[tilespmem:$0x16780] =	vst v63  }
0x191: {  	s26 =	sadd.s32 s4, s24  }
0x192: {  	[tilespmem:s12], [sflag:$0x3] =	stream.strided.gather [hbm4b:s26+s28], $0x1000, s11, s28, $0x38;
	[tilespmem:$0x16780] =	vst v63  }
0x193: {  	_ =	swait.ge [sflag:s10], $0x80  }
0x194: {  	[sflag:s10] =	ssyncset.done $0x0  }
0x195: {  	[sflag:s10] =	ssyncadd.s32 $0xFFFFFF80  }
0x196: {  	_ =	swait.ge [sflag:s19], $0x1000  }
0x197: {  	[sflag:s19] =	ssyncset.done $0x0  }
0x198: {  	[sflag:s19] =	ssyncadd.s32 $0xFFFFF000  }
0x199: {  	[spmem:s1] =	stream.indirect.scatter.add.f32 [tilespmem:s0], [sflag:$0x5], $0x20, s31, s31, $0xb8;
	[tilespmem:$0x16780] =	vst v63  }
0x19a: {  	p2 =	seq.s32 s9, $0x0;
	_ =	swait.ge [sflag:s15], $0x1000  }
0x19b: {  	s17 =	simm.s32 @!p2 $0x80;
	[sflag:s15] =	ssyncset.done $0x0  }
0x19c: {  	s18 =	simm.s32 @!p2 $0x2100;
	s6 =	simm.s32 @!p2 $0x5;
	[sflag:s15] =	ssyncadd.s32 $0xFFFFF000  }
0x19d: {  	[spmem:s2] =	stream.indirect.scatter.add.f32 @!p2 [tilespmem:s18], [sflag:$0x5], $0x8, s17, s17, $0xb8;
	[tilespmem:$0x16780] =	vst v63  }
0x19e: {  	s22 =	smov.u32 s30;
	_ =	swait.ge @!p2 [sflag:s6], $0x400  }
0x19f: {  	s24 =	sadd.s32 $0x4000, s23;
	s21 =	simm.s32 $0x800;
	[sflag:s6] =	ssyncset.done @!p2 $0x0  }
0x1a0: {  	s26 =	simm.s32 $0x0;
	s5 =	rddreg [dreg:$0x5];
	[sflag:s6] =	ssyncadd.s32 @!p2 $0xFFFFFC00  }
0x1a1: {  	[tilespmem:s31], [sflag:$0x2] =	stream.linear.gather [hbm4b:s30+s3], $0x80, $0x38;
	[tilespmem:$0x16780] =	vst v63  }
.LBB2_9:
0x1a2: {  	s5 =	sadd.s32 s26, s5  }
0x1a3: {  	[tilespmem:s0], [sflag:$0x4] =	stream.strided.gather [hbm4b:s5+s28], $0x1000, s11, s28, $0x38;
	[tilespmem:$0x16780] =	vst v63  }
0x1a4: {  	_ =	swait.ge [sflag:s16], $0x80  }
0x1a5: {  	[sflag:s16] =	ssyncset.done $0x0  }
0x1a6: {  	[sflag:s16] =	ssyncadd.s32 $0xFFFFFF80  }
0x1a7: {  	_ =	swait.ge [sflag:s7], $0x1000  }
0x1a8: {  	[sflag:s7] =	ssyncset.done $0x0  }
0x1a9: {  	[sflag:s7] =	ssyncadd.s32 $0xFFFFF000  }
0x1aa: {  	[spmem:s1] =	stream.indirect.scatter.add.f32 [tilespmem:s12], [sflag:$0x5], $0x20, s3, s31, $0xb8;
	[tilespmem:$0x16780] =	vst v63  }
0x1ab: {  	_ =	swait.ge [sflag:s15], $0x1000  }
0x1ac: {  	[sflag:s15] =	ssyncset.done $0x0  }
0x1ad: {  	[sflag:s15] =	ssyncadd.s32 $0xFFFFF000  }
0x1ae: {  	[spmem:s2] =	stream.indirect.scatter.add.f32 @!p0 [tilespmem:s29], [sflag:$0x5], $0x8, s25, s13, $0xb8;
	[tilespmem:$0x16780] =	vst v63  }
0x1af: {  	_ =	swait.ge @!p0 [sflag:s14], $0x400  }
0x1b0: {  	s22 =	sadd.s32 $0x20, s22;
	[sflag:s14] =	ssyncset.done @!p0 $0x0  }
0x1b1: {  	s8 =	sshrl.u32 s24, $0x3;
	s5 =	sadd.s32 $0xFFFFFFF0, s22;
	[sflag:s14] =	ssyncadd.s32 @!p0 $0xFFFFFC00  }
0x1b2: {  	[tilespmem:s3], [sflag:$0x1] =	stream.linear.gather [hbm4b:s5+s3], $0x80, $0x38;
	[tilespmem:$0x16780] =	vst v63  }
0x1b3: {  	s8 =	sadd.s32 s4, s8  }
0x1b4: {  	[tilespmem:s12], [sflag:$0x3] =	stream.strided.gather [hbm4b:s8+s28], $0x1000, s11, s28, $0x38;
	[tilespmem:$0x16780] =	vst v63  }
0x1b5: {  	_ =	swait.ge [sflag:s10], $0x80  }
0x1b6: {  	[sflag:s10] =	ssyncset.done $0x0  }
0x1b7: {  	[sflag:s10] =	ssyncadd.s32 $0xFFFFFF80  }
0x1b8: {  	_ =	swait.ge [sflag:s19], $0x1000  }
0x1b9: {  	[sflag:s19] =	ssyncset.done $0x0  }
0x1ba: {  	[sflag:s19] =	ssyncadd.s32 $0xFFFFF000  }
0x1bb: {  	[spmem:s1] =	stream.indirect.scatter.add.f32 [tilespmem:s0], [sflag:$0x5], $0x20, s31, s31, $0xb8;
	[tilespmem:$0x16780] =	vst v63  }
0x1bc: {  	_ =	swait.ge [sflag:s15], $0x1000  }
0x1bd: {  	s26 =	smov.u32 s21;
	s21 =	sadd.s32 $0x800, s21;
	[sflag:s15] =	ssyncset.done $0x0  }
0x1be: {  	p1 =	sne.s32 s21, $0x52000;
	[sflag:s15] =	ssyncadd.s32 $0xFFFFF000  }
0x1bf: {  	[spmem:s2] =	stream.indirect.scatter.add.f32 @!p2 [tilespmem:s18], [sflag:$0x5], $0x8, s17, s17, $0xb8;
	[tilespmem:$0x16780] =	vst v63  }
.Ltmp6:
0x1c0: {  	_ = 	snop;
	(pc) =	sbr.rel @p1 .LBB2_9-.Ltmp6, $4  }
0x1c1: {  	_ =	swait.ge @!p2 [sflag:s6], $0x400  }
0x1c2: {  	[sflag:s6] =	ssyncset.done @!p2 $0x0  }
0x1c3: {  	s24 =	sadd.s32 $0x4000, s24;
	s5 =	rddreg [dreg:$0x5];
	[sflag:s6] =	ssyncadd.s32 @!p2 $0xFFFFFC00  }
0x1c4: {  	[tilespmem:s31], [sflag:$0x2] =	stream.linear.gather [hbm4b:s22+s3], $0x80, $0x38;
	[tilespmem:$0x16780] =	vst v63  }
0x1c5: {  	s5 =	sadd.s32 s26, s5  }
0x1c6: {  	[tilespmem:s0], [sflag:$0x4] =	stream.strided.gather [hbm4b:s5+s28], $0x1000, s11, s28, $0x38;
	[tilespmem:$0x16780] =	vst v63  }
0x1c7: {  	_ =	swait.ge [sflag:s16], $0x80  }
0x1c8: {  	[sflag:s16] =	ssyncset.done $0x0  }
0x1c9: {  	[sflag:s16] =	ssyncadd.s32 $0xFFFFFF80  }
0x1ca: {  	_ =	swait.ge [sflag:s7], $0x1000  }
0x1cb: {  	[sflag:s7] =	ssyncset.done $0x0  }
0x1cc: {  	[sflag:s7] =	ssyncadd.s32 $0xFFFFF000  }
0x1cd: {  	[spmem:s1] =	stream.indirect.scatter.add.f32 [tilespmem:s12], [sflag:$0x5], $0x20, s3, s31, $0xb8;
	[tilespmem:$0x16780] =	vst v63  }
0x1ce: {  	_ =	swait.ge [sflag:s15], $0x1000  }
0x1cf: {  	[sflag:s15] =	ssyncset.done $0x0  }
0x1d0: {  	s5 =	simm.s32 @p0 $0x2;
	[sflag:s15] =	ssyncadd.s32 $0xFFFFF000  }
0x1d1: {  	_ =	swait.ge @p0 [sflag:s5], $0x80  }
0x1d2: {  	[sflag:s5] =	ssyncset.done @p0 $0x0  }
0x1d3: {  	[sflag:s5] =	ssyncadd.s32 @p0 $0xFFFFFF80;
	s5 =	simm.s32 @p0 $0x4  }
0x1d4: {  	_ =	swait.ge @p0 [sflag:s5], $0x1000  }
0x1d5: {  	[sflag:s5] =	ssyncset.done @p0 $0x0  }
0x1d6: {  	s6 =	simm.s32 @p0 $0x1100;
	[sflag:s5] =	ssyncadd.s32 @p0 $0xFFFFF000;
	s5 =	simm.s32 @p0 $0x80  }
0x1d7: {  	[spmem:s1] =	stream.indirect.scatter.add.f32 @p0 [tilespmem:s6], [sflag:$0x5], $0x20, s5, s5, $0xb8;
	[tilespmem:$0x16780] =	vst v63  }
0x1d8: {  	s6 =	simm.s32 @p0 $0x5  }
0x1d9: {  	_ =	swait.ge @p0 [sflag:s6], $0x1000  }
0x1da: {  	[sflag:s6] =	ssyncset.done @p0 $0x0  }
0x1db: {  	s8 =	simm.s32 @p0 $0x2100;
	[sflag:s6] =	ssyncadd.s32 @p0 $0xFFFFF000  }
0x1dc: {  	[spmem:s2] =	stream.indirect.scatter.add.f32 @p0 [tilespmem:s8], [sflag:$0x5], $0x8, s5, s5, $0xb8;
	[tilespmem:$0x16780] =	vst v63  }
0x1dd: {  	_ =	swait.ge @p0 [sflag:s6], $0x400  }
0x1de: {  	[sflag:s6] =	ssyncset.done @p0 $0x0  }
0x1df: {  	[sflag:s6] =	ssyncadd.s32 @p0 $0xFFFFFC00  }
0x1e0: {  	[spmem:s2] =	stream.indirect.scatter.add.f32 @!p0 [tilespmem:s29], [sflag:$0x5], $0x8, s25, s13, $0xb8;
	[tilespmem:$0x16780] =	vst v63  }
0x1e1: {  	_ =	swait.ge @!p0 [sflag:s14], $0x400  }
0x1e2: {  	[sflag:s14] =	ssyncset.done @!p0 $0x0  }
0x1e3: {  	s5 =	simm.s32 @!p0 $0x2;
	[sflag:s14] =	ssyncadd.s32 @!p0 $0xFFFFFC00  }
0x1e4: {  	_ =	swait.ge @!p0 [sflag:s5], $0x80  }
0x1e5: {  	[sflag:s5] =	ssyncset.done @!p0 $0x0  }
0x1e6: {  	[sflag:s5] =	ssyncadd.s32 @!p0 $0xFFFFFF80;
	s5 =	simm.s32 @!p0 $0x4  }
0x1e7: {  	_ =	swait.ge @!p0 [sflag:s5], $0x1000  }
0x1e8: {  	[sflag:s5] =	ssyncset.done @!p0 $0x0  }
0x1e9: {  	[sflag:s5] =	ssyncadd.s32 @!p0 $0xFFFFF000;
	s5 =	simm.s32 @!p0 $0x1100  }
0x1ea: {  	[spmem:s1] =	stream.indirect.scatter.add.f32 @!p0 [tilespmem:s5], [sflag:$0x5], $0x20, s13, s13, $0xb8;
	[tilespmem:$0x16780] =	vst v63  }
0x1eb: {  	_ =	swait.ge @!p0 [sflag:s14], $0x1000  }
0x1ec: {  	s17 =	stileid.u32;
	[sflag:s14] =	ssyncset.done @!p0 $0x0  }
0x1ed: {  	[sflag:s14] =	ssyncadd.s32 @!p0 $0xFFFFF000;
	p0 =	sne.s32 s17, $0x0  }
0x1ee: {  	[bflag:$0x0] =	sbarrier.arrive $0xFFFF;
	s5 =	simm.s32 @!p0 $0x2500;
	s6 =	simm.s32 @!p0 $0x5  }
0x1ef: {  	[tilespmem:s5], [sflag:$0x5] =	stream.linear.gather @!p0 [spmem:s1], $0x8100, $0x38;
	[tilespmem:$0x16780] =	vst v63  }
0x1f0: {  	_ =	swait.ge @!p0 [sflag:s6], $0x8100  }
0x1f1: {  	[sflag:s6] =	ssyncset.done @!p0 $0x0  }
0x1f2: {  	s8 =	simm.s32 @!p0 $0x0;
	s13 =	rddreg [dreg:$0xd];
	[sflag:s6] =	ssyncadd.s32 @!p0 $0xFFFF7F00  }
0x1f3: {  	[hbm4b:s13+s8] =	stream.linear.scatter @!p0 [tilespmem:s5], [sflag:$0x5], $0x8100, $0x38;
	[tilespmem:$0x16780] =	vst v63  }
0x1f4: {  	_ =	swait.ge @!p0 [sflag:s6], $0x8100  }
0x1f5: {  	[sflag:s6] =	ssyncset.done @!p0 $0x0  }
0x1f6: {  	s5 =	simm.s32 @!p0 $0xA600;
	[sflag:s6] =	ssyncadd.s32 @!p0 $0xFFFF7F00  }
0x1f7: {  	[tilespmem:s5], [sflag:$0x5] =	stream.linear.gather @!p0 [spmem:s2], $0x2040, $0x38;
	[tilespmem:$0x16780] =	vst v63  }
0x1f8: {  	_ =	swait.ge @!p0 [sflag:s6], $0x2040  }
0x1f9: {  	[sflag:s6] =	ssyncset.done @!p0 $0x0  }
0x1fa: {  	s13 =	rddreg [dreg:$0xe];
	[sflag:s6] =	ssyncadd.s32 @!p0 $0xFFFFDFC0  }
0x1fb: {  	[hbm4b:s13+s8] =	stream.linear.scatter @!p0 [tilespmem:s5], [sflag:$0x5], $0x2040, $0x38;
	[tilespmem:$0x16780] =	vst v63  }
0x1fc: {  	_ =	swait.ge @!p0 [sflag:s6], $0x2040  }
0x1fd: {  	[sflag:s6] =	ssyncset.done @!p0 $0x0  }
0x1fe: {  	[sflag:s6] =	ssyncadd.s32 @!p0 $0xFFFFDFC0;
	s6 =	sld [smem:$0x7FC];
	_ =	sdelay $0x1  }
0x1ff: {  	s5 =	simm.s32 @p5 $0x2500  }
0x200: {  	[tilespmem:s5], [sflag:$0x5] =	stream.linear.gather @p5 [spmem:s6], $0x8100, $0x38;
	[tilespmem:$0x16780] =	vst v63  }
0x201: {  	s6 =	simm.s32 @p5 $0x5  }
0x202: {  	_ =	swait.ge @p5 [sflag:s6], $0x8100  }
0x203: {  	[sflag:s6] =	ssyncset.done @p5 $0x0  }
0x204: {  	s8 =	simm.s32 @p5 $0x0;
	s13 =	rddreg [dreg:$0xf];
	[sflag:s6] =	ssyncadd.s32 @p5 $0xFFFF7F00  }
0x205: {  	[hbm4b:s13+s8] =	stream.linear.scatter @p5 [tilespmem:s5], [sflag:$0x5], $0x8100, $0x38;
	[tilespmem:$0x16780] =	vst v63  }
0x206: {  	_ =	swait.ge @p5 [sflag:s6], $0x8100  }
0x207: {  	s13 =	sld [smem:$0x7FD]  }
0x208: {  	[sflag:s6] =	ssyncset.done @p5 $0x0  }
0x209: {  	s5 =	simm.s32 @p5 $0xA600;
	[sflag:s6] =	ssyncadd.s32 @p5 $0xFFFF7F00  }
0x20a: {  	[tilespmem:s5], [sflag:$0x5] =	stream.linear.gather @p5 [spmem:s13], $0x2040, $0x38;
	[tilespmem:$0x16780] =	vst v63  }
0x20b: {  	_ =	swait.ge @p5 [sflag:s6], $0x2040  }
0x20c: {  	[sflag:s6] =	ssyncset.done @p5 $0x0  }
0x20d: {  	s13 =	rddreg [dreg:$0x1e];
	[sflag:s6] =	ssyncadd.s32 @p5 $0xFFFFDFC0  }
0x20e: {  	[hbm4b:s13+s8] =	stream.linear.scatter @p5 [tilespmem:s5], [sflag:$0x5], $0x2040, $0x38;
	[tilespmem:$0x16780] =	vst v63  }
0x20f: {  	_ =	swait.ge @p5 [sflag:s6], $0x2040  }
0x210: {  	[sflag:s6] =	ssyncset.done @p5 $0x0  }
0x211: {  	[sflag:s6] =	ssyncadd.s32 @p5 $0xFFFFDFC0;
	s6 =	sld [smem:$0x7FA];
	_ =	sdelay $0x1  }
0x212: {  	s5 =	simm.s32 @p4 $0x2500  }
0x213: {  	[tilespmem:s5], [sflag:$0x5] =	stream.linear.gather @p4 [spmem:s6], $0x8100, $0x38;
	[tilespmem:$0x16780] =	vst v63  }
0x214: {  	s6 =	simm.s32 @p4 $0x5  }
0x215: {  	_ =	swait.ge @p4 [sflag:s6], $0x8100  }
0x216: {  	[sflag:s6] =	ssyncset.done @p4 $0x0  }
0x217: {  	s8 =	simm.s32 @p4 $0x0;
	s13 =	rddreg [dreg:$0x10];
	[sflag:s6] =	ssyncadd.s32 @p4 $0xFFFF7F00  }
0x218: {  	[hbm4b:s13+s8] =	stream.linear.scatter @p4 [tilespmem:s5], [sflag:$0x5], $0x8100, $0x38;
	[tilespmem:$0x16780] =	vst v63  }
0x219: {  	_ =	swait.ge @p4 [sflag:s6], $0x8100  }
0x21a: {  	s13 =	sld [smem:$0x7FB]  }
0x21b: {  	[sflag:s6] =	ssyncset.done @p4 $0x0  }
0x21c: {  	s5 =	simm.s32 @p4 $0xA600;
	[sflag:s6] =	ssyncadd.s32 @p4 $0xFFFF7F00  }
0x21d: {  	[tilespmem:s5], [sflag:$0x5] =	stream.linear.gather @p4 [spmem:s13], $0x2040, $0x38;
	[tilespmem:$0x16780] =	vst v63  }
0x21e: {  	_ =	swait.ge @p4 [sflag:s6], $0x2040  }
0x21f: {  	[sflag:s6] =	ssyncset.done @p4 $0x0  }
0x220: {  	s13 =	rddreg [dreg:$0x1f];
	[sflag:s6] =	ssyncadd.s32 @p4 $0xFFFFDFC0  }
0x221: {  	[hbm4b:s13+s8] =	stream.linear.scatter @p4 [tilespmem:s5], [sflag:$0x5], $0x2040, $0x38;
	[tilespmem:$0x16780] =	vst v63  }
0x222: {  	_ =	swait.ge @p4 [sflag:s6], $0x2040  }
0x223: {  	s26 =	sld [smem:$0x7BC]  }
0x224: {  	[sflag:s6] =	ssyncset.done @p4 $0x0  }
0x225: {  	[sflag:s6] =	ssyncadd.s32 @p4 $0xFFFFDFC0;
	s6 =	sld [smem:$0x7F8]  }
0x226: {  	p1 =	seq.s32 s26, $0x1  }
0x227: {  	s5 =	simm.s32 @p1 $0x2500  }
0x228: {  	[tilespmem:s5], [sflag:$0x5] =	stream.linear.gather @p1 [spmem:s6], $0x8100, $0x38;
	[tilespmem:$0x16780] =	vst v63  }
0x229: {  	s6 =	simm.s32 @p1 $0x5  }
0x22a: {  	_ =	swait.ge @p1 [sflag:s6], $0x8100  }
0x22b: {  	[sflag:s6] =	ssyncset.done @p1 $0x0  }
0x22c: {  	s8 =	simm.s32 @p1 $0x0;
	s13 =	rddreg [dreg:$0x11];
	[sflag:s6] =	ssyncadd.s32 @p1 $0xFFFF7F00  }
0x22d: {  	[hbm4b:s13+s8] =	stream.linear.scatter @p1 [tilespmem:s5], [sflag:$0x5], $0x8100, $0x38;
	[tilespmem:$0x16780] =	vst v63  }
0x22e: {  	_ =	swait.ge @p1 [sflag:s6], $0x8100  }
0x22f: {  	s13 =	sld [smem:$0x7F9]  }
0x230: {  	[sflag:s6] =	ssyncset.done @p1 $0x0  }
0x231: {  	s5 =	simm.s32 @p1 $0xA600;
	[sflag:s6] =	ssyncadd.s32 @p1 $0xFFFF7F00  }
0x232: {  	[tilespmem:s5], [sflag:$0x5] =	stream.linear.gather @p1 [spmem:s13], $0x2040, $0x38;
	[tilespmem:$0x16780] =	vst v63  }
0x233: {  	_ =	swait.ge @p1 [sflag:s6], $0x2040  }
0x234: {  	s13 =	sld [smem:$0x7C2]  }
0x235: {  	[sflag:s6] =	ssyncset.done @p1 $0x0  }
0x236: {  	[sflag:s6] =	ssyncadd.s32 @p1 $0xFFFFDFC0  }
0x237: {  	[hbm4b:s13+s8] =	stream.linear.scatter @p1 [tilespmem:s5], [sflag:$0x5], $0x2040, $0x38;
	[tilespmem:$0x16780] =	vst v63  }
0x238: {  	_ =	swait.ge @p1 [sflag:s6], $0x2040  }
0x239: {  	s29 =	sld [smem:$0x7BD]  }
0x23a: {  	[sflag:s6] =	ssyncset.done @p1 $0x0  }
0x23b: {  	[sflag:s6] =	ssyncadd.s32 @p1 $0xFFFFDFC0;
	s6 =	sld [smem:$0x7F6]  }
0x23c: {  	p1 =	seq.s32 s29, $0x1  }
0x23d: {  	s5 =	simm.s32 @p1 $0x2500  }
0x23e: {  	[tilespmem:s5], [sflag:$0x5] =	stream.linear.gather @p1 [spmem:s6], $0x8100, $0x38;
	[tilespmem:$0x16780] =	vst v63  }
0x23f: {  	s6 =	simm.s32 @p1 $0x5  }
0x240: {  	_ =	swait.ge @p1 [sflag:s6], $0x8100  }
0x241: {  	[sflag:s6] =	ssyncset.done @p1 $0x0  }
0x242: {  	s8 =	simm.s32 @p1 $0x0;
	s13 =	rddreg [dreg:$0x12];
	[sflag:s6] =	ssyncadd.s32 @p1 $0xFFFF7F00  }
0x243: {  	[hbm4b:s13+s8] =	stream.linear.scatter @p1 [tilespmem:s5], [sflag:$0x5], $0x8100, $0x38;
	[tilespmem:$0x16780] =	vst v63  }
0x244: {  	_ =	swait.ge @p1 [sflag:s6], $0x8100  }
0x245: {  	s13 =	sld [smem:$0x7F7]  }
0x246: {  	[sflag:s6] =	ssyncset.done @p1 $0x0  }
0x247: {  	s5 =	simm.s32 @p1 $0xA600;
	[sflag:s6] =	ssyncadd.s32 @p1 $0xFFFF7F00  }
0x248: {  	[tilespmem:s5], [sflag:$0x5] =	stream.linear.gather @p1 [spmem:s13], $0x2040, $0x38;
	[tilespmem:$0x16780] =	vst v63  }
0x249: {  	_ =	swait.ge @p1 [sflag:s6], $0x2040  }
0x24a: {  	s13 =	sld [smem:$0x7C3]  }
0x24b: {  	[sflag:s6] =	ssyncset.done @p1 $0x0  }
0x24c: {  	[sflag:s6] =	ssyncadd.s32 @p1 $0xFFFFDFC0  }
0x24d: {  	[hbm4b:s13+s8] =	stream.linear.scatter @p1 [tilespmem:s5], [sflag:$0x5], $0x2040, $0x38;
	[tilespmem:$0x16780] =	vst v63  }
0x24e: {  	_ =	swait.ge @p1 [sflag:s6], $0x2040  }
0x24f: {  	[sflag:s6] =	ssyncset.done @p1 $0x0  }
0x250: {  	[sflag:s6] =	ssyncadd.s32 @p1 $0xFFFFDFC0;
	s6 =	sld [smem:$0x7BB];
	_ =	sdelay $0x2  }
0x251: {  	p1 =	seq.s32 s6, $0x1;
	s6 =	sld [smem:$0x7F4];
	_ =	sdelay $0x1  }
0x252: {  	s5 =	simm.s32 @p1 $0x2500  }
0x253: {  	[tilespmem:s5], [sflag:$0x5] =	stream.linear.gather @p1 [spmem:s6], $0x8100, $0x38;
	[tilespmem:$0x16780] =	vst v63  }
0x254: {  	s6 =	simm.s32 @p1 $0x5  }
0x255: {  	_ =	swait.ge @p1 [sflag:s6], $0x8100  }
0x256: {  	[sflag:s6] =	ssyncset.done @p1 $0x0  }
0x257: {  	s8 =	simm.s32 @p1 $0x0;
	s13 =	rddreg [dreg:$0x13];
	[sflag:s6] =	ssyncadd.s32 @p1 $0xFFFF7F00  }
0x258: {  	[hbm4b:s13+s8] =	stream.linear.scatter @p1 [tilespmem:s5], [sflag:$0x5], $0x8100, $0x38;
	[tilespmem:$0x16780] =	vst v63  }
0x259: {  	_ =	swait.ge @p1 [sflag:s6], $0x8100  }
0x25a: {  	s13 =	sld [smem:$0x7F5]  }
0x25b: {  	[sflag:s6] =	ssyncset.done @p1 $0x0  }
0x25c: {  	s5 =	simm.s32 @p1 $0xA600;
	[sflag:s6] =	ssyncadd.s32 @p1 $0xFFFF7F00  }
0x25d: {  	[tilespmem:s5], [sflag:$0x5] =	stream.linear.gather @p1 [spmem:s13], $0x2040, $0x38;
	[tilespmem:$0x16780] =	vst v63  }
0x25e: {  	_ =	swait.ge @p1 [sflag:s6], $0x2040  }
0x25f: {  	s13 =	sld [smem:$0x7C4]  }
0x260: {  	[sflag:s6] =	ssyncset.done @p1 $0x0  }
0x261: {  	[sflag:s6] =	ssyncadd.s32 @p1 $0xFFFFDFC0  }
0x262: {  	[hbm4b:s13+s8] =	stream.linear.scatter @p1 [tilespmem:s5], [sflag:$0x5], $0x2040, $0x38;
	[tilespmem:$0x16780] =	vst v63  }
0x263: {  	_ =	swait.ge @p1 [sflag:s6], $0x2040  }
0x264: {  	s8 =	sld [smem:$0x7BE]  }
0x265: {  	[sflag:s6] =	ssyncset.done @p1 $0x0  }
0x266: {  	[sflag:s6] =	ssyncadd.s32 @p1 $0xFFFFDFC0;
	s6 =	sld [smem:$0x7F2]  }
0x267: {  	p1 =	seq.s32 s8, $0x1  }
0x268: {  	s5 =	simm.s32 @p1 $0x2500  }
0x269: {  	[tilespmem:s5], [sflag:$0x5] =	stream.linear.gather @p1 [spmem:s6], $0x8100, $0x38;
	[tilespmem:$0x16780] =	vst v63  }
0x26a: {  	s6 =	simm.s32 @p1 $0x5  }
0x26b: {  	_ =	swait.ge @p1 [sflag:s6], $0x8100  }
0x26c: {  	[sflag:s6] =	ssyncset.done @p1 $0x0  }
0x26d: {  	s8 =	simm.s32 @p1 $0x0;
	s13 =	rddreg [dreg:$0x14];
	[sflag:s6] =	ssyncadd.s32 @p1 $0xFFFF7F00  }
0x26e: {  	[hbm4b:s13+s8] =	stream.linear.scatter @p1 [tilespmem:s5], [sflag:$0x5], $0x8100, $0x38;
	[tilespmem:$0x16780] =	vst v63  }
0x26f: {  	_ =	swait.ge @p1 [sflag:s6], $0x8100  }
0x270: {  	s13 =	sld [smem:$0x7F3]  }
0x271: {  	[sflag:s6] =	ssyncset.done @p1 $0x0  }
0x272: {  	s5 =	simm.s32 @p1 $0xA600;
	[sflag:s6] =	ssyncadd.s32 @p1 $0xFFFF7F00  }
0x273: {  	[tilespmem:s5], [sflag:$0x5] =	stream.linear.gather @p1 [spmem:s13], $0x2040, $0x38;
	[tilespmem:$0x16780] =	vst v63  }
0x274: {  	_ =	swait.ge @p1 [sflag:s6], $0x2040  }
0x275: {  	s13 =	sld [smem:$0x7C5]  }
0x276: {  	[sflag:s6] =	ssyncset.done @p1 $0x0  }
0x277: {  	[sflag:s6] =	ssyncadd.s32 @p1 $0xFFFFDFC0  }
0x278: {  	[hbm4b:s13+s8] =	stream.linear.scatter @p1 [tilespmem:s5], [sflag:$0x5], $0x2040, $0x38;
	[tilespmem:$0x16780] =	vst v63  }
0x279: {  	_ =	swait.ge @p1 [sflag:s6], $0x2040  }
0x27a: {  	s13 =	sld [smem:$0x7BA]  }
0x27b: {  	[sflag:s6] =	ssyncset.done @p1 $0x0  }
0x27c: {  	[sflag:s6] =	ssyncadd.s32 @p1 $0xFFFFDFC0;
	s6 =	sld [smem:$0x7F0]  }
0x27d: {  	p1 =	seq.s32 s13, $0x1  }
0x27e: {  	s5 =	simm.s32 @p1 $0x2500  }
0x27f: {  	[tilespmem:s5], [sflag:$0x5] =	stream.linear.gather @p1 [spmem:s6], $0x8100, $0x38;
	[tilespmem:$0x16780] =	vst v63  }
0x280: {  	s6 =	simm.s32 @p1 $0x5  }
0x281: {  	_ =	swait.ge @p1 [sflag:s6], $0x8100  }
0x282: {  	[sflag:s6] =	ssyncset.done @p1 $0x0  }
0x283: {  	s8 =	simm.s32 @p1 $0x0;
	s13 =	rddreg [dreg:$0x15];
	[sflag:s6] =	ssyncadd.s32 @p1 $0xFFFF7F00  }
0x284: {  	[hbm4b:s13+s8] =	stream.linear.scatter @p1 [tilespmem:s5], [sflag:$0x5], $0x8100, $0x38;
	[tilespmem:$0x16780] =	vst v63  }
0x285: {  	_ =	swait.ge @p1 [sflag:s6], $0x8100  }
0x286: {  	s13 =	sld [smem:$0x7F1]  }
0x287: {  	[sflag:s6] =	ssyncset.done @p1 $0x0  }
0x288: {  	s5 =	simm.s32 @p1 $0xA600;
	[sflag:s6] =	ssyncadd.s32 @p1 $0xFFFF7F00  }
0x289: {  	[tilespmem:s5], [sflag:$0x5] =	stream.linear.gather @p1 [spmem:s13], $0x2040, $0x38;
	[tilespmem:$0x16780] =	vst v63  }
0x28a: {  	_ =	swait.ge @p1 [sflag:s6], $0x2040  }
0x28b: {  	s13 =	sld [smem:$0x7C6]  }
0x28c: {  	[sflag:s6] =	ssyncset.done @p1 $0x0  }
0x28d: {  	[sflag:s6] =	ssyncadd.s32 @p1 $0xFFFFDFC0  }
0x28e: {  	[hbm4b:s13+s8] =	stream.linear.scatter @p1 [tilespmem:s5], [sflag:$0x5], $0x2040, $0x38;
	[tilespmem:$0x16780] =	vst v63  }
0x28f: {  	_ =	swait.ge @p1 [sflag:s6], $0x2040  }
0x290: {  	s14 =	sld [smem:$0x7BF]  }
0x291: {  	[sflag:s6] =	ssyncset.done @p1 $0x0  }
0x292: {  	[sflag:s6] =	ssyncadd.s32 @p1 $0xFFFFDFC0;
	s6 =	sld [smem:$0x7EE]  }
0x293: {  	p1 =	seq.s32 s14, $0x1  }
0x294: {  	s5 =	simm.s32 @p1 $0x2500  }
0x295: {  	[tilespmem:s5], [sflag:$0x5] =	stream.linear.gather @p1 [spmem:s6], $0x8100, $0x38;
	[tilespmem:$0x16780] =	vst v63  }
0x296: {  	s6 =	simm.s32 @p1 $0x5  }
0x297: {  	_ =	swait.ge @p1 [sflag:s6], $0x8100  }
0x298: {  	[sflag:s6] =	ssyncset.done @p1 $0x0  }
0x299: {  	s8 =	simm.s32 @p1 $0x0;
	s13 =	rddreg [dreg:$0x16];
	[sflag:s6] =	ssyncadd.s32 @p1 $0xFFFF7F00  }
0x29a: {  	[hbm4b:s13+s8] =	stream.linear.scatter @p1 [tilespmem:s5], [sflag:$0x5], $0x8100, $0x38;
	[tilespmem:$0x16780] =	vst v63  }
0x29b: {  	_ =	swait.ge @p1 [sflag:s6], $0x8100  }
0x29c: {  	s13 =	sld [smem:$0x7EF]  }
0x29d: {  	[sflag:s6] =	ssyncset.done @p1 $0x0  }
0x29e: {  	s5 =	simm.s32 @p1 $0xA600;
	[sflag:s6] =	ssyncadd.s32 @p1 $0xFFFF7F00  }
0x29f: {  	[tilespmem:s5], [sflag:$0x5] =	stream.linear.gather @p1 [spmem:s13], $0x2040, $0x38;
	[tilespmem:$0x16780] =	vst v63  }
0x2a0: {  	_ =	swait.ge @p1 [sflag:s6], $0x2040  }
0x2a1: {  	s13 =	sld [smem:$0x7C7]  }
0x2a2: {  	[sflag:s6] =	ssyncset.done @p1 $0x0  }
0x2a3: {  	[sflag:s6] =	ssyncadd.s32 @p1 $0xFFFFDFC0  }
0x2a4: {  	[hbm4b:s13+s8] =	stream.linear.scatter @p1 [tilespmem:s5], [sflag:$0x5], $0x2040, $0x38;
	[tilespmem:$0x16780] =	vst v63  }
0x2a5: {  	_ =	swait.ge @p1 [sflag:s6], $0x2040  }
0x2a6: {  	s18 =	sld [smem:$0x7B9]  }
0x2a7: {  	[sflag:s6] =	ssyncset.done @p1 $0x0  }
0x2a8: {  	[sflag:s6] =	ssyncadd.s32 @p1 $0xFFFFDFC0;
	s6 =	sld [smem:$0x7EC]  }
0x2a9: {  	p1 =	seq.s32 s18, $0x1  }
0x2aa: {  	s5 =	simm.s32 @p1 $0x2500  }
0x2ab: {  	[tilespmem:s5], [sflag:$0x5] =	stream.linear.gather @p1 [spmem:s6], $0x8100, $0x38;
	[tilespmem:$0x16780] =	vst v63  }
0x2ac: {  	s6 =	simm.s32 @p1 $0x5  }
0x2ad: {  	_ =	swait.ge @p1 [sflag:s6], $0x8100  }
0x2ae: {  	[sflag:s6] =	ssyncset.done @p1 $0x0  }
0x2af: {  	s8 =	simm.s32 @p1 $0x0;
	s13 =	rddreg [dreg:$0x17];
	[sflag:s6] =	ssyncadd.s32 @p1 $0xFFFF7F00  }
0x2b0: {  	[hbm4b:s13+s8] =	stream.linear.scatter @p1 [tilespmem:s5], [sflag:$0x5], $0x8100, $0x38;
	[tilespmem:$0x16780] =	vst v63  }
0x2b1: {  	_ =	swait.ge @p1 [sflag:s6], $0x8100  }
0x2b2: {  	s13 =	sld [smem:$0x7ED]  }
0x2b3: {  	[sflag:s6] =	ssyncset.done @p1 $0x0  }
0x2b4: {  	s5 =	simm.s32 @p1 $0xA600;
	[sflag:s6] =	ssyncadd.s32 @p1 $0xFFFF7F00  }
0x2b5: {  	[tilespmem:s5], [sflag:$0x5] =	stream.linear.gather @p1 [spmem:s13], $0x2040, $0x38;
	[tilespmem:$0x16780] =	vst v63  }
0x2b6: {  	_ =	swait.ge @p1 [sflag:s6], $0x2040  }
0x2b7: {  	s13 =	sld [smem:$0x7C8]  }
0x2b8: {  	[sflag:s6] =	ssyncset.done @p1 $0x0  }
0x2b9: {  	[sflag:s6] =	ssyncadd.s32 @p1 $0xFFFFDFC0  }
0x2ba: {  	[hbm4b:s13+s8] =	stream.linear.scatter @p1 [tilespmem:s5], [sflag:$0x5], $0x2040, $0x38;
	[tilespmem:$0x16780] =	vst v63  }
0x2bb: {  	_ =	swait.ge @p1 [sflag:s6], $0x2040  }
0x2bc: {  	[sflag:s6] =	ssyncset.done @p1 $0x0  }
0x2bd: {  	[sflag:s6] =	ssyncadd.s32 @p1 $0xFFFFDFC0;
	s6 =	sld [smem:$0x7EA];
	_ =	sdelay $0x1  }
0x2be: {  	s5 =	simm.s32 @p3 $0x2500  }
0x2bf: {  	[tilespmem:s5], [sflag:$0x5] =	stream.linear.gather @p3 [spmem:s6], $0x8100, $0x38;
	[tilespmem:$0x16780] =	vst v63  }
0x2c0: {  	s6 =	simm.s32 @p3 $0x5  }
0x2c1: {  	_ =	swait.ge @p3 [sflag:s6], $0x8100  }
0x2c2: {  	[sflag:s6] =	ssyncset.done @p3 $0x0  }
0x2c3: {  	s8 =	simm.s32 @p3 $0x0;
	s13 =	rddreg [dreg:$0x18];
	[sflag:s6] =	ssyncadd.s32 @p3 $0xFFFF7F00  }
0x2c4: {  	[hbm4b:s13+s8] =	stream.linear.scatter @p3 [tilespmem:s5], [sflag:$0x5], $0x8100, $0x38;
	[tilespmem:$0x16780] =	vst v63  }
0x2c5: {  	_ =	swait.ge @p3 [sflag:s6], $0x8100  }
0x2c6: {  	s13 =	sld [smem:$0x7EB]  }
0x2c7: {  	[sflag:s6] =	ssyncset.done @p3 $0x0  }
0x2c8: {  	s5 =	simm.s32 @p3 $0xA600;
	[sflag:s6] =	ssyncadd.s32 @p3 $0xFFFF7F00  }
0x2c9: {  	[tilespmem:s5], [sflag:$0x5] =	stream.linear.gather @p3 [spmem:s13], $0x2040, $0x38;
	[tilespmem:$0x16780] =	vst v63  }
0x2ca: {  	_ =	swait.ge @p3 [sflag:s6], $0x2040  }
0x2cb: {  	s13 =	sld [smem:$0x7C9]  }
0x2cc: {  	[sflag:s6] =	ssyncset.done @p3 $0x0  }
0x2cd: {  	[sflag:s6] =	ssyncadd.s32 @p3 $0xFFFFDFC0  }
0x2ce: {  	[hbm4b:s13+s8] =	stream.linear.scatter @p3 [tilespmem:s5], [sflag:$0x5], $0x2040, $0x38;
	[tilespmem:$0x16780] =	vst v63  }
0x2cf: {  	_ =	swait.ge @p3 [sflag:s6], $0x2040  }
0x2d0: {  	s21 =	sld [smem:$0x7B8]  }
0x2d1: {  	[sflag:s6] =	ssyncset.done @p3 $0x0  }
0x2d2: {  	[sflag:s6] =	ssyncadd.s32 @p3 $0xFFFFDFC0;
	s6 =	sld [smem:$0x7E8]  }
0x2d3: {  	p1 =	seq.s32 s21, $0x1  }
0x2d4: {  	s5 =	simm.s32 @p1 $0x2500  }
0x2d5: {  	[tilespmem:s5], [sflag:$0x5] =	stream.linear.gather @p1 [spmem:s6], $0x8100, $0x38;
	[tilespmem:$0x16780] =	vst v63  }
0x2d6: {  	s6 =	simm.s32 @p1 $0x5  }
0x2d7: {  	_ =	swait.ge @p1 [sflag:s6], $0x8100  }
0x2d8: {  	[sflag:s6] =	ssyncset.done @p1 $0x0  }
0x2d9: {  	s8 =	simm.s32 @p1 $0x0;
	s13 =	rddreg [dreg:$0x19];
	[sflag:s6] =	ssyncadd.s32 @p1 $0xFFFF7F00  }
0x2da: {  	[hbm4b:s13+s8] =	stream.linear.scatter @p1 [tilespmem:s5], [sflag:$0x5], $0x8100, $0x38;
	[tilespmem:$0x16780] =	vst v63  }
0x2db: {  	_ =	swait.ge @p1 [sflag:s6], $0x8100  }
0x2dc: {  	s13 =	sld [smem:$0x7E9]  }
0x2dd: {  	[sflag:s6] =	ssyncset.done @p1 $0x0  }
0x2de: {  	s5 =	simm.s32 @p1 $0xA600;
	[sflag:s6] =	ssyncadd.s32 @p1 $0xFFFF7F00  }
0x2df: {  	[tilespmem:s5], [sflag:$0x5] =	stream.linear.gather @p1 [spmem:s13], $0x2040, $0x38;
	[tilespmem:$0x16780] =	vst v63  }
0x2e0: {  	_ =	swait.ge @p1 [sflag:s6], $0x2040  }
0x2e1: {  	s13 =	sld [smem:$0x7CA]  }
0x2e2: {  	[sflag:s6] =	ssyncset.done @p1 $0x0  }
0x2e3: {  	[sflag:s6] =	ssyncadd.s32 @p1 $0xFFFFDFC0  }
0x2e4: {  	[hbm4b:s13+s8] =	stream.linear.scatter @p1 [tilespmem:s5], [sflag:$0x5], $0x2040, $0x38;
	[tilespmem:$0x16780] =	vst v63  }
0x2e5: {  	_ =	swait.ge @p1 [sflag:s6], $0x2040  }
0x2e6: {  	s22 =	sld [smem:$0x7C0]  }
0x2e7: {  	[sflag:s6] =	ssyncset.done @p1 $0x0  }
0x2e8: {  	[sflag:s6] =	ssyncadd.s32 @p1 $0xFFFFDFC0;
	s6 =	sld [smem:$0x7E6]  }
0x2e9: {  	p1 =	seq.s32 s22, $0x1  }
0x2ea: {  	s5 =	simm.s32 @p1 $0x2500  }
0x2eb: {  	[tilespmem:s5], [sflag:$0x5] =	stream.linear.gather @p1 [spmem:s6], $0x8100, $0x38;
	[tilespmem:$0x16780] =	vst v63  }
0x2ec: {  	s6 =	simm.s32 @p1 $0x5  }
0x2ed: {  	_ =	swait.ge @p1 [sflag:s6], $0x8100  }
0x2ee: {  	[sflag:s6] =	ssyncset.done @p1 $0x0  }
0x2ef: {  	s8 =	simm.s32 @p1 $0x0;
	s13 =	rddreg [dreg:$0x1a];
	[sflag:s6] =	ssyncadd.s32 @p1 $0xFFFF7F00  }
0x2f0: {  	[hbm4b:s13+s8] =	stream.linear.scatter @p1 [tilespmem:s5], [sflag:$0x5], $0x8100, $0x38;
	[tilespmem:$0x16780] =	vst v63  }
0x2f1: {  	_ =	swait.ge @p1 [sflag:s6], $0x8100  }
0x2f2: {  	s13 =	sld [smem:$0x7E7]  }
0x2f3: {  	[sflag:s6] =	ssyncset.done @p1 $0x0  }
0x2f4: {  	s5 =	simm.s32 @p1 $0xA600;
	[sflag:s6] =	ssyncadd.s32 @p1 $0xFFFF7F00  }
0x2f5: {  	[tilespmem:s5], [sflag:$0x5] =	stream.linear.gather @p1 [spmem:s13], $0x2040, $0x38;
	[tilespmem:$0x16780] =	vst v63  }
0x2f6: {  	_ =	swait.ge @p1 [sflag:s6], $0x2040  }
0x2f7: {  	s13 =	sld [smem:$0x7CB]  }
0x2f8: {  	[sflag:s6] =	ssyncset.done @p1 $0x0  }
0x2f9: {  	[sflag:s6] =	ssyncadd.s32 @p1 $0xFFFFDFC0  }
0x2fa: {  	[hbm4b:s13+s8] =	stream.linear.scatter @p1 [tilespmem:s5], [sflag:$0x5], $0x2040, $0x38;
	[tilespmem:$0x16780] =	vst v63  }
0x2fb: {  	_ =	swait.ge @p1 [sflag:s6], $0x2040  }
0x2fc: {  	s24 =	sld [smem:$0x7B7]  }
0x2fd: {  	[sflag:s6] =	ssyncset.done @p1 $0x0  }
0x2fe: {  	[sflag:s6] =	ssyncadd.s32 @p1 $0xFFFFDFC0;
	s6 =	sld [smem:$0x7E4]  }
0x2ff: {  	p1 =	seq.s32 s24, $0x1  }
0x300: {  	s5 =	simm.s32 @p1 $0x2500  }
0x301: {  	[tilespmem:s5], [sflag:$0x5] =	stream.linear.gather @p1 [spmem:s6], $0x8100, $0x38;
	[tilespmem:$0x16780] =	vst v63  }
0x302: {  	s6 =	simm.s32 @p1 $0x5  }
0x303: {  	_ =	swait.ge @p1 [sflag:s6], $0x8100  }
0x304: {  	[sflag:s6] =	ssyncset.done @p1 $0x0  }
0x305: {  	s8 =	simm.s32 @p1 $0x0;
	s13 =	rddreg [dreg:$0x1b];
	[sflag:s6] =	ssyncadd.s32 @p1 $0xFFFF7F00  }
0x306: {  	[hbm4b:s13+s8] =	stream.linear.scatter @p1 [tilespmem:s5], [sflag:$0x5], $0x8100, $0x38;
	[tilespmem:$0x16780] =	vst v63  }
0x307: {  	_ =	swait.ge @p1 [sflag:s6], $0x8100  }
0x308: {  	s13 =	sld [smem:$0x7E5]  }
0x309: {  	[sflag:s6] =	ssyncset.done @p1 $0x0  }
0x30a: {  	s5 =	simm.s32 @p1 $0xA600;
	[sflag:s6] =	ssyncadd.s32 @p1 $0xFFFF7F00  }
0x30b: {  	[tilespmem:s5], [sflag:$0x5] =	stream.linear.gather @p1 [spmem:s13], $0x2040, $0x38;
	[tilespmem:$0x16780] =	vst v63  }
0x30c: {  	_ =	swait.ge @p1 [sflag:s6], $0x2040  }
0x30d: {  	s13 =	sld [smem:$0x7CC]  }
0x30e: {  	[sflag:s6] =	ssyncset.done @p1 $0x0  }
0x30f: {  	[sflag:s6] =	ssyncadd.s32 @p1 $0xFFFFDFC0  }
0x310: {  	[hbm4b:s13+s8] =	stream.linear.scatter @p1 [tilespmem:s5], [sflag:$0x5], $0x2040, $0x38;
	[tilespmem:$0x16780] =	vst v63  }
0x311: {  	_ =	swait.ge @p1 [sflag:s6], $0x2040  }
0x312: {  	s25 =	sld [smem:$0x7C1]  }
0x313: {  	[sflag:s6] =	ssyncset.done @p1 $0x0  }
0x314: {  	[sflag:s6] =	ssyncadd.s32 @p1 $0xFFFFDFC0;
	s6 =	sld [smem:$0x7E2]  }
0x315: {  	p1 =	seq.s32 s25, $0x1  }
0x316: {  	s5 =	simm.s32 @p1 $0x2500  }
0x317: {  	[tilespmem:s5], [sflag:$0x5] =	stream.linear.gather @p1 [spmem:s6], $0x8100, $0x38;
	[tilespmem:$0x16780] =	vst v63  }
0x318: {  	s6 =	simm.s32 @p1 $0x5  }
0x319: {  	_ =	swait.ge @p1 [sflag:s6], $0x8100  }
0x31a: {  	[sflag:s6] =	ssyncset.done @p1 $0x0  }
0x31b: {  	s8 =	simm.s32 @p1 $0x0;
	s13 =	rddreg [dreg:$0x1c];
	[sflag:s6] =	ssyncadd.s32 @p1 $0xFFFF7F00  }
0x31c: {  	[hbm4b:s13+s8] =	stream.linear.scatter @p1 [tilespmem:s5], [sflag:$0x5], $0x8100, $0x38;
	[tilespmem:$0x16780] =	vst v63  }
0x31d: {  	_ =	swait.ge @p1 [sflag:s6], $0x8100  }
0x31e: {  	s13 =	sld [smem:$0x7E3]  }
0x31f: {  	[sflag:s6] =	ssyncset.done @p1 $0x0  }
0x320: {  	s5 =	simm.s32 @p1 $0xA600;
	[sflag:s6] =	ssyncadd.s32 @p1 $0xFFFF7F00  }
0x321: {  	[tilespmem:s5], [sflag:$0x5] =	stream.linear.gather @p1 [spmem:s13], $0x2040, $0x38;
	[tilespmem:$0x16780] =	vst v63  }
0x322: {  	_ =	swait.ge @p1 [sflag:s6], $0x2040  }
0x323: {  	s13 =	sld [smem:$0x7CD]  }
0x324: {  	[sflag:s6] =	ssyncset.done @p1 $0x0  }
0x325: {  	[sflag:s6] =	ssyncadd.s32 @p1 $0xFFFFDFC0  }
0x326: {  	[hbm4b:s13+s8] =	stream.linear.scatter @p1 [tilespmem:s5], [sflag:$0x5], $0x2040, $0x38;
	[tilespmem:$0x16780] =	vst v63  }
0x327: {  	_ =	swait.ge @p1 [sflag:s6], $0x2040  }
0x328: {  	s26 =	sld [smem:$0x7B6]  }
0x329: {  	[sflag:s6] =	ssyncset.done @p1 $0x0  }
0x32a: {  	[sflag:s6] =	ssyncadd.s32 @p1 $0xFFFFDFC0;
	s6 =	sld [smem:$0x7E0]  }
0x32b: {  	p2 =	seq.s32 s26, $0x1  }
0x32c: {  	s5 =	simm.s32 @p2 $0x2500  }
0x32d: {  	[tilespmem:s5], [sflag:$0x5] =	stream.linear.gather @p2 [spmem:s6], $0x8100, $0x38;
	[tilespmem:$0x16780] =	vst v63  }
0x32e: {  	s6 =	simm.s32 @p2 $0x5  }
0x32f: {  	_ =	swait.ge @p2 [sflag:s6], $0x8100  }
0x330: {  	[sflag:s6] =	ssyncset.done @p2 $0x0  }
0x331: {  	s8 =	simm.s32 @p2 $0x0;
	s13 =	rddreg [dreg:$0x1d];
	[sflag:s6] =	ssyncadd.s32 @p2 $0xFFFF7F00  }
0x332: {  	[hbm4b:s13+s8] =	stream.linear.scatter @p2 [tilespmem:s5], [sflag:$0x5], $0x8100, $0x38;
	[tilespmem:$0x16780] =	vst v63  }
0x333: {  	_ =	swait.ge @p2 [sflag:s6], $0x8100  }
0x334: {  	s13 =	sld [smem:$0x7E1]  }
0x335: {  	[sflag:s6] =	ssyncset.done @p2 $0x0  }
0x336: {  	s5 =	simm.s32 @p2 $0xA600;
	[sflag:s6] =	ssyncadd.s32 @p2 $0xFFFF7F00  }
0x337: {  	[tilespmem:s5], [sflag:$0x5] =	stream.linear.gather @p2 [spmem:s13], $0x2040, $0x38;
	[tilespmem:$0x16780] =	vst v63  }
0x338: {  	_ =	swait.ge @p2 [sflag:s6], $0x2040  }
0x339: {  	s13 =	sld [smem:$0x7CE]  }
0x33a: {  	[sflag:s6] =	ssyncset.done @p2 $0x0  }
0x33b: {  	[sflag:s6] =	ssyncadd.s32 @p2 $0xFFFFDFC0  }
0x33c: {  	[hbm4b:s13+s8] =	stream.linear.scatter @p2 [tilespmem:s5], [sflag:$0x5], $0x2040, $0x38;
	[tilespmem:$0x16780] =	vst v63  }
0x33d: {  	_ =	swait.ge @p2 [sflag:s6], $0x2040  }
0x33e: {  	s29 =	sld [smem:$0x7CF];
	_ =	sdelay $0x1  }
0x33f: {  	s20 =	sadd.s32 $0x1, s20  }
0x340: {  	p1 =	sne.s32 s20, s29  }
.Ltmp7:
0x341: {  	_ = 	snop;
	(pc) =	sbr.rel @p1 .LBB2_1-.Ltmp7, $3  }
0x342: {  	_ =	sdelay $0x1  }
0x343: {  	[sflag:s6] =	ssyncset.done @p2 $0x0  }
0x344: {  	s18 =	simm.s32 $0x2500;
	s21 =	simm.s32 $0xA600;
	[sflag:s6] =	ssyncadd.s32 @p2 $0xFFFFDFC0  }
0x345: {  	_ =	sfence.sel $0x180000  }
0x346: {  	[bflag:$0x0] =	sbarrier.arrive $0xFFFF  }
0x347: {  	_ =	strace $0x9000004A  }
0x348: {  	[bflag:$0x2] =	sbarrier.arrive $0xFFFF  }
0x349: {  	s0 =	rddreg [dreg:$0x4]  }
0x34a: {  	s0 =	sadd.s32 @!p0 $0x100000, s0  }
0x34b: {  	[sflag:s0] =	ssyncadd.tile.s32 @!p0 $0x1;
	_ =	shalt  }
.Lfunc_end2:
_tile_overlayer_lowered:
.L_overlay_start_2:
0x34c: {  	(tag) =	ssettag $0x2  }
0x34d: {  	s0 =	rddreg [dreg:$0x0];
	s2 =	stileid.u32  }
0x34e: {  	s1 =	rddreg [dreg:$0x1];
	p0 =	sne.s32 s2, $0x0  }
0x34f: {  	s3 =	rddreg [dreg:$0x2];
	[bflag:$0x3] =	sbarrier.arrive $0xFFFF;
	s2 =	simm.s32 @!p0 $0x1C05  }
0x350: {  	[timem:s3], [sflag:s2] =	dma.local @!p0 [hbm:s0], s1  }
0x351: {  	s0 =	simm.s32 @!p0 $0x5  }
0x352: {  	_ =	swait.ge @!p0 [sflag:s0], s1  }
0x353: {  	s1 =	ssub.s32 @!p0 $0x0, s1;
	[sflag:s0] =	ssyncset.done @!p0 $0x0  }
0x354: {  	[sflag:s0] =	ssyncadd.s32 @!p0 s1  }
0x355: {  	[bflag:$0x3] =	sbarrier.arrive $0xFFFF  }
0x356: {  	_ =	shalt  }

// kernel: sparse-core-data-format-call.cloned.1.call-start
scs
called_computation_lowered:
.L_overlay_start_0:
0x0: {  	s2 =	sld [smem:$0x3FD9]  }
0x1: {  	s3 =	sld [smem:$0x3FFE];
	_ =	sdelay $0x1  }
0x2: {  	s1 =	srdreg.scid  }
0x3: {  	s0 =	sand.u32 $0x1, s1  }
0x4: {  	s18 =	sshll.u32 s0, $0xA;
	s2 =	sadd.s32 s3, s2  }
0x5: {  	s2 =	sadd.s32 s2, s18  }
0x6: {  	[smem:$0x3FC3] =	sst s2  }
0x7: {  	_ = 	snop  }
0x8: {  	s2 =	sld [smem:$0x3FC9];
	(tm) =	ssettm $0x1  }
0x9: {  	s19 =	sld [smem:$0x3FFB];
	_ =	sdelay $0x3  }
0xa: {  	_ =	strace s19  }
0xb: {  	s3 =	sld [smem:$0x3FFC];
	_ =	sdelay $0x3  }
0xc: {  	_ =	strace s3  }
0xd: {  	s3 =	sld [smem:$0x3FFD];
	_ =	sdelay $0x3  }
0xe: {  	_ =	strace s3  }
0xf: {  	_ =	strace $0x8FFFFFFF  }
0x10: {  	s20 =	sld [smem:$0x3FDB];
	_ =	sdelay $0x1  }
0x11: {  	s4 =	simm.s32 $_scs_section_size  }
0x12: {  	s5 =	simm.s32 $_size__tile_overlayer_lowered;
	s6 =	simm.s32 $_tile_overlayer_lowered  }
0x13: {  	s23 =	simm.s32 $0x1BFF;
	s22 =	sshll.u32 s6, $0x1;
	s3 =	sadd.s32 s4, s20  }
0x14: {  	s7 =	simm.s32 $0x0;
	s21 =	sshll.u32 s5, $0x1;
	s5 =	sadd.s32 s22, s3  }
0x15: {  	[timem:s7], [sflag:s23] =	dma.local [hbm:s5], s21  }
0x16: {  	_ =	swait.ge [sflag:s23], s21  }
0x17: {  	s4 =	ssub.s32 $0x0, s21;
	[sflag:s23] =	ssyncset.done $0x0  }
0x18: {  	[sflag:s23] =	ssyncadd.s32 s4;
	_ =	sdelay $0x1  }
0x19: {  	s24 =	simm.s32 $0x1B8B  }
0x1a: {  	_ =	swait.ge [sflag:s24], $0x1  }
0x1b: {  	[sflag:s24] =	ssyncset.done $0x0  }
0x1c: {  	s26 =	simm.s32 $0x1B8E;
	s25 =	sld [smem:$0x3FFE];
	[sflag:s24] =	ssyncadd.s32 $0xFFFFFFFF  }
0x1d: {  	s27 =	simm.s32 $execute0_lowered;
	[smem:$0x3FD2] =	sst s26  }
0x1e: {  	s5 =	sshll.u32 s27, $0x1;
	_ =	strace $0x80000046;
	[dreg:$0x1] =	wrdreg $0xFFFFFFFF  }
0x1f: {  	s28 =	simm.s32 $_size_execute0_lowered;
	s3 =	sadd.s32 s3, s5;
	[dreg:$0x0] =	wrdreg $0x0  }
0x20: {  	s5 =	sshll.u32 s28, $0x1;
	[dreg:$0x2] =	wrdreg s3  }
0x21: {  	[dreg:$0x3] =	wrdreg s5  }
0x22: {  	[dreg:$0x4] =	wrdreg $0xC0  }
0x23: {  	_ =	task [dreg:s7], $0x5FFFF  }
0x24: {  	[dreg:$0x1] =	wrdreg $0xFFFFFFFF  }
0x25: {  	[dreg:$0x0] =	wrdreg $0x60  }
0x26: {  	[dreg:$0x2] =	wrdreg s2  }
0x27: {  	[dreg:$0x3] =	wrdreg s25  }
0x28: {  	[dreg:$0x4] =	wrdreg $0x9  }
0x29: {  	_ =	task.clear_ibuf [dreg:s7], $0x5FFFF;
	_ =	strace $0x90000046  }
0x2a: {  	s29 =	simm.s32 $0x9;
	_ =	strace $0x80000048  }
0x2b: {  	_ =	swait.ge [sflag:s29], $0x1  }
0x2c: {  	[sflag:s29] =	ssyncadd.s32 $0xFFFFFFFF  }
0x2d: {  	_ =	strace $0x90000048  }
0x2e: {  	_ =	sfence  }
0x2f: {  	s30 =	sld [smem:$0x0];
	_ =	sdelay $0x2  }
0x30: {  	s31 =	sshll.u32 s1, $0xD;
	s1 =	sshrl.u32 s1, $0x2  }
0x31: {  	s3 =	sand.u32 $0x4000, s31;
	s1 =	sadd.s32 s1, s30  }
0x32: {  	s0 =	sor.u32 s3, s0;
	s1 =	sshll.u32 s1, $0x11  }
0x33: {  	s0 =	sor.u32 s1, s0  }
0x34: {  	s0 =	sadd.s32 $0x8F2B, s0  }
0x35: {  	[sflag:s0] =	ssyncadd.remote.s32 $0x1  }
0x36: {  	_ =	sfence.sel $0xFFFF  }
0x37: {  	[dreg:$0x0] =	wrdreg $0xFFFFFFFF;
	(pc) =	sbr.abs _section_cstart, $3  }
0x38: {  	[dreg:$0x1] =	wrdreg $0xFFFFFFFF  }
0x39: {  	_ =	task.clear_ibuf [dreg:s7], $0x2FFFF;
	_ =	strace $0x9FFFFFFF  }
0x3a: {  	(tm) =	ssettm $0x7FFFFFFF  }
0x3b: {  	_ =	shalt  }
tec
execute0_lowered:
.L_overlay_start_1:
0x0: {  	(tag) =	ssettag $0x1  }
0x1: {  	s5 =	rddreg [dreg:$0x0]  }
0x2: {  	s4 =	rddreg [dreg:$0x1]  }
0x3: {  	s0 =	rddreg [dreg:$0x2];
	s1 =	srdreg.scid  }
0x4: {  	_ =	strace $0x80000047;
	s6 =	simm.s32 $0x2;
	s13 =	simm.s32 $0x0  }
0x5: {  	p0 =	por $0x0, $0x0;
	s7 =	simm.s32 $0x80;
	s14 =	simm.s32 $0x0  }
0x6: {  	s15 =	simm.s32 $0x0;
	s9 =	simm.s32 $0x0;
	s10 =	simm.s32 $0x0  }
.Ltmp0:
0x7: {  	s11 =	simm.s32 $0x0;
	s2 =	sshll.u32 s1, $0x4;
	(pc) =	sbr.rel .LBB1_1-.Ltmp0, $4  }
0x8: {  	s12 =	simm.s32 $0x0;
	s1 =	stileid.u32;
	s3 =	sand.u32 $0x10, s2  }
0x9: {  	s8 =	simm.s32 $0x0;
	s2 =	simm.s32 $0x1;
	s3 =	sor.u32 s1, s3  }
0xa: {  	s4 =	sadd.s32 $0x2000, s4;
	[sflag:s2] =	ssyncpa.u1 $0x0;
	s31 =	sshll.u32 s3, $0xA  }
0xb: {  	[sflag:s6] =	ssyncpa.u1 $0x0;
	s6 =	simm.s32 $0x40;
	s5 =	sadd.s32 s5, s31  }
.LBB1_5:
0xc: {  	p1 =	slt.u32 s8, $0x2  }
0xd: {  	s16 =	smov.u32 s14;
	p2 =	sgt.s32 @!p1 s14, $0x5;
	s15 =	sshra.s32 @!p1 s14, $0x1F  }
0xe: {  	p3 =	sgt.s32 @!p1 s13, $0x27;
	s17 =	sshra.s32 @!p1 s13, $0x1F;
	p2 =	por !p2, p1  }
0xf: {  	s14 =	sand.u32 @!p1 s15, s14;
	p3 =	por !p3, p1;
	s15 =	smov.u32 s13  }
0x10: {  	s13 =	sand.u32 @!p1 s17, s13;
	s16 =	simm.s32 @p2 $0x5;
	s15 =	simm.s32 @p3 $0x27  }
0x11: {  	s8 =	sadd.s32 $0x1, s8;
	s14 =	ssub.s32 @!p1 s16, s14;
	s13 =	ssub.s32 @!p1 s15, s13  }
0x12: {  	s15 =	sadd.s32 @!p1 $0xFFFFFFFB, s14;
	s14 =	ssub.s32 @!p1 $0x6, s14;
	s16 =	sadd.s32 @!p1 $0xFFFFFFD9, s13  }
0x13: {  	p2 =	sgt.s32 @!p1 s15, $0x0;
	p3 =	sgt.s32 @!p1 s16, $0x0;
	s14 =	smul.u32 @!p1 $0x5800, s14  }
0x14: {  	s13 =	ssub.s32 @!p1 $0x28, s13;
	p3 =	por !p3, p1;
	p2 =	por !p2, p1  }
0x15: {  	s16 =	sadd.s32 $0x1, s11;
	s13 =	simm.s32 @!p3 $0x0;
	s14 =	simm.s32 @!p2 $0x0  }
0x16: {  	p0 =	por !p0, !p0;
	p2 =	sgt.s32 s16, $0x27;
	s13 =	smul.u32 @!p1 s13, s14  }
0x17: {  	s15 =	simm.s32 @!p1 $0x2;
	s14 =	simm.s32 $0x1;
	s16 =	simm.s32 @p2 $0x0  }
0x18: {  	s14 =	simm.s32 @!p2 $0x0;
	p2 =	sne.s32 s8, $0xF2;
	s13 =	sshrl.u32 @!p1 s13, $0x2  }
.Ltmp1:
0x19: {  	s18 =	sadd.s32 s14, s12;
	s14 =	smov.u32 s10;
	(pc) =	sbr.rel @!p2 .LBB1_6-.Ltmp1, $4  }
0x1a: {  	s10 =	smov.u32 s12;
	_ =	swait.ge @!p1 [sflag:s15], s13;
	s17 =	ssub.s32 @!p1 $0x0, s13  }
0x1b: {  	p3 =	sgt.s32 s18, $0x5;
	s13 =	smov.u32 s9;
	s9 =	smov.u32 s11  }
0x1c: {  	s11 =	smov.u32 s16;
	[sflag:s15] =	ssyncset.done @!p1 $0x0;
	s18 =	simm.s32 @p3 $0x0  }
0x1d: {  	[sflag:s15] =	ssyncadd.s32 @!p1 s17;
	s15 =	smov.u32 s3;
	s12 =	smov.u32 s18  }
.LBB1_1:
0x1e: {  	p1 =	sgt.u32 s8, $0xEF  }
0x1f: {  	s16 =	smul.u32 @!p1 $0x140000, s12  }
0x20: {  	s17 =	sxor.u32 @!p1 $0xFFFFFFFF, s8  }
0x21: {  	s18 =	sshll.u32 @!p1 s11, $0xF;
	s17 =	sshll.u32 @!p1 s17, $0xD;
	s16 =	sadd.s32 @!p1 s16, s5  }
0x22: {  	s17 =	sand.u32 @!p1 $0x2000, s17;
	s16 =	sadd.s32 @!p1 s18, s16;
	s18 =	simm.s32 @!p1 $0x0  }
0x23: {  	[tilespmem:s17], [sflag:$0x1] =	stream.linear.gather @!p1 [hbm4b:s16+s18], $0x2000, $0x38;
	[tilespmem:$0x8100] =	vst v63  }
0x24: {  	p1 =	seq.s32 s8, $0x0  }
0x25: {  	p2 =	seq.s32 @!p1 s8, $0xF1  }
0x26: {  	p1 =	por p1, p2  }
.Ltmp2:
0x27: {  	_ = 	snop;
	(pc) =	sbr.rel @p1 .LBB1_5-.Ltmp2, $1  }
0x28: {  	_ =	sdelay $0x3  }
0x29: {  	s16 =	simm.s32 $0x1  }
0x2a: {  	_ =	swait.ge [sflag:s2], $0x2000;
	s16 =	simm.s32 @!p0 $0x0  }
0x2b: {  	[sflag:s2] =	ssyncset.done $0x0;
	s17 =	sshll.u32 s16, $0xD  }
0x2c: {  	[sflag:s2] =	ssyncadd.s32 $0xFFFFE000;
	s17 =	sor.u32 $0x40, s17  }
0x2d: {  	s16 =	smul.u32 $0x8200, s16;
	v0 =	vld [tilespmem:s17+$0x30]  }
0x2e: {  	v1 =	vld [tilespmem:s17+$0xFFFFFFD0]  }
0x2f: {  	s16 =	sshrl.u32 s16, $0x2;
	v5 =	vld [tilespmem:s17+$0xFFFFFFE0]  }
0x30: {  	v6 =	vld [tilespmem:s17+$0xFFFFFFF0];
	s19 =	sor.u32 $0x4000, s16  }
0x31: {  	s31 =	sand.u32 $0x1, s8;
	v4 =	vld [tilespmem:s17+$0x0];
	s18 =	sadd.s32 $0x0, s19  }
0x32: {  	v3 =	vld [tilespmem:s17+$0x10];
	s16 =	smul.u32 $0x8200, s31;
	[tilespmem:s18+$0x1C70 ss:$0x41] =	vst.msk $0xffff, v0  }
0x33: {  	v2 =	vld [tilespmem:s17+$0x20];
	[tilespmem:s18+$0x410 ss:$0x41] =	vst.msk $0xffff, v1  }
0x34: {  	s16 =	sshrl.u32 s16, $0x2;
	v1 =	vld [tilespmem:s17+$0xFFFFFFC0];
	[tilespmem:s18+$0x820 ss:$0x41] =	vst.msk $0xffff, v5;
	s17 =	sadd.s32 $0x80, s17  }
0x35: {  	s20 =	simm.s32 $0x4;
	s21 =	simm.s32 $0x8;
	s16 =	sor.u32 $0x4000, s16;
	[tilespmem:s18+$0xC30 ss:$0x41] =	vst.msk $0xffff, v6;
	v0 =	vld [tilespmem:s17+$0x30]  }
.LBB1_3:
0x36: {  	p1 =	sne.s32 s21, $0xFC;
	v5 =	vld [tilespmem:s17+$0xFFFFFFD0];
	[tilespmem:s18+$0x1040 ss:$0x41] =	vst.msk $0xffff, v4  }
0x37: {  	v6 =	vld [tilespmem:s17+$0xFFFFFFE0];
	[tilespmem:s18+$0x1450 ss:$0x41] =	vst.msk $0xffff, v3  }
0x38: {  	s22 =	sshra.s32 s20, $0x2;
	s20 =	smov.u32 s21;
	v7 =	vld [tilespmem:s17+$0xFFFFFFF0];
	[tilespmem:s18+$0x1860 ss:$0x41] =	vst.msk $0xffff, v2  }
.Ltmp3:
0x39: {  	v4 =	vld [tilespmem:s17+$0x0];
	[tilespmem:s18+$0x0 ss:$0x41] =	vst.msk $0xffff, v1;
	s18 =	sadd.s32 s22, s19;
	(pc) =	sbr.rel @p1 .LBB1_3-.Ltmp3, $4  }
0x3a: {  	v3 =	vld [tilespmem:s17+$0x10];
	[tilespmem:s18+$0x1C70 ss:$0x41] =	vst.msk $0xffff, v0  }
0x3b: {  	[tilespmem:s18+$0x410 ss:$0x41] =	vst.msk $0xffff, v5;
	v2 =	vld [tilespmem:s17+$0x20]  }
0x3c: {  	v1 =	vld [tilespmem:s17+$0xFFFFFFC0];
	[tilespmem:s18+$0x820 ss:$0x41] =	vst.msk $0xffff, v6;
	s17 =	sadd.s32 $0x80, s17  }
0x3d: {  	s21 =	sadd.s32 $0x4, s21;
	v0 =	vld [tilespmem:s17+$0x30];
	[tilespmem:s18+$0xC30 ss:$0x41] =	vst.msk $0xffff, v7  }
0x3e: {  	p1 =	sgt.s32 s10, $0x5;
	s21 =	smov.u32 s10;
	s22 =	sshra.s32 s10, $0x1F;
	v5 =	vld [tilespmem:s17+$0xFFFFFFD0];
	[tilespmem:s18+$0x1040 ss:$0x41] =	vst.msk $0xffff, v4  }
0x3f: {  	s23 =	sshra.s32 s9, $0x1F;
	v58 =	vld [tilespmem:s17+$0xFFFFFFE0];
	s20 =	sshra.s32 s20, $0x2;
	s30 =	smul.u32 $0x1B8000, s10;
	[tilespmem:s18+$0x1450 ss:$0x41] =	vst.msk $0xffff, v3  }
0x40: {  	v59 =	vld [tilespmem:s17+$0xFFFFFFF0];
	s21 =	simm.s32 @!p1 $0x5;
	s22 =	sand.u32 s22, s10;
	p1 =	sgt.s32 s9, $0x27;
	[tilespmem:s18+$0x1860 ss:$0x41] =	vst.msk $0xffff, v2  }
0x41: {  	v60 =	vld [tilespmem:s17+$0x0];
	s19 =	sadd.s32 s20, s19;
	s21 =	ssub.s32 s21, s22;
	s22 =	smov.u32 s9;
	[tilespmem:s18+$0x0 ss:$0x41] =	vst.msk $0xffff, v1  }
0x42: {  	v61 =	vld [tilespmem:s17+$0x10];
	s31 =	smul.u32 $0xB000, s9;
	s23 =	sand.u32 s23, s9;
	s22 =	simm.s32 @!p1 $0x27;
	[tilespmem:s19+$0x1C70 ss:$0x41] =	vst.msk $0xffff, v0  }
0x43: {  	v62 =	vld [tilespmem:s17+$0x20];
	s15 =	smul.u32 $0x580, s15;
	s26 =	ssub.s32 $0x6, s21;
	s25 =	ssub.s32 s22, s23;
	[tilespmem:s19+$0x410 ss:$0x41] =	vst.msk $0xffff, v5  }
0x44: {  	v63 =	vld [tilespmem:s17+$0xFFFFFFC0];
	s27 =	sadd.s32 $0xFFFFFFFB, s21;
	s22 =	smul.u32 $0x5800, s26;
	s28 =	sadd.s32 $0xFFFFFFD9, s25;
	[tilespmem:s19+$0x820 ss:$0x41] =	vst.msk $0xffff, v58  }
0x45: {  	p1 =	sgt.s32 s27, $0x0;
	s18 =	ssub.s32 $0x28, s25;
	[tilespmem:s19+$0xC30 ss:$0x41] =	vst.msk $0xffff, v59;
	p2 =	sgt.s32 s28, $0x0  }
.Ltmp4:
0x46: {  	[tilespmem:s19+$0x1040 ss:$0x41] =	vst.msk $0xffff, v60;
	s22 =	simm.s32 @p1 $0x0;
	s18 =	simm.s32 @p2 $0x0;
	(pc) =	sbr.rel .LBB1_5-.Ltmp4, $4  }
0x47: {  	[tilespmem:s19+$0x1450 ss:$0x41] =	vst.msk $0xffff, v61;
	s29 =	smul.u32 s18, s22;
	s18 =	sadd.s32 s4, s30  }
0x48: {  	[tilespmem:s19+$0x1860 ss:$0x41] =	vst.msk $0xffff, v62;
	s18 =	sadd.s32 s31, s18  }
0x49: {  	[tilespmem:s19+$0x0 ss:$0x41] =	vst.msk $0xffff, v63;
	s17 =	sshrl.u32 s29, $0x2;
	s15 =	sadd.s32 s15, s18  }
0x4a: {  	[hbm4b:s15+s6] =	stream.strided.scatter [tilespmem:s16], [sflag:$0x2], s17, s7, s6, $0x18;
	[tilespmem:$0x8100] =	vst v63  }
.LBB1_6:
0x4b: {  	_ =	sfence.sel $0x180000  }
0x4c: {  	s2 =	simm.s32 $0x1;
	[bflag:$0x0] =	sbarrier.arrive $0xFFFF  }
0x4d: {  	s31 =	simm.s32 $0x2;
	[sflag:s2] =	ssyncpa.u1 $0x1  }
0x4e: {  	[sflag:s31] =	ssyncpa.u1 $0x1  }
0x4f: {  	p0 =	sne.s32 s1, $0x0;
	_ =	strace $0x90000047  }
0x50: {  	s0 =	sadd.s32 @!p0 $0x100000, s0;
	[bflag:$0x2] =	sbarrier.arrive $0xFFFF  }
0x51: {  	[sflag:s0] =	ssyncadd.tile.s32 @!p0 $0x1;
	_ =	shalt  }
.Lfunc_end1:
_tile_overlayer_lowered:
.L_overlay_start_2:
0x52: {  	(tag) =	ssettag $0x2  }
0x53: {  	s0 =	rddreg [dreg:$0x0];
	s2 =	stileid.u32  }
0x54: {  	s1 =	rddreg [dreg:$0x1];
	p0 =	sne.s32 s2, $0x0  }
0x55: {  	s3 =	rddreg [dreg:$0x2];
	[bflag:$0x3] =	sbarrier.arrive $0xFFFF;
	s2 =	simm.s32 @!p0 $0x1C01  }
0x56: {  	[timem:s3], [sflag:s2] =	dma.local @!p0 [hbm:s0], s1  }
0x57: {  	s0 =	simm.s32 @!p0 $0x1  }
0x58: {  	_ =	swait.ge @!p0 [sflag:s0], s1  }
0x59: {  	s1 =	ssub.s32 @!p0 $0x0, s1;
	[sflag:s0] =	ssyncset.done @!p0 $0x0  }
0x5a: {  	[sflag:s0] =	ssyncadd.s32 @!p0 s1  }
0x5b: {  	[bflag:$0x3] =	sbarrier.arrive $0xFFFF  }
0x5c: {  	_ =	shalt  }

</sc_bundles>
